<compile_context>
chip_gen: v7x
topology: tpu7x:2x2x1
jax: 0.10.2.dev20260603
libtpu: 0.0.44.dev20260713+nightly
codegen_flags: <defaults>
</compile_context>

<pallas_src>
import dataclasses
import functools

import jax
import jax.numpy as jnp
from jax import lax
from jax.experimental import pallas as pl
from jax.experimental.pallas import tpu as pltpu
from jax.experimental.pallas import tpu_sc as plsc

_NC = 2
_NS = 16
_NW = _NC * _NS
_L = 16
_CHUNK = 128
_EPS = 1e-5


def _sc_mesh():
    return plsc.VectorSubcoreMesh(
        core_axis_name="c", subcore_axis_name="s",
        num_cores=_NC, num_subcores=_NS)


def _sc_degree(edge_index, n_pad, n_chunks):
    rpt = n_pad // _NS
    jmax = (n_chunks // _NW) // 2 + 2

    @functools.partial(
        pl.kernel,
        out_type=jax.ShapeDtypeStruct((_NC, n_pad), jnp.float32),
        mesh=_sc_mesh(),
        compiler_params=dataclasses.replace(pltpu.CompilerParams(),
                                            needs_layout_passes=False),
        scratch_types=[
            pltpu.VMEM((_CHUNK,), jnp.int32),
            pltpu.VMEM((_CHUNK,), jnp.int32),
            pltpu.VMEM((n_pad,), jnp.float32),
            pltpu.VMEM((_NS, rpt), jnp.float32),
            pltpu.VMEM_SHARED((_NS, n_pad), jnp.float32),
            pltpu.SemaphoreType.DMA,
            pltpu.SemaphoreType.DMA,
        ],
    )
    def k(ei_hbm, out_hbm, idx0, idx1, acc_t, red_v, shared, sem_i0, sem_i1):
        cid = lax.axis_index("c")
        sid = lax.axis_index("s")
        w = sid * _NC + cid
        k_t = (n_chunks - 1 - w) // _NW + 1
        last_c = n_chunks - 1
        ones = jnp.ones((_L,), jnp.float32)

        def idx_start(c, idx_v, sem):
            pltpu.async_copy(ei_hbm.at[1, pl.ds(c * _CHUNK, _CHUNK)],
                             idx_v, sem)

        def idx_wait(idx_v, sem):
            pltpu.make_async_copy(ei_hbm.at[1, pl.ds(0, _CHUNK)],
                                  idx_v, sem).wait()

        idx_start(w, idx0, sem_i0)

        @pl.loop(0, n_pad, step=_L)
        def _(r0):
            acc_t[pl.ds(r0, _L)] = jnp.zeros((_L,), jnp.float32)

        def item(k_idx, idx_a, sem_a, idx_b, sem_b):
            @pl.when(k_idx < k_t)
            def _():
                c_next = jnp.minimum(w + (k_idx + 1) * _NW, last_c)
                idx_start(c_next, idx_b, sem_b)
                idx_wait(idx_a, sem_a)
                for c0 in range(0, _CHUNK, _L):
                    plsc.addupdate_scatter(
                        acc_t, [idx_a[pl.ds(c0, _L)]], ones)

        item(0, idx0, sem_i0, idx1, sem_i1)
        item(1, idx1, sem_i1, idx0, sem_i0)

        @pl.loop(1, jmax)
        def _(j):
            item(2 * j, idx0, sem_i0, idx1, sem_i1)
            item(2 * j + 1, idx1, sem_i1, idx0, sem_i0)

        @pl.when(k_t % 2 == 0)
        def _():
            idx_wait(idx0, sem_i0)

        @pl.when(k_t % 2 == 1)
        def _():
            idx_wait(idx1, sem_i1)

        pltpu.sync_copy(acc_t, shared.at[sid])
        plsc.subcore_barrier()
        col0 = sid * rpt
        pltpu.sync_copy(shared.at[:, pl.ds(col0, rpt)], red_v)
        for r in range(1, _NS):
            @pl.loop(0, rpt, step=_L)
            def _(c0, _r=r):
                red_v[0, pl.ds(c0, _L)] = (red_v[0, pl.ds(c0, _L)]
                                           + red_v[_r, pl.ds(c0, _L)])
        pltpu.sync_copy(red_v.at[0], out_hbm.at[cid, pl.ds(col0, rpt)])

    return k(edge_index)


def _sc_scatter(h, edge_index, n_pad, n_chunks):
    d = h.shape[1]
    rpt = n_pad // _NS

    jmax = (n_chunks // _NW) // 2 + 2

    @functools.partial(
        pl.kernel,
        out_type=jax.ShapeDtypeStruct((_NC, n_pad, d), jnp.float32),
        mesh=_sc_mesh(),
        scratch_types=[
            pltpu.VMEM((2, _CHUNK), jnp.int32),
            pltpu.VMEM((2, _CHUNK), jnp.int32),
            pltpu.VMEM((_CHUNK,), jnp.int32),
            pltpu.VMEM((_CHUNK,), jnp.int32),
            pltpu.VMEM((_CHUNK,), jnp.int32),
            pltpu.VMEM((_CHUNK,), jnp.int32),
            pltpu.VMEM((_CHUNK, d), jnp.float32),
            pltpu.VMEM((_CHUNK, d), jnp.float32),
            pltpu.VMEM_SHARED((n_pad, d), jnp.float32),
            pltpu.SemaphoreType.DMA,
            pltpu.SemaphoreType.DMA,
            pltpu.SemaphoreType.DMA,
            pltpu.SemaphoreType.DMA,
            pltpu.SemaphoreType.DMA,
            pltpu.SemaphoreType.DMA,
        ],
    )
    def k(h_hbm, ei_hbm, out_hbm, idx0, idx1, ssh0, ssh1, dsh0, dsh1,
          rows0, rows1, acc, sem_i0, sem_i1, sem_g0, sem_g1,
          sem_s0, sem_s1):
        cid = lax.axis_index("c")
        sid = lax.axis_index("s")
        w = sid * _NC + cid
        k_t = (n_chunks - 1 - w) // _NW + 1
        last_c = n_chunks - 1

        def idx_start(c, idx_v, sem):
            pltpu.async_copy(ei_hbm.at[:, pl.ds(c * _CHUNK, _CHUNK)],
                             idx_v, sem)

        def idx_wait(idx_v, sem):
            pltpu.make_async_copy(ei_hbm.at[:, pl.ds(0, _CHUNK)],
                                  idx_v, sem).wait()

        idx_start(w, idx0, sem_i0)

        @pl.loop(0, _CHUNK)
        def _(r):
            for c0 in range(0, d, _L):
                rows0[r, pl.ds(c0, _L)] = jnp.zeros((_L,), jnp.float32)

        @pl.loop(0, rpt, step=_CHUNK)
        def _(r0):
            pltpu.sync_copy(rows0, acc.at[pl.ds(sid * rpt + r0, _CHUNK)])

        plsc.subcore_barrier()

        def item(k_idx, idx_a, sem_ia, ssh_a, dsh_a, rows_a, sem_ga, sem_sa,
                 dsh_b, rows_b, sem_gb, sem_sb, idx_b, sem_ib, first,
                 do_prev):
            @pl.when(k_idx < k_t)
            def _():
                c_next = jnp.minimum(w + (k_idx + 1) * _NW, last_c)
                idx_start(c_next, idx_b, sem_ib)
                idx_wait(idx_a, sem_ia)
                if not first:
                    pltpu.make_async_copy(rows_a, acc.at[dsh_a],
                                          sem_sa).wait()
                for c0 in range(0, _CHUNK, _L):
                    ssh_a[pl.ds(c0, _L)] = idx_a[0, pl.ds(c0, _L)]
                    dsh_a[pl.ds(c0, _L)] = idx_a[1, pl.ds(c0, _L)]
                pltpu.async_copy(h_hbm.at[ssh_a], rows_a, sem_ga)
                if do_prev:
                    pltpu.make_async_copy(h_hbm.at[ssh_a], rows_b,
                                          sem_gb).wait()
                    pltpu.async_copy(rows_b, acc.at[dsh_b], sem_sb,
                                     add=True)

        item(0, idx0, sem_i0, ssh0, dsh0, rows0, sem_g0, sem_s0,
             dsh1, rows1, sem_g1, sem_s1, idx1, sem_i1, True, False)
        item(1, idx1, sem_i1, ssh1, dsh1, rows1, sem_g1, sem_s1,
             dsh0, rows0, sem_g0, sem_s0, idx0, sem_i0, True, True)

        @pl.loop(1, jmax)
        def _(j):
            item(2 * j, idx0, sem_i0, ssh0, dsh0, rows0, sem_g0, sem_s0,
                 dsh1, rows1, sem_g1, sem_s1, idx1, sem_i1, False, True)
            item(2 * j + 1, idx1, sem_i1, ssh1, dsh1, rows1, sem_g1, sem_s1,
                 dsh0, rows0, sem_g0, sem_s0, idx0, sem_i0, False, True)

        @pl.when(k_t % 2 == 1)
        def _():
            pltpu.make_async_copy(h_hbm.at[ssh0], rows0, sem_g0).wait()
            pltpu.async_copy(rows0, acc.at[dsh0], sem_s0, add=True)
            idx_wait(idx1, sem_i1)

        @pl.when(k_t % 2 == 0)
        def _():
            pltpu.make_async_copy(h_hbm.at[ssh1], rows1, sem_g1).wait()
            pltpu.async_copy(rows1, acc.at[dsh1], sem_s1, add=True)
            idx_wait(idx0, sem_i0)

        pltpu.make_async_copy(rows0, acc.at[dsh0], sem_s0).wait()
        pltpu.make_async_copy(rows1, acc.at[dsh1], sem_s1).wait()

        plsc.subcore_barrier()
        pltpu.sync_copy(acc.at[pl.ds(sid * rpt, rpt)],
                        out_hbm.at[cid, pl.ds(sid * rpt, rpt)])

    return k(h, edge_index)


def _pick_br(n):
    for br in (2000, 1024, 1000, 512, 500, 400, 256, 200, 128, 80, 40, 16, 8):
        if n % br == 0:
            return br
    return n


def _dinv_block(hp_ref):
    deg = hp_ref[0] + hp_ref[1] + 1.0
    return lax.rsqrt(deg)


def _mm_body(x_ref, w_ref, hp_ref, o_ref):
    dv = _dinv_block(hp_ref)
    o_ref[...] = jnp.dot(x_ref[...], w_ref[...],
                         preferred_element_type=jnp.float32) * dv


def _tc_matmul_scale(x, w, hp):
    n, d = x.shape
    br = _pick_br(n)
    return pl.pallas_call(
        _mm_body,
        grid=(n // br,),
        in_specs=[
            pl.BlockSpec((br, d), lambda i: (i, 0)),
            pl.BlockSpec((d, d), lambda i: (0, 0)),
            pl.BlockSpec((2, br, 1), lambda i: (0, i, 0)),
        ],
        out_specs=pl.BlockSpec((br, d), lambda i: (i, 0)),
        out_shape=jax.ShapeDtypeStruct((n, d), jnp.float32),
    )(x, w, hp)


def _mid_body(p_ref, h_ref, hp_ref, sc_ref, w_ref, o_ref):
    dv = _dinv_block(hp_ref)
    u = (p_ref[0] + p_ref[1] + h_ref[...]) * dv
    z = jnp.maximum(u * sc_ref[0:1, :] + sc_ref[1:2, :], 0.0)
    o_ref[...] = jnp.dot(z, w_ref[...],
                         preferred_element_type=jnp.float32) * dv


def _tc_mid(p, h, hp, sc, w):
    n, d = h.shape
    br = _pick_br(n)
    return pl.pallas_call(
        _mid_body,
        grid=(n // br,),
        in_specs=[
            pl.BlockSpec((2, br, d), lambda i: (0, i, 0)),
            pl.BlockSpec((br, d), lambda i: (i, 0)),
            pl.BlockSpec((2, br, 1), lambda i: (0, i, 0)),
            pl.BlockSpec((2, d), lambda i: (0, 0)),
            pl.BlockSpec((d, d), lambda i: (0, 0)),
        ],
        out_specs=pl.BlockSpec((br, d), lambda i: (i, 0)),
        out_shape=jax.ShapeDtypeStruct((n, d), jnp.float32),
    )(p, h, hp, sc, w)


def _out_body(p_ref, h_ref, hp_ref, sc_ref, o_ref):
    dv = _dinv_block(hp_ref)
    u = (p_ref[0] + p_ref[1] + h_ref[...]) * dv
    o_ref[...] = jnp.maximum(u * sc_ref[0:1, :] + sc_ref[1:2, :], 0.0)


def _tc_out(p, h, hp, sc):
    n, d = h.shape
    br = _pick_br(n)
    return pl.pallas_call(
        _out_body,
        grid=(n // br,),
        in_specs=[
            pl.BlockSpec((2, br, d), lambda i: (0, i, 0)),
            pl.BlockSpec((br, d), lambda i: (i, 0)),
            pl.BlockSpec((2, br, 1), lambda i: (0, i, 0)),
            pl.BlockSpec((2, d), lambda i: (0, 0)),
        ],
        out_specs=pl.BlockSpec((br, d), lambda i: (i, 0)),
        out_shape=jax.ShapeDtypeStruct((n, d), jnp.float32),
    )(p, h, hp, sc)


def kernel(x, edge_index, W1, b1, g1, bt1, m1, v1, W2, b2, g2, bt2, m2, v2):
    n, d = x.shape
    e = edge_index.shape[1]
    assert e % _CHUNK == 0
    n_chunks = e // _CHUNK
    stripe = _NS * _CHUNK
    n_pad = ((n + stripe - 1) // stripe) * stripe

    s1 = g1 * lax.rsqrt(v1 + _EPS)
    sc1 = jnp.stack([s1, (b1 - m1) * s1 + bt1])
    s2 = g2 * lax.rsqrt(v2 + _EPS)
    sc2 = jnp.stack([s2, (b2 - m2) * s2 + bt2])

    hp = _sc_degree(edge_index, n_pad, n_chunks)
    hp = hp.reshape(_NC, n_pad, 1)
    h1 = _tc_matmul_scale(x, W1, hp)
    p1 = _sc_scatter(h1, edge_index, n_pad, n_chunks)
    h2 = _tc_mid(p1, h1, hp, sc1, W2)
    p2 = _sc_scatter(h2, edge_index, n_pad, n_chunks)
    return _tc_out(p2, h2, hp, sc2)

# --- scband reference (transcript-rebuilt; emitter-appended) ---
"""Pipeline reference for scband-gnnbranch-65687229825042 (READ-ONLY COPY).

The authoritative reference and input builder live on the scoring server;
editing this copy changes nothing except your own understanding.
"""

import jax, jax.numpy as jnp
import numpy as np

N = 10000
E = 320000
D = 128
EPS = 1e-5


def setup_inputs(seed: int = 0) -> dict:
    key = jax.random.key(seed)
    ks = jax.random.split(key, 6)
    x = jax.random.normal(ks[0], (N, D), dtype=jnp.float32)
    edge_index = jax.random.randint(ks[1], (2, E), 0, N, dtype=jnp.int32)
    s = 1.0 / np.sqrt(D)
    W1 = jax.random.uniform(ks[2], (D, D), dtype=jnp.float32, minval=-s, maxval=s)
    b1 = jnp.zeros((D,), dtype=jnp.float32)
    W2 = jax.random.uniform(ks[3], (D, D), dtype=jnp.float32, minval=-s, maxval=s)
    b2 = jnp.zeros((D,), dtype=jnp.float32)
    g1 = jnp.ones((D,), dtype=jnp.float32)
    bt1 = jnp.zeros((D,), dtype=jnp.float32)
    m1 = jnp.zeros((D,), dtype=jnp.float32)
    v1 = jnp.ones((D,), dtype=jnp.float32)
    g2 = jnp.ones((D,), dtype=jnp.float32)
    bt2 = jnp.zeros((D,), dtype=jnp.float32)
    m2 = jnp.zeros((D,), dtype=jnp.float32)
    v2 = jnp.ones((D,), dtype=jnp.float32)
    return {"x": x, "edge_index": edge_index, "W1": W1, "b1": b1, "g1": g1, "bt1": bt1,
            "m1": m1, "v1": v1, "W2": W2, "b2": b2, "g2": g2, "bt2": bt2, "m2": m2, "v2": v2}


def gcn_conv(x, edge_index, W, b):
    # PyG GCNConv: add self-loops, symmetric normalization, linear transform, scatter-add
    src = edge_index[0]
    dst = edge_index[1]
    loop = jnp.arange(N, dtype=src.dtype)
    src = jnp.concatenate([src, loop])
    dst = jnp.concatenate([dst, loop])
    h = x @ W
    deg = jnp.zeros((N,), dtype=x.dtype).at[dst].add(1.0)
    deg_inv_sqrt = jnp.where(deg > 0, 1.0 / jnp.sqrt(deg), 0.0)
    norm = deg_inv_sqrt[src] * deg_inv_sqrt[dst]
    msg = h[src] * norm[:, None]
    out = jnp.zeros((N, W.shape[1]), dtype=x.dtype).at[dst].add(msg)
    return out + b


def batchnorm_eval(x, g, bt, m, v):
    return (x - m) / jnp.sqrt(v + EPS) * g + bt


def reference(x, edge_index, W1, b1, g1, bt1, m1, v1, W2, b2, g2, bt2, m2, v2):
    h = gcn_conv(x, edge_index, W1, b1)
    h = batchnorm_eval(h, g1, bt1, m1, v1)
    h = jax.nn.relu(h)
    # dropout is identity in eval mode
    h = gcn_conv(h, edge_index, W2, b2)
    h = batchnorm_eval(h, g2, bt2, m2, v2)
    h = jax.nn.relu(h)
    return h

if __name__ == "__main__":
    import jax
    _d = setup_inputs()
    print(jax.jit(kernel)(*tuple(_d.values())))

</pallas_src>

<mosaic_0001>
#map = affine_map<(d0, d1) -> (0, 0)>
#map1 = affine_map<(d0, d1) -> (0, 0, 0)>
module attributes {stable_mosaic.version = 14 : i64} {
  func.func @k(%arg0: i32, %arg1: i32, %arg2: memref<10000x128xf32, #tpu.memory_space<hbm>>, %arg3: memref<2x320000xi32, #tpu.memory_space<hbm>>, %arg4: memref<2x10240x128xf32, #tpu.memory_space<hbm>>, %arg5: memref<2x128xi32, #tpu.memory_space<vmem>>, %arg6: memref<2x128xi32, #tpu.memory_space<vmem>>, %arg7: memref<128xi32, #tpu.memory_space<vmem>>, %arg8: memref<128xi32, #tpu.memory_space<vmem>>, %arg9: memref<128xi32, #tpu.memory_space<vmem>>, %arg10: memref<128xi32, #tpu.memory_space<vmem>>, %arg11: memref<128x128xf32, #tpu.memory_space<vmem>>, %arg12: memref<128x128xf32, #tpu.memory_space<vmem>>, %arg13: memref<10240x128xf32, #tpu.memory_space<vmem_shared>>, %arg14: memref<!tpu.dma_semaphore, #tpu.memory_space<semaphore_mem>>, %arg15: memref<!tpu.dma_semaphore, #tpu.memory_space<semaphore_mem>>, %arg16: memref<!tpu.dma_semaphore, #tpu.memory_space<semaphore_mem>>, %arg17: memref<!tpu.dma_semaphore, #tpu.memory_space<semaphore_mem>>, %arg18: memref<!tpu.dma_semaphore, #tpu.memory_space<semaphore_mem>>, %arg19: memref<!tpu.dma_semaphore, #tpu.memory_space<semaphore_mem>>) attributes {dimension_semantics = [#tpu.dimension_semantics<core_parallel>, #tpu.dimension_semantics<subcore_parallel>], iteration_bounds = array<i64: 2, 16>, scalar_prefetch = 0 : i64, scratch_operands = 15 : i64, tpu.core_type = #tpu.core_type<sc_vector_subcore>, window_params = [{transform_indices = #map}, {transform_indices = #map}, {transform_indices = #map1}]} {
    %mul3A = arith.constant 2 : i32
    %mul3A_0 = arith.muli %arg1, %mul3A : i32
    %add3A = arith.addi %mul3A_0, %arg0 : i32
    %sub3A = arith.constant 2499 : i32
    %sub3A_1 = arith.subi %sub3A, %add3A : i32
    %jit3A = arith.constant 32 : i32
    %div3A = arith.divsi %sub3A_1, %jit3A : i32
    %sign3A = arith.constant 0 : i32
    %sign3A_2 = arith.cmpi sgt, %sub3A_1, %sign3A : i32
    %sign3A_3 = arith.extui %sign3A_2 : i1 to i32
    %sign3A_4 = arith.constant 0 : i32
    %sign3A_5 = arith.cmpi slt, %sub3A_1, %sign3A_4 : i32
    %sign3A_6 = arith.extui %sign3A_5 : i1 to i32
    %sign3A_7 = arith.subi %sign3A_3, %sign3A_6 : i32
    %sign3A_8 = arith.constant 0 : i32
    %sign3A_9 = arith.cmpi sgt, %jit3A, %sign3A_8 : i32
    %sign3A_10 = arith.extui %sign3A_9 : i1 to i32
    %sign3A_11 = arith.constant 0 : i32
    %sign3A_12 = arith.cmpi slt, %jit3A, %sign3A_11 : i32
    %sign3A_13 = arith.extui %sign3A_12 : i1 to i32
    %sign3A_14 = arith.subi %sign3A_10, %sign3A_13 : i32
    %ne3A = arith.cmpi ne, %sign3A_7, %sign3A_14 : i32
    %rem3A = arith.remsi %sub3A_1, %jit3A : i32
    %ne3A_15 = arith.constant 0 : i32
    %ne3A_16 = arith.cmpi ne, %rem3A, %ne3A_15 : i32
    %and3A = arith.andi %ne3A, %ne3A_16 : i1
    %sub3A_17 = arith.constant 1 : i32
    %sub3A_18 = arith.subi %div3A, %sub3A_17 : i32
    %select_n3A = arith.select %and3A, %sub3A_18, %div3A : i32
    %add3A_19 = arith.constant 1 : i32
    %add3A_20 = arith.addi %select_n3A, %add3A_19 : i32
    %mul3A_21 = arith.constant 128 : i32
    %mul3A_22 = arith.muli %add3A, %mul3A_21 : i32
    %dma_start3A = arith.constant 0 : i32
    %dma_start3A_23 = tpu.memref_slice %arg3[%dma_start3A, %mul3A_22] : memref<2x320000xi32, #tpu.memory_space<hbm>> -> memref<2x128xi32, #tpu.memory_space<hbm>>
    %dma_start3A_24 = arith.constant 0 : i32
    %dma_start3A_25 = tpu.memref_slice %arg3[%dma_start3A_24, %mul3A_22] : memref<2x320000xi32, #tpu.memory_space<hbm>> -> memref<2x128xi32, #tpu.memory_space<hbm>>
    tpu.enqueue_dma source(%dma_start3A_25 : memref<2x128xi32, #tpu.memory_space<hbm>>) target(%arg5 : memref<2x128xi32, #tpu.memory_space<vmem>>) target_semaphore(%arg14 : memref<!tpu.dma_semaphore, #tpu.memory_space<semaphore_mem>>)
    %scan3A = arith.constant 0 : i32
    %scan3A_26 = arith.constant 128 : i32
    %scan3A_27 = arith.addi %scan3A, %scan3A_26 : i32
    %scan3A_28 = arith.constant 1 : i32
    scf.for %scan3A_97 = %scan3A to %scan3A_27 step %scan3A_28  : i32 {
      %mul3A_98 = arith.constant 1 : i32
      %mul3A_99 = arith.muli %scan3A_97, %mul3A_98 : i32
      %add3A_100 = arith.constant 0 : i32
      %add3A_101 = arith.addi %add3A_100, %mul3A_99 : i32
      %broadcast_in_dim3A = arith.constant 0.000000e+00 : f32
      %broadcast_in_dim3A_102 = vector.broadcast %broadcast_in_dim3A : f32 to vector<16xf32>
      %swap3A = arith.index_cast %add3A_101 : i32 to index
      %swap3A_103 = arith.constant 0 : index
      %swap3A_104 = tpu.vector_load %arg11[%swap3A, %swap3A_103] {strides = array<i32>} : memref<128x128xf32, #tpu.memory_space<vmem>>, vector<1x16xf32>,
      %swap3A_105 = vector.shape_cast %swap3A_104 : vector<1x16xf32> to vector<16xf32>
      %swap3A_106 = vector.shape_cast %broadcast_in_dim3A_102 : vector<16xf32> to vector<1x16xf32>
      tpu.vector_store %arg11[%swap3A, %swap3A_103], %swap3A_106 {strides = array<i32>} : memref<128x128xf32, #tpu.memory_space<vmem>>, vector<1x16xf32>,
      %broadcast_in_dim3A_107 = arith.constant 0.000000e+00 : f32
      %broadcast_in_dim3A_108 = vector.broadcast %broadcast_in_dim3A_107 : f32 to vector<16xf32>
      %swap3A_109 = arith.index_cast %add3A_101 : i32 to index
      %swap3A_110 = arith.constant 16 : index
      %swap3A_111 = tpu.vector_load %arg11[%swap3A_109, %swap3A_110] {strides = array<i32>} : memref<128x128xf32, #tpu.memory_space<vmem>>, vector<1x16xf32>,
      %swap3A_112 = vector.shape_cast %swap3A_111 : vector<1x16xf32> to vector<16xf32>
      %swap3A_113 = vector.shape_cast %broadcast_in_dim3A_108 : vector<16xf32> to vector<1x16xf32>
      tpu.vector_store %arg11[%swap3A_109, %swap3A_110], %swap3A_113 {strides = array<i32>} : memref<128x128xf32, #tpu.memory_space<vmem>>, vector<1x16xf32>,
      %broadcast_in_dim3A_114 = arith.constant 0.000000e+00 : f32
      %broadcast_in_dim3A_115 = vector.broadcast %broadcast_in_dim3A_114 : f32 to vector<16xf32>
      %swap3A_116 = arith.index_cast %add3A_101 : i32 to index
      %swap3A_117 = arith.constant 32 : index
      %swap3A_118 = tpu.vector_load %arg11[%swap3A_116, %swap3A_117] {strides = array<i32>} : memref<128x128xf32, #tpu.memory_space<vmem>>, vector<1x16xf32>,
      %swap3A_119 = vector.shape_cast %swap3A_118 : vector<1x16xf32> to vector<16xf32>
      %swap3A_120 = vector.shape_cast %broadcast_in_dim3A_115 : vector<16xf32> to vector<1x16xf32>
      tpu.vector_store %arg11[%swap3A_116, %swap3A_117], %swap3A_120 {strides = array<i32>} : memref<128x128xf32, #tpu.memory_space<vmem>>, vector<1x16xf32>,
      %broadcast_in_dim3A_121 = arith.constant 0.000000e+00 : f32
      %broadcast_in_dim3A_122 = vector.broadcast %broadcast_in_dim3A_121 : f32 to vector<16xf32>
      %swap3A_123 = arith.index_cast %add3A_101 : i32 to index
      %swap3A_124 = arith.constant 48 : index
      %swap3A_125 = tpu.vector_load %arg11[%swap3A_123, %swap3A_124] {strides = array<i32>} : memref<128x128xf32, #tpu.memory_space<vmem>>, vector<1x16xf32>,
      %swap3A_126 = vector.shape_cast %swap3A_125 : vector<1x16xf32> to vector<16xf32>
      %swap3A_127 = vector.shape_cast %broadcast_in_dim3A_122 : vector<16xf32> to vector<1x16xf32>
      tpu.vector_store %arg11[%swap3A_123, %swap3A_124], %swap3A_127 {strides = array<i32>} : memref<128x128xf32, #tpu.memory_space<vmem>>, vector<1x16xf32>,
      %broadcast_in_dim3A_128 = arith.constant 0.000000e+00 : f32
      %broadcast_in_dim3A_129 = vector.broadcast %broadcast_in_dim3A_128 : f32 to vector<16xf32>
      %swap3A_130 = arith.index_cast %add3A_101 : i32 to index
      %swap3A_131 = arith.constant 64 : index
      %swap3A_132 = tpu.vector_load %arg11[%swap3A_130, %swap3A_131] {strides = array<i32>} : memref<128x128xf32, #tpu.memory_space<vmem>>, vector<1x16xf32>,
      %swap3A_133 = vector.shape_cast %swap3A_132 : vector<1x16xf32> to vector<16xf32>
      %swap3A_134 = vector.shape_cast %broadcast_in_dim3A_129 : vector<16xf32> to vector<1x16xf32>
      tpu.vector_store %arg11[%swap3A_130, %swap3A_131], %swap3A_134 {strides = array<i32>} : memref<128x128xf32, #tpu.memory_space<vmem>>, vector<1x16xf32>,
      %broadcast_in_dim3A_135 = arith.constant 0.000000e+00 : f32
      %broadcast_in_dim3A_136 = vector.broadcast %broadcast_in_dim3A_135 : f32 to vector<16xf32>
      %swap3A_137 = arith.index_cast %add3A_101 : i32 to index
      %swap3A_138 = arith.constant 80 : index
      %swap3A_139 = tpu.vector_load %arg11[%swap3A_137, %swap3A_138] {strides = array<i32>} : memref<128x128xf32, #tpu.memory_space<vmem>>, vector<1x16xf32>,
      %swap3A_140 = vector.shape_cast %swap3A_139 : vector<1x16xf32> to vector<16xf32>
      %swap3A_141 = vector.shape_cast %broadcast_in_dim3A_136 : vector<16xf32> to vector<1x16xf32>
      tpu.vector_store %arg11[%swap3A_137, %swap3A_138], %swap3A_141 {strides = array<i32>} : memref<128x128xf32, #tpu.memory_space<vmem>>, vector<1x16xf32>,
      %broadcast_in_dim3A_142 = arith.constant 0.000000e+00 : f32
      %broadcast_in_dim3A_143 = vector.broadcast %broadcast_in_dim3A_142 : f32 to vector<16xf32>
      %swap3A_144 = arith.index_cast %add3A_101 : i32 to index
      %swap3A_145 = arith.constant 96 : index
      %swap3A_146 = tpu.vector_load %arg11[%swap3A_144, %swap3A_145] {strides = array<i32>} : memref<128x128xf32, #tpu.memory_space<vmem>>, vector<1x16xf32>,
      %swap3A_147 = vector.shape_cast %swap3A_146 : vector<1x16xf32> to vector<16xf32>
      %swap3A_148 = vector.shape_cast %broadcast_in_dim3A_143 : vector<16xf32> to vector<1x16xf32>
      tpu.vector_store %arg11[%swap3A_144, %swap3A_145], %swap3A_148 {strides = array<i32>} : memref<128x128xf32, #tpu.memory_space<vmem>>, vector<1x16xf32>,
      %broadcast_in_dim3A_149 = arith.constant 0.000000e+00 : f32
      %broadcast_in_dim3A_150 = vector.broadcast %broadcast_in_dim3A_149 : f32 to vector<16xf32>
      %swap3A_151 = arith.index_cast %add3A_101 : i32 to index
      %swap3A_152 = arith.constant 112 : index
      %swap3A_153 = tpu.vector_load %arg11[%swap3A_151, %swap3A_152] {strides = array<i32>} : memref<128x128xf32, #tpu.memory_space<vmem>>, vector<1x16xf32>,
      %swap3A_154 = vector.shape_cast %swap3A_153 : vector<1x16xf32> to vector<16xf32>
      %swap3A_155 = vector.shape_cast %broadcast_in_dim3A_150 : vector<16xf32> to vector<1x16xf32>
      tpu.vector_store %arg11[%swap3A_151, %swap3A_152], %swap3A_155 {strides = array<i32>} : memref<128x128xf32, #tpu.memory_space<vmem>>, vector<1x16xf32>,
    }
    %scan3A_29 = arith.constant 128 : i32
    %scan3A_30 = arith.constant 0 : i32
    %scan3A_31 = arith.constant 5 : i32
    %scan3A_32 = arith.addi %scan3A_30, %scan3A_31 : i32
    %scan3A_33 = arith.constant 1 : i32
    scf.for %scan3A_97 = %scan3A_30 to %scan3A_32 step %scan3A_33  : i32 {
      %mul3A_98 = arith.constant 128 : i32
      %mul3A_99 = arith.muli %scan3A_97, %mul3A_98 : i32
      %add3A_100 = arith.constant 0 : i32
      %add3A_101 = arith.addi %add3A_100, %mul3A_99 : i32
      %mul3A_102 = arith.constant 640 : i32
      %mul3A_103 = arith.muli %arg1, %mul3A_102 : i32
      %add3A_104 = arith.addi %mul3A_103, %add3A_101 : i32
      "tpu.region"() ({
        %run_scoped3A = tpu.sem_alloc : memref<!tpu.dma_semaphore, #tpu.memory_space<semaphore_mem>>
        %dma_start3A_105 = arith.constant 0 : i32
        %dma_start3A_106 = tpu.memref_slice %arg13[%add3A_104, %dma_start3A_105] : memref<10240x128xf32, #tpu.memory_space<vmem_shared>> -> memref<128x128xf32, #tpu.memory_space<vmem_shared>>
        %dma_start3A_107 = arith.constant 0 : i32
        %dma_start3A_108 = tpu.memref_slice %arg13[%add3A_104, %dma_start3A_107] : memref<10240x128xf32, #tpu.memory_space<vmem_shared>> -> memref<128x128xf32, #tpu.memory_space<vmem_shared>>
        tpu.enqueue_dma source(%arg11 : memref<128x128xf32, #tpu.memory_space<vmem>>) target(%dma_start3A_108 : memref<128x128xf32, #tpu.memory_space<vmem_shared>>) target_semaphore(%run_scoped3A : memref<!tpu.dma_semaphore, #tpu.memory_space<semaphore_mem>>)
        %dma_wait3A_109 = arith.constant 0 : i32
        %dma_wait3A_110 = tpu.memref_slice %arg13[%add3A_104, %dma_wait3A_109] : memref<10240x128xf32, #tpu.memory_space<vmem_shared>> -> memref<128x128xf32, #tpu.memory_space<vmem_shared>>
        %dma_wait3A_111 = arith.constant 0 : i32
        %dma_wait3A_112 = tpu.memref_slice %arg13[%add3A_104, %dma_wait3A_111] : memref<10240x128xf32, #tpu.memory_space<vmem_shared>> -> memref<128x128xf32, #tpu.memory_space<vmem_shared>>
        tpu.wait_dma2 semaphore(%run_scoped3A : memref<!tpu.dma_semaphore, #tpu.memory_space<semaphore_mem>>) src(%arg11 : memref<128x128xf32, #tpu.memory_space<vmem>>) dst(%dma_wait3A_112 : memref<128x128xf32, #tpu.memory_space<vmem_shared>>)
        tpu.yield
      }) : () -> ()
    }
    %scan3A_34 = arith.constant 5 : i32
    %barrier3A = arith.constant 0 : index
    tpu.barrier barrier_id(%barrier3A)
    %gt3A = arith.constant 0 : i32
    %gt3A_35 = arith.cmpi sgt, %add3A_20, %gt3A : i32
    %convert_element_type3A = arith.extui %gt3A_35 : i1 to i32
    %cond3A = arith.constant 0 : i32
    %cond3A_36 = arith.cmpi ne, %convert_element_type3A, %cond3A : i32
    scf.if %cond3A_36 {
      %add3A_97 = arith.constant 32 : i32
      %add3A_98 = arith.addi %add3A, %add3A_97 : i32
      %min3A = arith.constant 2499 : i32
      %min3A_99 = arith.minsi %add3A_98, %min3A : i32
      %mul3A_100 = arith.constant 128 : i32
      %mul3A_101 = arith.muli %min3A_99, %mul3A_100 : i32
      %dma_start3A_102 = arith.constant 0 : i32
      %dma_start3A_103 = tpu.memref_slice %arg3[%dma_start3A_102, %mul3A_101] : memref<2x320000xi32, #tpu.memory_space<hbm>> -> memref<2x128xi32, #tpu.memory_space<hbm>>
      %dma_start3A_104 = arith.constant 0 : i32
      %dma_start3A_105 = tpu.memref_slice %arg3[%dma_start3A_104, %mul3A_101] : memref<2x320000xi32, #tpu.memory_space<hbm>> -> memref<2x128xi32, #tpu.memory_space<hbm>>
      tpu.enqueue_dma source(%dma_start3A_105 : memref<2x128xi32, #tpu.memory_space<hbm>>) target(%arg6 : memref<2x128xi32, #tpu.memory_space<vmem>>) target_semaphore(%arg15 : memref<!tpu.dma_semaphore, #tpu.memory_space<semaphore_mem>>)
      %dma_wait3A_106 = arith.constant 0 : i32
      %dma_wait3A_107 = arith.constant 0 : i32
      %dma_wait3A_108 = tpu.memref_slice %arg3[%dma_wait3A_106, %dma_wait3A_107] : memref<2x320000xi32, #tpu.memory_space<hbm>> -> memref<2x128xi32, #tpu.memory_space<hbm>>
      %dma_wait3A_109 = arith.constant 0 : i32
      %dma_wait3A_110 = arith.constant 0 : i32
      %dma_wait3A_111 = tpu.memref_slice %arg3[%dma_wait3A_109, %dma_wait3A_110] : memref<2x320000xi32, #tpu.memory_space<hbm>> -> memref<2x128xi32, #tpu.memory_space<hbm>>
      tpu.wait_dma2 semaphore(%arg14 : memref<!tpu.dma_semaphore, #tpu.memory_space<semaphore_mem>>) src(%dma_wait3A_111 : memref<2x128xi32, #tpu.memory_space<hbm>>) dst(%arg5 : memref<2x128xi32, #tpu.memory_space<vmem>>)
      %get3A = arith.constant 0 : i32
      %get3A_112 = arith.index_cast %get3A : i32 to index
      %get3A_113 = arith.constant 0 : index
      %get3A_114 = tpu.vector_load %arg5[%get3A_112, %get3A_113] {strides = array<i32>} : memref<2x128xi32, #tpu.memory_space<vmem>>, vector<1x16xi32>,
      %get3A_115 = vector.shape_cast %get3A_114 : vector<1x16xi32> to vector<16xi32>
      %swap3A = arith.constant 0 : index
      %swap3A_116 = tpu.vector_load %arg7[%swap3A] {strides = array<i32>} : memref<128xi32, #tpu.memory_space<vmem>>, vector<16xi32>,
      %swap3A_117 = vector.shape_cast %swap3A_116 : vector<16xi32> to vector<16xi32>
      %swap3A_118 = vector.shape_cast %get3A_115 : vector<16xi32> to vector<16xi32>
      tpu.vector_store %arg7[%swap3A], %swap3A_118 {strides = array<i32>} : memref<128xi32, #tpu.memory_space<vmem>>, vector<16xi32>,
      %get3A_119 = arith.constant 1 : i32
      %get3A_120 = arith.index_cast %get3A_119 : i32 to index
      %get3A_121 = arith.constant 0 : index
      %get3A_122 = tpu.vector_load %arg5[%get3A_120, %get3A_121] {strides = array<i32>} : memref<2x128xi32, #tpu.memory_space<vmem>>, vector<1x16xi32>,
      %get3A_123 = vector.shape_cast %get3A_122 : vector<1x16xi32> to vector<16xi32>
      %swap3A_124 = arith.constant 0 : index
      %swap3A_125 = tpu.vector_load %arg9[%swap3A_124] {strides = array<i32>} : memref<128xi32, #tpu.memory_space<vmem>>, vector<16xi32>,
      %swap3A_126 = vector.shape_cast %swap3A_125 : vector<16xi32> to vector<16xi32>
      %swap3A_127 = vector.shape_cast %get3A_123 : vector<16xi32> to vector<16xi32>
      tpu.vector_store %arg9[%swap3A_124], %swap3A_127 {strides = array<i32>} : memref<128xi32, #tpu.memory_space<vmem>>, vector<16xi32>,
      %get3A_128 = arith.constant 0 : i32
      %get3A_129 = arith.index_cast %get3A_128 : i32 to index
      %get3A_130 = arith.constant 16 : index
      %get3A_131 = tpu.vector_load %arg5[%get3A_129, %get3A_130] {strides = array<i32>} : memref<2x128xi32, #tpu.memory_space<vmem>>, vector<1x16xi32>,
      %get3A_132 = vector.shape_cast %get3A_131 : vector<1x16xi32> to vector<16xi32>
      %swap3A_133 = arith.constant 16 : index
      %swap3A_134 = tpu.vector_load %arg7[%swap3A_133] {strides = array<i32>} : memref<128xi32, #tpu.memory_space<vmem>>, vector<16xi32>,
      %swap3A_135 = vector.shape_cast %swap3A_134 : vector<16xi32> to vector<16xi32>
      %swap3A_136 = vector.shape_cast %get3A_132 : vector<16xi32> to vector<16xi32>
      tpu.vector_store %arg7[%swap3A_133], %swap3A_136 {strides = array<i32>} : memref<128xi32, #tpu.memory_space<vmem>>, vector<16xi32>,
      %get3A_137 = arith.constant 1 : i32
      %get3A_138 = arith.index_cast %get3A_137 : i32 to index
      %get3A_139 = arith.constant 16 : index
      %get3A_140 = tpu.vector_load %arg5[%get3A_138, %get3A_139] {strides = array<i32>} : memref<2x128xi32, #tpu.memory_space<vmem>>, vector<1x16xi32>,
      %get3A_141 = vector.shape_cast %get3A_140 : vector<1x16xi32> to vector<16xi32>
      %swap3A_142 = arith.constant 16 : index
      %swap3A_143 = tpu.vector_load %arg9[%swap3A_142] {strides = array<i32>} : memref<128xi32, #tpu.memory_space<vmem>>, vector<16xi32>,
      %swap3A_144 = vector.shape_cast %swap3A_143 : vector<16xi32> to vector<16xi32>
      %swap3A_145 = vector.shape_cast %get3A_141 : vector<16xi32> to vector<16xi32>
      tpu.vector_store %arg9[%swap3A_142], %swap3A_145 {strides = array<i32>} : memref<128xi32, #tpu.memory_space<vmem>>, vector<16xi32>,
      %get3A_146 = arith.constant 0 : i32
      %get3A_147 = arith.index_cast %get3A_146 : i32 to index
      %get3A_148 = arith.constant 32 : index
      %get3A_149 = tpu.vector_load %arg5[%get3A_147, %get3A_148] {strides = array<i32>} : memref<2x128xi32, #tpu.memory_space<vmem>>, vector<1x16xi32>,
      %get3A_150 = vector.shape_cast %get3A_149 : vector<1x16xi32> to vector<16xi32>
      %swap3A_151 = arith.constant 32 : index
      %swap3A_152 = tpu.vector_load %arg7[%swap3A_151] {strides = array<i32>} : memref<128xi32, #tpu.memory_space<vmem>>, vector<16xi32>,
      %swap3A_153 = vector.shape_cast %swap3A_152 : vector<16xi32> to vector<16xi32>
      %swap3A_154 = vector.shape_cast %get3A_150 : vector<16xi32> to vector<16xi32>
      tpu.vector_store %arg7[%swap3A_151], %swap3A_154 {strides = array<i32>} : memref<128xi32, #tpu.memory_space<vmem>>, vector<16xi32>,
      %get3A_155 = arith.constant 1 : i32
      %get3A_156 = arith.index_cast %get3A_155 : i32 to index
      %get3A_157 = arith.constant 32 : index
      %get3A_158 = tpu.vector_load %arg5[%get3A_156, %get3A_157] {strides = array<i32>} : memref<2x128xi32, #tpu.memory_space<vmem>>, vector<1x16xi32>,
      %get3A_159 = vector.shape_cast %get3A_158 : vector<1x16xi32> to vector<16xi32>
      %swap3A_160 = arith.constant 32 : index
      %swap3A_161 = tpu.vector_load %arg9[%swap3A_160] {strides = array<i32>} : memref<128xi32, #tpu.memory_space<vmem>>, vector<16xi32>,
      %swap3A_162 = vector.shape_cast %swap3A_161 : vector<16xi32> to vector<16xi32>
      %swap3A_163 = vector.shape_cast %get3A_159 : vector<16xi32> to vector<16xi32>
      tpu.vector_store %arg9[%swap3A_160], %swap3A_163 {strides = array<i32>} : memref<128xi32, #tpu.memory_space<vmem>>, vector<16xi32>,
      %get3A_164 = arith.constant 0 : i32
      %get3A_165 = arith.index_cast %get3A_164 : i32 to index
      %get3A_166 = arith.constant 48 : index
      %get3A_167 = tpu.vector_load %arg5[%get3A_165, %get3A_166] {strides = array<i32>} : memref<2x128xi32, #tpu.memory_space<vmem>>, vector<1x16xi32>,
      %get3A_168 = vector.shape_cast %get3A_167 : vector<1x16xi32> to vector<16xi32>
      %swap3A_169 = arith.constant 48 : index
      %swap3A_170 = tpu.vector_load %arg7[%swap3A_169] {strides = array<i32>} : memref<128xi32, #tpu.memory_space<vmem>>, vector<16xi32>,
      %swap3A_171 = vector.shape_cast %swap3A_170 : vector<16xi32> to vector<16xi32>
      %swap3A_172 = vector.shape_cast %get3A_168 : vector<16xi32> to vector<16xi32>
      tpu.vector_store %arg7[%swap3A_169], %swap3A_172 {strides = array<i32>} : memref<128xi32, #tpu.memory_space<vmem>>, vector<16xi32>,
      %get3A_173 = arith.constant 1 : i32
      %get3A_174 = arith.index_cast %get3A_173 : i32 to index
      %get3A_175 = arith.constant 48 : index
      %get3A_176 = tpu.vector_load %arg5[%get3A_174, %get3A_175] {strides = array<i32>} : memref<2x128xi32, #tpu.memory_space<vmem>>, vector<1x16xi32>,
      %get3A_177 = vector.shape_cast %get3A_176 : vector<1x16xi32> to vector<16xi32>
      %swap3A_178 = arith.constant 48 : index
      %swap3A_179 = tpu.vector_load %arg9[%swap3A_178] {strides = array<i32>} : memref<128xi32, #tpu.memory_space<vmem>>, vector<16xi32>,
      %swap3A_180 = vector.shape_cast %swap3A_179 : vector<16xi32> to vector<16xi32>
      %swap3A_181 = vector.shape_cast %get3A_177 : vector<16xi32> to vector<16xi32>
      tpu.vector_store %arg9[%swap3A_178], %swap3A_181 {strides = array<i32>} : memref<128xi32, #tpu.memory_space<vmem>>, vector<16xi32>,
      %get3A_182 = arith.constant 0 : i32
      %get3A_183 = arith.index_cast %get3A_182 : i32 to index
      %get3A_184 = arith.constant 64 : index
      %get3A_185 = tpu.vector_load %arg5[%get3A_183, %get3A_184] {strides = array<i32>} : memref<2x128xi32, #tpu.memory_space<vmem>>, vector<1x16xi32>,
      %get3A_186 = vector.shape_cast %get3A_185 : vector<1x16xi32> to vector<16xi32>
      %swap3A_187 = arith.constant 64 : index
      %swap3A_188 = tpu.vector_load %arg7[%swap3A_187] {strides = array<i32>} : memref<128xi32, #tpu.memory_space<vmem>>, vector<16xi32>,
      %swap3A_189 = vector.shape_cast %swap3A_188 : vector<16xi32> to vector<16xi32>
      %swap3A_190 = vector.shape_cast %get3A_186 : vector<16xi32> to vector<16xi32>
      tpu.vector_store %arg7[%swap3A_187], %swap3A_190 {strides = array<i32>} : memref<128xi32, #tpu.memory_space<vmem>>, vector<16xi32>,
      %get3A_191 = arith.constant 1 : i32
      %get3A_192 = arith.index_cast %get3A_191 : i32 to index
      %get3A_193 = arith.constant 64 : index
      %get3A_194 = tpu.vector_load %arg5[%get3A_192, %get3A_193] {strides = array<i32>} : memref<2x128xi32, #tpu.memory_space<vmem>>, vector<1x16xi32>,
      %get3A_195 = vector.shape_cast %get3A_194 : vector<1x16xi32> to vector<16xi32>
      %swap3A_196 = arith.constant 64 : index
      %swap3A_197 = tpu.vector_load %arg9[%swap3A_196] {strides = array<i32>} : memref<128xi32, #tpu.memory_space<vmem>>, vector<16xi32>,
      %swap3A_198 = vector.shape_cast %swap3A_197 : vector<16xi32> to vector<16xi32>
      %swap3A_199 = vector.shape_cast %get3A_195 : vector<16xi32> to vector<16xi32>
      tpu.vector_store %arg9[%swap3A_196], %swap3A_199 {strides = array<i32>} : memref<128xi32, #tpu.memory_space<vmem>>, vector<16xi32>,
      %get3A_200 = arith.constant 0 : i32
      %get3A_201 = arith.index_cast %get3A_200 : i32 to index
      %get3A_202 = arith.constant 80 : index
      %get3A_203 = tpu.vector_load %arg5[%get3A_201, %get3A_202] {strides = array<i32>} : memref<2x128xi32, #tpu.memory_space<vmem>>, vector<1x16xi32>,
      %get3A_204 = vector.shape_cast %get3A_203 : vector<1x16xi32> to vector<16xi32>
      %swap3A_205 = arith.constant 80 : index
      %swap3A_206 = tpu.vector_load %arg7[%swap3A_205] {strides = array<i32>} : memref<128xi32, #tpu.memory_space<vmem>>, vector<16xi32>,
      %swap3A_207 = vector.shape_cast %swap3A_206 : vector<16xi32> to vector<16xi32>
      %swap3A_208 = vector.shape_cast %get3A_204 : vector<16xi32> to vector<16xi32>
      tpu.vector_store %arg7[%swap3A_205], %swap3A_208 {strides = array<i32>} : memref<128xi32, #tpu.memory_space<vmem>>, vector<16xi32>,
      %get3A_209 = arith.constant 1 : i32
      %get3A_210 = arith.index_cast %get3A_209 : i32 to index
      %get3A_211 = arith.constant 80 : index
      %get3A_212 = tpu.vector_load %arg5[%get3A_210, %get3A_211] {strides = array<i32>} : memref<2x128xi32, #tpu.memory_space<vmem>>, vector<1x16xi32>,
      %get3A_213 = vector.shape_cast %get3A_212 : vector<1x16xi32> to vector<16xi32>
      %swap3A_214 = arith.constant 80 : index
      %swap3A_215 = tpu.vector_load %arg9[%swap3A_214] {strides = array<i32>} : memref<128xi32, #tpu.memory_space<vmem>>, vector<16xi32>,
      %swap3A_216 = vector.shape_cast %swap3A_215 : vector<16xi32> to vector<16xi32>
      %swap3A_217 = vector.shape_cast %get3A_213 : vector<16xi32> to vector<16xi32>
      tpu.vector_store %arg9[%swap3A_214], %swap3A_217 {strides = array<i32>} : memref<128xi32, #tpu.memory_space<vmem>>, vector<16xi32>,
      %get3A_218 = arith.constant 0 : i32
      %get3A_219 = arith.index_cast %get3A_218 : i32 to index
      %get3A_220 = arith.constant 96 : index
      %get3A_221 = tpu.vector_load %arg5[%get3A_219, %get3A_220] {strides = array<i32>} : memref<2x128xi32, #tpu.memory_space<vmem>>, vector<1x16xi32>,
      %get3A_222 = vector.shape_cast %get3A_221 : vector<1x16xi32> to vector<16xi32>
      %swap3A_223 = arith.constant 96 : index
      %swap3A_224 = tpu.vector_load %arg7[%swap3A_223] {strides = array<i32>} : memref<128xi32, #tpu.memory_space<vmem>>, vector<16xi32>,
      %swap3A_225 = vector.shape_cast %swap3A_224 : vector<16xi32> to vector<16xi32>
      %swap3A_226 = vector.shape_cast %get3A_222 : vector<16xi32> to vector<16xi32>
      tpu.vector_store %arg7[%swap3A_223], %swap3A_226 {strides = array<i32>} : memref<128xi32, #tpu.memory_space<vmem>>, vector<16xi32>,
      %get3A_227 = arith.constant 1 : i32
      %get3A_228 = arith.index_cast %get3A_227 : i32 to index
      %get3A_229 = arith.constant 96 : index
      %get3A_230 = tpu.vector_load %arg5[%get3A_228, %get3A_229] {strides = array<i32>} : memref<2x128xi32, #tpu.memory_space<vmem>>, vector<1x16xi32>,
      %get3A_231 = vector.shape_cast %get3A_230 : vector<1x16xi32> to vector<16xi32>
      %swap3A_232 = arith.constant 96 : index
      %swap3A_233 = tpu.vector_load %arg9[%swap3A_232] {strides = array<i32>} : memref<128xi32, #tpu.memory_space<vmem>>, vector<16xi32>,
      %swap3A_234 = vector.shape_cast %swap3A_233 : vector<16xi32> to vector<16xi32>
      %swap3A_235 = vector.shape_cast %get3A_231 : vector<16xi32> to vector<16xi32>
      tpu.vector_store %arg9[%swap3A_232], %swap3A_235 {strides = array<i32>} : memref<128xi32, #tpu.memory_space<vmem>>, vector<16xi32>,
      %get3A_236 = arith.constant 0 : i32
      %get3A_237 = arith.index_cast %get3A_236 : i32 to index
      %get3A_238 = arith.constant 112 : index
      %get3A_239 = tpu.vector_load %arg5[%get3A_237, %get3A_238] {strides = array<i32>} : memref<2x128xi32, #tpu.memory_space<vmem>>, vector<1x16xi32>,
      %get3A_240 = vector.shape_cast %get3A_239 : vector<1x16xi32> to vector<16xi32>
      %swap3A_241 = arith.constant 112 : index
      %swap3A_242 = tpu.vector_load %arg7[%swap3A_241] {strides = array<i32>} : memref<128xi32, #tpu.memory_space<vmem>>, vector<16xi32>,
      %swap3A_243 = vector.shape_cast %swap3A_242 : vector<16xi32> to vector<16xi32>
      %swap3A_244 = vector.shape_cast %get3A_240 : vector<16xi32> to vector<16xi32>
      tpu.vector_store %arg7[%swap3A_241], %swap3A_244 {strides = array<i32>} : memref<128xi32, #tpu.memory_space<vmem>>, vector<16xi32>,
      %get3A_245 = arith.constant 1 : i32
      %get3A_246 = arith.index_cast %get3A_245 : i32 to index
      %get3A_247 = arith.constant 112 : index
      %get3A_248 = tpu.vector_load %arg5[%get3A_246, %get3A_247] {strides = array<i32>} : memref<2x128xi32, #tpu.memory_space<vmem>>, vector<1x16xi32>,
      %get3A_249 = vector.shape_cast %get3A_248 : vector<1x16xi32> to vector<16xi32>
      %swap3A_250 = arith.constant 112 : index
      %swap3A_251 = tpu.vector_load %arg9[%swap3A_250] {strides = array<i32>} : memref<128xi32, #tpu.memory_space<vmem>>, vector<16xi32>,
      %swap3A_252 = vector.shape_cast %swap3A_251 : vector<16xi32> to vector<16xi32>
      %swap3A_253 = vector.shape_cast %get3A_249 : vector<16xi32> to vector<16xi32>
      tpu.vector_store %arg9[%swap3A_250], %swap3A_253 {strides = array<i32>} : memref<128xi32, #tpu.memory_space<vmem>>, vector<16xi32>,
      %dma_start3A_254 = arith.constant 0 : i32
      %dma_start3A_255 = arith.constant 0 : i32
      %dma_start3A_256 = tpu.memref_slice %arg2[%dma_start3A_254, %dma_start3A_255] : memref<10000x128xf32, #tpu.memory_space<hbm>> -> memref<10000x128xf32, #tpu.memory_space<hbm>>
      tpu.enqueue_indirect_dma source(%dma_start3A_256 : memref<10000x128xf32, #tpu.memory_space<hbm>>) target(%arg11 : memref<128x128xf32, #tpu.memory_space<vmem>>) offsets(%arg7 : memref<128xi32, #tpu.memory_space<vmem>>) semaphore(%arg16 : memref<!tpu.dma_semaphore, #tpu.memory_space<semaphore_mem>>)
    } else {
    }
    %gt3A_37 = arith.constant 1 : i32
    %gt3A_38 = arith.cmpi sgt, %add3A_20, %gt3A_37 : i32
    %convert_element_type3A_39 = arith.extui %gt3A_38 : i1 to i32
    %cond3A_40 = arith.constant 0 : i32
    %cond3A_41 = arith.cmpi ne, %convert_element_type3A_39, %cond3A_40 : i32
    scf.if %cond3A_41 {
      %add3A_97 = arith.constant 64 : i32
      %add3A_98 = arith.addi %add3A, %add3A_97 : i32
      %min3A = arith.constant 2499 : i32
      %min3A_99 = arith.minsi %add3A_98, %min3A : i32
      %mul3A_100 = arith.constant 128 : i32
      %mul3A_101 = arith.muli %min3A_99, %mul3A_100 : i32
      %dma_start3A_102 = arith.constant 0 : i32
      %dma_start3A_103 = tpu.memref_slice %arg3[%dma_start3A_102, %mul3A_101] : memref<2x320000xi32, #tpu.memory_space<hbm>> -> memref<2x128xi32, #tpu.memory_space<hbm>>
      %dma_start3A_104 = arith.constant 0 : i32
      %dma_start3A_105 = tpu.memref_slice %arg3[%dma_start3A_104, %mul3A_101] : memref<2x320000xi32, #tpu.memory_space<hbm>> -> memref<2x128xi32, #tpu.memory_space<hbm>>
      tpu.enqueue_dma source(%dma_start3A_105 : memref<2x128xi32, #tpu.memory_space<hbm>>) target(%arg5 : memref<2x128xi32, #tpu.memory_space<vmem>>) target_semaphore(%arg14 : memref<!tpu.dma_semaphore, #tpu.memory_space<semaphore_mem>>)
      %dma_wait3A_106 = arith.constant 0 : i32
      %dma_wait3A_107 = arith.constant 0 : i32
      %dma_wait3A_108 = tpu.memref_slice %arg3[%dma_wait3A_106, %dma_wait3A_107] : memref<2x320000xi32, #tpu.memory_space<hbm>> -> memref<2x128xi32, #tpu.memory_space<hbm>>
      %dma_wait3A_109 = arith.constant 0 : i32
      %dma_wait3A_110 = arith.constant 0 : i32
      %dma_wait3A_111 = tpu.memref_slice %arg3[%dma_wait3A_109, %dma_wait3A_110] : memref<2x320000xi32, #tpu.memory_space<hbm>> -> memref<2x128xi32, #tpu.memory_space<hbm>>
      tpu.wait_dma2 semaphore(%arg15 : memref<!tpu.dma_semaphore, #tpu.memory_space<semaphore_mem>>) src(%dma_wait3A_111 : memref<2x128xi32, #tpu.memory_space<hbm>>) dst(%arg6 : memref<2x128xi32, #tpu.memory_space<vmem>>)
      %get3A = arith.constant 0 : i32
      %get3A_112 = arith.index_cast %get3A : i32 to index
      %get3A_113 = arith.constant 0 : index
      %get3A_114 = tpu.vector_load %arg6[%get3A_112, %get3A_113] {strides = array<i32>} : memref<2x128xi32, #tpu.memory_space<vmem>>, vector<1x16xi32>,
      %get3A_115 = vector.shape_cast %get3A_114 : vector<1x16xi32> to vector<16xi32>
      %swap3A = arith.constant 0 : index
      %swap3A_116 = tpu.vector_load %arg8[%swap3A] {strides = array<i32>} : memref<128xi32, #tpu.memory_space<vmem>>, vector<16xi32>,
      %swap3A_117 = vector.shape_cast %swap3A_116 : vector<16xi32> to vector<16xi32>
      %swap3A_118 = vector.shape_cast %get3A_115 : vector<16xi32> to vector<16xi32>
      tpu.vector_store %arg8[%swap3A], %swap3A_118 {strides = array<i32>} : memref<128xi32, #tpu.memory_space<vmem>>, vector<16xi32>,
      %get3A_119 = arith.constant 1 : i32
      %get3A_120 = arith.index_cast %get3A_119 : i32 to index
      %get3A_121 = arith.constant 0 : index
      %get3A_122 = tpu.vector_load %arg6[%get3A_120, %get3A_121] {strides = array<i32>} : memref<2x128xi32, #tpu.memory_space<vmem>>, vector<1x16xi32>,
      %get3A_123 = vector.shape_cast %get3A_122 : vector<1x16xi32> to vector<16xi32>
      %swap3A_124 = arith.constant 0 : index
      %swap3A_125 = tpu.vector_load %arg10[%swap3A_124] {strides = array<i32>} : memref<128xi32, #tpu.memory_space<vmem>>, vector<16xi32>,
      %swap3A_126 = vector.shape_cast %swap3A_125 : vector<16xi32> to vector<16xi32>
      %swap3A_127 = vector.shape_cast %get3A_123 : vector<16xi32> to vector<16xi32>
      tpu.vector_store %arg10[%swap3A_124], %swap3A_127 {strides = array<i32>} : memref<128xi32, #tpu.memory_space<vmem>>, vector<16xi32>,
      %get3A_128 = arith.constant 0 : i32
      %get3A_129 = arith.index_cast %get3A_128 : i32 to index
      %get3A_130 = arith.constant 16 : index
      %get3A_131 = tpu.vector_load %arg6[%get3A_129, %get3A_130] {strides = array<i32>} : memref<2x128xi32, #tpu.memory_space<vmem>>, vector<1x16xi32>,
      %get3A_132 = vector.shape_cast %get3A_131 : vector<1x16xi32> to vector<16xi32>
      %swap3A_133 = arith.constant 16 : index
      %swap3A_134 = tpu.vector_load %arg8[%swap3A_133] {strides = array<i32>} : memref<128xi32, #tpu.memory_space<vmem>>, vector<16xi32>,
      %swap3A_135 = vector.shape_cast %swap3A_134 : vector<16xi32> to vector<16xi32>
      %swap3A_136 = vector.shape_cast %get3A_132 : vector<16xi32> to vector<16xi32>
      tpu.vector_store %arg8[%swap3A_133], %swap3A_136 {strides = array<i32>} : memref<128xi32, #tpu.memory_space<vmem>>, vector<16xi32>,
      %get3A_137 = arith.constant 1 : i32
      %get3A_138 = arith.index_cast %get3A_137 : i32 to index
      %get3A_139 = arith.constant 16 : index
      %get3A_140 = tpu.vector_load %arg6[%get3A_138, %get3A_139] {strides = array<i32>} : memref<2x128xi32, #tpu.memory_space<vmem>>, vector<1x16xi32>,
      %get3A_141 = vector.shape_cast %get3A_140 : vector<1x16xi32> to vector<16xi32>
      %swap3A_142 = arith.constant 16 : index
      %swap3A_143 = tpu.vector_load %arg10[%swap3A_142] {strides = array<i32>} : memref<128xi32, #tpu.memory_space<vmem>>, vector<16xi32>,
      %swap3A_144 = vector.shape_cast %swap3A_143 : vector<16xi32> to vector<16xi32>
      %swap3A_145 = vector.shape_cast %get3A_141 : vector<16xi32> to vector<16xi32>
      tpu.vector_store %arg10[%swap3A_142], %swap3A_145 {strides = array<i32>} : memref<128xi32, #tpu.memory_space<vmem>>, vector<16xi32>,
      %get3A_146 = arith.constant 0 : i32
      %get3A_147 = arith.index_cast %get3A_146 : i32 to index
      %get3A_148 = arith.constant 32 : index
      %get3A_149 = tpu.vector_load %arg6[%get3A_147, %get3A_148] {strides = array<i32>} : memref<2x128xi32, #tpu.memory_space<vmem>>, vector<1x16xi32>,
      %get3A_150 = vector.shape_cast %get3A_149 : vector<1x16xi32> to vector<16xi32>
      %swap3A_151 = arith.constant 32 : index
      %swap3A_152 = tpu.vector_load %arg8[%swap3A_151] {strides = array<i32>} : memref<128xi32, #tpu.memory_space<vmem>>, vector<16xi32>,
      %swap3A_153 = vector.shape_cast %swap3A_152 : vector<16xi32> to vector<16xi32>
      %swap3A_154 = vector.shape_cast %get3A_150 : vector<16xi32> to vector<16xi32>
      tpu.vector_store %arg8[%swap3A_151], %swap3A_154 {strides = array<i32>} : memref<128xi32, #tpu.memory_space<vmem>>, vector<16xi32>,
      %get3A_155 = arith.constant 1 : i32
      %get3A_156 = arith.index_cast %get3A_155 : i32 to index
      %get3A_157 = arith.constant 32 : index
      %get3A_158 = tpu.vector_load %arg6[%get3A_156, %get3A_157] {strides = array<i32>} : memref<2x128xi32, #tpu.memory_space<vmem>>, vector<1x16xi32>,
      %get3A_159 = vector.shape_cast %get3A_158 : vector<1x16xi32> to vector<16xi32>
      %swap3A_160 = arith.constant 32 : index
      %swap3A_161 = tpu.vector_load %arg10[%swap3A_160] {strides = array<i32>} : memref<128xi32, #tpu.memory_space<vmem>>, vector<16xi32>,
      %swap3A_162 = vector.shape_cast %swap3A_161 : vector<16xi32> to vector<16xi32>
      %swap3A_163 = vector.shape_cast %get3A_159 : vector<16xi32> to vector<16xi32>
      tpu.vector_store %arg10[%swap3A_160], %swap3A_163 {strides = array<i32>} : memref<128xi32, #tpu.memory_space<vmem>>, vector<16xi32>,
      %get3A_164 = arith.constant 0 : i32
      %get3A_165 = arith.index_cast %get3A_164 : i32 to index
      %get3A_166 = arith.constant 48 : index
      %get3A_167 = tpu.vector_load %arg6[%get3A_165, %get3A_166] {strides = array<i32>} : memref<2x128xi32, #tpu.memory_space<vmem>>, vector<1x16xi32>,
      %get3A_168 = vector.shape_cast %get3A_167 : vector<1x16xi32> to vector<16xi32>
      %swap3A_169 = arith.constant 48 : index
      %swap3A_170 = tpu.vector_load %arg8[%swap3A_169] {strides = array<i32>} : memref<128xi32, #tpu.memory_space<vmem>>, vector<16xi32>,
      %swap3A_171 = vector.shape_cast %swap3A_170 : vector<16xi32> to vector<16xi32>
      %swap3A_172 = vector.shape_cast %get3A_168 : vector<16xi32> to vector<16xi32>
      tpu.vector_store %arg8[%swap3A_169], %swap3A_172 {strides = array<i32>} : memref<128xi32, #tpu.memory_space<vmem>>, vector<16xi32>,
      %get3A_173 = arith.constant 1 : i32
      %get3A_174 = arith.index_cast %get3A_173 : i32 to index
      %get3A_175 = arith.constant 48 : index
      %get3A_176 = tpu.vector_load %arg6[%get3A_174, %get3A_175] {strides = array<i32>} : memref<2x128xi32, #tpu.memory_space<vmem>>, vector<1x16xi32>,
      %get3A_177 = vector.shape_cast %get3A_176 : vector<1x16xi32> to vector<16xi32>
      %swap3A_178 = arith.constant 48 : index
      %swap3A_179 = tpu.vector_load %arg10[%swap3A_178] {strides = array<i32>} : memref<128xi32, #tpu.memory_space<vmem>>, vector<16xi32>,
      %swap3A_180 = vector.shape_cast %swap3A_179 : vector<16xi32> to vector<16xi32>
      %swap3A_181 = vector.shape_cast %get3A_177 : vector<16xi32> to vector<16xi32>
      tpu.vector_store %arg10[%swap3A_178], %swap3A_181 {strides = array<i32>} : memref<128xi32, #tpu.memory_space<vmem>>, vector<16xi32>,
      %get3A_182 = arith.constant 0 : i32
      %get3A_183 = arith.index_cast %get3A_182 : i32 to index
      %get3A_184 = arith.constant 64 : index
      %get3A_185 = tpu.vector_load %arg6[%get3A_183, %get3A_184] {strides = array<i32>} : memref<2x128xi32, #tpu.memory_space<vmem>>, vector<1x16xi32>,
      %get3A_186 = vector.shape_cast %get3A_185 : vector<1x16xi32> to vector<16xi32>
      %swap3A_187 = arith.constant 64 : index
      %swap3A_188 = tpu.vector_load %arg8[%swap3A_187] {strides = array<i32>} : memref<128xi32, #tpu.memory_space<vmem>>, vector<16xi32>,
      %swap3A_189 = vector.shape_cast %swap3A_188 : vector<16xi32> to vector<16xi32>
      %swap3A_190 = vector.shape_cast %get3A_186 : vector<16xi32> to vector<16xi32>
      tpu.vector_store %arg8[%swap3A_187], %swap3A_190 {strides = array<i32>} : memref<128xi32, #tpu.memory_space<vmem>>, vector<16xi32>,
      %get3A_191 = arith.constant 1 : i32
      %get3A_192 = arith.index_cast %get3A_191 : i32 to index
      %get3A_193 = arith.constant 64 : index
      %get3A_194 = tpu.vector_load %arg6[%get3A_192, %get3A_193] {strides = array<i32>} : memref<2x128xi32, #tpu.memory_space<vmem>>, vector<1x16xi32>,
      %get3A_195 = vector.shape_cast %get3A_194 : vector<1x16xi32> to vector<16xi32>
      %swap3A_196 = arith.constant 64 : index
      %swap3A_197 = tpu.vector_load %arg10[%swap3A_196] {strides = array<i32>} : memref<128xi32, #tpu.memory_space<vmem>>, vector<16xi32>,
      %swap3A_198 = vector.shape_cast %swap3A_197 : vector<16xi32> to vector<16xi32>
      %swap3A_199 = vector.shape_cast %get3A_195 : vector<16xi32> to vector<16xi32>
      tpu.vector_store %arg10[%swap3A_196], %swap3A_199 {strides = array<i32>} : memref<128xi32, #tpu.memory_space<vmem>>, vector<16xi32>,
      %get3A_200 = arith.constant 0 : i32
      %get3A_201 = arith.index_cast %get3A_200 : i32 to index
      %get3A_202 = arith.constant 80 : index
      %get3A_203 = tpu.vector_load %arg6[%get3A_201, %get3A_202] {strides = array<i32>} : memref<2x128xi32, #tpu.memory_space<vmem>>, vector<1x16xi32>,
      %get3A_204 = vector.shape_cast %get3A_203 : vector<1x16xi32> to vector<16xi32>
      %swap3A_205 = arith.constant 80 : index
      %swap3A_206 = tpu.vector_load %arg8[%swap3A_205] {strides = array<i32>} : memref<128xi32, #tpu.memory_space<vmem>>, vector<16xi32>,
      %swap3A_207 = vector.shape_cast %swap3A_206 : vector<16xi32> to vector<16xi32>
      %swap3A_208 = vector.shape_cast %get3A_204 : vector<16xi32> to vector<16xi32>
      tpu.vector_store %arg8[%swap3A_205], %swap3A_208 {strides = array<i32>} : memref<128xi32, #tpu.memory_space<vmem>>, vector<16xi32>,
      %get3A_209 = arith.constant 1 : i32
      %get3A_210 = arith.index_cast %get3A_209 : i32 to index
      %get3A_211 = arith.constant 80 : index
      %get3A_212 = tpu.vector_load %arg6[%get3A_210, %get3A_211] {strides = array<i32>} : memref<2x128xi32, #tpu.memory_space<vmem>>, vector<1x16xi32>,
      %get3A_213 = vector.shape_cast %get3A_212 : vector<1x16xi32> to vector<16xi32>
      %swap3A_214 = arith.constant 80 : index
      %swap3A_215 = tpu.vector_load %arg10[%swap3A_214] {strides = array<i32>} : memref<128xi32, #tpu.memory_space<vmem>>, vector<16xi32>,
      %swap3A_216 = vector.shape_cast %swap3A_215 : vector<16xi32> to vector<16xi32>
      %swap3A_217 = vector.shape_cast %get3A_213 : vector<16xi32> to vector<16xi32>
      tpu.vector_store %arg10[%swap3A_214], %swap3A_217 {strides = array<i32>} : memref<128xi32, #tpu.memory_space<vmem>>, vector<16xi32>,
      %get3A_218 = arith.constant 0 : i32
      %get3A_219 = arith.index_cast %get3A_218 : i32 to index
      %get3A_220 = arith.constant 96 : index
      %get3A_221 = tpu.vector_load %arg6[%get3A_219, %get3A_220] {strides = array<i32>} : memref<2x128xi32, #tpu.memory_space<vmem>>, vector<1x16xi32>,
      %get3A_222 = vector.shape_cast %get3A_221 : vector<1x16xi32> to vector<16xi32>
      %swap3A_223 = arith.constant 96 : index
      %swap3A_224 = tpu.vector_load %arg8[%swap3A_223] {strides = array<i32>} : memref<128xi32, #tpu.memory_space<vmem>>, vector<16xi32>,
      %swap3A_225 = vector.shape_cast %swap3A_224 : vector<16xi32> to vector<16xi32>
      %swap3A_226 = vector.shape_cast %get3A_222 : vector<16xi32> to vector<16xi32>
      tpu.vector_store %arg8[%swap3A_223], %swap3A_226 {strides = array<i32>} : memref<128xi32, #tpu.memory_space<vmem>>, vector<16xi32>,
      %get3A_227 = arith.constant 1 : i32
      %get3A_228 = arith.index_cast %get3A_227 : i32 to index
      %get3A_229 = arith.constant 96 : index
      %get3A_230 = tpu.vector_load %arg6[%get3A_228, %get3A_229] {strides = array<i32>} : memref<2x128xi32, #tpu.memory_space<vmem>>, vector<1x16xi32>,
      %get3A_231 = vector.shape_cast %get3A_230 : vector<1x16xi32> to vector<16xi32>
      %swap3A_232 = arith.constant 96 : index
      %swap3A_233 = tpu.vector_load %arg10[%swap3A_232] {strides = array<i32>} : memref<128xi32, #tpu.memory_space<vmem>>, vector<16xi32>,
      %swap3A_234 = vector.shape_cast %swap3A_233 : vector<16xi32> to vector<16xi32>
      %swap3A_235 = vector.shape_cast %get3A_231 : vector<16xi32> to vector<16xi32>
      tpu.vector_store %arg10[%swap3A_232], %swap3A_235 {strides = array<i32>} : memref<128xi32, #tpu.memory_space<vmem>>, vector<16xi32>,
      %get3A_236 = arith.constant 0 : i32
      %get3A_237 = arith.index_cast %get3A_236 : i32 to index
      %get3A_238 = arith.constant 112 : index
      %get3A_239 = tpu.vector_load %arg6[%get3A_237, %get3A_238] {strides = array<i32>} : memref<2x128xi32, #tpu.memory_space<vmem>>, vector<1x16xi32>,
      %get3A_240 = vector.shape_cast %get3A_239 : vector<1x16xi32> to vector<16xi32>
      %swap3A_241 = arith.constant 112 : index
      %swap3A_242 = tpu.vector_load %arg8[%swap3A_241] {strides = array<i32>} : memref<128xi32, #tpu.memory_space<vmem>>, vector<16xi32>,
      %swap3A_243 = vector.shape_cast %swap3A_242 : vector<16xi32> to vector<16xi32>
      %swap3A_244 = vector.shape_cast %get3A_240 : vector<16xi32> to vector<16xi32>
      tpu.vector_store %arg8[%swap3A_241], %swap3A_244 {strides = array<i32>} : memref<128xi32, #tpu.memory_space<vmem>>, vector<16xi32>,
      %get3A_245 = arith.constant 1 : i32
      %get3A_246 = arith.index_cast %get3A_245 : i32 to index
      %get3A_247 = arith.constant 112 : index
      %get3A_248 = tpu.vector_load %arg6[%get3A_246, %get3A_247] {strides = array<i32>} : memref<2x128xi32, #tpu.memory_space<vmem>>, vector<1x16xi32>,
      %get3A_249 = vector.shape_cast %get3A_248 : vector<1x16xi32> to vector<16xi32>
      %swap3A_250 = arith.constant 112 : index
      %swap3A_251 = tpu.vector_load %arg10[%swap3A_250] {strides = array<i32>} : memref<128xi32, #tpu.memory_space<vmem>>, vector<16xi32>,
      %swap3A_252 = vector.shape_cast %swap3A_251 : vector<16xi32> to vector<16xi32>
      %swap3A_253 = vector.shape_cast %get3A_249 : vector<16xi32> to vector<16xi32>
      tpu.vector_store %arg10[%swap3A_250], %swap3A_253 {strides = array<i32>} : memref<128xi32, #tpu.memory_space<vmem>>, vector<16xi32>,
      %dma_start3A_254 = arith.constant 0 : i32
      %dma_start3A_255 = arith.constant 0 : i32
      %dma_start3A_256 = tpu.memref_slice %arg2[%dma_start3A_254, %dma_start3A_255] : memref<10000x128xf32, #tpu.memory_space<hbm>> -> memref<10000x128xf32, #tpu.memory_space<hbm>>
      tpu.enqueue_indirect_dma source(%dma_start3A_256 : memref<10000x128xf32, #tpu.memory_space<hbm>>) target(%arg12 : memref<128x128xf32, #tpu.memory_space<vmem>>) offsets(%arg8 : memref<128xi32, #tpu.memory_space<vmem>>) semaphore(%arg17 : memref<!tpu.dma_semaphore, #tpu.memory_space<semaphore_mem>>)
      %dma_wait3A_257 = arith.constant 0 : i32
      %dma_wait3A_258 = arith.constant 0 : i32
      %dma_wait3A_259 = tpu.memref_slice %arg2[%dma_wait3A_257, %dma_wait3A_258] : memref<10000x128xf32, #tpu.memory_space<hbm>> -> memref<10000x128xf32, #tpu.memory_space<hbm>>
      tpu.wait_indirect_dma semaphore(%arg16 : memref<!tpu.dma_semaphore, #tpu.memory_space<semaphore_mem>>) src(%dma_wait3A_259 : memref<10000x128xf32, #tpu.memory_space<hbm>>) dst(%arg11 : memref<128x128xf32, #tpu.memory_space<vmem>>)
      %dma_start3A_260 = arith.constant 0 : i32
      %dma_start3A_261 = arith.constant 0 : i32
      %dma_start3A_262 = tpu.memref_slice %arg13[%dma_start3A_260, %dma_start3A_261] : memref<10240x128xf32, #tpu.memory_space<vmem_shared>> -> memref<10240x128xf32, #tpu.memory_space<vmem_shared>>
      tpu.enqueue_indirect_dma source(%arg11 : memref<128x128xf32, #tpu.memory_space<vmem>>) target(%dma_start3A_262 : memref<10240x128xf32, #tpu.memory_space<vmem_shared>>) offsets(%arg9 : memref<128xi32, #tpu.memory_space<vmem>>) semaphore(%arg18 : memref<!tpu.dma_semaphore, #tpu.memory_space<semaphore_mem>>) {add = true}
    } else {
    }
    %scan3A_42 = arith.constant 0 : i32
    %scan3A_43 = arith.constant 40 : i32
    %scan3A_44 = arith.addi %scan3A_42, %scan3A_43 : i32
    %scan3A_45 = arith.constant 1 : i32
    scf.for %scan3A_97 = %scan3A_42 to %scan3A_44 step %scan3A_45  : i32 {
      %mul3A_98 = arith.constant 1 : i32
      %mul3A_99 = arith.muli %scan3A_97, %mul3A_98 : i32
      %add3A_100 = arith.constant 1 : i32
      %add3A_101 = arith.addi %add3A_100, %mul3A_99 : i32
      %mul3A_102 = arith.constant 2 : i32
      %mul3A_103 = arith.muli %mul3A_102, %add3A_101 : i32
      %lt3A_104 = arith.cmpi slt, %mul3A_103, %add3A_20 : i32
      %convert_element_type3A_105 = arith.extui %lt3A_104 : i1 to i32
      %cond3A_106 = arith.constant 0 : i32
      %cond3A_107 = arith.cmpi ne, %convert_element_type3A_105, %cond3A_106 : i32
      scf.if %cond3A_107 {
        %add3A_116 = arith.constant 1 : i32
        %add3A_117 = arith.addi %mul3A_103, %add3A_116 : i32
        %mul3A_118 = arith.constant 32 : i32
        %mul3A_119 = arith.muli %add3A_117, %mul3A_118 : i32
        %add3A_120 = arith.addi %add3A, %mul3A_119 : i32
        %min3A = arith.constant 2499 : i32
        %min3A_121 = arith.minsi %add3A_120, %min3A : i32
        %mul3A_122 = arith.constant 128 : i32
        %mul3A_123 = arith.muli %min3A_121, %mul3A_122 : i32
        %dma_start3A_124 = arith.constant 0 : i32
        %dma_start3A_125 = tpu.memref_slice %arg3[%dma_start3A_124, %mul3A_123] : memref<2x320000xi32, #tpu.memory_space<hbm>> -> memref<2x128xi32, #tpu.memory_space<hbm>>
        %dma_start3A_126 = arith.constant 0 : i32
        %dma_start3A_127 = tpu.memref_slice %arg3[%dma_start3A_126, %mul3A_123] : memref<2x320000xi32, #tpu.memory_space<hbm>> -> memref<2x128xi32, #tpu.memory_space<hbm>>
        tpu.enqueue_dma source(%dma_start3A_127 : memref<2x128xi32, #tpu.memory_space<hbm>>) target(%arg6 : memref<2x128xi32, #tpu.memory_space<vmem>>) target_semaphore(%arg15 : memref<!tpu.dma_semaphore, #tpu.memory_space<semaphore_mem>>)
        %dma_wait3A_128 = arith.constant 0 : i32
        %dma_wait3A_129 = arith.constant 0 : i32
        %dma_wait3A_130 = tpu.memref_slice %arg3[%dma_wait3A_128, %dma_wait3A_129] : memref<2x320000xi32, #tpu.memory_space<hbm>> -> memref<2x128xi32, #tpu.memory_space<hbm>>
        %dma_wait3A_131 = arith.constant 0 : i32
        %dma_wait3A_132 = arith.constant 0 : i32
        %dma_wait3A_133 = tpu.memref_slice %arg3[%dma_wait3A_131, %dma_wait3A_132] : memref<2x320000xi32, #tpu.memory_space<hbm>> -> memref<2x128xi32, #tpu.memory_space<hbm>>
        tpu.wait_dma2 semaphore(%arg14 : memref<!tpu.dma_semaphore, #tpu.memory_space<semaphore_mem>>) src(%dma_wait3A_133 : memref<2x128xi32, #tpu.memory_space<hbm>>) dst(%arg5 : memref<2x128xi32, #tpu.memory_space<vmem>>)
        %dma_wait3A_134 = arith.constant 0 : i32
        %dma_wait3A_135 = arith.constant 0 : i32
        %dma_wait3A_136 = tpu.memref_slice %arg13[%dma_wait3A_134, %dma_wait3A_135] : memref<10240x128xf32, #tpu.memory_space<vmem_shared>> -> memref<10240x128xf32, #tpu.memory_space<vmem_shared>>
        tpu.wait_indirect_dma semaphore(%arg18 : memref<!tpu.dma_semaphore, #tpu.memory_space<semaphore_mem>>) src(%arg11 : memref<128x128xf32, #tpu.memory_space<vmem>>) dst(%dma_wait3A_136 : memref<10240x128xf32, #tpu.memory_space<vmem_shared>>)
        %get3A = arith.constant 0 : i32
        %get3A_137 = arith.index_cast %get3A : i32 to index
        %get3A_138 = arith.constant 0 : index
        %get3A_139 = tpu.vector_load %arg5[%get3A_137, %get3A_138] {strides = array<i32>} : memref<2x128xi32, #tpu.memory_space<vmem>>, vector<1x16xi32>,
        %get3A_140 = vector.shape_cast %get3A_139 : vector<1x16xi32> to vector<16xi32>
        %swap3A = arith.constant 0 : index
        %swap3A_141 = tpu.vector_load %arg7[%swap3A] {strides = array<i32>} : memref<128xi32, #tpu.memory_space<vmem>>, vector<16xi32>,
        %swap3A_142 = vector.shape_cast %swap3A_141 : vector<16xi32> to vector<16xi32>
        %swap3A_143 = vector.shape_cast %get3A_140 : vector<16xi32> to vector<16xi32>
        tpu.vector_store %arg7[%swap3A], %swap3A_143 {strides = array<i32>} : memref<128xi32, #tpu.memory_space<vmem>>, vector<16xi32>,
        %get3A_144 = arith.constant 1 : i32
        %get3A_145 = arith.index_cast %get3A_144 : i32 to index
        %get3A_146 = arith.constant 0 : index
        %get3A_147 = tpu.vector_load %arg5[%get3A_145, %get3A_146] {strides = array<i32>} : memref<2x128xi32, #tpu.memory_space<vmem>>, vector<1x16xi32>,
        %get3A_148 = vector.shape_cast %get3A_147 : vector<1x16xi32> to vector<16xi32>
        %swap3A_149 = arith.constant 0 : index
        %swap3A_150 = tpu.vector_load %arg9[%swap3A_149] {strides = array<i32>} : memref<128xi32, #tpu.memory_space<vmem>>, vector<16xi32>,
        %swap3A_151 = vector.shape_cast %swap3A_150 : vector<16xi32> to vector<16xi32>
        %swap3A_152 = vector.shape_cast %get3A_148 : vector<16xi32> to vector<16xi32>
        tpu.vector_store %arg9[%swap3A_149], %swap3A_152 {strides = array<i32>} : memref<128xi32, #tpu.memory_space<vmem>>, vector<16xi32>,
        %get3A_153 = arith.constant 0 : i32
        %get3A_154 = arith.index_cast %get3A_153 : i32 to index
        %get3A_155 = arith.constant 16 : index
        %get3A_156 = tpu.vector_load %arg5[%get3A_154, %get3A_155] {strides = array<i32>} : memref<2x128xi32, #tpu.memory_space<vmem>>, vector<1x16xi32>,
        %get3A_157 = vector.shape_cast %get3A_156 : vector<1x16xi32> to vector<16xi32>
        %swap3A_158 = arith.constant 16 : index
        %swap3A_159 = tpu.vector_load %arg7[%swap3A_158] {strides = array<i32>} : memref<128xi32, #tpu.memory_space<vmem>>, vector<16xi32>,
        %swap3A_160 = vector.shape_cast %swap3A_159 : vector<16xi32> to vector<16xi32>
        %swap3A_161 = vector.shape_cast %get3A_157 : vector<16xi32> to vector<16xi32>
        tpu.vector_store %arg7[%swap3A_158], %swap3A_161 {strides = array<i32>} : memref<128xi32, #tpu.memory_space<vmem>>, vector<16xi32>,
        %get3A_162 = arith.constant 1 : i32
        %get3A_163 = arith.index_cast %get3A_162 : i32 to index
        %get3A_164 = arith.constant 16 : index
        %get3A_165 = tpu.vector_load %arg5[%get3A_163, %get3A_164] {strides = array<i32>} : memref<2x128xi32, #tpu.memory_space<vmem>>, vector<1x16xi32>,
        %get3A_166 = vector.shape_cast %get3A_165 : vector<1x16xi32> to vector<16xi32>
        %swap3A_167 = arith.constant 16 : index
        %swap3A_168 = tpu.vector_load %arg9[%swap3A_167] {strides = array<i32>} : memref<128xi32, #tpu.memory_space<vmem>>, vector<16xi32>,
        %swap3A_169 = vector.shape_cast %swap3A_168 : vector<16xi32> to vector<16xi32>
        %swap3A_170 = vector.shape_cast %get3A_166 : vector<16xi32> to vector<16xi32>
        tpu.vector_store %arg9[%swap3A_167], %swap3A_170 {strides = array<i32>} : memref<128xi32, #tpu.memory_space<vmem>>, vector<16xi32>,
        %get3A_171 = arith.constant 0 : i32
        %get3A_172 = arith.index_cast %get3A_171 : i32 to index
        %get3A_173 = arith.constant 32 : index
        %get3A_174 = tpu.vector_load %arg5[%get3A_172, %get3A_173] {strides = array<i32>} : memref<2x128xi32, #tpu.memory_space<vmem>>, vector<1x16xi32>,
        %get3A_175 = vector.shape_cast %get3A_174 : vector<1x16xi32> to vector<16xi32>
        %swap3A_176 = arith.constant 32 : index
        %swap3A_177 = tpu.vector_load %arg7[%swap3A_176] {strides = array<i32>} : memref<128xi32, #tpu.memory_space<vmem>>, vector<16xi32>,
        %swap3A_178 = vector.shape_cast %swap3A_177 : vector<16xi32> to vector<16xi32>
        %swap3A_179 = vector.shape_cast %get3A_175 : vector<16xi32> to vector<16xi32>
        tpu.vector_store %arg7[%swap3A_176], %swap3A_179 {strides = array<i32>} : memref<128xi32, #tpu.memory_space<vmem>>, vector<16xi32>,
        %get3A_180 = arith.constant 1 : i32
        %get3A_181 = arith.index_cast %get3A_180 : i32 to index
        %get3A_182 = arith.constant 32 : index
        %get3A_183 = tpu.vector_load %arg5[%get3A_181, %get3A_182] {strides = array<i32>} : memref<2x128xi32, #tpu.memory_space<vmem>>, vector<1x16xi32>,
        %get3A_184 = vector.shape_cast %get3A_183 : vector<1x16xi32> to vector<16xi32>
        %swap3A_185 = arith.constant 32 : index
        %swap3A_186 = tpu.vector_load %arg9[%swap3A_185] {strides = array<i32>} : memref<128xi32, #tpu.memory_space<vmem>>, vector<16xi32>,
        %swap3A_187 = vector.shape_cast %swap3A_186 : vector<16xi32> to vector<16xi32>
        %swap3A_188 = vector.shape_cast %get3A_184 : vector<16xi32> to vector<16xi32>
        tpu.vector_store %arg9[%swap3A_185], %swap3A_188 {strides = array<i32>} : memref<128xi32, #tpu.memory_space<vmem>>, vector<16xi32>,
        %get3A_189 = arith.constant 0 : i32
        %get3A_190 = arith.index_cast %get3A_189 : i32 to index
        %get3A_191 = arith.constant 48 : index
        %get3A_192 = tpu.vector_load %arg5[%get3A_190, %get3A_191] {strides = array<i32>} : memref<2x128xi32, #tpu.memory_space<vmem>>, vector<1x16xi32>,
        %get3A_193 = vector.shape_cast %get3A_192 : vector<1x16xi32> to vector<16xi32>
        %swap3A_194 = arith.constant 48 : index
        %swap3A_195 = tpu.vector_load %arg7[%swap3A_194] {strides = array<i32>} : memref<128xi32, #tpu.memory_space<vmem>>, vector<16xi32>,
        %swap3A_196 = vector.shape_cast %swap3A_195 : vector<16xi32> to vector<16xi32>
        %swap3A_197 = vector.shape_cast %get3A_193 : vector<16xi32> to vector<16xi32>
        tpu.vector_store %arg7[%swap3A_194], %swap3A_197 {strides = array<i32>} : memref<128xi32, #tpu.memory_space<vmem>>, vector<16xi32>,
        %get3A_198 = arith.constant 1 : i32
        %get3A_199 = arith.index_cast %get3A_198 : i32 to index
        %get3A_200 = arith.constant 48 : index
        %get3A_201 = tpu.vector_load %arg5[%get3A_199, %get3A_200] {strides = array<i32>} : memref<2x128xi32, #tpu.memory_space<vmem>>, vector<1x16xi32>,
        %get3A_202 = vector.shape_cast %get3A_201 : vector<1x16xi32> to vector<16xi32>
        %swap3A_203 = arith.constant 48 : index
        %swap3A_204 = tpu.vector_load %arg9[%swap3A_203] {strides = array<i32>} : memref<128xi32, #tpu.memory_space<vmem>>, vector<16xi32>,
        %swap3A_205 = vector.shape_cast %swap3A_204 : vector<16xi32> to vector<16xi32>
        %swap3A_206 = vector.shape_cast %get3A_202 : vector<16xi32> to vector<16xi32>
        tpu.vector_store %arg9[%swap3A_203], %swap3A_206 {strides = array<i32>} : memref<128xi32, #tpu.memory_space<vmem>>, vector<16xi32>,
        %get3A_207 = arith.constant 0 : i32
        %get3A_208 = arith.index_cast %get3A_207 : i32 to index
        %get3A_209 = arith.constant 64 : index
        %get3A_210 = tpu.vector_load %arg5[%get3A_208, %get3A_209] {strides = array<i32>} : memref<2x128xi32, #tpu.memory_space<vmem>>, vector<1x16xi32>,
        %get3A_211 = vector.shape_cast %get3A_210 : vector<1x16xi32> to vector<16xi32>
        %swap3A_212 = arith.constant 64 : index
        %swap3A_213 = tpu.vector_load %arg7[%swap3A_212] {strides = array<i32>} : memref<128xi32, #tpu.memory_space<vmem>>, vector<16xi32>,
        %swap3A_214 = vector.shape_cast %swap3A_213 : vector<16xi32> to vector<16xi32>
        %swap3A_215 = vector.shape_cast %get3A_211 : vector<16xi32> to vector<16xi32>
        tpu.vector_store %arg7[%swap3A_212], %swap3A_215 {strides = array<i32>} : memref<128xi32, #tpu.memory_space<vmem>>, vector<16xi32>,
        %get3A_216 = arith.constant 1 : i32
        %get3A_217 = arith.index_cast %get3A_216 : i32 to index
        %get3A_218 = arith.constant 64 : index
        %get3A_219 = tpu.vector_load %arg5[%get3A_217, %get3A_218] {strides = array<i32>} : memref<2x128xi32, #tpu.memory_space<vmem>>, vector<1x16xi32>,
        %get3A_220 = vector.shape_cast %get3A_219 : vector<1x16xi32> to vector<16xi32>
        %swap3A_221 = arith.constant 64 : index
        %swap3A_222 = tpu.vector_load %arg9[%swap3A_221] {strides = array<i32>} : memref<128xi32, #tpu.memory_space<vmem>>, vector<16xi32>,
        %swap3A_223 = vector.shape_cast %swap3A_222 : vector<16xi32> to vector<16xi32>
        %swap3A_224 = vector.shape_cast %get3A_220 : vector<16xi32> to vector<16xi32>
        tpu.vector_store %arg9[%swap3A_221], %swap3A_224 {strides = array<i32>} : memref<128xi32, #tpu.memory_space<vmem>>, vector<16xi32>,
        %get3A_225 = arith.constant 0 : i32
        %get3A_226 = arith.index_cast %get3A_225 : i32 to index
        %get3A_227 = arith.constant 80 : index
        %get3A_228 = tpu.vector_load %arg5[%get3A_226, %get3A_227] {strides = array<i32>} : memref<2x128xi32, #tpu.memory_space<vmem>>, vector<1x16xi32>,
        %get3A_229 = vector.shape_cast %get3A_228 : vector<1x16xi32> to vector<16xi32>
        %swap3A_230 = arith.constant 80 : index
        %swap3A_231 = tpu.vector_load %arg7[%swap3A_230] {strides = array<i32>} : memref<128xi32, #tpu.memory_space<vmem>>, vector<16xi32>,
        %swap3A_232 = vector.shape_cast %swap3A_231 : vector<16xi32> to vector<16xi32>
        %swap3A_233 = vector.shape_cast %get3A_229 : vector<16xi32> to vector<16xi32>
        tpu.vector_store %arg7[%swap3A_230], %swap3A_233 {strides = array<i32>} : memref<128xi32, #tpu.memory_space<vmem>>, vector<16xi32>,
        %get3A_234 = arith.constant 1 : i32
        %get3A_235 = arith.index_cast %get3A_234 : i32 to index
        %get3A_236 = arith.constant 80 : index
        %get3A_237 = tpu.vector_load %arg5[%get3A_235, %get3A_236] {strides = array<i32>} : memref<2x128xi32, #tpu.memory_space<vmem>>, vector<1x16xi32>,
        %get3A_238 = vector.shape_cast %get3A_237 : vector<1x16xi32> to vector<16xi32>
        %swap3A_239 = arith.constant 80 : index
        %swap3A_240 = tpu.vector_load %arg9[%swap3A_239] {strides = array<i32>} : memref<128xi32, #tpu.memory_space<vmem>>, vector<16xi32>,
        %swap3A_241 = vector.shape_cast %swap3A_240 : vector<16xi32> to vector<16xi32>
        %swap3A_242 = vector.shape_cast %get3A_238 : vector<16xi32> to vector<16xi32>
        tpu.vector_store %arg9[%swap3A_239], %swap3A_242 {strides = array<i32>} : memref<128xi32, #tpu.memory_space<vmem>>, vector<16xi32>,
        %get3A_243 = arith.constant 0 : i32
        %get3A_244 = arith.index_cast %get3A_243 : i32 to index
        %get3A_245 = arith.constant 96 : index
        %get3A_246 = tpu.vector_load %arg5[%get3A_244, %get3A_245] {strides = array<i32>} : memref<2x128xi32, #tpu.memory_space<vmem>>, vector<1x16xi32>,
        %get3A_247 = vector.shape_cast %get3A_246 : vector<1x16xi32> to vector<16xi32>
        %swap3A_248 = arith.constant 96 : index
        %swap3A_249 = tpu.vector_load %arg7[%swap3A_248] {strides = array<i32>} : memref<128xi32, #tpu.memory_space<vmem>>, vector<16xi32>,
        %swap3A_250 = vector.shape_cast %swap3A_249 : vector<16xi32> to vector<16xi32>
        %swap3A_251 = vector.shape_cast %get3A_247 : vector<16xi32> to vector<16xi32>
        tpu.vector_store %arg7[%swap3A_248], %swap3A_251 {strides = array<i32>} : memref<128xi32, #tpu.memory_space<vmem>>, vector<16xi32>,
        %get3A_252 = arith.constant 1 : i32
        %get3A_253 = arith.index_cast %get3A_252 : i32 to index
        %get3A_254 = arith.constant 96 : index
        %get3A_255 = tpu.vector_load %arg5[%get3A_253, %get3A_254] {strides = array<i32>} : memref<2x128xi32, #tpu.memory_space<vmem>>, vector<1x16xi32>,
        %get3A_256 = vector.shape_cast %get3A_255 : vector<1x16xi32> to vector<16xi32>
        %swap3A_257 = arith.constant 96 : index
        %swap3A_258 = tpu.vector_load %arg9[%swap3A_257] {strides = array<i32>} : memref<128xi32, #tpu.memory_space<vmem>>, vector<16xi32>,
        %swap3A_259 = vector.shape_cast %swap3A_258 : vector<16xi32> to vector<16xi32>
        %swap3A_260 = vector.shape_cast %get3A_256 : vector<16xi32> to vector<16xi32>
        tpu.vector_store %arg9[%swap3A_257], %swap3A_260 {strides = array<i32>} : memref<128xi32, #tpu.memory_space<vmem>>, vector<16xi32>,
        %get3A_261 = arith.constant 0 : i32
        %get3A_262 = arith.index_cast %get3A_261 : i32 to index
        %get3A_263 = arith.constant 112 : index
        %get3A_264 = tpu.vector_load %arg5[%get3A_262, %get3A_263] {strides = array<i32>} : memref<2x128xi32, #tpu.memory_space<vmem>>, vector<1x16xi32>,
        %get3A_265 = vector.shape_cast %get3A_264 : vector<1x16xi32> to vector<16xi32>
        %swap3A_266 = arith.constant 112 : index
        %swap3A_267 = tpu.vector_load %arg7[%swap3A_266] {strides = array<i32>} : memref<128xi32, #tpu.memory_space<vmem>>, vector<16xi32>,
        %swap3A_268 = vector.shape_cast %swap3A_267 : vector<16xi32> to vector<16xi32>
        %swap3A_269 = vector.shape_cast %get3A_265 : vector<16xi32> to vector<16xi32>
        tpu.vector_store %arg7[%swap3A_266], %swap3A_269 {strides = array<i32>} : memref<128xi32, #tpu.memory_space<vmem>>, vector<16xi32>,
        %get3A_270 = arith.constant 1 : i32
        %get3A_271 = arith.index_cast %get3A_270 : i32 to index
        %get3A_272 = arith.constant 112 : index
        %get3A_273 = tpu.vector_load %arg5[%get3A_271, %get3A_272] {strides = array<i32>} : memref<2x128xi32, #tpu.memory_space<vmem>>, vector<1x16xi32>,
        %get3A_274 = vector.shape_cast %get3A_273 : vector<1x16xi32> to vector<16xi32>
        %swap3A_275 = arith.constant 112 : index
        %swap3A_276 = tpu.vector_load %arg9[%swap3A_275] {strides = array<i32>} : memref<128xi32, #tpu.memory_space<vmem>>, vector<16xi32>,
        %swap3A_277 = vector.shape_cast %swap3A_276 : vector<16xi32> to vector<16xi32>
        %swap3A_278 = vector.shape_cast %get3A_274 : vector<16xi32> to vector<16xi32>
        tpu.vector_store %arg9[%swap3A_275], %swap3A_278 {strides = array<i32>} : memref<128xi32, #tpu.memory_space<vmem>>, vector<16xi32>,
        %dma_start3A_279 = arith.constant 0 : i32
        %dma_start3A_280 = arith.constant 0 : i32
        %dma_start3A_281 = tpu.memref_slice %arg2[%dma_start3A_279, %dma_start3A_280] : memref<10000x128xf32, #tpu.memory_space<hbm>> -> memref<10000x128xf32, #tpu.memory_space<hbm>>
        tpu.enqueue_indirect_dma source(%dma_start3A_281 : memref<10000x128xf32, #tpu.memory_space<hbm>>) target(%arg11 : memref<128x128xf32, #tpu.memory_space<vmem>>) offsets(%arg7 : memref<128xi32, #tpu.memory_space<vmem>>) semaphore(%arg16 : memref<!tpu.dma_semaphore, #tpu.memory_space<semaphore_mem>>)
        %dma_wait3A_282 = arith.constant 0 : i32
        %dma_wait3A_283 = arith.constant 0 : i32
        %dma_wait3A_284 = tpu.memref_slice %arg2[%dma_wait3A_282, %dma_wait3A_283] : memref<10000x128xf32, #tpu.memory_space<hbm>> -> memref<10000x128xf32, #tpu.memory_space<hbm>>
        tpu.wait_indirect_dma semaphore(%arg17 : memref<!tpu.dma_semaphore, #tpu.memory_space<semaphore_mem>>) src(%dma_wait3A_284 : memref<10000x128xf32, #tpu.memory_space<hbm>>) dst(%arg12 : memref<128x128xf32, #tpu.memory_space<vmem>>)
        %dma_start3A_285 = arith.constant 0 : i32
        %dma_start3A_286 = arith.constant 0 : i32
        %dma_start3A_287 = tpu.memref_slice %arg13[%dma_start3A_285, %dma_start3A_286] : memref<10240x128xf32, #tpu.memory_space<vmem_shared>> -> memref<10240x128xf32, #tpu.memory_space<vmem_shared>>
        tpu.enqueue_indirect_dma source(%arg12 : memref<128x128xf32, #tpu.memory_space<vmem>>) target(%dma_start3A_287 : memref<10240x128xf32, #tpu.memory_space<vmem_shared>>) offsets(%arg10 : memref<128xi32, #tpu.memory_space<vmem>>) semaphore(%arg19 : memref<!tpu.dma_semaphore, #tpu.memory_space<semaphore_mem>>) {add = true}
      } else {
      }
      %mul3A_108 = arith.constant 2 : i32
      %mul3A_109 = arith.muli %mul3A_108, %add3A_101 : i32
      %add3A_110 = arith.constant 1 : i32
      %add3A_111 = arith.addi %mul3A_109, %add3A_110 : i32
      %lt3A_112 = arith.cmpi slt, %add3A_111, %add3A_20 : i32
      %convert_element_type3A_113 = arith.extui %lt3A_112 : i1 to i32
      %cond3A_114 = arith.constant 0 : i32
      %cond3A_115 = arith.cmpi ne, %convert_element_type3A_113, %cond3A_114 : i32
      scf.if %cond3A_115 {
        %add3A_116 = arith.constant 1 : i32
        %add3A_117 = arith.addi %add3A_111, %add3A_116 : i32
        %mul3A_118 = arith.constant 32 : i32
        %mul3A_119 = arith.muli %add3A_117, %mul3A_118 : i32
        %add3A_120 = arith.addi %add3A, %mul3A_119 : i32
        %min3A = arith.constant 2499 : i32
        %min3A_121 = arith.minsi %add3A_120, %min3A : i32
        %mul3A_122 = arith.constant 128 : i32
        %mul3A_123 = arith.muli %min3A_121, %mul3A_122 : i32
        %dma_start3A_124 = arith.constant 0 : i32
        %dma_start3A_125 = tpu.memref_slice %arg3[%dma_start3A_124, %mul3A_123] : memref<2x320000xi32, #tpu.memory_space<hbm>> -> memref<2x128xi32, #tpu.memory_space<hbm>>
        %dma_start3A_126 = arith.constant 0 : i32
        %dma_start3A_127 = tpu.memref_slice %arg3[%dma_start3A_126, %mul3A_123] : memref<2x320000xi32, #tpu.memory_space<hbm>> -> memref<2x128xi32, #tpu.memory_space<hbm>>
        tpu.enqueue_dma source(%dma_start3A_127 : memref<2x128xi32, #tpu.memory_space<hbm>>) target(%arg5 : memref<2x128xi32, #tpu.memory_space<vmem>>) target_semaphore(%arg14 : memref<!tpu.dma_semaphore, #tpu.memory_space<semaphore_mem>>)
        %dma_wait3A_128 = arith.constant 0 : i32
        %dma_wait3A_129 = arith.constant 0 : i32
        %dma_wait3A_130 = tpu.memref_slice %arg3[%dma_wait3A_128, %dma_wait3A_129] : memref<2x320000xi32, #tpu.memory_space<hbm>> -> memref<2x128xi32, #tpu.memory_space<hbm>>
        %dma_wait3A_131 = arith.constant 0 : i32
        %dma_wait3A_132 = arith.constant 0 : i32
        %dma_wait3A_133 = tpu.memref_slice %arg3[%dma_wait3A_131, %dma_wait3A_132] : memref<2x320000xi32, #tpu.memory_space<hbm>> -> memref<2x128xi32, #tpu.memory_space<hbm>>
        tpu.wait_dma2 semaphore(%arg15 : memref<!tpu.dma_semaphore, #tpu.memory_space<semaphore_mem>>) src(%dma_wait3A_133 : memref<2x128xi32, #tpu.memory_space<hbm>>) dst(%arg6 : memref<2x128xi32, #tpu.memory_space<vmem>>)
        %dma_wait3A_134 = arith.constant 0 : i32
        %dma_wait3A_135 = arith.constant 0 : i32
        %dma_wait3A_136 = tpu.memref_slice %arg13[%dma_wait3A_134, %dma_wait3A_135] : memref<10240x128xf32, #tpu.memory_space<vmem_shared>> -> memref<10240x128xf32, #tpu.memory_space<vmem_shared>>
        tpu.wait_indirect_dma semaphore(%arg19 : memref<!tpu.dma_semaphore, #tpu.memory_space<semaphore_mem>>) src(%arg12 : memref<128x128xf32, #tpu.memory_space<vmem>>) dst(%dma_wait3A_136 : memref<10240x128xf32, #tpu.memory_space<vmem_shared>>)
        %get3A = arith.constant 0 : i32
        %get3A_137 = arith.index_cast %get3A : i32 to index
        %get3A_138 = arith.constant 0 : index
        %get3A_139 = tpu.vector_load %arg6[%get3A_137, %get3A_138] {strides = array<i32>} : memref<2x128xi32, #tpu.memory_space<vmem>>, vector<1x16xi32>,
        %get3A_140 = vector.shape_cast %get3A_139 : vector<1x16xi32> to vector<16xi32>
        %swap3A = arith.constant 0 : index
        %swap3A_141 = tpu.vector_load %arg8[%swap3A] {strides = array<i32>} : memref<128xi32, #tpu.memory_space<vmem>>, vector<16xi32>,
        %swap3A_142 = vector.shape_cast %swap3A_141 : vector<16xi32> to vector<16xi32>
        %swap3A_143 = vector.shape_cast %get3A_140 : vector<16xi32> to vector<16xi32>
        tpu.vector_store %arg8[%swap3A], %swap3A_143 {strides = array<i32>} : memref<128xi32, #tpu.memory_space<vmem>>, vector<16xi32>,
        %get3A_144 = arith.constant 1 : i32
        %get3A_145 = arith.index_cast %get3A_144 : i32 to index
        %get3A_146 = arith.constant 0 : index
        %get3A_147 = tpu.vector_load %arg6[%get3A_145, %get3A_146] {strides = array<i32>} : memref<2x128xi32, #tpu.memory_space<vmem>>, vector<1x16xi32>,
        %get3A_148 = vector.shape_cast %get3A_147 : vector<1x16xi32> to vector<16xi32>
        %swap3A_149 = arith.constant 0 : index
        %swap3A_150 = tpu.vector_load %arg10[%swap3A_149] {strides = array<i32>} : memref<128xi32, #tpu.memory_space<vmem>>, vector<16xi32>,
        %swap3A_151 = vector.shape_cast %swap3A_150 : vector<16xi32> to vector<16xi32>
        %swap3A_152 = vector.shape_cast %get3A_148 : vector<16xi32> to vector<16xi32>
        tpu.vector_store %arg10[%swap3A_149], %swap3A_152 {strides = array<i32>} : memref<128xi32, #tpu.memory_space<vmem>>, vector<16xi32>,
        %get3A_153 = arith.constant 0 : i32
        %get3A_154 = arith.index_cast %get3A_153 : i32 to index
        %get3A_155 = arith.constant 16 : index
        %get3A_156 = tpu.vector_load %arg6[%get3A_154, %get3A_155] {strides = array<i32>} : memref<2x128xi32, #tpu.memory_space<vmem>>, vector<1x16xi32>,
        %get3A_157 = vector.shape_cast %get3A_156 : vector<1x16xi32> to vector<16xi32>
        %swap3A_158 = arith.constant 16 : index
        %swap3A_159 = tpu.vector_load %arg8[%swap3A_158] {strides = array<i32>} : memref<128xi32, #tpu.memory_space<vmem>>, vector<16xi32>,
        %swap3A_160 = vector.shape_cast %swap3A_159 : vector<16xi32> to vector<16xi32>
        %swap3A_161 = vector.shape_cast %get3A_157 : vector<16xi32> to vector<16xi32>
        tpu.vector_store %arg8[%swap3A_158], %swap3A_161 {strides = array<i32>} : memref<128xi32, #tpu.memory_space<vmem>>, vector<16xi32>,
        %get3A_162 = arith.constant 1 : i32
        %get3A_163 = arith.index_cast %get3A_162 : i32 to index
        %get3A_164 = arith.constant 16 : index
        %get3A_165 = tpu.vector_load %arg6[%get3A_163, %get3A_164] {strides = array<i32>} : memref<2x128xi32, #tpu.memory_space<vmem>>, vector<1x16xi32>,
        %get3A_166 = vector.shape_cast %get3A_165 : vector<1x16xi32> to vector<16xi32>
        %swap3A_167 = arith.constant 16 : index
        %swap3A_168 = tpu.vector_load %arg10[%swap3A_167] {strides = array<i32>} : memref<128xi32, #tpu.memory_space<vmem>>, vector<16xi32>,
        %swap3A_169 = vector.shape_cast %swap3A_168 : vector<16xi32> to vector<16xi32>
        %swap3A_170 = vector.shape_cast %get3A_166 : vector<16xi32> to vector<16xi32>
        tpu.vector_store %arg10[%swap3A_167], %swap3A_170 {strides = array<i32>} : memref<128xi32, #tpu.memory_space<vmem>>, vector<16xi32>,
        %get3A_171 = arith.constant 0 : i32
        %get3A_172 = arith.index_cast %get3A_171 : i32 to index
        %get3A_173 = arith.constant 32 : index
        %get3A_174 = tpu.vector_load %arg6[%get3A_172, %get3A_173] {strides = array<i32>} : memref<2x128xi32, #tpu.memory_space<vmem>>, vector<1x16xi32>,
        %get3A_175 = vector.shape_cast %get3A_174 : vector<1x16xi32> to vector<16xi32>
        %swap3A_176 = arith.constant 32 : index
        %swap3A_177 = tpu.vector_load %arg8[%swap3A_176] {strides = array<i32>} : memref<128xi32, #tpu.memory_space<vmem>>, vector<16xi32>,
        %swap3A_178 = vector.shape_cast %swap3A_177 : vector<16xi32> to vector<16xi32>
        %swap3A_179 = vector.shape_cast %get3A_175 : vector<16xi32> to vector<16xi32>
        tpu.vector_store %arg8[%swap3A_176], %swap3A_179 {strides = array<i32>} : memref<128xi32, #tpu.memory_space<vmem>>, vector<16xi32>,
        %get3A_180 = arith.constant 1 : i32
        %get3A_181 = arith.index_cast %get3A_180 : i32 to index
        %get3A_182 = arith.constant 32 : index
        %get3A_183 = tpu.vector_load %arg6[%get3A_181, %get3A_182] {strides = array<i32>} : memref<2x128xi32, #tpu.memory_space<vmem>>, vector<1x16xi32>,
        %get3A_184 = vector.shape_cast %get3A_183 : vector<1x16xi32> to vector<16xi32>
        %swap3A_185 = arith.constant 32 : index
        %swap3A_186 = tpu.vector_load %arg10[%swap3A_185] {strides = array<i32>} : memref<128xi32, #tpu.memory_space<vmem>>, vector<16xi32>,
        %swap3A_187 = vector.shape_cast %swap3A_186 : vector<16xi32> to vector<16xi32>
        %swap3A_188 = vector.shape_cast %get3A_184 : vector<16xi32> to vector<16xi32>
        tpu.vector_store %arg10[%swap3A_185], %swap3A_188 {strides = array<i32>} : memref<128xi32, #tpu.memory_space<vmem>>, vector<16xi32>,
        %get3A_189 = arith.constant 0 : i32
        %get3A_190 = arith.index_cast %get3A_189 : i32 to index
        %get3A_191 = arith.constant 48 : index
        %get3A_192 = tpu.vector_load %arg6[%get3A_190, %get3A_191] {strides = array<i32>} : memref<2x128xi32, #tpu.memory_space<vmem>>, vector<1x16xi32>,
        %get3A_193 = vector.shape_cast %get3A_192 : vector<1x16xi32> to vector<16xi32>
        %swap3A_194 = arith.constant 48 : index
        %swap3A_195 = tpu.vector_load %arg8[%swap3A_194] {strides = array<i32>} : memref<128xi32, #tpu.memory_space<vmem>>, vector<16xi32>,
        %swap3A_196 = vector.shape_cast %swap3A_195 : vector<16xi32> to vector<16xi32>
        %swap3A_197 = vector.shape_cast %get3A_193 : vector<16xi32> to vector<16xi32>
        tpu.vector_store %arg8[%swap3A_194], %swap3A_197 {strides = array<i32>} : memref<128xi32, #tpu.memory_space<vmem>>, vector<16xi32>,
        %get3A_198 = arith.constant 1 : i32
        %get3A_199 = arith.index_cast %get3A_198 : i32 to index
        %get3A_200 = arith.constant 48 : index
        %get3A_201 = tpu.vector_load %arg6[%get3A_199, %get3A_200] {strides = array<i32>} : memref<2x128xi32, #tpu.memory_space<vmem>>, vector<1x16xi32>,
        %get3A_202 = vector.shape_cast %get3A_201 : vector<1x16xi32> to vector<16xi32>
        %swap3A_203 = arith.constant 48 : index
        %swap3A_204 = tpu.vector_load %arg10[%swap3A_203] {strides = array<i32>} : memref<128xi32, #tpu.memory_space<vmem>>, vector<16xi32>,
        %swap3A_205 = vector.shape_cast %swap3A_204 : vector<16xi32> to vector<16xi32>
        %swap3A_206 = vector.shape_cast %get3A_202 : vector<16xi32> to vector<16xi32>
        tpu.vector_store %arg10[%swap3A_203], %swap3A_206 {strides = array<i32>} : memref<128xi32, #tpu.memory_space<vmem>>, vector<16xi32>,
        %get3A_207 = arith.constant 0 : i32
        %get3A_208 = arith.index_cast %get3A_207 : i32 to index
        %get3A_209 = arith.constant 64 : index
        %get3A_210 = tpu.vector_load %arg6[%get3A_208, %get3A_209] {strides = array<i32>} : memref<2x128xi32, #tpu.memory_space<vmem>>, vector<1x16xi32>,
        %get3A_211 = vector.shape_cast %get3A_210 : vector<1x16xi32> to vector<16xi32>
        %swap3A_212 = arith.constant 64 : index
        %swap3A_213 = tpu.vector_load %arg8[%swap3A_212] {strides = array<i32>} : memref<128xi32, #tpu.memory_space<vmem>>, vector<16xi32>,
        %swap3A_214 = vector.shape_cast %swap3A_213 : vector<16xi32> to vector<16xi32>
        %swap3A_215 = vector.shape_cast %get3A_211 : vector<16xi32> to vector<16xi32>
        tpu.vector_store %arg8[%swap3A_212], %swap3A_215 {strides = array<i32>} : memref<128xi32, #tpu.memory_space<vmem>>, vector<16xi32>,
        %get3A_216 = arith.constant 1 : i32
        %get3A_217 = arith.index_cast %get3A_216 : i32 to index
        %get3A_218 = arith.constant 64 : index
        %get3A_219 = tpu.vector_load %arg6[%get3A_217, %get3A_218] {strides = array<i32>} : memref<2x128xi32, #tpu.memory_space<vmem>>, vector<1x16xi32>,
        %get3A_220 = vector.shape_cast %get3A_219 : vector<1x16xi32> to vector<16xi32>
        %swap3A_221 = arith.constant 64 : index
        %swap3A_222 = tpu.vector_load %arg10[%swap3A_221] {strides = array<i32>} : memref<128xi32, #tpu.memory_space<vmem>>, vector<16xi32>,
        %swap3A_223 = vector.shape_cast %swap3A_222 : vector<16xi32> to vector<16xi32>
        %swap3A_224 = vector.shape_cast %get3A_220 : vector<16xi32> to vector<16xi32>
        tpu.vector_store %arg10[%swap3A_221], %swap3A_224 {strides = array<i32>} : memref<128xi32, #tpu.memory_space<vmem>>, vector<16xi32>,
        %get3A_225 = arith.constant 0 : i32
        %get3A_226 = arith.index_cast %get3A_225 : i32 to index
        %get3A_227 = arith.constant 80 : index
        %get3A_228 = tpu.vector_load %arg6[%get3A_226, %get3A_227] {strides = array<i32>} : memref<2x128xi32, #tpu.memory_space<vmem>>, vector<1x16xi32>,
        %get3A_229 = vector.shape_cast %get3A_228 : vector<1x16xi32> to vector<16xi32>
        %swap3A_230 = arith.constant 80 : index
        %swap3A_231 = tpu.vector_load %arg8[%swap3A_230] {strides = array<i32>} : memref<128xi32, #tpu.memory_space<vmem>>, vector<16xi32>,
        %swap3A_232 = vector.shape_cast %swap3A_231 : vector<16xi32> to vector<16xi32>
        %swap3A_233 = vector.shape_cast %get3A_229 : vector<16xi32> to vector<16xi32>
        tpu.vector_store %arg8[%swap3A_230], %swap3A_233 {strides = array<i32>} : memref<128xi32, #tpu.memory_space<vmem>>, vector<16xi32>,
        %get3A_234 = arith.constant 1 : i32
        %get3A_235 = arith.index_cast %get3A_234 : i32 to index
        %get3A_236 = arith.constant 80 : index
        %get3A_237 = tpu.vector_load %arg6[%get3A_235, %get3A_236] {strides = array<i32>} : memref<2x128xi32, #tpu.memory_space<vmem>>, vector<1x16xi32>,
        %get3A_238 = vector.shape_cast %get3A_237 : vector<1x16xi32> to vector<16xi32>
        %swap3A_239 = arith.constant 80 : index
        %swap3A_240 = tpu.vector_load %arg10[%swap3A_239] {strides = array<i32>} : memref<128xi32, #tpu.memory_space<vmem>>, vector<16xi32>,
        %swap3A_241 = vector.shape_cast %swap3A_240 : vector<16xi32> to vector<16xi32>
        %swap3A_242 = vector.shape_cast %get3A_238 : vector<16xi32> to vector<16xi32>
        tpu.vector_store %arg10[%swap3A_239], %swap3A_242 {strides = array<i32>} : memref<128xi32, #tpu.memory_space<vmem>>, vector<16xi32>,
        %get3A_243 = arith.constant 0 : i32
        %get3A_244 = arith.index_cast %get3A_243 : i32 to index
        %get3A_245 = arith.constant 96 : index
        %get3A_246 = tpu.vector_load %arg6[%get3A_244, %get3A_245] {strides = array<i32>} : memref<2x128xi32, #tpu.memory_space<vmem>>, vector<1x16xi32>,
        %get3A_247 = vector.shape_cast %get3A_246 : vector<1x16xi32> to vector<16xi32>
        %swap3A_248 = arith.constant 96 : index
        %swap3A_249 = tpu.vector_load %arg8[%swap3A_248] {strides = array<i32>} : memref<128xi32, #tpu.memory_space<vmem>>, vector<16xi32>,
        %swap3A_250 = vector.shape_cast %swap3A_249 : vector<16xi32> to vector<16xi32>
        %swap3A_251 = vector.shape_cast %get3A_247 : vector<16xi32> to vector<16xi32>
        tpu.vector_store %arg8[%swap3A_248], %swap3A_251 {strides = array<i32>} : memref<128xi32, #tpu.memory_space<vmem>>, vector<16xi32>,
        %get3A_252 = arith.constant 1 : i32
        %get3A_253 = arith.index_cast %get3A_252 : i32 to index
        %get3A_254 = arith.constant 96 : index
        %get3A_255 = tpu.vector_load %arg6[%get3A_253, %get3A_254] {strides = array<i32>} : memref<2x128xi32, #tpu.memory_space<vmem>>, vector<1x16xi32>,
        %get3A_256 = vector.shape_cast %get3A_255 : vector<1x16xi32> to vector<16xi32>
        %swap3A_257 = arith.constant 96 : index
        %swap3A_258 = tpu.vector_load %arg10[%swap3A_257] {strides = array<i32>} : memref<128xi32, #tpu.memory_space<vmem>>, vector<16xi32>,
        %swap3A_259 = vector.shape_cast %swap3A_258 : vector<16xi32> to vector<16xi32>
        %swap3A_260 = vector.shape_cast %get3A_256 : vector<16xi32> to vector<16xi32>
        tpu.vector_store %arg10[%swap3A_257], %swap3A_260 {strides = array<i32>} : memref<128xi32, #tpu.memory_space<vmem>>, vector<16xi32>,
        %get3A_261 = arith.constant 0 : i32
        %get3A_262 = arith.index_cast %get3A_261 : i32 to index
        %get3A_263 = arith.constant 112 : index
        %get3A_264 = tpu.vector_load %arg6[%get3A_262, %get3A_263] {strides = array<i32>} : memref<2x128xi32, #tpu.memory_space<vmem>>, vector<1x16xi32>,
        %get3A_265 = vector.shape_cast %get3A_264 : vector<1x16xi32> to vector<16xi32>
        %swap3A_266 = arith.constant 112 : index
        %swap3A_267 = tpu.vector_load %arg8[%swap3A_266] {strides = array<i32>} : memref<128xi32, #tpu.memory_space<vmem>>, vector<16xi32>,
        %swap3A_268 = vector.shape_cast %swap3A_267 : vector<16xi32> to vector<16xi32>
        %swap3A_269 = vector.shape_cast %get3A_265 : vector<16xi32> to vector<16xi32>
        tpu.vector_store %arg8[%swap3A_266], %swap3A_269 {strides = array<i32>} : memref<128xi32, #tpu.memory_space<vmem>>, vector<16xi32>,
        %get3A_270 = arith.constant 1 : i32
        %get3A_271 = arith.index_cast %get3A_270 : i32 to index
        %get3A_272 = arith.constant 112 : index
        %get3A_273 = tpu.vector_load %arg6[%get3A_271, %get3A_272] {strides = array<i32>} : memref<2x128xi32, #tpu.memory_space<vmem>>, vector<1x16xi32>,
        %get3A_274 = vector.shape_cast %get3A_273 : vector<1x16xi32> to vector<16xi32>
        %swap3A_275 = arith.constant 112 : index
        %swap3A_276 = tpu.vector_load %arg10[%swap3A_275] {strides = array<i32>} : memref<128xi32, #tpu.memory_space<vmem>>, vector<16xi32>,
        %swap3A_277 = vector.shape_cast %swap3A_276 : vector<16xi32> to vector<16xi32>
        %swap3A_278 = vector.shape_cast %get3A_274 : vector<16xi32> to vector<16xi32>
        tpu.vector_store %arg10[%swap3A_275], %swap3A_278 {strides = array<i32>} : memref<128xi32, #tpu.memory_space<vmem>>, vector<16xi32>,
        %dma_start3A_279 = arith.constant 0 : i32
        %dma_start3A_280 = arith.constant 0 : i32
        %dma_start3A_281 = tpu.memref_slice %arg2[%dma_start3A_279, %dma_start3A_280] : memref<10000x128xf32, #tpu.memory_space<hbm>> -> memref<10000x128xf32, #tpu.memory_space<hbm>>
        tpu.enqueue_indirect_dma source(%dma_start3A_281 : memref<10000x128xf32, #tpu.memory_space<hbm>>) target(%arg12 : memref<128x128xf32, #tpu.memory_space<vmem>>) offsets(%arg8 : memref<128xi32, #tpu.memory_space<vmem>>) semaphore(%arg17 : memref<!tpu.dma_semaphore, #tpu.memory_space<semaphore_mem>>)
        %dma_wait3A_282 = arith.constant 0 : i32
        %dma_wait3A_283 = arith.constant 0 : i32
        %dma_wait3A_284 = tpu.memref_slice %arg2[%dma_wait3A_282, %dma_wait3A_283] : memref<10000x128xf32, #tpu.memory_space<hbm>> -> memref<10000x128xf32, #tpu.memory_space<hbm>>
        tpu.wait_indirect_dma semaphore(%arg16 : memref<!tpu.dma_semaphore, #tpu.memory_space<semaphore_mem>>) src(%dma_wait3A_284 : memref<10000x128xf32, #tpu.memory_space<hbm>>) dst(%arg11 : memref<128x128xf32, #tpu.memory_space<vmem>>)
        %dma_start3A_285 = arith.constant 0 : i32
        %dma_start3A_286 = arith.constant 0 : i32
        %dma_start3A_287 = tpu.memref_slice %arg13[%dma_start3A_285, %dma_start3A_286] : memref<10240x128xf32, #tpu.memory_space<vmem_shared>> -> memref<10240x128xf32, #tpu.memory_space<vmem_shared>>
        tpu.enqueue_indirect_dma source(%arg11 : memref<128x128xf32, #tpu.memory_space<vmem>>) target(%dma_start3A_287 : memref<10240x128xf32, #tpu.memory_space<vmem_shared>>) offsets(%arg9 : memref<128xi32, #tpu.memory_space<vmem>>) semaphore(%arg18 : memref<!tpu.dma_semaphore, #tpu.memory_space<semaphore_mem>>) {add = true}
      } else {
      }
    }
    %scan3A_46 = arith.constant 40 : i32
    %jit3A_47 = arith.constant 2 : i32
    %eq3A = arith.constant 0 : i32
    %eq3A_48 = arith.cmpi eq, %jit3A_47, %eq3A : i32
    %jit3A_49 = arith.constant 1 : i32
    %select_n3A_50 = arith.select %eq3A_48, %jit3A_49, %jit3A_47 : i32
    %rem3A_51 = arith.remsi %add3A_20, %select_n3A_50 : i32
    %ne3A_52 = arith.constant 0 : i32
    %ne3A_53 = arith.cmpi ne, %rem3A_51, %ne3A_52 : i32
    %lt3A = arith.constant 0 : i32
    %lt3A_54 = arith.cmpi slt, %rem3A_51, %lt3A : i32
    %lt3A_55 = arith.constant 0 : i32
    %lt3A_56 = arith.cmpi slt, %select_n3A_50, %lt3A_55 : i32
    %ne3A_57 = arith.xori %lt3A_54, %lt3A_56 : i1
    %and3A_58 = arith.andi %ne3A_57, %ne3A_53 : i1
    %add3A_59 = arith.addi %rem3A_51, %select_n3A_50 : i32
    %select_n3A_60 = arith.select %and3A_58, %add3A_59, %rem3A_51 : i32
    %eq3A_61 = arith.constant 1 : i32
    %eq3A_62 = arith.cmpi eq, %select_n3A_60, %eq3A_61 : i32
    %convert_element_type3A_63 = arith.extui %eq3A_62 : i1 to i32
    %cond3A_64 = arith.constant 0 : i32
    %cond3A_65 = arith.cmpi ne, %convert_element_type3A_63, %cond3A_64 : i32
    scf.if %cond3A_65 {
      %dma_wait3A_97 = arith.constant 0 : i32
      %dma_wait3A_98 = arith.constant 0 : i32
      %dma_wait3A_99 = tpu.memref_slice %arg2[%dma_wait3A_97, %dma_wait3A_98] : memref<10000x128xf32, #tpu.memory_space<hbm>> -> memref<10000x128xf32, #tpu.memory_space<hbm>>
      tpu.wait_indirect_dma semaphore(%arg16 : memref<!tpu.dma_semaphore, #tpu.memory_space<semaphore_mem>>) src(%dma_wait3A_99 : memref<10000x128xf32, #tpu.memory_space<hbm>>) dst(%arg11 : memref<128x128xf32, #tpu.memory_space<vmem>>)
      %dma_start3A_100 = arith.constant 0 : i32
      %dma_start3A_101 = arith.constant 0 : i32
      %dma_start3A_102 = tpu.memref_slice %arg13[%dma_start3A_100, %dma_start3A_101] : memref<10240x128xf32, #tpu.memory_space<vmem_shared>> -> memref<10240x128xf32, #tpu.memory_space<vmem_shared>>
      tpu.enqueue_indirect_dma source(%arg11 : memref<128x128xf32, #tpu.memory_space<vmem>>) target(%dma_start3A_102 : memref<10240x128xf32, #tpu.memory_space<vmem_shared>>) offsets(%arg9 : memref<128xi32, #tpu.memory_space<vmem>>) semaphore(%arg18 : memref<!tpu.dma_semaphore, #tpu.memory_space<semaphore_mem>>) {add = true}
      %dma_wait3A_103 = arith.constant 0 : i32
      %dma_wait3A_104 = arith.constant 0 : i32
      %dma_wait3A_105 = tpu.memref_slice %arg3[%dma_wait3A_103, %dma_wait3A_104] : memref<2x320000xi32, #tpu.memory_space<hbm>> -> memref<2x128xi32, #tpu.memory_space<hbm>>
      %dma_wait3A_106 = arith.constant 0 : i32
      %dma_wait3A_107 = arith.constant 0 : i32
      %dma_wait3A_108 = tpu.memref_slice %arg3[%dma_wait3A_106, %dma_wait3A_107] : memref<2x320000xi32, #tpu.memory_space<hbm>> -> memref<2x128xi32, #tpu.memory_space<hbm>>
      tpu.wait_dma2 semaphore(%arg15 : memref<!tpu.dma_semaphore, #tpu.memory_space<semaphore_mem>>) src(%dma_wait3A_108 : memref<2x128xi32, #tpu.memory_space<hbm>>) dst(%arg6 : memref<2x128xi32, #tpu.memory_space<vmem>>)
    } else {
    }
    %jit3A_66 = arith.constant 2 : i32
    %eq3A_67 = arith.constant 0 : i32
    %eq3A_68 = arith.cmpi eq, %jit3A_66, %eq3A_67 : i32
    %jit3A_69 = arith.constant 1 : i32
    %select_n3A_70 = arith.select %eq3A_68, %jit3A_69, %jit3A_66 : i32
    %rem3A_71 = arith.remsi %add3A_20, %select_n3A_70 : i32
    %ne3A_72 = arith.constant 0 : i32
    %ne3A_73 = arith.cmpi ne, %rem3A_71, %ne3A_72 : i32
    %lt3A_74 = arith.constant 0 : i32
    %lt3A_75 = arith.cmpi slt, %rem3A_71, %lt3A_74 : i32
    %lt3A_76 = arith.constant 0 : i32
    %lt3A_77 = arith.cmpi slt, %select_n3A_70, %lt3A_76 : i32
    %ne3A_78 = arith.xori %lt3A_75, %lt3A_77 : i1
    %and3A_79 = arith.andi %ne3A_78, %ne3A_73 : i1
    %add3A_80 = arith.addi %rem3A_71, %select_n3A_70 : i32
    %select_n3A_81 = arith.select %and3A_79, %add3A_80, %rem3A_71 : i32
    %eq3A_82 = arith.constant 0 : i32
    %eq3A_83 = arith.cmpi eq, %select_n3A_81, %eq3A_82 : i32
    %convert_element_type3A_84 = arith.extui %eq3A_83 : i1 to i32
    %cond3A_85 = arith.constant 0 : i32
    %cond3A_86 = arith.cmpi ne, %convert_element_type3A_84, %cond3A_85 : i32
    scf.if %cond3A_86 {
      %dma_wait3A_97 = arith.constant 0 : i32
      %dma_wait3A_98 = arith.constant 0 : i32
      %dma_wait3A_99 = tpu.memref_slice %arg2[%dma_wait3A_97, %dma_wait3A_98] : memref<10000x128xf32, #tpu.memory_space<hbm>> -> memref<10000x128xf32, #tpu.memory_space<hbm>>
      tpu.wait_indirect_dma semaphore(%arg17 : memref<!tpu.dma_semaphore, #tpu.memory_space<semaphore_mem>>) src(%dma_wait3A_99 : memref<10000x128xf32, #tpu.memory_space<hbm>>) dst(%arg12 : memref<128x128xf32, #tpu.memory_space<vmem>>)
      %dma_start3A_100 = arith.constant 0 : i32
      %dma_start3A_101 = arith.constant 0 : i32
      %dma_start3A_102 = tpu.memref_slice %arg13[%dma_start3A_100, %dma_start3A_101] : memref<10240x128xf32, #tpu.memory_space<vmem_shared>> -> memref<10240x128xf32, #tpu.memory_space<vmem_shared>>
      tpu.enqueue_indirect_dma source(%arg12 : memref<128x128xf32, #tpu.memory_space<vmem>>) target(%dma_start3A_102 : memref<10240x128xf32, #tpu.memory_space<vmem_shared>>) offsets(%arg10 : memref<128xi32, #tpu.memory_space<vmem>>) semaphore(%arg19 : memref<!tpu.dma_semaphore, #tpu.memory_space<semaphore_mem>>) {add = true}
      %dma_wait3A_103 = arith.constant 0 : i32
      %dma_wait3A_104 = arith.constant 0 : i32
      %dma_wait3A_105 = tpu.memref_slice %arg3[%dma_wait3A_103, %dma_wait3A_104] : memref<2x320000xi32, #tpu.memory_space<hbm>> -> memref<2x128xi32, #tpu.memory_space<hbm>>
      %dma_wait3A_106 = arith.constant 0 : i32
      %dma_wait3A_107 = arith.constant 0 : i32
      %dma_wait3A_108 = tpu.memref_slice %arg3[%dma_wait3A_106, %dma_wait3A_107] : memref<2x320000xi32, #tpu.memory_space<hbm>> -> memref<2x128xi32, #tpu.memory_space<hbm>>
      tpu.wait_dma2 semaphore(%arg14 : memref<!tpu.dma_semaphore, #tpu.memory_space<semaphore_mem>>) src(%dma_wait3A_108 : memref<2x128xi32, #tpu.memory_space<hbm>>) dst(%arg5 : memref<2x128xi32, #tpu.memory_space<vmem>>)
    } else {
    }
    %dma_wait3A = arith.constant 0 : i32
    %dma_wait3A_87 = arith.constant 0 : i32
    %dma_wait3A_88 = tpu.memref_slice %arg13[%dma_wait3A, %dma_wait3A_87] : memref<10240x128xf32, #tpu.memory_space<vmem_shared>> -> memref<10240x128xf32, #tpu.memory_space<vmem_shared>>
    tpu.wait_indirect_dma semaphore(%arg18 : memref<!tpu.dma_semaphore, #tpu.memory_space<semaphore_mem>>) src(%arg11 : memref<128x128xf32, #tpu.memory_space<vmem>>) dst(%dma_wait3A_88 : memref<10240x128xf32, #tpu.memory_space<vmem_shared>>)
    %dma_wait3A_89 = arith.constant 0 : i32
    %dma_wait3A_90 = arith.constant 0 : i32
    %dma_wait3A_91 = tpu.memref_slice %arg13[%dma_wait3A_89, %dma_wait3A_90] : memref<10240x128xf32, #tpu.memory_space<vmem_shared>> -> memref<10240x128xf32, #tpu.memory_space<vmem_shared>>
    tpu.wait_indirect_dma semaphore(%arg19 : memref<!tpu.dma_semaphore, #tpu.memory_space<semaphore_mem>>) src(%arg12 : memref<128x128xf32, #tpu.memory_space<vmem>>) dst(%dma_wait3A_91 : memref<10240x128xf32, #tpu.memory_space<vmem_shared>>)
    %barrier3A_92 = arith.constant 0 : index
    tpu.barrier barrier_id(%barrier3A_92)
    %mul3A_93 = arith.constant 640 : i32
    %mul3A_94 = arith.muli %arg1, %mul3A_93 : i32
    %mul3A_95 = arith.constant 640 : i32
    %mul3A_96 = arith.muli %arg1, %mul3A_95 : i32
    "tpu.region"() ({
      %run_scoped3A = tpu.sem_alloc : memref<!tpu.dma_semaphore, #tpu.memory_space<semaphore_mem>>
      %dma_start3A_97 = arith.constant 0 : i32
      %dma_start3A_98 = tpu.memref_slice %arg4[%arg0, %mul3A_96, %dma_start3A_97] : memref<2x10240x128xf32, #tpu.memory_space<hbm>> -> memref<1x640x128xf32, #tpu.memory_space<hbm>>
      %dma_start3A_99 = tpu.memref_squeeze %dma_start3A_98 : memref<1x640x128xf32, #tpu.memory_space<hbm>> -> memref<640x128xf32, #tpu.memory_space<hbm>>
      %dma_start3A_100 = arith.constant 0 : i32
      %dma_start3A_101 = tpu.memref_slice %arg13[%mul3A_94, %dma_start3A_100] : memref<10240x128xf32, #tpu.memory_space<vmem_shared>> -> memref<640x128xf32, #tpu.memory_space<vmem_shared>>
      tpu.enqueue_dma source(%dma_start3A_101 : memref<640x128xf32, #tpu.memory_space<vmem_shared>>) target(%dma_start3A_99 : memref<640x128xf32, #tpu.memory_space<hbm>>) target_semaphore(%run_scoped3A : memref<!tpu.dma_semaphore, #tpu.memory_space<semaphore_mem>>)
      %dma_wait3A_102 = arith.constant 0 : i32
      %dma_wait3A_103 = tpu.memref_slice %arg4[%arg0, %mul3A_96, %dma_wait3A_102] : memref<2x10240x128xf32, #tpu.memory_space<hbm>> -> memref<1x640x128xf32, #tpu.memory_space<hbm>>
      %dma_wait3A_104 = tpu.memref_squeeze %dma_wait3A_103 : memref<1x640x128xf32, #tpu.memory_space<hbm>> -> memref<640x128xf32, #tpu.memory_space<hbm>>
      %dma_wait3A_105 = arith.constant 0 : i32
      %dma_wait3A_106 = tpu.memref_slice %arg13[%mul3A_94, %dma_wait3A_105] : memref<10240x128xf32, #tpu.memory_space<vmem_shared>> -> memref<640x128xf32, #tpu.memory_space<vmem_shared>>
      tpu.wait_dma2 semaphore(%run_scoped3A : memref<!tpu.dma_semaphore, #tpu.memory_space<semaphore_mem>>) src(%dma_wait3A_106 : memref<640x128xf32, #tpu.memory_space<vmem_shared>>) dst(%dma_wait3A_104 : memref<640x128xf32, #tpu.memory_space<hbm>>)
      tpu.yield
    }) : () -> ()
    return
  }
}

#map = affine_map<(d0, d1) -> (0, 0)>
#map1 = affine_map<(d0, d1) -> (0, 0, 0)>
module attributes {stable_mosaic.version = 14 : i64} {
  func.func @k(%arg0: i32, %arg1: i32, %arg2: memref<10000x128xf32, #tpu.memory_space<hbm>>, %arg3: memref<2x320000xi32, #tpu.memory_space<hbm>>, %arg4: memref<2x10240x128xf32, #tpu.memory_space<hbm>>, %arg5: memref<2x128xi32, #tpu.memory_space<vmem>>, %arg6: memref<2x128xi32, #tpu.memory_space<vmem>>, %arg7: memref<128xi32, #tpu.memory_space<vmem>>, %arg8: memref<128xi32, #tpu.memory_space<vmem>>, %arg9: memref<128xi32, #tpu.memory_space<vmem>>, %arg10: memref<128xi32, #tpu.memory_space<vmem>>, %arg11: memref<128x128xf32, #tpu.memory_space<vmem>>, %arg12: memref<128x128xf32, #tpu.memory_space<vmem>>, %arg13: memref<10240x128xf32, #tpu.memory_space<vmem_shared>>, %arg14: memref<!tpu.dma_semaphore, #tpu.memory_space<semaphore_mem>>, %arg15: memref<!tpu.dma_semaphore, #tpu.memory_space<semaphore_mem>>, %arg16: memref<!tpu.dma_semaphore, #tpu.memory_space<semaphore_mem>>, %arg17: memref<!tpu.dma_semaphore, #tpu.memory_space<semaphore_mem>>, %arg18: memref<!tpu.dma_semaphore, #tpu.memory_space<semaphore_mem>>, %arg19: memref<!tpu.dma_semaphore, #tpu.memory_space<semaphore_mem>>) attributes {dimension_semantics = [#tpu.dimension_semantics<core_parallel>, #tpu.dimension_semantics<subcore_parallel>], iteration_bounds = array<i64: 2, 16>, scalar_prefetch = 0 : i64, scratch_operands = 15 : i64, tpu.core_type = #tpu.core_type<sc_vector_subcore>, window_params = [{transform_indices = #map}, {transform_indices = #map}, {transform_indices = #map1}]} {
    %mul3A = arith.constant 2 : i32
    %mul3A_0 = arith.muli %arg1, %mul3A : i32
    %add3A = arith.addi %mul3A_0, %arg0 : i32
    %sub3A = arith.constant 2499 : i32
    %sub3A_1 = arith.subi %sub3A, %add3A : i32
    %jit3A = arith.constant 32 : i32
    %div3A = arith.divsi %sub3A_1, %jit3A : i32
    %sign3A = arith.constant 0 : i32
    %sign3A_2 = arith.cmpi sgt, %sub3A_1, %sign3A : i32
    %sign3A_3 = arith.extui %sign3A_2 : i1 to i32
    %sign3A_4 = arith.constant 0 : i32
    %sign3A_5 = arith.cmpi slt, %sub3A_1, %sign3A_4 : i32
    %sign3A_6 = arith.extui %sign3A_5 : i1 to i32
    %sign3A_7 = arith.subi %sign3A_3, %sign3A_6 : i32
    %sign3A_8 = arith.constant 0 : i32
    %sign3A_9 = arith.cmpi sgt, %jit3A, %sign3A_8 : i32
    %sign3A_10 = arith.extui %sign3A_9 : i1 to i32
    %sign3A_11 = arith.constant 0 : i32
    %sign3A_12 = arith.cmpi slt, %jit3A, %sign3A_11 : i32
    %sign3A_13 = arith.extui %sign3A_12 : i1 to i32
    %sign3A_14 = arith.subi %sign3A_10, %sign3A_13 : i32
    %ne3A = arith.cmpi ne, %sign3A_7, %sign3A_14 : i32
    %rem3A = arith.remsi %sub3A_1, %jit3A : i32
    %ne3A_15 = arith.constant 0 : i32
    %ne3A_16 = arith.cmpi ne, %rem3A, %ne3A_15 : i32
    %and3A = arith.andi %ne3A, %ne3A_16 : i1
    %sub3A_17 = arith.constant 1 : i32
    %sub3A_18 = arith.subi %div3A, %sub3A_17 : i32
    %select_n3A = arith.select %and3A, %sub3A_18, %div3A : i32
    %add3A_19 = arith.constant 1 : i32
    %add3A_20 = arith.addi %select_n3A, %add3A_19 : i32
    %mul3A_21 = arith.constant 128 : i32
    %mul3A_22 = arith.muli %add3A, %mul3A_21 : i32
    %dma_start3A = arith.constant 0 : i32
    %dma_start3A_23 = tpu.memref_slice %arg3[%dma_start3A, %mul3A_22] : memref<2x320000xi32, #tpu.memory_space<hbm>> -> memref<2x128xi32, #tpu.memory_space<hbm>>
    %dma_start3A_24 = arith.constant 0 : i32
    %dma_start3A_25 = tpu.memref_slice %arg3[%dma_start3A_24, %mul3A_22] : memref<2x320000xi32, #tpu.memory_space<hbm>> -> memref<2x128xi32, #tpu.memory_space<hbm>>
    tpu.enqueue_dma source(%dma_start3A_25 : memref<2x128xi32, #tpu.memory_space<hbm>>) target(%arg5 : memref<2x128xi32, #tpu.memory_space<vmem>>) target_semaphore(%arg14 : memref<!tpu.dma_semaphore, #tpu.memory_space<semaphore_mem>>)
    %scan3A = arith.constant 0 : i32
    %scan3A_26 = arith.constant 128 : i32
    %scan3A_27 = arith.addi %scan3A, %scan3A_26 : i32
    %scan3A_28 = arith.constant 1 : i32
    scf.for %scan3A_97 = %scan3A to %scan3A_27 step %scan3A_28  : i32 {
      %mul3A_98 = arith.constant 1 : i32
      %mul3A_99 = arith.muli %scan3A_97, %mul3A_98 : i32
      %add3A_100 = arith.constant 0 : i32
      %add3A_101 = arith.addi %add3A_100, %mul3A_99 : i32
      %broadcast_in_dim3A = arith.constant 0.000000e+00 : f32
      %broadcast_in_dim3A_102 = vector.broadcast %broadcast_in_dim3A : f32 to vector<16xf32>
      %swap3A = arith.index_cast %add3A_101 : i32 to index
      %swap3A_103 = arith.constant 0 : index
      %swap3A_104 = tpu.vector_load %arg11[%swap3A, %swap3A_103] {strides = array<i32>} : memref<128x128xf32, #tpu.memory_space<vmem>>, vector<1x16xf32>,
      %swap3A_105 = vector.shape_cast %swap3A_104 : vector<1x16xf32> to vector<16xf32>
      %swap3A_106 = vector.shape_cast %broadcast_in_dim3A_102 : vector<16xf32> to vector<1x16xf32>
      tpu.vector_store %arg11[%swap3A, %swap3A_103], %swap3A_106 {strides = array<i32>} : memref<128x128xf32, #tpu.memory_space<vmem>>, vector<1x16xf32>,
      %broadcast_in_dim3A_107 = arith.constant 0.000000e+00 : f32
      %broadcast_in_dim3A_108 = vector.broadcast %broadcast_in_dim3A_107 : f32 to vector<16xf32>
      %swap3A_109 = arith.index_cast %add3A_101 : i32 to index
      %swap3A_110 = arith.constant 16 : index
      %swap3A_111 = tpu.vector_load %arg11[%swap3A_109, %swap3A_110] {strides = array<i32>} : memref<128x128xf32, #tpu.memory_space<vmem>>, vector<1x16xf32>,
      %swap3A_112 = vector.shape_cast %swap3A_111 : vector<1x16xf32> to vector<16xf32>
      %swap3A_113 = vector.shape_cast %broadcast_in_dim3A_108 : vector<16xf32> to vector<1x16xf32>
      tpu.vector_store %arg11[%swap3A_109, %swap3A_110], %swap3A_113 {strides = array<i32>} : memref<128x128xf32, #tpu.memory_space<vmem>>, vector<1x16xf32>,
      %broadcast_in_dim3A_114 = arith.constant 0.000000e+00 : f32
      %broadcast_in_dim3A_115 = vector.broadcast %broadcast_in_dim3A_114 : f32 to vector<16xf32>
      %swap3A_116 = arith.index_cast %add3A_101 : i32 to index
      %swap3A_117 = arith.constant 32 : index
      %swap3A_118 = tpu.vector_load %arg11[%swap3A_116, %swap3A_117] {strides = array<i32>} : memref<128x128xf32, #tpu.memory_space<vmem>>, vector<1x16xf32>,
      %swap3A_119 = vector.shape_cast %swap3A_118 : vector<1x16xf32> to vector<16xf32>
      %swap3A_120 = vector.shape_cast %broadcast_in_dim3A_115 : vector<16xf32> to vector<1x16xf32>
      tpu.vector_store %arg11[%swap3A_116, %swap3A_117], %swap3A_120 {strides = array<i32>} : memref<128x128xf32, #tpu.memory_space<vmem>>, vector<1x16xf32>,
      %broadcast_in_dim3A_121 = arith.constant 0.000000e+00 : f32
      %broadcast_in_dim3A_122 = vector.broadcast %broadcast_in_dim3A_121 : f32 to vector<16xf32>
      %swap3A_123 = arith.index_cast %add3A_101 : i32 to index
      %swap3A_124 = arith.constant 48 : index
      %swap3A_125 = tpu.vector_load %arg11[%swap3A_123, %swap3A_124] {strides = array<i32>} : memref<128x128xf32, #tpu.memory_space<vmem>>, vector<1x16xf32>,
      %swap3A_126 = vector.shape_cast %swap3A_125 : vector<1x16xf32> to vector<16xf32>
      %swap3A_127 = vector.shape_cast %broadcast_in_dim3A_122 : vector<16xf32> to vector<1x16xf32>
      tpu.vector_store %arg11[%swap3A_123, %swap3A_124], %swap3A_127 {strides = array<i32>} : memref<128x128xf32, #tpu.memory_space<vmem>>, vector<1x16xf32>,
      %broadcast_in_dim3A_128 = arith.constant 0.000000e+00 : f32
      %broadcast_in_dim3A_129 = vector.broadcast %broadcast_in_dim3A_128 : f32 to vector<16xf32>
      %swap3A_130 = arith.index_cast %add3A_101 : i32 to index
      %swap3A_131 = arith.constant 64 : index
      %swap3A_132 = tpu.vector_load %arg11[%swap3A_130, %swap3A_131] {strides = array<i32>} : memref<128x128xf32, #tpu.memory_space<vmem>>, vector<1x16xf32>,
      %swap3A_133 = vector.shape_cast %swap3A_132 : vector<1x16xf32> to vector<16xf32>
      %swap3A_134 = vector.shape_cast %broadcast_in_dim3A_129 : vector<16xf32> to vector<1x16xf32>
      tpu.vector_store %arg11[%swap3A_130, %swap3A_131], %swap3A_134 {strides = array<i32>} : memref<128x128xf32, #tpu.memory_space<vmem>>, vector<1x16xf32>,
      %broadcast_in_dim3A_135 = arith.constant 0.000000e+00 : f32
      %broadcast_in_dim3A_136 = vector.broadcast %broadcast_in_dim3A_135 : f32 to vector<16xf32>
      %swap3A_137 = arith.index_cast %add3A_101 : i32 to index
      %swap3A_138 = arith.constant 80 : index
      %swap3A_139 = tpu.vector_load %arg11[%swap3A_137, %swap3A_138] {strides = array<i32>} : memref<128x128xf32, #tpu.memory_space<vmem>>, vector<1x16xf32>,
      %swap3A_140 = vector.shape_cast %swap3A_139 : vector<1x16xf32> to vector<16xf32>
      %swap3A_141 = vector.shape_cast %broadcast_in_dim3A_136 : vector<16xf32> to vector<1x16xf32>
      tpu.vector_store %arg11[%swap3A_137, %swap3A_138], %swap3A_141 {strides = array<i32>} : memref<128x128xf32, #tpu.memory_space<vmem>>, vector<1x16xf32>,
      %broadcast_in_dim3A_142 = arith.constant 0.000000e+00 : f32
      %broadcast_in_dim3A_143 = vector.broadcast %broadcast_in_dim3A_142 : f32 to vector<16xf32>
      %swap3A_144 = arith.index_cast %add3A_101 : i32 to index
      %swap3A_145 = arith.constant 96 : index
      %swap3A_146 = tpu.vector_load %arg11[%swap3A_144, %swap3A_145] {strides = array<i32>} : memref<128x128xf32, #tpu.memory_space<vmem>>, vector<1x16xf32>,
      %swap3A_147 = vector.shape_cast %swap3A_146 : vector<1x16xf32> to vector<16xf32>
      %swap3A_148 = vector.shape_cast %broadcast_in_dim3A_143 : vector<16xf32> to vector<1x16xf32>
      tpu.vector_store %arg11[%swap3A_144, %swap3A_145], %swap3A_148 {strides = array<i32>} : memref<128x128xf32, #tpu.memory_space<vmem>>, vector<1x16xf32>,
      %broadcast_in_dim3A_149 = arith.constant 0.000000e+00 : f32
      %broadcast_in_dim3A_150 = vector.broadcast %broadcast_in_dim3A_149 : f32 to vector<16xf32>
      %swap3A_151 = arith.index_cast %add3A_101 : i32 to index
      %swap3A_152 = arith.constant 112 : index
      %swap3A_153 = tpu.vector_load %arg11[%swap3A_151, %swap3A_152] {strides = array<i32>} : memref<128x128xf32, #tpu.memory_space<vmem>>, vector<1x16xf32>,
      %swap3A_154 = vector.shape_cast %swap3A_153 : vector<1x16xf32> to vector<16xf32>
      %swap3A_155 = vector.shape_cast %broadcast_in_dim3A_150 : vector<16xf32> to vector<1x16xf32>
      tpu.vector_store %arg11[%swap3A_151, %swap3A_152], %swap3A_155 {strides = array<i32>} : memref<128x128xf32, #tpu.memory_space<vmem>>, vector<1x16xf32>,
    }
    %scan3A_29 = arith.constant 128 : i32
    %scan3A_30 = arith.constant 0 : i32
    %scan3A_31 = arith.constant 5 : i32
    %scan3A_32 = arith.addi %scan3A_30, %scan3A_31 : i32
    %scan3A_33 = arith.constant 1 : i32
    scf.for %scan3A_97 = %scan3A_30 to %scan3A_32 step %scan3A_33  : i32 {
      %mul3A_98 = arith.constant 128 : i32
      %mul3A_99 = arith.muli %scan3A_97, %mul3A_98 : i32
      %add3A_100 = arith.constant 0 : i32
      %add3A_101 = arith.addi %add3A_100, %mul3A_99 : i32
      %mul3A_102 = arith.constant 640 : i32
      %mul3A_103 = arith.muli %arg1, %mul3A_102 : i32
      %add3A_104 = arith.addi %mul3A_103, %add3A_101 : i32
      "tpu.region"() ({
        %run_scoped3A = tpu.sem_alloc : memref<!tpu.dma_semaphore, #tpu.memory_space<semaphore_mem>>
        %dma_start3A_105 = arith.constant 0 : i32
        %dma_start3A_106 = tpu.memref_slice %arg13[%add3A_104, %dma_start3A_105] : memref<10240x128xf32, #tpu.memory_space<vmem_shared>> -> memref<128x128xf32, #tpu.memory_space<vmem_shared>>
        %dma_start3A_107 = arith.constant 0 : i32
        %dma_start3A_108 = tpu.memref_slice %arg13[%add3A_104, %dma_start3A_107] : memref<10240x128xf32, #tpu.memory_space<vmem_shared>> -> memref<128x128xf32, #tpu.memory_space<vmem_shared>>
        tpu.enqueue_dma source(%arg11 : memref<128x128xf32, #tpu.memory_space<vmem>>) target(%dma_start3A_108 : memref<128x128xf32, #tpu.memory_space<vmem_shared>>) target_semaphore(%run_scoped3A : memref<!tpu.dma_semaphore, #tpu.memory_space<semaphore_mem>>)
        %dma_wait3A_109 = arith.constant 0 : i32
        %dma_wait3A_110 = tpu.memref_slice %arg13[%add3A_104, %dma_wait3A_109] : memref<10240x128xf32, #tpu.memory_space<vmem_shared>> -> memref<128x128xf32, #tpu.memory_space<vmem_shared>>
        %dma_wait3A_111 = arith.constant 0 : i32
        %dma_wait3A_112 = tpu.memref_slice %arg13[%add3A_104, %dma_wait3A_111] : memref<10240x128xf32, #tpu.memory_space<vmem_shared>> -> memref<128x128xf32, #tpu.memory_space<vmem_shared>>
        tpu.wait_dma2 semaphore(%run_scoped3A : memref<!tpu.dma_semaphore, #tpu.memory_space<semaphore_mem>>) src(%arg11 : memref<128x128xf32, #tpu.memory_space<vmem>>) dst(%dma_wait3A_112 : memref<128x128xf32, #tpu.memory_space<vmem_shared>>)
        tpu.yield
      }) : () -> ()
    }
    %scan3A_34 = arith.constant 5 : i32
    %barrier3A = arith.constant 0 : index
    tpu.barrier barrier_id(%barrier3A)
    %gt3A = arith.constant 0 : i32
    %gt3A_35 = arith.cmpi sgt, %add3A_20, %gt3A : i32
    %convert_element_type3A = arith.extui %gt3A_35 : i1 to i32
    %cond3A = arith.constant 0 : i32
    %cond3A_36 = arith.cmpi ne, %convert_element_type3A, %cond3A : i32
    scf.if %cond3A_36 {
      %add3A_97 = arith.constant 32 : i32
      %add3A_98 = arith.addi %add3A, %add3A_97 : i32
      %min3A = arith.constant 2499 : i32
      %min3A_99 = arith.minsi %add3A_98, %min3A : i32
      %mul3A_100 = arith.constant 128 : i32
      %mul3A_101 = arith.muli %min3A_99, %mul3A_100 : i32
      %dma_start3A_102 = arith.constant 0 : i32
      %dma_start3A_103 = tpu.memref_slice %arg3[%dma_start3A_102, %mul3A_101] : memref<2x320000xi32, #tpu.memory_space<hbm>> -> memref<2x128xi32, #tpu.memory_space<hbm>>
      %dma_start3A_104 = arith.constant 0 : i32
      %dma_start3A_105 = tpu.memref_slice %arg3[%dma_start3A_104, %mul3A_101] : memref<2x320000xi32, #tpu.memory_space<hbm>> -> memref<2x128xi32, #tpu.memory_space<hbm>>
      tpu.enqueue_dma source(%dma_start3A_105 : memref<2x128xi32, #tpu.memory_space<hbm>>) target(%arg6 : memref<2x128xi32, #tpu.memory_space<vmem>>) target_semaphore(%arg15 : memref<!tpu.dma_semaphore, #tpu.memory_space<semaphore_mem>>)
      %dma_wait3A_106 = arith.constant 0 : i32
      %dma_wait3A_107 = arith.constant 0 : i32
      %dma_wait3A_108 = tpu.memref_slice %arg3[%dma_wait3A_106, %dma_wait3A_107] : memref<2x320000xi32, #tpu.memory_space<hbm>> -> memref<2x128xi32, #tpu.memory_space<hbm>>
      %dma_wait3A_109 = arith.constant 0 : i32
      %dma_wait3A_110 = arith.constant 0 : i32
      %dma_wait3A_111 = tpu.memref_slice %arg3[%dma_wait3A_109, %dma_wait3A_110] : memref<2x320000xi32, #tpu.memory_space<hbm>> -> memref<2x128xi32, #tpu.memory_space<hbm>>
      tpu.wait_dma2 semaphore(%arg14 : memref<!tpu.dma_semaphore, #tpu.memory_space<semaphore_mem>>) src(%dma_wait3A_111 : memref<2x128xi32, #tpu.memory_space<hbm>>) dst(%arg5 : memref<2x128xi32, #tpu.memory_space<vmem>>)
      %get3A = arith.constant 0 : i32
      %get3A_112 = arith.index_cast %get3A : i32 to index
      %get3A_113 = arith.constant 0 : index
      %get3A_114 = tpu.vector_load %arg5[%get3A_112, %get3A_113] {strides = array<i32>} : memref<2x128xi32, #tpu.memory_space<vmem>>, vector<1x16xi32>,
      %get3A_115 = vector.shape_cast %get3A_114 : vector<1x16xi32> to vector<16xi32>
      %swap3A = arith.constant 0 : index
      %swap3A_116 = tpu.vector_load %arg7[%swap3A] {strides = array<i32>} : memref<128xi32, #tpu.memory_space<vmem>>, vector<16xi32>,
      %swap3A_117 = vector.shape_cast %swap3A_116 : vector<16xi32> to vector<16xi32>
      %swap3A_118 = vector.shape_cast %get3A_115 : vector<16xi32> to vector<16xi32>
      tpu.vector_store %arg7[%swap3A], %swap3A_118 {strides = array<i32>} : memref<128xi32, #tpu.memory_space<vmem>>, vector<16xi32>,
      %get3A_119 = arith.constant 1 : i32
      %get3A_120 = arith.index_cast %get3A_119 : i32 to index
      %get3A_121 = arith.constant 0 : index
      %get3A_122 = tpu.vector_load %arg5[%get3A_120, %get3A_121] {strides = array<i32>} : memref<2x128xi32, #tpu.memory_space<vmem>>, vector<1x16xi32>,
      %get3A_123 = vector.shape_cast %get3A_122 : vector<1x16xi32> to vector<16xi32>
      %swap3A_124 = arith.constant 0 : index
      %swap3A_125 = tpu.vector_load %arg9[%swap3A_124] {strides = array<i32>} : memref<128xi32, #tpu.memory_space<vmem>>, vector<16xi32>,
      %swap3A_126 = vector.shape_cast %swap3A_125 : vector<16xi32> to vector<16xi32>
      %swap3A_127 = vector.shape_cast %get3A_123 : vector<16xi32> to vector<16xi32>
      tpu.vector_store %arg9[%swap3A_124], %swap3A_127 {strides = array<i32>} : memref<128xi32, #tpu.memory_space<vmem>>, vector<16xi32>,
      %get3A_128 = arith.constant 0 : i32
      %get3A_129 = arith.index_cast %get3A_128 : i32 to index
      %get3A_130 = arith.constant 16 : index
      %get3A_131 = tpu.vector_load %arg5[%get3A_129, %get3A_130] {strides = array<i32>} : memref<2x128xi32, #tpu.memory_space<vmem>>, vector<1x16xi32>,
      %get3A_132 = vector.shape_cast %get3A_131 : vector<1x16xi32> to vector<16xi32>
      %swap3A_133 = arith.constant 16 : index
      %swap3A_134 = tpu.vector_load %arg7[%swap3A_133] {strides = array<i32>} : memref<128xi32, #tpu.memory_space<vmem>>, vector<16xi32>,
      %swap3A_135 = vector.shape_cast %swap3A_134 : vector<16xi32> to vector<16xi32>
      %swap3A_136 = vector.shape_cast %get3A_132 : vector<16xi32> to vector<16xi32>
      tpu.vector_store %arg7[%swap3A_133], %swap3A_136 {strides = array<i32>} : memref<128xi32, #tpu.memory_space<vmem>>, vector<16xi32>,
      %get3A_137 = arith.constant 1 : i32
      %get3A_138 = arith.index_cast %get3A_137 : i32 to index
      %get3A_139 = arith.constant 16 : index
      %get3A_140 = tpu.vector_load %arg5[%get3A_138, %get3A_139] {strides = array<i32>} : memref<2x128xi32, #tpu.memory_space<vmem>>, vector<1x16xi32>,
      %get3A_141 = vector.shape_cast %get3A_140 : vector<1x16xi32> to vector<16xi32>
      %swap3A_142 = arith.constant 16 : index
      %swap3A_143 = tpu.vector_load %arg9[%swap3A_142] {strides = array<i32>} : memref<128xi32, #tpu.memory_space<vmem>>, vector<16xi32>,
      %swap3A_144 = vector.shape_cast %swap3A_143 : vector<16xi32> to vector<16xi32>
      %swap3A_145 = vector.shape_cast %get3A_141 : vector<16xi32> to vector<16xi32>
      tpu.vector_store %arg9[%swap3A_142], %swap3A_145 {strides = array<i32>} : memref<128xi32, #tpu.memory_space<vmem>>, vector<16xi32>,
      %get3A_146 = arith.constant 0 : i32
      %get3A_147 = arith.index_cast %get3A_146 : i32 to index
      %get3A_148 = arith.constant 32 : index
      %get3A_149 = tpu.vector_load %arg5[%get3A_147, %get3A_148] {strides = array<i32>} : memref<2x128xi32, #tpu.memory_space<vmem>>, vector<1x16xi32>,
      %get3A_150 = vector.shape_cast %get3A_149 : vector<1x16xi32> to vector<16xi32>
      %swap3A_151 = arith.constant 32 : index
      %swap3A_152 = tpu.vector_load %arg7[%swap3A_151] {strides = array<i32>} : memref<128xi32, #tpu.memory_space<vmem>>, vector<16xi32>,
      %swap3A_153 = vector.shape_cast %swap3A_152 : vector<16xi32> to vector<16xi32>
      %swap3A_154 = vector.shape_cast %get3A_150 : vector<16xi32> to vector<16xi32>
      tpu.vector_store %arg7[%swap3A_151], %swap3A_154 {strides = array<i32>} : memref<128xi32, #tpu.memory_space<vmem>>, vector<16xi32>,
      %get3A_155 = arith.constant 1 : i32
      %get3A_156 = arith.index_cast %get3A_155 : i32 to index
      %get3A_157 = arith.constant 32 : index
      %get3A_158 = tpu.vector_load %arg5[%get3A_156, %get3A_157] {strides = array<i32>} : memref<2x128xi32, #tpu.memory_space<vmem>>, vector<1x16xi32>,
      %get3A_159 = vector.shape_cast %get3A_158 : vector<1x16xi32> to vector<16xi32>
      %swap3A_160 = arith.constant 32 : index
      %swap3A_161 = tpu.vector_load %arg9[%swap3A_160] {strides = array<i32>} : memref<128xi32, #tpu.memory_space<vmem>>, vector<16xi32>,
      %swap3A_162 = vector.shape_cast %swap3A_161 : vector<16xi32> to vector<16xi32>
      %swap3A_163 = vector.shape_cast %get3A_159 : vector<16xi32> to vector<16xi32>
      tpu.vector_store %arg9[%swap3A_160], %swap3A_163 {strides = array<i32>} : memref<128xi32, #tpu.memory_space<vmem>>, vector<16xi32>,
      %get3A_164 = arith.constant 0 : i32
      %get3A_165 = arith.index_cast %get3A_164 : i32 to index
      %get3A_166 = arith.constant 48 : index
      %get3A_167 = tpu.vector_load %arg5[%get3A_165, %get3A_166] {strides = array<i32>} : memref<2x128xi32, #tpu.memory_space<vmem>>, vector<1x16xi32>,
      %get3A_168 = vector.shape_cast %get3A_167 : vector<1x16xi32> to vector<16xi32>
      %swap3A_169 = arith.constant 48 : index
      %swap3A_170 = tpu.vector_load %arg7[%swap3A_169] {strides = array<i32>} : memref<128xi32, #tpu.memory_space<vmem>>, vector<16xi32>,
      %swap3A_171 = vector.shape_cast %swap3A_170 : vector<16xi32> to vector<16xi32>
      %swap3A_172 = vector.shape_cast %get3A_168 : vector<16xi32> to vector<16xi32>
      tpu.vector_store %arg7[%swap3A_169], %swap3A_172 {strides = array<i32>} : memref<128xi32, #tpu.memory_space<vmem>>, vector<16xi32>,
      %get3A_173 = arith.constant 1 : i32
      %get3A_174 = arith.index_cast %get3A_173 : i32 to index
      %get3A_175 = arith.constant 48 : index
      %get3A_176 = tpu.vector_load %arg5[%get3A_174, %get3A_175] {strides = array<i32>} : memref<2x128xi32, #tpu.memory_space<vmem>>, vector<1x16xi32>,
      %get3A_177 = vector.shape_cast %get3A_176 : vector<1x16xi32> to vector<16xi32>
      %swap3A_178 = arith.constant 48 : index
      %swap3A_179 = tpu.vector_load %arg9[%swap3A_178] {strides = array<i32>} : memref<128xi32, #tpu.memory_space<vmem>>, vector<16xi32>,
      %swap3A_180 = vector.shape_cast %swap3A_179 : vector<16xi32> to vector<16xi32>
      %swap3A_181 = vector.shape_cast %get3A_177 : vector<16xi32> to vector<16xi32>
      tpu.vector_store %arg9[%swap3A_178], %swap3A_181 {strides = array<i32>} : memref<128xi32, #tpu.memory_space<vmem>>, vector<16xi32>,
      %get3A_182 = arith.constant 0 : i32
      %get3A_183 = arith.index_cast %get3A_182 : i32 to index
      %get3A_184 = arith.constant 64 : index
      %get3A_185 = tpu.vector_load %arg5[%get3A_183, %get3A_184] {strides = array<i32>} : memref<2x128xi32, #tpu.memory_space<vmem>>, vector<1x16xi32>,
      %get3A_186 = vector.shape_cast %get3A_185 : vector<1x16xi32> to vector<16xi32>
      %swap3A_187 = arith.constant 64 : index
      %swap3A_188 = tpu.vector_load %arg7[%swap3A_187] {strides = array<i32>} : memref<128xi32, #tpu.memory_space<vmem>>, vector<16xi32>,
      %swap3A_189 = vector.shape_cast %swap3A_188 : vector<16xi32> to vector<16xi32>
      %swap3A_190 = vector.shape_cast %get3A_186 : vector<16xi32> to vector<16xi32>
      tpu.vector_store %arg7[%swap3A_187], %swap3A_190 {strides = array<i32>} : memref<128xi32, #tpu.memory_space<vmem>>, vector<16xi32>,
      %get3A_191 = arith.constant 1 : i32
      %get3A_192 = arith.index_cast %get3A_191 : i32 to index
      %get3A_193 = arith.constant 64 : index
      %get3A_194 = tpu.vector_load %arg5[%get3A_192, %get3A_193] {strides = array<i32>} : memref<2x128xi32, #tpu.memory_space<vmem>>, vector<1x16xi32>,
      %get3A_195 = vector.shape_cast %get3A_194 : vector<1x16xi32> to vector<16xi32>
      %swap3A_196 = arith.constant 64 : index
      %swap3A_197 = tpu.vector_load %arg9[%swap3A_196] {strides = array<i32>} : memref<128xi32, #tpu.memory_space<vmem>>, vector<16xi32>,
      %swap3A_198 = vector.shape_cast %swap3A_197 : vector<16xi32> to vector<16xi32>
      %swap3A_199 = vector.shape_cast %get3A_195 : vector<16xi32> to vector<16xi32>
      tpu.vector_store %arg9[%swap3A_196], %swap3A_199 {strides = array<i32>} : memref<128xi32, #tpu.memory_space<vmem>>, vector<16xi32>,
      %get3A_200 = arith.constant 0 : i32
      %get3A_201 = arith.index_cast %get3A_200 : i32 to index
      %get3A_202 = arith.constant 80 : index
      %get3A_203 = tpu.vector_load %arg5[%get3A_201, %get3A_202] {strides = array<i32>} : memref<2x128xi32, #tpu.memory_space<vmem>>, vector<1x16xi32>,
      %get3A_204 = vector.shape_cast %get3A_203 : vector<1x16xi32> to vector<16xi32>
      %swap3A_205 = arith.constant 80 : index
      %swap3A_206 = tpu.vector_load %arg7[%swap3A_205] {strides = array<i32>} : memref<128xi32, #tpu.memory_space<vmem>>, vector<16xi32>,
      %swap3A_207 = vector.shape_cast %swap3A_206 : vector<16xi32> to vector<16xi32>
      %swap3A_208 = vector.shape_cast %get3A_204 : vector<16xi32> to vector<16xi32>
      tpu.vector_store %arg7[%swap3A_205], %swap3A_208 {strides = array<i32>} : memref<128xi32, #tpu.memory_space<vmem>>, vector<16xi32>,
      %get3A_209 = arith.constant 1 : i32
      %get3A_210 = arith.index_cast %get3A_209 : i32 to index
      %get3A_211 = arith.constant 80 : index
      %get3A_212 = tpu.vector_load %arg5[%get3A_210, %get3A_211] {strides = array<i32>} : memref<2x128xi32, #tpu.memory_space<vmem>>, vector<1x16xi32>,
      %get3A_213 = vector.shape_cast %get3A_212 : vector<1x16xi32> to vector<16xi32>
      %swap3A_214 = arith.constant 80 : index
      %swap3A_215 = tpu.vector_load %arg9[%swap3A_214] {strides = array<i32>} : memref<128xi32, #tpu.memory_space<vmem>>, vector<16xi32>,
      %swap3A_216 = vector.shape_cast %swap3A_215 : vector<16xi32> to vector<16xi32>
      %swap3A_217 = vector.shape_cast %get3A_213 : vector<16xi32> to vector<16xi32>
      tpu.vector_store %arg9[%swap3A_214], %swap3A_217 {strides = array<i32>} : memref<128xi32, #tpu.memory_space<vmem>>, vector<16xi32>,
      %get3A_218 = arith.constant 0 : i32
      %get3A_219 = arith.index_cast %get3A_218 : i32 to index
      %get3A_220 = arith.constant 96 : index
      %get3A_221 = tpu.vector_load %arg5[%get3A_219, %get3A_220] {strides = array<i32>} : memref<2x128xi32, #tpu.memory_space<vmem>>, vector<1x16xi32>,
      %get3A_222 = vector.shape_cast %get3A_221 : vector<1x16xi32> to vector<16xi32>
      %swap3A_223 = arith.constant 96 : index
      %swap3A_224 = tpu.vector_load %arg7[%swap3A_223] {strides = array<i32>} : memref<128xi32, #tpu.memory_space<vmem>>, vector<16xi32>,
      %swap3A_225 = vector.shape_cast %swap3A_224 : vector<16xi32> to vector<16xi32>
      %swap3A_226 = vector.shape_cast %get3A_222 : vector<16xi32> to vector<16xi32>
      tpu.vector_store %arg7[%swap3A_223], %swap3A_226 {strides = array<i32>} : memref<128xi32, #tpu.memory_space<vmem>>, vector<16xi32>,
      %get3A_227 = arith.constant 1 : i32
      %get3A_228 = arith.index_cast %get3A_227 : i32 to index
      %get3A_229 = arith.constant 96 : index
      %get3A_230 = tpu.vector_load %arg5[%get3A_228, %get3A_229] {strides = array<i32>} : memref<2x128xi32, #tpu.memory_space<vmem>>, vector<1x16xi32>,
      %get3A_231 = vector.shape_cast %get3A_230 : vector<1x16xi32> to vector<16xi32>
      %swap3A_232 = arith.constant 96 : index
      %swap3A_233 = tpu.vector_load %arg9[%swap3A_232] {strides = array<i32>} : memref<128xi32, #tpu.memory_space<vmem>>, vector<16xi32>,
      %swap3A_234 = vector.shape_cast %swap3A_233 : vector<16xi32> to vector<16xi32>
      %swap3A_235 = vector.shape_cast %get3A_231 : vector<16xi32> to vector<16xi32>
      tpu.vector_store %arg9[%swap3A_232], %swap3A_235 {strides = array<i32>} : memref<128xi32, #tpu.memory_space<vmem>>, vector<16xi32>,
      %get3A_236 = arith.constant 0 : i32
      %get3A_237 = arith.index_cast %get3A_236 : i32 to index
      %get3A_238 = arith.constant 112 : index
      %get3A_239 = tpu.vector_load %arg5[%get3A_237, %get3A_238] {strides = array<i32>} : memref<2x128xi32, #tpu.memory_space<vmem>>, vector<1x16xi32>,
      %get3A_240 = vector.shape_cast %get3A_239 : vector<1x16xi32> to vector<16xi32>
      %swap3A_241 = arith.constant 112 : index
      %swap3A_242 = tpu.vector_load %arg7[%swap3A_241] {strides = array<i32>} : memref<128xi32, #tpu.memory_space<vmem>>, vector<16xi32>,
      %swap3A_243 = vector.shape_cast %swap3A_242 : vector<16xi32> to vector<16xi32>
      %swap3A_244 = vector.shape_cast %get3A_240 : vector<16xi32> to vector<16xi32>
      tpu.vector_store %arg7[%swap3A_241], %swap3A_244 {strides = array<i32>} : memref<128xi32, #tpu.memory_space<vmem>>, vector<16xi32>,
      %get3A_245 = arith.constant 1 : i32
      %get3A_246 = arith.index_cast %get3A_245 : i32 to index
      %get3A_247 = arith.constant 112 : index
      %get3A_248 = tpu.vector_load %arg5[%get3A_246, %get3A_247] {strides = array<i32>} : memref<2x128xi32, #tpu.memory_space<vmem>>, vector<1x16xi32>,
      %get3A_249 = vector.shape_cast %get3A_248 : vector<1x16xi32> to vector<16xi32>
      %swap3A_250 = arith.constant 112 : index
      %swap3A_251 = tpu.vector_load %arg9[%swap3A_250] {strides = array<i32>} : memref<128xi32, #tpu.memory_space<vmem>>, vector<16xi32>,
      %swap3A_252 = vector.shape_cast %swap3A_251 : vector<16xi32> to vector<16xi32>
      %swap3A_253 = vector.shape_cast %get3A_249 : vector<16xi32> to vector<16xi32>
      tpu.vector_store %arg9[%swap3A_250], %swap3A_253 {strides = array<i32>} : memref<128xi32, #tpu.memory_space<vmem>>, vector<16xi32>,
      %dma_start3A_254 = arith.constant 0 : i32
      %dma_start3A_255 = arith.constant 0 : i32
      %dma_start3A_256 = tpu.memref_slice %arg2[%dma_start3A_254, %dma_start3A_255] : memref<10000x128xf32, #tpu.memory_space<hbm>> -> memref<10000x128xf32, #tpu.memory_space<hbm>>
      tpu.enqueue_indirect_dma source(%dma_start3A_256 : memref<10000x128xf32, #tpu.memory_space<hbm>>) target(%arg11 : memref<128x128xf32, #tpu.memory_space<vmem>>) offsets(%arg7 : memref<128xi32, #tpu.memory_space<vmem>>) semaphore(%arg16 : memref<!tpu.dma_semaphore, #tpu.memory_space<semaphore_mem>>)
    } else {
    }
    %gt3A_37 = arith.constant 1 : i32
    %gt3A_38 = arith.cmpi sgt, %add3A_20, %gt3A_37 : i32
    %convert_element_type3A_39 = arith.extui %gt3A_38 : i1 to i32
    %cond3A_40 = arith.constant 0 : i32
    %cond3A_41 = arith.cmpi ne, %convert_element_type3A_39, %cond3A_40 : i32
    scf.if %cond3A_41 {
      %add3A_97 = arith.constant 64 : i32
      %add3A_98 = arith.addi %add3A, %add3A_97 : i32
      %min3A = arith.constant 2499 : i32
      %min3A_99 = arith.minsi %add3A_98, %min3A : i32
      %mul3A_100 = arith.constant 128 : i32
      %mul3A_101 = arith.muli %min3A_99, %mul3A_100 : i32
      %dma_start3A_102 = arith.constant 0 : i32
      %dma_start3A_103 = tpu.memref_slice %arg3[%dma_start3A_102, %mul3A_101] : memref<2x320000xi32, #tpu.memory_space<hbm>> -> memref<2x128xi32, #tpu.memory_space<hbm>>
      %dma_start3A_104 = arith.constant 0 : i32
      %dma_start3A_105 = tpu.memref_slice %arg3[%dma_start3A_104, %mul3A_101] : memref<2x320000xi32, #tpu.memory_space<hbm>> -> memref<2x128xi32, #tpu.memory_space<hbm>>
      tpu.enqueue_dma source(%dma_start3A_105 : memref<2x128xi32, #tpu.memory_space<hbm>>) target(%arg5 : memref<2x128xi32, #tpu.memory_space<vmem>>) target_semaphore(%arg14 : memref<!tpu.dma_semaphore, #tpu.memory_space<semaphore_mem>>)
      %dma_wait3A_106 = arith.constant 0 : i32
      %dma_wait3A_107 = arith.constant 0 : i32
      %dma_wait3A_108 = tpu.memref_slice %arg3[%dma_wait3A_106, %dma_wait3A_107] : memref<2x320000xi32, #tpu.memory_space<hbm>> -> memref<2x128xi32, #tpu.memory_space<hbm>>
      %dma_wait3A_109 = arith.constant 0 : i32
      %dma_wait3A_110 = arith.constant 0 : i32
      %dma_wait3A_111 = tpu.memref_slice %arg3[%dma_wait3A_109, %dma_wait3A_110] : memref<2x320000xi32, #tpu.memory_space<hbm>> -> memref<2x128xi32, #tpu.memory_space<hbm>>
      tpu.wait_dma2 semaphore(%arg15 : memref<!tpu.dma_semaphore, #tpu.memory_space<semaphore_mem>>) src(%dma_wait3A_111 : memref<2x128xi32, #tpu.memory_space<hbm>>) dst(%arg6 : memref<2x128xi32, #tpu.memory_space<vmem>>)
      %get3A = arith.constant 0 : i32
      %get3A_112 = arith.index_cast %get3A : i32 to index
      %get3A_113 = arith.constant 0 : index
      %get3A_114 = tpu.vector_load %arg6[%get3A_112, %get3A_113] {strides = array<i32>} : memref<2x128xi32, #tpu.memory_space<vmem>>, vector<1x16xi32>,
      %get3A_115 = vector.shape_cast %get3A_114 : vector<1x16xi32> to vector<16xi32>
      %swap3A = arith.constant 0 : index
      %swap3A_116 = tpu.vector_load %arg8[%swap3A] {strides = array<i32>} : memref<128xi32, #tpu.memory_space<vmem>>, vector<16xi32>,
      %swap3A_117 = vector.shape_cast %swap3A_116 : vector<16xi32> to vector<16xi32>
      %swap3A_118 = vector.shape_cast %get3A_115 : vector<16xi32> to vector<16xi32>
      tpu.vector_store %arg8[%swap3A], %swap3A_118 {strides = array<i32>} : memref<128xi32, #tpu.memory_space<vmem>>, vector<16xi32>,
      %get3A_119 = arith.constant 1 : i32
      %get3A_120 = arith.index_cast %get3A_119 : i32 to index
      %get3A_121 = arith.constant 0 : index
      %get3A_122 = tpu.vector_load %arg6[%get3A_120, %get3A_121] {strides = array<i32>} : memref<2x128xi32, #tpu.memory_space<vmem>>, vector<1x16xi32>,
      %get3A_123 = vector.shape_cast %get3A_122 : vector<1x16xi32> to vector<16xi32>
      %swap3A_124 = arith.constant 0 : index
      %swap3A_125 = tpu.vector_load %arg10[%swap3A_124] {strides = array<i32>} : memref<128xi32, #tpu.memory_space<vmem>>, vector<16xi32>,
      %swap3A_126 = vector.shape_cast %swap3A_125 : vector<16xi32> to vector<16xi32>
      %swap3A_127 = vector.shape_cast %get3A_123 : vector<16xi32> to vector<16xi32>
      tpu.vector_store %arg10[%swap3A_124], %swap3A_127 {strides = array<i32>} : memref<128xi32, #tpu.memory_space<vmem>>, vector<16xi32>,
      %get3A_128 = arith.constant 0 : i32
      %get3A_129 = arith.index_cast %get3A_128 : i32 to index
      %get3A_130 = arith.constant 16 : index
      %get3A_131 = tpu.vector_load %arg6[%get3A_129, %get3A_130] {strides = array<i32>} : memref<2x128xi32, #tpu.memory_space<vmem>>, vector<1x16xi32>,
      %get3A_132 = vector.shape_cast %get3A_131 : vector<1x16xi32> to vector<16xi32>
      %swap3A_133 = arith.constant 16 : index
      %swap3A_134 = tpu.vector_load %arg8[%swap3A_133] {strides = array<i32>} : memref<128xi32, #tpu.memory_space<vmem>>, vector<16xi32>,
      %swap3A_135 = vector.shape_cast %swap3A_134 : vector<16xi32> to vector<16xi32>
      %swap3A_136 = vector.shape_cast %get3A_132 : vector<16xi32> to vector<16xi32>
      tpu.vector_store %arg8[%swap3A_133], %swap3A_136 {strides = array<i32>} : memref<128xi32, #tpu.memory_space<vmem>>, vector<16xi32>,
      %get3A_137 = arith.constant 1 : i32
      %get3A_138 = arith.index_cast %get3A_137 : i32 to index
      %get3A_139 = arith.constant 16 : index
      %get3A_140 = tpu.vector_load %arg6[%get3A_138, %get3A_139] {strides = array<i32>} : memref<2x128xi32, #tpu.memory_space<vmem>>, vector<1x16xi32>,
      %get3A_141 = vector.shape_cast %get3A_140 : vector<1x16xi32> to vector<16xi32>
      %swap3A_142 = arith.constant 16 : index
      %swap3A_143 = tpu.vector_load %arg10[%swap3A_142] {strides = array<i32>} : memref<128xi32, #tpu.memory_space<vmem>>, vector<16xi32>,
      %swap3A_144 = vector.shape_cast %swap3A_143 : vector<16xi32> to vector<16xi32>
      %swap3A_145 = vector.shape_cast %get3A_141 : vector<16xi32> to vector<16xi32>
      tpu.vector_store %arg10[%swap3A_142], %swap3A_145 {strides = array<i32>} : memref<128xi32, #tpu.memory_space<vmem>>, vector<16xi32>,
      %get3A_146 = arith.constant 0 : i32
      %get3A_147 = arith.index_cast %get3A_146 : i32 to index
      %get3A_148 = arith.constant 32 : index
      %get3A_149 = tpu.vector_load %arg6[%get3A_147, %get3A_148] {strides = array<i32>} : memref<2x128xi32, #tpu.memory_space<vmem>>, vector<1x16xi32>,
      %get3A_150 = vector.shape_cast %get3A_149 : vector<1x16xi32> to vector<16xi32>
      %swap3A_151 = arith.constant 32 : index
      %swap3A_152 = tpu.vector_load %arg8[%swap3A_151] {strides = array<i32>} : memref<128xi32, #tpu.memory_space<vmem>>, vector<16xi32>,
      %swap3A_153 = vector.shape_cast %swap3A_152 : vector<16xi32> to vector<16xi32>
      %swap3A_154 = vector.shape_cast %get3A_150 : vector<16xi32> to vector<16xi32>
      tpu.vector_store %arg8[%swap3A_151], %swap3A_154 {strides = array<i32>} : memref<128xi32, #tpu.memory_space<vmem>>, vector<16xi32>,
      %get3A_155 = arith.constant 1 : i32
      %get3A_156 = arith.index_cast %get3A_155 : i32 to index
      %get3A_157 = arith.constant 32 : index
      %get3A_158 = tpu.vector_load %arg6[%get3A_156, %get3A_157] {strides = array<i32>} : memref<2x128xi32, #tpu.memory_space<vmem>>, vector<1x16xi32>,
      %get3A_159 = vector.shape_cast %get3A_158 : vector<1x16xi32> to vector<16xi32>
      %swap3A_160 = arith.constant 32 : index
      %swap3A_161 = tpu.vector_load %arg10[%swap3A_160] {strides = array<i32>} : memref<128xi32, #tpu.memory_space<vmem>>, vector<16xi32>,
      %swap3A_162 = vector.shape_cast %swap3A_161 : vector<16xi32> to vector<16xi32>
      %swap3A_163 = vector.shape_cast %get3A_159 : vector<16xi32> to vector<16xi32>
      tpu.vector_store %arg10[%swap3A_160], %swap3A_163 {strides = array<i32>} : memref<128xi32, #tpu.memory_space<vmem>>, vector<16xi32>,
      %get3A_164 = arith.constant 0 : i32
      %get3A_165 = arith.index_cast %get3A_164 : i32 to index
      %get3A_166 = arith.constant 48 : index
      %get3A_167 = tpu.vector_load %arg6[%get3A_165, %get3A_166] {strides = array<i32>} : memref<2x128xi32, #tpu.memory_space<vmem>>, vector<1x16xi32>,
      %get3A_168 = vector.shape_cast %get3A_167 : vector<1x16xi32> to vector<16xi32>
      %swap3A_169 = arith.constant 48 : index
      %swap3A_170 = tpu.vector_load %arg8[%swap3A_169] {strides = array<i32>} : memref<128xi32, #tpu.memory_space<vmem>>, vector<16xi32>,
      %swap3A_171 = vector.shape_cast %swap3A_170 : vector<16xi32> to vector<16xi32>
      %swap3A_172 = vector.shape_cast %get3A_168 : vector<16xi32> to vector<16xi32>
      tpu.vector_store %arg8[%swap3A_169], %swap3A_172 {strides = array<i32>} : memref<128xi32, #tpu.memory_space<vmem>>, vector<16xi32>,
      %get3A_173 = arith.constant 1 : i32
      %get3A_174 = arith.index_cast %get3A_173 : i32 to index
      %get3A_175 = arith.constant 48 : index
      %get3A_176 = tpu.vector_load %arg6[%get3A_174, %get3A_175] {strides = array<i32>} : memref<2x128xi32, #tpu.memory_space<vmem>>, vector<1x16xi32>,
      %get3A_177 = vector.shape_cast %get3A_176 : vector<1x16xi32> to vector<16xi32>
      %swap3A_178 = arith.constant 48 : index
      %swap3A_179 = tpu.vector_load %arg10[%swap3A_178] {strides = array<i32>} : memref<128xi32, #tpu.memory_space<vmem>>, vector<16xi32>,
      %swap3A_180 = vector.shape_cast %swap3A_179 : vector<16xi32> to vector<16xi32>
      %swap3A_181 = vector.shape_cast %get3A_177 : vector<16xi32> to vector<16xi32>
      tpu.vector_store %arg10[%swap3A_178], %swap3A_181 {strides = array<i32>} : memref<128xi32, #tpu.memory_space<vmem>>, vector<16xi32>,
      %get3A_182 = arith.constant 0 : i32
      %get3A_183 = arith.index_cast %get3A_182 : i32 to index
      %get3A_184 = arith.constant 64 : index
      %get3A_185 = tpu.vector_load %arg6[%get3A_183, %get3A_184] {strides = array<i32>} : memref<2x128xi32, #tpu.memory_space<vmem>>, vector<1x16xi32>,
      %get3A_186 = vector.shape_cast %get3A_185 : vector<1x16xi32> to vector<16xi32>
      %swap3A_187 = arith.constant 64 : index
      %swap3A_188 = tpu.vector_load %arg8[%swap3A_187] {strides = array<i32>} : memref<128xi32, #tpu.memory_space<vmem>>, vector<16xi32>,
      %swap3A_189 = vector.shape_cast %swap3A_188 : vector<16xi32> to vector<16xi32>
      %swap3A_190 = vector.shape_cast %get3A_186 : vector<16xi32> to vector<16xi32>
      tpu.vector_store %arg8[%swap3A_187], %swap3A_190 {strides = array<i32>} : memref<128xi32, #tpu.memory_space<vmem>>, vector<16xi32>,
      %get3A_191 = arith.constant 1 : i32
      %get3A_192 = arith.index_cast %get3A_191 : i32 to index
      %get3A_193 = arith.constant 64 : index
      %get3A_194 = tpu.vector_load %arg6[%get3A_192, %get3A_193] {strides = array<i32>} : memref<2x128xi32, #tpu.memory_space<vmem>>, vector<1x16xi32>,
      %get3A_195 = vector.shape_cast %get3A_194 : vector<1x16xi32> to vector<16xi32>
      %swap3A_196 = arith.constant 64 : index
      %swap3A_197 = tpu.vector_load %arg10[%swap3A_196] {strides = array<i32>} : memref<128xi32, #tpu.memory_space<vmem>>, vector<16xi32>,
      %swap3A_198 = vector.shape_cast %swap3A_197 : vector<16xi32> to vector<16xi32>
      %swap3A_199 = vector.shape_cast %get3A_195 : vector<16xi32> to vector<16xi32>
      tpu.vector_store %arg10[%swap3A_196], %swap3A_199 {strides = array<i32>} : memref<128xi32, #tpu.memory_space<vmem>>, vector<16xi32>,
      %get3A_200 = arith.constant 0 : i32
      %get3A_201 = arith.index_cast %get3A_200 : i32 to index
      %get3A_202 = arith.constant 80 : index
      %get3A_203 = tpu.vector_load %arg6[%get3A_201, %get3A_202] {strides = array<i32>} : memref<2x128xi32, #tpu.memory_space<vmem>>, vector<1x16xi32>,
      %get3A_204 = vector.shape_cast %get3A_203 : vector<1x16xi32> to vector<16xi32>
      %swap3A_205 = arith.constant 80 : index
      %swap3A_206 = tpu.vector_load %arg8[%swap3A_205] {strides = array<i32>} : memref<128xi32, #tpu.memory_space<vmem>>, vector<16xi32>,
      %swap3A_207 = vector.shape_cast %swap3A_206 : vector<16xi32> to vector<16xi32>
      %swap3A_208 = vector.shape_cast %get3A_204 : vector<16xi32> to vector<16xi32>
      tpu.vector_store %arg8[%swap3A_205], %swap3A_208 {strides = array<i32>} : memref<128xi32, #tpu.memory_space<vmem>>, vector<16xi32>,
      %get3A_209 = arith.constant 1 : i32
      %get3A_210 = arith.index_cast %get3A_209 : i32 to index
      %get3A_211 = arith.constant 80 : index
      %get3A_212 = tpu.vector_load %arg6[%get3A_210, %get3A_211] {strides = array<i32>} : memref<2x128xi32, #tpu.memory_space<vmem>>, vector<1x16xi32>,
      %get3A_213 = vector.shape_cast %get3A_212 : vector<1x16xi32> to vector<16xi32>
      %swap3A_214 = arith.constant 80 : index
      %swap3A_215 = tpu.vector_load %arg10[%swap3A_214] {strides = array<i32>} : memref<128xi32, #tpu.memory_space<vmem>>, vector<16xi32>,
      %swap3A_216 = vector.shape_cast %swap3A_215 : vector<16xi32> to vector<16xi32>
      %swap3A_217 = vector.shape_cast %get3A_213 : vector<16xi32> to vector<16xi32>
      tpu.vector_store %arg10[%swap3A_214], %swap3A_217 {strides = array<i32>} : memref<128xi32, #tpu.memory_space<vmem>>, vector<16xi32>,
      %get3A_218 = arith.constant 0 : i32
      %get3A_219 = arith.index_cast %get3A_218 : i32 to index
      %get3A_220 = arith.constant 96 : index
      %get3A_221 = tpu.vector_load %arg6[%get3A_219, %get3A_220] {strides = array<i32>} : memref<2x128xi32, #tpu.memory_space<vmem>>, vector<1x16xi32>,
      %get3A_222 = vector.shape_cast %get3A_221 : vector<1x16xi32> to vector<16xi32>
      %swap3A_223 = arith.constant 96 : index
      %swap3A_224 = tpu.vector_load %arg8[%swap3A_223] {strides = array<i32>} : memref<128xi32, #tpu.memory_space<vmem>>, vector<16xi32>,
      %swap3A_225 = vector.shape_cast %swap3A_224 : vector<16xi32> to vector<16xi32>
      %swap3A_226 = vector.shape_cast %get3A_222 : vector<16xi32> to vector<16xi32>
      tpu.vector_store %arg8[%swap3A_223], %swap3A_226 {strides = array<i32>} : memref<128xi32, #tpu.memory_space<vmem>>, vector<16xi32>,
      %get3A_227 = arith.constant 1 : i32
      %get3A_228 = arith.index_cast %get3A_227 : i32 to index
      %get3A_229 = arith.constant 96 : index
      %get3A_230 = tpu.vector_load %arg6[%get3A_228, %get3A_229] {strides = array<i32>} : memref<2x128xi32, #tpu.memory_space<vmem>>, vector<1x16xi32>,
      %get3A_231 = vector.shape_cast %get3A_230 : vector<1x16xi32> to vector<16xi32>
      %swap3A_232 = arith.constant 96 : index
      %swap3A_233 = tpu.vector_load %arg10[%swap3A_232] {strides = array<i32>} : memref<128xi32, #tpu.memory_space<vmem>>, vector<16xi32>,
      %swap3A_234 = vector.shape_cast %swap3A_233 : vector<16xi32> to vector<16xi32>
      %swap3A_235 = vector.shape_cast %get3A_231 : vector<16xi32> to vector<16xi32>
      tpu.vector_store %arg10[%swap3A_232], %swap3A_235 {strides = array<i32>} : memref<128xi32, #tpu.memory_space<vmem>>, vector<16xi32>,
      %get3A_236 = arith.constant 0 : i32
      %get3A_237 = arith.index_cast %get3A_236 : i32 to index
      %get3A_238 = arith.constant 112 : index
      %get3A_239 = tpu.vector_load %arg6[%get3A_237, %get3A_238] {strides = array<i32>} : memref<2x128xi32, #tpu.memory_space<vmem>>, vector<1x16xi32>,
      %get3A_240 = vector.shape_cast %get3A_239 : vector<1x16xi32> to vector<16xi32>
      %swap3A_241 = arith.constant 112 : index
      %swap3A_242 = tpu.vector_load %arg8[%swap3A_241] {strides = array<i32>} : memref<128xi32, #tpu.memory_space<vmem>>, vector<16xi32>,
      %swap3A_243 = vector.shape_cast %swap3A_242 : vector<16xi32> to vector<16xi32>
      %swap3A_244 = vector.shape_cast %get3A_240 : vector<16xi32> to vector<16xi32>
      tpu.vector_store %arg8[%swap3A_241], %swap3A_244 {strides = array<i32>} : memref<128xi32, #tpu.memory_space<vmem>>, vector<16xi32>,
      %get3A_245 = arith.constant 1 : i32
      %get3A_246 = arith.index_cast %get3A_245 : i32 to index
      %get3A_247 = arith.constant 112 : index
      %get3A_248 = tpu.vector_load %arg6[%get3A_246, %get3A_247] {strides = array<i32>} : memref<2x128xi32, #tpu.memory_space<vmem>>, vector<1x16xi32>,
      %get3A_249 = vector.shape_cast %get3A_248 : vector<1x16xi32> to vector<16xi32>
      %swap3A_250 = arith.constant 112 : index
      %swap3A_251 = tpu.vector_load %arg10[%swap3A_250] {strides = array<i32>} : memref<128xi32, #tpu.memory_space<vmem>>, vector<16xi32>,
      %swap3A_252 = vector.shape_cast %swap3A_251 : vector<16xi32> to vector<16xi32>
      %swap3A_253 = vector.shape_cast %get3A_249 : vector<16xi32> to vector<16xi32>
      tpu.vector_store %arg10[%swap3A_250], %swap3A_253 {strides = array<i32>} : memref<128xi32, #tpu.memory_space<vmem>>, vector<16xi32>,
      %dma_start3A_254 = arith.constant 0 : i32
      %dma_start3A_255 = arith.constant 0 : i32
      %dma_start3A_256 = tpu.memref_slice %arg2[%dma_start3A_254, %dma_start3A_255] : memref<10000x128xf32, #tpu.memory_space<hbm>> -> memref<10000x128xf32, #tpu.memory_space<hbm>>
      tpu.enqueue_indirect_dma source(%dma_start3A_256 : memref<10000x128xf32, #tpu.memory_space<hbm>>) target(%arg12 : memref<128x128xf32, #tpu.memory_space<vmem>>) offsets(%arg8 : memref<128xi32, #tpu.memory_space<vmem>>) semaphore(%arg17 : memref<!tpu.dma_semaphore, #tpu.memory_space<semaphore_mem>>)
      %dma_wait3A_257 = arith.constant 0 : i32
      %dma_wait3A_258 = arith.constant 0 : i32
      %dma_wait3A_259 = tpu.memref_slice %arg2[%dma_wait3A_257, %dma_wait3A_258] : memref<10000x128xf32, #tpu.memory_space<hbm>> -> memref<10000x128xf32, #tpu.memory_space<hbm>>
      tpu.wait_indirect_dma semaphore(%arg16 : memref<!tpu.dma_semaphore, #tpu.memory_space<semaphore_mem>>) src(%dma_wait3A_259 : memref<10000x128xf32, #tpu.memory_space<hbm>>) dst(%arg11 : memref<128x128xf32, #tpu.memory_space<vmem>>)
      %dma_start3A_260 = arith.constant 0 : i32
      %dma_start3A_261 = arith.constant 0 : i32
      %dma_start3A_262 = tpu.memref_slice %arg13[%dma_start3A_260, %dma_start3A_261] : memref<10240x128xf32, #tpu.memory_space<vmem_shared>> -> memref<10240x128xf32, #tpu.memory_space<vmem_shared>>
      tpu.enqueue_indirect_dma source(%arg11 : memref<128x128xf32, #tpu.memory_space<vmem>>) target(%dma_start3A_262 : memref<10240x128xf32, #tpu.memory_space<vmem_shared>>) offsets(%arg9 : memref<128xi32, #tpu.memory_space<vmem>>) semaphore(%arg18 : memref<!tpu.dma_semaphore, #tpu.memory_space<semaphore_mem>>) {add = true}
    } else {
    }
    %scan3A_42 = arith.constant 0 : i32
    %scan3A_43 = arith.constant 40 : i32
    %scan3A_44 = arith.addi %scan3A_42, %scan3A_43 : i32
    %scan3A_45 = arith.constant 1 : i32
    scf.for %scan3A_97 = %scan3A_42 to %scan3A_44 step %scan3A_45  : i32 {
      %mul3A_98 = arith.constant 1 : i32
      %mul3A_99 = arith.muli %scan3A_97, %mul3A_98 : i32
      %add3A_100 = arith.constant 1 : i32
      %add3A_101 = arith.addi %add3A_100, %mul3A_99 : i32
      %mul3A_102 = arith.constant 2 : i32
      %mul3A_103 = arith.muli %mul3A_102, %add3A_101 : i32
      %lt3A_104 = arith.cmpi slt, %mul3A_103, %add3A_20 : i32
      %convert_element_type3A_105 = arith.extui %lt3A_104 : i1 to i32
      %cond3A_106 = arith.constant 0 : i32
      %cond3A_107 = arith.cmpi ne, %convert_element_type3A_105, %cond3A_106 : i32
      scf.if %cond3A_107 {
        %add3A_116 = arith.constant 1 : i32
        %add3A_117 = arith.addi %mul3A_103, %add3A_116 : i32
        %mul3A_118 = arith.constant 32 : i32
        %mul3A_119 = arith.muli %add3A_117, %mul3A_118 : i32
        %add3A_120 = arith.addi %add3A, %mul3A_119 : i32
        %min3A = arith.constant 2499 : i32
        %min3A_121 = arith.minsi %add3A_120, %min3A : i32
        %mul3A_122 = arith.constant 128 : i32
        %mul3A_123 = arith.muli %min3A_121, %mul3A_122 : i32
        %dma_start3A_124 = arith.constant 0 : i32
        %dma_start3A_125 = tpu.memref_slice %arg3[%dma_start3A_124, %mul3A_123] : memref<2x320000xi32, #tpu.memory_space<hbm>> -> memref<2x128xi32, #tpu.memory_space<hbm>>
        %dma_start3A_126 = arith.constant 0 : i32
        %dma_start3A_127 = tpu.memref_slice %arg3[%dma_start3A_126, %mul3A_123] : memref<2x320000xi32, #tpu.memory_space<hbm>> -> memref<2x128xi32, #tpu.memory_space<hbm>>
        tpu.enqueue_dma source(%dma_start3A_127 : memref<2x128xi32, #tpu.memory_space<hbm>>) target(%arg6 : memref<2x128xi32, #tpu.memory_space<vmem>>) target_semaphore(%arg15 : memref<!tpu.dma_semaphore, #tpu.memory_space<semaphore_mem>>)
        %dma_wait3A_128 = arith.constant 0 : i32
        %dma_wait3A_129 = arith.constant 0 : i32
        %dma_wait3A_130 = tpu.memref_slice %arg3[%dma_wait3A_128, %dma_wait3A_129] : memref<2x320000xi32, #tpu.memory_space<hbm>> -> memref<2x128xi32, #tpu.memory_space<hbm>>
        %dma_wait3A_131 = arith.constant 0 : i32
        %dma_wait3A_132 = arith.constant 0 : i32
        %dma_wait3A_133 = tpu.memref_slice %arg3[%dma_wait3A_131, %dma_wait3A_132] : memref<2x320000xi32, #tpu.memory_space<hbm>> -> memref<2x128xi32, #tpu.memory_space<hbm>>
        tpu.wait_dma2 semaphore(%arg14 : memref<!tpu.dma_semaphore, #tpu.memory_space<semaphore_mem>>) src(%dma_wait3A_133 : memref<2x128xi32, #tpu.memory_space<hbm>>) dst(%arg5 : memref<2x128xi32, #tpu.memory_space<vmem>>)
        %dma_wait3A_134 = arith.constant 0 : i32
        %dma_wait3A_135 = arith.constant 0 : i32
        %dma_wait3A_136 = tpu.memref_slice %arg13[%dma_wait3A_134, %dma_wait3A_135] : memref<10240x128xf32, #tpu.memory_space<vmem_shared>> -> memref<10240x128xf32, #tpu.memory_space<vmem_shared>>
        tpu.wait_indirect_dma semaphore(%arg18 : memref<!tpu.dma_semaphore, #tpu.memory_space<semaphore_mem>>) src(%arg11 : memref<128x128xf32, #tpu.memory_space<vmem>>) dst(%dma_wait3A_136 : memref<10240x128xf32, #tpu.memory_space<vmem_shared>>)
        %get3A = arith.constant 0 : i32
        %get3A_137 = arith.index_cast %get3A : i32 to index
        %get3A_138 = arith.constant 0 : index
        %get3A_139 = tpu.vector_load %arg5[%get3A_137, %get3A_138] {strides = array<i32>} : memref<2x128xi32, #tpu.memory_space<vmem>>, vector<1x16xi32>,
        %get3A_140 = vector.shape_cast %get3A_139 : vector<1x16xi32> to vector<16xi32>
        %swap3A = arith.constant 0 : index
        %swap3A_141 = tpu.vector_load %arg7[%swap3A] {strides = array<i32>} : memref<128xi32, #tpu.memory_space<vmem>>, vector<16xi32>,
        %swap3A_142 = vector.shape_cast %swap3A_141 : vector<16xi32> to vector<16xi32>
        %swap3A_143 = vector.shape_cast %get3A_140 : vector<16xi32> to vector<16xi32>
        tpu.vector_store %arg7[%swap3A], %swap3A_143 {strides = array<i32>} : memref<128xi32, #tpu.memory_space<vmem>>, vector<16xi32>,
        %get3A_144 = arith.constant 1 : i32
        %get3A_145 = arith.index_cast %get3A_144 : i32 to index
        %get3A_146 = arith.constant 0 : index
        %get3A_147 = tpu.vector_load %arg5[%get3A_145, %get3A_146] {strides = array<i32>} : memref<2x128xi32, #tpu.memory_space<vmem>>, vector<1x16xi32>,
        %get3A_148 = vector.shape_cast %get3A_147 : vector<1x16xi32> to vector<16xi32>
        %swap3A_149 = arith.constant 0 : index
        %swap3A_150 = tpu.vector_load %arg9[%swap3A_149] {strides = array<i32>} : memref<128xi32, #tpu.memory_space<vmem>>, vector<16xi32>,
        %swap3A_151 = vector.shape_cast %swap3A_150 : vector<16xi32> to vector<16xi32>
        %swap3A_152 = vector.shape_cast %get3A_148 : vector<16xi32> to vector<16xi32>
        tpu.vector_store %arg9[%swap3A_149], %swap3A_152 {strides = array<i32>} : memref<128xi32, #tpu.memory_space<vmem>>, vector<16xi32>,
        %get3A_153 = arith.constant 0 : i32
        %get3A_154 = arith.index_cast %get3A_153 : i32 to index
        %get3A_155 = arith.constant 16 : index
        %get3A_156 = tpu.vector_load %arg5[%get3A_154, %get3A_155] {strides = array<i32>} : memref<2x128xi32, #tpu.memory_space<vmem>>, vector<1x16xi32>,
        %get3A_157 = vector.shape_cast %get3A_156 : vector<1x16xi32> to vector<16xi32>
        %swap3A_158 = arith.constant 16 : index
        %swap3A_159 = tpu.vector_load %arg7[%swap3A_158] {strides = array<i32>} : memref<128xi32, #tpu.memory_space<vmem>>, vector<16xi32>,
        %swap3A_160 = vector.shape_cast %swap3A_159 : vector<16xi32> to vector<16xi32>
        %swap3A_161 = vector.shape_cast %get3A_157 : vector<16xi32> to vector<16xi32>
        tpu.vector_store %arg7[%swap3A_158], %swap3A_161 {strides = array<i32>} : memref<128xi32, #tpu.memory_space<vmem>>, vector<16xi32>,
        %get3A_162 = arith.constant 1 : i32
        %get3A_163 = arith.index_cast %get3A_162 : i32 to index
        %get3A_164 = arith.constant 16 : index
        %get3A_165 = tpu.vector_load %arg5[%get3A_163, %get3A_164] {strides = array<i32>} : memref<2x128xi32, #tpu.memory_space<vmem>>, vector<1x16xi32>,
        %get3A_166 = vector.shape_cast %get3A_165 : vector<1x16xi32> to vector<16xi32>
        %swap3A_167 = arith.constant 16 : index
        %swap3A_168 = tpu.vector_load %arg9[%swap3A_167] {strides = array<i32>} : memref<128xi32, #tpu.memory_space<vmem>>, vector<16xi32>,
        %swap3A_169 = vector.shape_cast %swap3A_168 : vector<16xi32> to vector<16xi32>
        %swap3A_170 = vector.shape_cast %get3A_166 : vector<16xi32> to vector<16xi32>
        tpu.vector_store %arg9[%swap3A_167], %swap3A_170 {strides = array<i32>} : memref<128xi32, #tpu.memory_space<vmem>>, vector<16xi32>,
        %get3A_171 = arith.constant 0 : i32
        %get3A_172 = arith.index_cast %get3A_171 : i32 to index
        %get3A_173 = arith.constant 32 : index
        %get3A_174 = tpu.vector_load %arg5[%get3A_172, %get3A_173] {strides = array<i32>} : memref<2x128xi32, #tpu.memory_space<vmem>>, vector<1x16xi32>,
        %get3A_175 = vector.shape_cast %get3A_174 : vector<1x16xi32> to vector<16xi32>
        %swap3A_176 = arith.constant 32 : index
        %swap3A_177 = tpu.vector_load %arg7[%swap3A_176] {strides = array<i32>} : memref<128xi32, #tpu.memory_space<vmem>>, vector<16xi32>,
        %swap3A_178 = vector.shape_cast %swap3A_177 : vector<16xi32> to vector<16xi32>
        %swap3A_179 = vector.shape_cast %get3A_175 : vector<16xi32> to vector<16xi32>
        tpu.vector_store %arg7[%swap3A_176], %swap3A_179 {strides = array<i32>} : memref<128xi32, #tpu.memory_space<vmem>>, vector<16xi32>,
        %get3A_180 = arith.constant 1 : i32
        %get3A_181 = arith.index_cast %get3A_180 : i32 to index
        %get3A_182 = arith.constant 32 : index
        %get3A_183 = tpu.vector_load %arg5[%get3A_181, %get3A_182] {strides = array<i32>} : memref<2x128xi32, #tpu.memory_space<vmem>>, vector<1x16xi32>,
        %get3A_184 = vector.shape_cast %get3A_183 : vector<1x16xi32> to vector<16xi32>
        %swap3A_185 = arith.constant 32 : index
        %swap3A_186 = tpu.vector_load %arg9[%swap3A_185] {strides = array<i32>} : memref<128xi32, #tpu.memory_space<vmem>>, vector<16xi32>,
        %swap3A_187 = vector.shape_cast %swap3A_186 : vector<16xi32> to vector<16xi32>
        %swap3A_188 = vector.shape_cast %get3A_184 : vector<16xi32> to vector<16xi32>
        tpu.vector_store %arg9[%swap3A_185], %swap3A_188 {strides = array<i32>} : memref<128xi32, #tpu.memory_space<vmem>>, vector<16xi32>,
        %get3A_189 = arith.constant 0 : i32
        %get3A_190 = arith.index_cast %get3A_189 : i32 to index
        %get3A_191 = arith.constant 48 : index
        %get3A_192 = tpu.vector_load %arg5[%get3A_190, %get3A_191] {strides = array<i32>} : memref<2x128xi32, #tpu.memory_space<vmem>>, vector<1x16xi32>,
        %get3A_193 = vector.shape_cast %get3A_192 : vector<1x16xi32> to vector<16xi32>
        %swap3A_194 = arith.constant 48 : index
        %swap3A_195 = tpu.vector_load %arg7[%swap3A_194] {strides = array<i32>} : memref<128xi32, #tpu.memory_space<vmem>>, vector<16xi32>,
        %swap3A_196 = vector.shape_cast %swap3A_195 : vector<16xi32> to vector<16xi32>
        %swap3A_197 = vector.shape_cast %get3A_193 : vector<16xi32> to vector<16xi32>
        tpu.vector_store %arg7[%swap3A_194], %swap3A_197 {strides = array<i32>} : memref<128xi32, #tpu.memory_space<vmem>>, vector<16xi32>,
        %get3A_198 = arith.constant 1 : i32
        %get3A_199 = arith.index_cast %get3A_198 : i32 to index
        %get3A_200 = arith.constant 48 : index
        %get3A_201 = tpu.vector_load %arg5[%get3A_199, %get3A_200] {strides = array<i32>} : memref<2x128xi32, #tpu.memory_space<vmem>>, vector<1x16xi32>,
        %get3A_202 = vector.shape_cast %get3A_201 : vector<1x16xi32> to vector<16xi32>
        %swap3A_203 = arith.constant 48 : index
        %swap3A_204 = tpu.vector_load %arg9[%swap3A_203] {strides = array<i32>} : memref<128xi32, #tpu.memory_space<vmem>>, vector<16xi32>,
        %swap3A_205 = vector.shape_cast %swap3A_204 : vector<16xi32> to vector<16xi32>
        %swap3A_206 = vector.shape_cast %get3A_202 : vector<16xi32> to vector<16xi32>
        tpu.vector_store %arg9[%swap3A_203], %swap3A_206 {strides = array<i32>} : memref<128xi32, #tpu.memory_space<vmem>>, vector<16xi32>,
        %get3A_207 = arith.constant 0 : i32
        %get3A_208 = arith.index_cast %get3A_207 : i32 to index
        %get3A_209 = arith.constant 64 : index
        %get3A_210 = tpu.vector_load %arg5[%get3A_208, %get3A_209] {strides = array<i32>} : memref<2x128xi32, #tpu.memory_space<vmem>>, vector<1x16xi32>,
        %get3A_211 = vector.shape_cast %get3A_210 : vector<1x16xi32> to vector<16xi32>
        %swap3A_212 = arith.constant 64 : index
        %swap3A_213 = tpu.vector_load %arg7[%swap3A_212] {strides = array<i32>} : memref<128xi32, #tpu.memory_space<vmem>>, vector<16xi32>,
        %swap3A_214 = vector.shape_cast %swap3A_213 : vector<16xi32> to vector<16xi32>
        %swap3A_215 = vector.shape_cast %get3A_211 : vector<16xi32> to vector<16xi32>
        tpu.vector_store %arg7[%swap3A_212], %swap3A_215 {strides = array<i32>} : memref<128xi32, #tpu.memory_space<vmem>>, vector<16xi32>,
        %get3A_216 = arith.constant 1 : i32
        %get3A_217 = arith.index_cast %get3A_216 : i32 to index
        %get3A_218 = arith.constant 64 : index
        %get3A_219 = tpu.vector_load %arg5[%get3A_217, %get3A_218] {strides = array<i32>} : memref<2x128xi32, #tpu.memory_space<vmem>>, vector<1x16xi32>,
        %get3A_220 = vector.shape_cast %get3A_219 : vector<1x16xi32> to vector<16xi32>
        %swap3A_221 = arith.constant 64 : index
        %swap3A_222 = tpu.vector_load %arg9[%swap3A_221] {strides = array<i32>} : memref<128xi32, #tpu.memory_space<vmem>>, vector<16xi32>,
        %swap3A_223 = vector.shape_cast %swap3A_222 : vector<16xi32> to vector<16xi32>
        %swap3A_224 = vector.shape_cast %get3A_220 : vector<16xi32> to vector<16xi32>
        tpu.vector_store %arg9[%swap3A_221], %swap3A_224 {strides = array<i32>} : memref<128xi32, #tpu.memory_space<vmem>>, vector<16xi32>,
        %get3A_225 = arith.constant 0 : i32
        %get3A_226 = arith.index_cast %get3A_225 : i32 to index
        %get3A_227 = arith.constant 80 : index
        %get3A_228 = tpu.vector_load %arg5[%get3A_226, %get3A_227] {strides = array<i32>} : memref<2x128xi32, #tpu.memory_space<vmem>>, vector<1x16xi32>,
        %get3A_229 = vector.shape_cast %get3A_228 : vector<1x16xi32> to vector<16xi32>
        %swap3A_230 = arith.constant 80 : index
        %swap3A_231 = tpu.vector_load %arg7[%swap3A_230] {strides = array<i32>} : memref<128xi32, #tpu.memory_space<vmem>>, vector<16xi32>,
        %swap3A_232 = vector.shape_cast %swap3A_231 : vector<16xi32> to vector<16xi32>
        %swap3A_233 = vector.shape_cast %get3A_229 : vector<16xi32> to vector<16xi32>
        tpu.vector_store %arg7[%swap3A_230], %swap3A_233 {strides = array<i32>} : memref<128xi32, #tpu.memory_space<vmem>>, vector<16xi32>,
        %get3A_234 = arith.constant 1 : i32
        %get3A_235 = arith.index_cast %get3A_234 : i32 to index
        %get3A_236 = arith.constant 80 : index
        %get3A_237 = tpu.vector_load %arg5[%get3A_235, %get3A_236] {strides = array<i32>} : memref<2x128xi32, #tpu.memory_space<vmem>>, vector<1x16xi32>,
        %get3A_238 = vector.shape_cast %get3A_237 : vector<1x16xi32> to vector<16xi32>
        %swap3A_239 = arith.constant 80 : index
        %swap3A_240 = tpu.vector_load %arg9[%swap3A_239] {strides = array<i32>} : memref<128xi32, #tpu.memory_space<vmem>>, vector<16xi32>,
        %swap3A_241 = vector.shape_cast %swap3A_240 : vector<16xi32> to vector<16xi32>
        %swap3A_242 = vector.shape_cast %get3A_238 : vector<16xi32> to vector<16xi32>
        tpu.vector_store %arg9[%swap3A_239], %swap3A_242 {strides = array<i32>} : memref<128xi32, #tpu.memory_space<vmem>>, vector<16xi32>,
        %get3A_243 = arith.constant 0 : i32
        %get3A_244 = arith.index_cast %get3A_243 : i32 to index
        %get3A_245 = arith.constant 96 : index
        %get3A_246 = tpu.vector_load %arg5[%get3A_244, %get3A_245] {strides = array<i32>} : memref<2x128xi32, #tpu.memory_space<vmem>>, vector<1x16xi32>,
        %get3A_247 = vector.shape_cast %get3A_246 : vector<1x16xi32> to vector<16xi32>
        %swap3A_248 = arith.constant 96 : index
        %swap3A_249 = tpu.vector_load %arg7[%swap3A_248] {strides = array<i32>} : memref<128xi32, #tpu.memory_space<vmem>>, vector<16xi32>,
        %swap3A_250 = vector.shape_cast %swap3A_249 : vector<16xi32> to vector<16xi32>
        %swap3A_251 = vector.shape_cast %get3A_247 : vector<16xi32> to vector<16xi32>
        tpu.vector_store %arg7[%swap3A_248], %swap3A_251 {strides = array<i32>} : memref<128xi32, #tpu.memory_space<vmem>>, vector<16xi32>,
        %get3A_252 = arith.constant 1 : i32
        %get3A_253 = arith.index_cast %get3A_252 : i32 to index
        %get3A_254 = arith.constant 96 : index
        %get3A_255 = tpu.vector_load %arg5[%get3A_253, %get3A_254] {strides = array<i32>} : memref<2x128xi32, #tpu.memory_space<vmem>>, vector<1x16xi32>,
        %get3A_256 = vector.shape_cast %get3A_255 : vector<1x16xi32> to vector<16xi32>
        %swap3A_257 = arith.constant 96 : index
        %swap3A_258 = tpu.vector_load %arg9[%swap3A_257] {strides = array<i32>} : memref<128xi32, #tpu.memory_space<vmem>>, vector<16xi32>,
        %swap3A_259 = vector.shape_cast %swap3A_258 : vector<16xi32> to vector<16xi32>
        %swap3A_260 = vector.shape_cast %get3A_256 : vector<16xi32> to vector<16xi32>
        tpu.vector_store %arg9[%swap3A_257], %swap3A_260 {strides = array<i32>} : memref<128xi32, #tpu.memory_space<vmem>>, vector<16xi32>,
        %get3A_261 = arith.constant 0 : i32
        %get3A_262 = arith.index_cast %get3A_261 : i32 to index
        %get3A_263 = arith.constant 112 : index
        %get3A_264 = tpu.vector_load %arg5[%get3A_262, %get3A_263] {strides = array<i32>} : memref<2x128xi32, #tpu.memory_space<vmem>>, vector<1x16xi32>,
        %get3A_265 = vector.shape_cast %get3A_264 : vector<1x16xi32> to vector<16xi32>
        %swap3A_266 = arith.constant 112 : index
        %swap3A_267 = tpu.vector_load %arg7[%swap3A_266] {strides = array<i32>} : memref<128xi32, #tpu.memory_space<vmem>>, vector<16xi32>,
        %swap3A_268 = vector.shape_cast %swap3A_267 : vector<16xi32> to vector<16xi32>
        %swap3A_269 = vector.shape_cast %get3A_265 : vector<16xi32> to vector<16xi32>
        tpu.vector_store %arg7[%swap3A_266], %swap3A_269 {strides = array<i32>} : memref<128xi32, #tpu.memory_space<vmem>>, vector<16xi32>,
        %get3A_270 = arith.constant 1 : i32
        %get3A_271 = arith.index_cast %get3A_270 : i32 to index
        %get3A_272 = arith.constant 112 : index
        %get3A_273 = tpu.vector_load %arg5[%get3A_271, %get3A_272] {strides = array<i32>} : memref<2x128xi32, #tpu.memory_space<vmem>>, vector<1x16xi32>,
        %get3A_274 = vector.shape_cast %get3A_273 : vector<1x16xi32> to vector<16xi32>
        %swap3A_275 = arith.constant 112 : index
        %swap3A_276 = tpu.vector_load %arg9[%swap3A_275] {strides = array<i32>} : memref<128xi32, #tpu.memory_space<vmem>>, vector<16xi32>,
        %swap3A_277 = vector.shape_cast %swap3A_276 : vector<16xi32> to vector<16xi32>
        %swap3A_278 = vector.shape_cast %get3A_274 : vector<16xi32> to vector<16xi32>
        tpu.vector_store %arg9[%swap3A_275], %swap3A_278 {strides = array<i32>} : memref<128xi32, #tpu.memory_space<vmem>>, vector<16xi32>,
        %dma_start3A_279 = arith.constant 0 : i32
        %dma_start3A_280 = arith.constant 0 : i32
        %dma_start3A_281 = tpu.memref_slice %arg2[%dma_start3A_279, %dma_start3A_280] : memref<10000x128xf32, #tpu.memory_space<hbm>> -> memref<10000x128xf32, #tpu.memory_space<hbm>>
        tpu.enqueue_indirect_dma source(%dma_start3A_281 : memref<10000x128xf32, #tpu.memory_space<hbm>>) target(%arg11 : memref<128x128xf32, #tpu.memory_space<vmem>>) offsets(%arg7 : memref<128xi32, #tpu.memory_space<vmem>>) semaphore(%arg16 : memref<!tpu.dma_semaphore, #tpu.memory_space<semaphore_mem>>)
        %dma_wait3A_282 = arith.constant 0 : i32
        %dma_wait3A_283 = arith.constant 0 : i32
        %dma_wait3A_284 = tpu.memref_slice %arg2[%dma_wait3A_282, %dma_wait3A_283] : memref<10000x128xf32, #tpu.memory_space<hbm>> -> memref<10000x128xf32, #tpu.memory_space<hbm>>
        tpu.wait_indirect_dma semaphore(%arg17 : memref<!tpu.dma_semaphore, #tpu.memory_space<semaphore_mem>>) src(%dma_wait3A_284 : memref<10000x128xf32, #tpu.memory_space<hbm>>) dst(%arg12 : memref<128x128xf32, #tpu.memory_space<vmem>>)
        %dma_start3A_285 = arith.constant 0 : i32
        %dma_start3A_286 = arith.constant 0 : i32
        %dma_start3A_287 = tpu.memref_slice %arg13[%dma_start3A_285, %dma_start3A_286] : memref<10240x128xf32, #tpu.memory_space<vmem_shared>> -> memref<10240x128xf32, #tpu.memory_space<vmem_shared>>
        tpu.enqueue_indirect_dma source(%arg12 : memref<128x128xf32, #tpu.memory_space<vmem>>) target(%dma_start3A_287 : memref<10240x128xf32, #tpu.memory_space<vmem_shared>>) offsets(%arg10 : memref<128xi32, #tpu.memory_space<vmem>>) semaphore(%arg19 : memref<!tpu.dma_semaphore, #tpu.memory_space<semaphore_mem>>) {add = true}
      } else {
      }
      %mul3A_108 = arith.constant 2 : i32
      %mul3A_109 = arith.muli %mul3A_108, %add3A_101 : i32
      %add3A_110 = arith.constant 1 : i32
      %add3A_111 = arith.addi %mul3A_109, %add3A_110 : i32
      %lt3A_112 = arith.cmpi slt, %add3A_111, %add3A_20 : i32
      %convert_element_type3A_113 = arith.extui %lt3A_112 : i1 to i32
      %cond3A_114 = arith.constant 0 : i32
      %cond3A_115 = arith.cmpi ne, %convert_element_type3A_113, %cond3A_114 : i32
      scf.if %cond3A_115 {
        %add3A_116 = arith.constant 1 : i32
        %add3A_117 = arith.addi %add3A_111, %add3A_116 : i32
        %mul3A_118 = arith.constant 32 : i32
        %mul3A_119 = arith.muli %add3A_117, %mul3A_118 : i32
        %add3A_120 = arith.addi %add3A, %mul3A_119 : i32
        %min3A = arith.constant 2499 : i32
        %min3A_121 = arith.minsi %add3A_120, %min3A : i32
        %mul3A_122 = arith.constant 128 : i32
        %mul3A_123 = arith.muli %min3A_121, %mul3A_122 : i32
        %dma_start3A_124 = arith.constant 0 : i32
        %dma_start3A_125 = tpu.memref_slice %arg3[%dma_start3A_124, %mul3A_123] : memref<2x320000xi32, #tpu.memory_space<hbm>> -> memref<2x128xi32, #tpu.memory_space<hbm>>
        %dma_start3A_126 = arith.constant 0 : i32
        %dma_start3A_127 = tpu.memref_slice %arg3[%dma_start3A_126, %mul3A_123] : memref<2x320000xi32, #tpu.memory_space<hbm>> -> memref<2x128xi32, #tpu.memory_space<hbm>>
        tpu.enqueue_dma source(%dma_start3A_127 : memref<2x128xi32, #tpu.memory_space<hbm>>) target(%arg5 : memref<2x128xi32, #tpu.memory_space<vmem>>) target_semaphore(%arg14 : memref<!tpu.dma_semaphore, #tpu.memory_space<semaphore_mem>>)
        %dma_wait3A_128 = arith.constant 0 : i32
        %dma_wait3A_129 = arith.constant 0 : i32
        %dma_wait3A_130 = tpu.memref_slice %arg3[%dma_wait3A_128, %dma_wait3A_129] : memref<2x320000xi32, #tpu.memory_space<hbm>> -> memref<2x128xi32, #tpu.memory_space<hbm>>
        %dma_wait3A_131 = arith.constant 0 : i32
        %dma_wait3A_132 = arith.constant 0 : i32
        %dma_wait3A_133 = tpu.memref_slice %arg3[%dma_wait3A_131, %dma_wait3A_132] : memref<2x320000xi32, #tpu.memory_space<hbm>> -> memref<2x128xi32, #tpu.memory_space<hbm>>
        tpu.wait_dma2 semaphore(%arg15 : memref<!tpu.dma_semaphore, #tpu.memory_space<semaphore_mem>>) src(%dma_wait3A_133 : memref<2x128xi32, #tpu.memory_space<hbm>>) dst(%arg6 : memref<2x128xi32, #tpu.memory_space<vmem>>)
        %dma_wait3A_134 = arith.constant 0 : i32
        %dma_wait3A_135 = arith.constant 0 : i32
        %dma_wait3A_136 = tpu.memref_slice %arg13[%dma_wait3A_134, %dma_wait3A_135] : memref<10240x128xf32, #tpu.memory_space<vmem_shared>> -> memref<10240x128xf32, #tpu.memory_space<vmem_shared>>
        tpu.wait_indirect_dma semaphore(%arg19 : memref<!tpu.dma_semaphore, #tpu.memory_space<semaphore_mem>>) src(%arg12 : memref<128x128xf32, #tpu.memory_space<vmem>>) dst(%dma_wait3A_136 : memref<10240x128xf32, #tpu.memory_space<vmem_shared>>)
        %get3A = arith.constant 0 : i32
        %get3A_137 = arith.index_cast %get3A : i32 to index
        %get3A_138 = arith.constant 0 : index
        %get3A_139 = tpu.vector_load %arg6[%get3A_137, %get3A_138] {strides = array<i32>} : memref<2x128xi32, #tpu.memory_space<vmem>>, vector<1x16xi32>,
        %get3A_140 = vector.shape_cast %get3A_139 : vector<1x16xi32> to vector<16xi32>
        %swap3A = arith.constant 0 : index
        %swap3A_141 = tpu.vector_load %arg8[%swap3A] {strides = array<i32>} : memref<128xi32, #tpu.memory_space<vmem>>, vector<16xi32>,
        %swap3A_142 = vector.shape_cast %swap3A_141 : vector<16xi32> to vector<16xi32>
        %swap3A_143 = vector.shape_cast %get3A_140 : vector<16xi32> to vector<16xi32>
        tpu.vector_store %arg8[%swap3A], %swap3A_143 {strides = array<i32>} : memref<128xi32, #tpu.memory_space<vmem>>, vector<16xi32>,
        %get3A_144 = arith.constant 1 : i32
        %get3A_145 = arith.index_cast %get3A_144 : i32 to index
        %get3A_146 = arith.constant 0 : index
        %get3A_147 = tpu.vector_load %arg6[%get3A_145, %get3A_146] {strides = array<i32>} : memref<2x128xi32, #tpu.memory_space<vmem>>, vector<1x16xi32>,
        %get3A_148 = vector.shape_cast %get3A_147 : vector<1x16xi32> to vector<16xi32>
        %swap3A_149 = arith.constant 0 : index
        %swap3A_150 = tpu.vector_load %arg10[%swap3A_149] {strides = array<i32>} : memref<128xi32, #tpu.memory_space<vmem>>, vector<16xi32>,
        %swap3A_151 = vector.shape_cast %swap3A_150 : vector<16xi32> to vector<16xi32>
        %swap3A_152 = vector.shape_cast %get3A_148 : vector<16xi32> to vector<16xi32>
        tpu.vector_store %arg10[%swap3A_149], %swap3A_152 {strides = array<i32>} : memref<128xi32, #tpu.memory_space<vmem>>, vector<16xi32>,
        %get3A_153 = arith.constant 0 : i32
        %get3A_154 = arith.index_cast %get3A_153 : i32 to index
        %get3A_155 = arith.constant 16 : index
        %get3A_156 = tpu.vector_load %arg6[%get3A_154, %get3A_155] {strides = array<i32>} : memref<2x128xi32, #tpu.memory_space<vmem>>, vector<1x16xi32>,
        %get3A_157 = vector.shape_cast %get3A_156 : vector<1x16xi32> to vector<16xi32>
        %swap3A_158 = arith.constant 16 : index
        %swap3A_159 = tpu.vector_load %arg8[%swap3A_158] {strides = array<i32>} : memref<128xi32, #tpu.memory_space<vmem>>, vector<16xi32>,
        %swap3A_160 = vector.shape_cast %swap3A_159 : vector<16xi32> to vector<16xi32>
        %swap3A_161 = vector.shape_cast %get3A_157 : vector<16xi32> to vector<16xi32>
        tpu.vector_store %arg8[%swap3A_158], %swap3A_161 {strides = array<i32>} : memref<128xi32, #tpu.memory_space<vmem>>, vector<16xi32>,
        %get3A_162 = arith.constant 1 : i32
        %get3A_163 = arith.index_cast %get3A_162 : i32 to index
        %get3A_164 = arith.constant 16 : index
        %get3A_165 = tpu.vector_load %arg6[%get3A_163, %get3A_164] {strides = array<i32>} : memref<2x128xi32, #tpu.memory_space<vmem>>, vector<1x16xi32>,
        %get3A_166 = vector.shape_cast %get3A_165 : vector<1x16xi32> to vector<16xi32>
        %swap3A_167 = arith.constant 16 : index
        %swap3A_168 = tpu.vector_load %arg10[%swap3A_167] {strides = array<i32>} : memref<128xi32, #tpu.memory_space<vmem>>, vector<16xi32>,
        %swap3A_169 = vector.shape_cast %swap3A_168 : vector<16xi32> to vector<16xi32>
        %swap3A_170 = vector.shape_cast %get3A_166 : vector<16xi32> to vector<16xi32>
        tpu.vector_store %arg10[%swap3A_167], %swap3A_170 {strides = array<i32>} : memref<128xi32, #tpu.memory_space<vmem>>, vector<16xi32>,
        %get3A_171 = arith.constant 0 : i32
        %get3A_172 = arith.index_cast %get3A_171 : i32 to index
        %get3A_173 = arith.constant 32 : index
        %get3A_174 = tpu.vector_load %arg6[%get3A_172, %get3A_173] {strides = array<i32>} : memref<2x128xi32, #tpu.memory_space<vmem>>, vector<1x16xi32>,
        %get3A_175 = vector.shape_cast %get3A_174 : vector<1x16xi32> to vector<16xi32>
        %swap3A_176 = arith.constant 32 : index
        %swap3A_177 = tpu.vector_load %arg8[%swap3A_176] {strides = array<i32>} : memref<128xi32, #tpu.memory_space<vmem>>, vector<16xi32>,
        %swap3A_178 = vector.shape_cast %swap3A_177 : vector<16xi32> to vector<16xi32>
        %swap3A_179 = vector.shape_cast %get3A_175 : vector<16xi32> to vector<16xi32>
        tpu.vector_store %arg8[%swap3A_176], %swap3A_179 {strides = array<i32>} : memref<128xi32, #tpu.memory_space<vmem>>, vector<16xi32>,
        %get3A_180 = arith.constant 1 : i32
        %get3A_181 = arith.index_cast %get3A_180 : i32 to index
        %get3A_182 = arith.constant 32 : index
        %get3A_183 = tpu.vector_load %arg6[%get3A_181, %get3A_182] {strides = array<i32>} : memref<2x128xi32, #tpu.memory_space<vmem>>, vector<1x16xi32>,
        %get3A_184 = vector.shape_cast %get3A_183 : vector<1x16xi32> to vector<16xi32>
        %swap3A_185 = arith.constant 32 : index
        %swap3A_186 = tpu.vector_load %arg10[%swap3A_185] {strides = array<i32>} : memref<128xi32, #tpu.memory_space<vmem>>, vector<16xi32>,
        %swap3A_187 = vector.shape_cast %swap3A_186 : vector<16xi32> to vector<16xi32>
        %swap3A_188 = vector.shape_cast %get3A_184 : vector<16xi32> to vector<16xi32>
        tpu.vector_store %arg10[%swap3A_185], %swap3A_188 {strides = array<i32>} : memref<128xi32, #tpu.memory_space<vmem>>, vector<16xi32>,
        %get3A_189 = arith.constant 0 : i32
        %get3A_190 = arith.index_cast %get3A_189 : i32 to index
        %get3A_191 = arith.constant 48 : index
        %get3A_192 = tpu.vector_load %arg6[%get3A_190, %get3A_191] {strides = array<i32>} : memref<2x128xi32, #tpu.memory_space<vmem>>, vector<1x16xi32>,
        %get3A_193 = vector.shape_cast %get3A_192 : vector<1x16xi32> to vector<16xi32>
        %swap3A_194 = arith.constant 48 : index
        %swap3A_195 = tpu.vector_load %arg8[%swap3A_194] {strides = array<i32>} : memref<128xi32, #tpu.memory_space<vmem>>, vector<16xi32>,
        %swap3A_196 = vector.shape_cast %swap3A_195 : vector<16xi32> to vector<16xi32>
        %swap3A_197 = vector.shape_cast %get3A_193 : vector<16xi32> to vector<16xi32>
        tpu.vector_store %arg8[%swap3A_194], %swap3A_197 {strides = array<i32>} : memref<128xi32, #tpu.memory_space<vmem>>, vector<16xi32>,
        %get3A_198 = arith.constant 1 : i32
        %get3A_199 = arith.index_cast %get3A_198 : i32 to index
        %get3A_200 = arith.constant 48 : index
        %get3A_201 = tpu.vector_load %arg6[%get3A_199, %get3A_200] {strides = array<i32>} : memref<2x128xi32, #tpu.memory_space<vmem>>, vector<1x16xi32>,
        %get3A_202 = vector.shape_cast %get3A_201 : vector<1x16xi32> to vector<16xi32>
        %swap3A_203 = arith.constant 48 : index
        %swap3A_204 = tpu.vector_load %arg10[%swap3A_203] {strides = array<i32>} : memref<128xi32, #tpu.memory_space<vmem>>, vector<16xi32>,
        %swap3A_205 = vector.shape_cast %swap3A_204 : vector<16xi32> to vector<16xi32>
        %swap3A_206 = vector.shape_cast %get3A_202 : vector<16xi32> to vector<16xi32>
        tpu.vector_store %arg10[%swap3A_203], %swap3A_206 {strides = array<i32>} : memref<128xi32, #tpu.memory_space<vmem>>, vector<16xi32>,
        %get3A_207 = arith.constant 0 : i32
        %get3A_208 = arith.index_cast %get3A_207 : i32 to index
        %get3A_209 = arith.constant 64 : index
        %get3A_210 = tpu.vector_load %arg6[%get3A_208, %get3A_209] {strides = array<i32>} : memref<2x128xi32, #tpu.memory_space<vmem>>, vector<1x16xi32>,
        %get3A_211 = vector.shape_cast %get3A_210 : vector<1x16xi32> to vector<16xi32>
        %swap3A_212 = arith.constant 64 : index
        %swap3A_213 = tpu.vector_load %arg8[%swap3A_212] {strides = array<i32>} : memref<128xi32, #tpu.memory_space<vmem>>, vector<16xi32>,
        %swap3A_214 = vector.shape_cast %swap3A_213 : vector<16xi32> to vector<16xi32>
        %swap3A_215 = vector.shape_cast %get3A_211 : vector<16xi32> to vector<16xi32>
        tpu.vector_store %arg8[%swap3A_212], %swap3A_215 {strides = array<i32>} : memref<128xi32, #tpu.memory_space<vmem>>, vector<16xi32>,
        %get3A_216 = arith.constant 1 : i32
        %get3A_217 = arith.index_cast %get3A_216 : i32 to index
        %get3A_218 = arith.constant 64 : index
        %get3A_219 = tpu.vector_load %arg6[%get3A_217, %get3A_218] {strides = array<i32>} : memref<2x128xi32, #tpu.memory_space<vmem>>, vector<1x16xi32>,
        %get3A_220 = vector.shape_cast %get3A_219 : vector<1x16xi32> to vector<16xi32>
        %swap3A_221 = arith.constant 64 : index
        %swap3A_222 = tpu.vector_load %arg10[%swap3A_221] {strides = array<i32>} : memref<128xi32, #tpu.memory_space<vmem>>, vector<16xi32>,
        %swap3A_223 = vector.shape_cast %swap3A_222 : vector<16xi32> to vector<16xi32>
        %swap3A_224 = vector.shape_cast %get3A_220 : vector<16xi32> to vector<16xi32>
        tpu.vector_store %arg10[%swap3A_221], %swap3A_224 {strides = array<i32>} : memref<128xi32, #tpu.memory_space<vmem>>, vector<16xi32>,
        %get3A_225 = arith.constant 0 : i32
        %get3A_226 = arith.index_cast %get3A_225 : i32 to index
        %get3A_227 = arith.constant 80 : index
        %get3A_228 = tpu.vector_load %arg6[%get3A_226, %get3A_227] {strides = array<i32>} : memref<2x128xi32, #tpu.memory_space<vmem>>, vector<1x16xi32>,
        %get3A_229 = vector.shape_cast %get3A_228 : vector<1x16xi32> to vector<16xi32>
        %swap3A_230 = arith.constant 80 : index
        %swap3A_231 = tpu.vector_load %arg8[%swap3A_230] {strides = array<i32>} : memref<128xi32, #tpu.memory_space<vmem>>, vector<16xi32>,
        %swap3A_232 = vector.shape_cast %swap3A_231 : vector<16xi32> to vector<16xi32>
        %swap3A_233 = vector.shape_cast %get3A_229 : vector<16xi32> to vector<16xi32>
        tpu.vector_store %arg8[%swap3A_230], %swap3A_233 {strides = array<i32>} : memref<128xi32, #tpu.memory_space<vmem>>, vector<16xi32>,
        %get3A_234 = arith.constant 1 : i32
        %get3A_235 = arith.index_cast %get3A_234 : i32 to index
        %get3A_236 = arith.constant 80 : index
        %get3A_237 = tpu.vector_load %arg6[%get3A_235, %get3A_236] {strides = array<i32>} : memref<2x128xi32, #tpu.memory_space<vmem>>, vector<1x16xi32>,
        %get3A_238 = vector.shape_cast %get3A_237 : vector<1x16xi32> to vector<16xi32>
        %swap3A_239 = arith.constant 80 : index
        %swap3A_240 = tpu.vector_load %arg10[%swap3A_239] {strides = array<i32>} : memref<128xi32, #tpu.memory_space<vmem>>, vector<16xi32>,
        %swap3A_241 = vector.shape_cast %swap3A_240 : vector<16xi32> to vector<16xi32>
        %swap3A_242 = vector.shape_cast %get3A_238 : vector<16xi32> to vector<16xi32>
        tpu.vector_store %arg10[%swap3A_239], %swap3A_242 {strides = array<i32>} : memref<128xi32, #tpu.memory_space<vmem>>, vector<16xi32>,
        %get3A_243 = arith.constant 0 : i32
        %get3A_244 = arith.index_cast %get3A_243 : i32 to index
        %get3A_245 = arith.constant 96 : index
        %get3A_246 = tpu.vector_load %arg6[%get3A_244, %get3A_245] {strides = array<i32>} : memref<2x128xi32, #tpu.memory_space<vmem>>, vector<1x16xi32>,
        %get3A_247 = vector.shape_cast %get3A_246 : vector<1x16xi32> to vector<16xi32>
        %swap3A_248 = arith.constant 96 : index
        %swap3A_249 = tpu.vector_load %arg8[%swap3A_248] {strides = array<i32>} : memref<128xi32, #tpu.memory_space<vmem>>, vector<16xi32>,
        %swap3A_250 = vector.shape_cast %swap3A_249 : vector<16xi32> to vector<16xi32>
        %swap3A_251 = vector.shape_cast %get3A_247 : vector<16xi32> to vector<16xi32>
        tpu.vector_store %arg8[%swap3A_248], %swap3A_251 {strides = array<i32>} : memref<128xi32, #tpu.memory_space<vmem>>, vector<16xi32>,
        %get3A_252 = arith.constant 1 : i32
        %get3A_253 = arith.index_cast %get3A_252 : i32 to index
        %get3A_254 = arith.constant 96 : index
        %get3A_255 = tpu.vector_load %arg6[%get3A_253, %get3A_254] {strides = array<i32>} : memref<2x128xi32, #tpu.memory_space<vmem>>, vector<1x16xi32>,
        %get3A_256 = vector.shape_cast %get3A_255 : vector<1x16xi32> to vector<16xi32>
        %swap3A_257 = arith.constant 96 : index
        %swap3A_258 = tpu.vector_load %arg10[%swap3A_257] {strides = array<i32>} : memref<128xi32, #tpu.memory_space<vmem>>, vector<16xi32>,
        %swap3A_259 = vector.shape_cast %swap3A_258 : vector<16xi32> to vector<16xi32>
        %swap3A_260 = vector.shape_cast %get3A_256 : vector<16xi32> to vector<16xi32>
        tpu.vector_store %arg10[%swap3A_257], %swap3A_260 {strides = array<i32>} : memref<128xi32, #tpu.memory_space<vmem>>, vector<16xi32>,
        %get3A_261 = arith.constant 0 : i32
        %get3A_262 = arith.index_cast %get3A_261 : i32 to index
        %get3A_263 = arith.constant 112 : index
        %get3A_264 = tpu.vector_load %arg6[%get3A_262, %get3A_263] {strides = array<i32>} : memref<2x128xi32, #tpu.memory_space<vmem>>, vector<1x16xi32>,
        %get3A_265 = vector.shape_cast %get3A_264 : vector<1x16xi32> to vector<16xi32>
        %swap3A_266 = arith.constant 112 : index
        %swap3A_267 = tpu.vector_load %arg8[%swap3A_266] {strides = array<i32>} : memref<128xi32, #tpu.memory_space<vmem>>, vector<16xi32>,
        %swap3A_268 = vector.shape_cast %swap3A_267 : vector<16xi32> to vector<16xi32>
        %swap3A_269 = vector.shape_cast %get3A_265 : vector<16xi32> to vector<16xi32>
        tpu.vector_store %arg8[%swap3A_266], %swap3A_269 {strides = array<i32>} : memref<128xi32, #tpu.memory_space<vmem>>, vector<16xi32>,
        %get3A_270 = arith.constant 1 : i32
        %get3A_271 = arith.index_cast %get3A_270 : i32 to index
        %get3A_272 = arith.constant 112 : index
        %get3A_273 = tpu.vector_load %arg6[%get3A_271, %get3A_272] {strides = array<i32>} : memref<2x128xi32, #tpu.memory_space<vmem>>, vector<1x16xi32>,
        %get3A_274 = vector.shape_cast %get3A_273 : vector<1x16xi32> to vector<16xi32>
        %swap3A_275 = arith.constant 112 : index
        %swap3A_276 = tpu.vector_load %arg10[%swap3A_275] {strides = array<i32>} : memref<128xi32, #tpu.memory_space<vmem>>, vector<16xi32>,
        %swap3A_277 = vector.shape_cast %swap3A_276 : vector<16xi32> to vector<16xi32>
        %swap3A_278 = vector.shape_cast %get3A_274 : vector<16xi32> to vector<16xi32>
        tpu.vector_store %arg10[%swap3A_275], %swap3A_278 {strides = array<i32>} : memref<128xi32, #tpu.memory_space<vmem>>, vector<16xi32>,
        %dma_start3A_279 = arith.constant 0 : i32
        %dma_start3A_280 = arith.constant 0 : i32
        %dma_start3A_281 = tpu.memref_slice %arg2[%dma_start3A_279, %dma_start3A_280] : memref<10000x128xf32, #tpu.memory_space<hbm>> -> memref<10000x128xf32, #tpu.memory_space<hbm>>
        tpu.enqueue_indirect_dma source(%dma_start3A_281 : memref<10000x128xf32, #tpu.memory_space<hbm>>) target(%arg12 : memref<128x128xf32, #tpu.memory_space<vmem>>) offsets(%arg8 : memref<128xi32, #tpu.memory_space<vmem>>) semaphore(%arg17 : memref<!tpu.dma_semaphore, #tpu.memory_space<semaphore_mem>>)
        %dma_wait3A_282 = arith.constant 0 : i32
        %dma_wait3A_283 = arith.constant 0 : i32
        %dma_wait3A_284 = tpu.memref_slice %arg2[%dma_wait3A_282, %dma_wait3A_283] : memref<10000x128xf32, #tpu.memory_space<hbm>> -> memref<10000x128xf32, #tpu.memory_space<hbm>>
        tpu.wait_indirect_dma semaphore(%arg16 : memref<!tpu.dma_semaphore, #tpu.memory_space<semaphore_mem>>) src(%dma_wait3A_284 : memref<10000x128xf32, #tpu.memory_space<hbm>>) dst(%arg11 : memref<128x128xf32, #tpu.memory_space<vmem>>)
        %dma_start3A_285 = arith.constant 0 : i32
        %dma_start3A_286 = arith.constant 0 : i32
        %dma_start3A_287 = tpu.memref_slice %arg13[%dma_start3A_285, %dma_start3A_286] : memref<10240x128xf32, #tpu.memory_space<vmem_shared>> -> memref<10240x128xf32, #tpu.memory_space<vmem_shared>>
        tpu.enqueue_indirect_dma source(%arg11 : memref<128x128xf32, #tpu.memory_space<vmem>>) target(%dma_start3A_287 : memref<10240x128xf32, #tpu.memory_space<vmem_shared>>) offsets(%arg9 : memref<128xi32, #tpu.memory_space<vmem>>) semaphore(%arg18 : memref<!tpu.dma_semaphore, #tpu.memory_space<semaphore_mem>>) {add = true}
      } else {
      }
    }
    %scan3A_46 = arith.constant 40 : i32
    %jit3A_47 = arith.constant 2 : i32
    %eq3A = arith.constant 0 : i32
    %eq3A_48 = arith.cmpi eq, %jit3A_47, %eq3A : i32
    %jit3A_49 = arith.constant 1 : i32
    %select_n3A_50 = arith.select %eq3A_48, %jit3A_49, %jit3A_47 : i32
    %rem3A_51 = arith.remsi %add3A_20, %select_n3A_50 : i32
    %ne3A_52 = arith.constant 0 : i32
    %ne3A_53 = arith.cmpi ne, %rem3A_51, %ne3A_52 : i32
    %lt3A = arith.constant 0 : i32
    %lt3A_54 = arith.cmpi slt, %rem3A_51, %lt3A : i32
    %lt3A_55 = arith.constant 0 : i32
    %lt3A_56 = arith.cmpi slt, %select_n3A_50, %lt3A_55 : i32
    %ne3A_57 = arith.xori %lt3A_54, %lt3A_56 : i1
    %and3A_58 = arith.andi %ne3A_57, %ne3A_53 : i1
    %add3A_59 = arith.addi %rem3A_51, %select_n3A_50 : i32
    %select_n3A_60 = arith.select %and3A_58, %add3A_59, %rem3A_51 : i32
    %eq3A_61 = arith.constant 1 : i32
    %eq3A_62 = arith.cmpi eq, %select_n3A_60, %eq3A_61 : i32
    %convert_element_type3A_63 = arith.extui %eq3A_62 : i1 to i32
    %cond3A_64 = arith.constant 0 : i32
    %cond3A_65 = arith.cmpi ne, %convert_element_type3A_63, %cond3A_64 : i32
    scf.if %cond3A_65 {
      %dma_wait3A_97 = arith.constant 0 : i32
      %dma_wait3A_98 = arith.constant 0 : i32
      %dma_wait3A_99 = tpu.memref_slice %arg2[%dma_wait3A_97, %dma_wait3A_98] : memref<10000x128xf32, #tpu.memory_space<hbm>> -> memref<10000x128xf32, #tpu.memory_space<hbm>>
      tpu.wait_indirect_dma semaphore(%arg16 : memref<!tpu.dma_semaphore, #tpu.memory_space<semaphore_mem>>) src(%dma_wait3A_99 : memref<10000x128xf32, #tpu.memory_space<hbm>>) dst(%arg11 : memref<128x128xf32, #tpu.memory_space<vmem>>)
      %dma_start3A_100 = arith.constant 0 : i32
      %dma_start3A_101 = arith.constant 0 : i32
      %dma_start3A_102 = tpu.memref_slice %arg13[%dma_start3A_100, %dma_start3A_101] : memref<10240x128xf32, #tpu.memory_space<vmem_shared>> -> memref<10240x128xf32, #tpu.memory_space<vmem_shared>>
      tpu.enqueue_indirect_dma source(%arg11 : memref<128x128xf32, #tpu.memory_space<vmem>>) target(%dma_start3A_102 : memref<10240x128xf32, #tpu.memory_space<vmem_shared>>) offsets(%arg9 : memref<128xi32, #tpu.memory_space<vmem>>) semaphore(%arg18 : memref<!tpu.dma_semaphore, #tpu.memory_space<semaphore_mem>>) {add = true}
      %dma_wait3A_103 = arith.constant 0 : i32
      %dma_wait3A_104 = arith.constant 0 : i32
      %dma_wait3A_105 = tpu.memref_slice %arg3[%dma_wait3A_103, %dma_wait3A_104] : memref<2x320000xi32, #tpu.memory_space<hbm>> -> memref<2x128xi32, #tpu.memory_space<hbm>>
      %dma_wait3A_106 = arith.constant 0 : i32
      %dma_wait3A_107 = arith.constant 0 : i32
      %dma_wait3A_108 = tpu.memref_slice %arg3[%dma_wait3A_106, %dma_wait3A_107] : memref<2x320000xi32, #tpu.memory_space<hbm>> -> memref<2x128xi32, #tpu.memory_space<hbm>>
      tpu.wait_dma2 semaphore(%arg15 : memref<!tpu.dma_semaphore, #tpu.memory_space<semaphore_mem>>) src(%dma_wait3A_108 : memref<2x128xi32, #tpu.memory_space<hbm>>) dst(%arg6 : memref<2x128xi32, #tpu.memory_space<vmem>>)
    } else {
    }
    %jit3A_66 = arith.constant 2 : i32
    %eq3A_67 = arith.constant 0 : i32
    %eq3A_68 = arith.cmpi eq, %jit3A_66, %eq3A_67 : i32
    %jit3A_69 = arith.constant 1 : i32
    %select_n3A_70 = arith.select %eq3A_68, %jit3A_69, %jit3A_66 : i32
    %rem3A_71 = arith.remsi %add3A_20, %select_n3A_70 : i32
    %ne3A_72 = arith.constant 0 : i32
    %ne3A_73 = arith.cmpi ne, %rem3A_71, %ne3A_72 : i32
    %lt3A_74 = arith.constant 0 : i32
    %lt3A_75 = arith.cmpi slt, %rem3A_71, %lt3A_74 : i32
    %lt3A_76 = arith.constant 0 : i32
    %lt3A_77 = arith.cmpi slt, %select_n3A_70, %lt3A_76 : i32
    %ne3A_78 = arith.xori %lt3A_75, %lt3A_77 : i1
    %and3A_79 = arith.andi %ne3A_78, %ne3A_73 : i1
    %add3A_80 = arith.addi %rem3A_71, %select_n3A_70 : i32
    %select_n3A_81 = arith.select %and3A_79, %add3A_80, %rem3A_71 : i32
    %eq3A_82 = arith.constant 0 : i32
    %eq3A_83 = arith.cmpi eq, %select_n3A_81, %eq3A_82 : i32
    %convert_element_type3A_84 = arith.extui %eq3A_83 : i1 to i32
    %cond3A_85 = arith.constant 0 : i32
    %cond3A_86 = arith.cmpi ne, %convert_element_type3A_84, %cond3A_85 : i32
    scf.if %cond3A_86 {
      %dma_wait3A_97 = arith.constant 0 : i32
      %dma_wait3A_98 = arith.constant 0 : i32
      %dma_wait3A_99 = tpu.memref_slice %arg2[%dma_wait3A_97, %dma_wait3A_98] : memref<10000x128xf32, #tpu.memory_space<hbm>> -> memref<10000x128xf32, #tpu.memory_space<hbm>>
      tpu.wait_indirect_dma semaphore(%arg17 : memref<!tpu.dma_semaphore, #tpu.memory_space<semaphore_mem>>) src(%dma_wait3A_99 : memref<10000x128xf32, #tpu.memory_space<hbm>>) dst(%arg12 : memref<128x128xf32, #tpu.memory_space<vmem>>)
      %dma_start3A_100 = arith.constant 0 : i32
      %dma_start3A_101 = arith.constant 0 : i32
      %dma_start3A_102 = tpu.memref_slice %arg13[%dma_start3A_100, %dma_start3A_101] : memref<10240x128xf32, #tpu.memory_space<vmem_shared>> -> memref<10240x128xf32, #tpu.memory_space<vmem_shared>>
      tpu.enqueue_indirect_dma source(%arg12 : memref<128x128xf32, #tpu.memory_space<vmem>>) target(%dma_start3A_102 : memref<10240x128xf32, #tpu.memory_space<vmem_shared>>) offsets(%arg10 : memref<128xi32, #tpu.memory_space<vmem>>) semaphore(%arg19 : memref<!tpu.dma_semaphore, #tpu.memory_space<semaphore_mem>>) {add = true}
      %dma_wait3A_103 = arith.constant 0 : i32
      %dma_wait3A_104 = arith.constant 0 : i32
      %dma_wait3A_105 = tpu.memref_slice %arg3[%dma_wait3A_103, %dma_wait3A_104] : memref<2x320000xi32, #tpu.memory_space<hbm>> -> memref<2x128xi32, #tpu.memory_space<hbm>>
      %dma_wait3A_106 = arith.constant 0 : i32
      %dma_wait3A_107 = arith.constant 0 : i32
      %dma_wait3A_108 = tpu.memref_slice %arg3[%dma_wait3A_106, %dma_wait3A_107] : memref<2x320000xi32, #tpu.memory_space<hbm>> -> memref<2x128xi32, #tpu.memory_space<hbm>>
      tpu.wait_dma2 semaphore(%arg14 : memref<!tpu.dma_semaphore, #tpu.memory_space<semaphore_mem>>) src(%dma_wait3A_108 : memref<2x128xi32, #tpu.memory_space<hbm>>) dst(%arg5 : memref<2x128xi32, #tpu.memory_space<vmem>>)
    } else {
    }
    %dma_wait3A = arith.constant 0 : i32
    %dma_wait3A_87 = arith.constant 0 : i32
    %dma_wait3A_88 = tpu.memref_slice %arg13[%dma_wait3A, %dma_wait3A_87] : memref<10240x128xf32, #tpu.memory_space<vmem_shared>> -> memref<10240x128xf32, #tpu.memory_space<vmem_shared>>
    tpu.wait_indirect_dma semaphore(%arg18 : memref<!tpu.dma_semaphore, #tpu.memory_space<semaphore_mem>>) src(%arg11 : memref<128x128xf32, #tpu.memory_space<vmem>>) dst(%dma_wait3A_88 : memref<10240x128xf32, #tpu.memory_space<vmem_shared>>)
    %dma_wait3A_89 = arith.constant 0 : i32
    %dma_wait3A_90 = arith.constant 0 : i32
    %dma_wait3A_91 = tpu.memref_slice %arg13[%dma_wait3A_89, %dma_wait3A_90] : memref<10240x128xf32, #tpu.memory_space<vmem_shared>> -> memref<10240x128xf32, #tpu.memory_space<vmem_shared>>
    tpu.wait_indirect_dma semaphore(%arg19 : memref<!tpu.dma_semaphore, #tpu.memory_space<semaphore_mem>>) src(%arg12 : memref<128x128xf32, #tpu.memory_space<vmem>>) dst(%dma_wait3A_91 : memref<10240x128xf32, #tpu.memory_space<vmem_shared>>)
    %barrier3A_92 = arith.constant 0 : index
    tpu.barrier barrier_id(%barrier3A_92)
    %mul3A_93 = arith.constant 640 : i32
    %mul3A_94 = arith.muli %arg1, %mul3A_93 : i32
    %mul3A_95 = arith.constant 640 : i32
    %mul3A_96 = arith.muli %arg1, %mul3A_95 : i32
    "tpu.region"() ({
      %run_scoped3A = tpu.sem_alloc : memref<!tpu.dma_semaphore, #tpu.memory_space<semaphore_mem>>
      %dma_start3A_97 = arith.constant 0 : i32
      %dma_start3A_98 = tpu.memref_slice %arg4[%arg0, %mul3A_96, %dma_start3A_97] : memref<2x10240x128xf32, #tpu.memory_space<hbm>> -> memref<1x640x128xf32, #tpu.memory_space<hbm>>
      %dma_start3A_99 = tpu.memref_squeeze %dma_start3A_98 : memref<1x640x128xf32, #tpu.memory_space<hbm>> -> memref<640x128xf32, #tpu.memory_space<hbm>>
      %dma_start3A_100 = arith.constant 0 : i32
      %dma_start3A_101 = tpu.memref_slice %arg13[%mul3A_94, %dma_start3A_100] : memref<10240x128xf32, #tpu.memory_space<vmem_shared>> -> memref<640x128xf32, #tpu.memory_space<vmem_shared>>
      tpu.enqueue_dma source(%dma_start3A_101 : memref<640x128xf32, #tpu.memory_space<vmem_shared>>) target(%dma_start3A_99 : memref<640x128xf32, #tpu.memory_space<hbm>>) target_semaphore(%run_scoped3A : memref<!tpu.dma_semaphore, #tpu.memory_space<semaphore_mem>>)
      %dma_wait3A_102 = arith.constant 0 : i32
      %dma_wait3A_103 = tpu.memref_slice %arg4[%arg0, %mul3A_96, %dma_wait3A_102] : memref<2x10240x128xf32, #tpu.memory_space<hbm>> -> memref<1x640x128xf32, #tpu.memory_space<hbm>>
      %dma_wait3A_104 = tpu.memref_squeeze %dma_wait3A_103 : memref<1x640x128xf32, #tpu.memory_space<hbm>> -> memref<640x128xf32, #tpu.memory_space<hbm>>
      %dma_wait3A_105 = arith.constant 0 : i32
      %dma_wait3A_106 = tpu.memref_slice %arg13[%mul3A_94, %dma_wait3A_105] : memref<10240x128xf32, #tpu.memory_space<vmem_shared>> -> memref<640x128xf32, #tpu.memory_space<vmem_shared>>
      tpu.wait_dma2 semaphore(%run_scoped3A : memref<!tpu.dma_semaphore, #tpu.memory_space<semaphore_mem>>) src(%dma_wait3A_106 : memref<640x128xf32, #tpu.memory_space<vmem_shared>>) dst(%dma_wait3A_104 : memref<640x128xf32, #tpu.memory_space<hbm>>)
      tpu.yield
    }) : () -> ()
    return
  }
}

#map = affine_map<(d0, d1) -> (0, 0)>
module attributes {stable_mosaic.version = 14 : i64} {
  func.func @k(%arg0: i32, %arg1: i32, %arg2: memref<2x320000xi32, #tpu.memory_space<hbm>>, %arg3: memref<2x10240xf32, #tpu.memory_space<hbm>>, %arg4: memref<128xi32, #tpu.memory_space<vmem>>, %arg5: memref<128xi32, #tpu.memory_space<vmem>>, %arg6: memref<10240xf32, #tpu.memory_space<vmem>>, %arg7: memref<16x640xf32, #tpu.memory_space<vmem>>, %arg8: memref<16x10240xf32, #tpu.memory_space<vmem_shared>>, %arg9: memref<!tpu.dma_semaphore, #tpu.memory_space<semaphore_mem>>, %arg10: memref<!tpu.dma_semaphore, #tpu.memory_space<semaphore_mem>>) attributes {dimension_semantics = [#tpu.dimension_semantics<core_parallel>, #tpu.dimension_semantics<subcore_parallel>], iteration_bounds = array<i64: 2, 16>, scalar_prefetch = 0 : i64, scratch_operands = 7 : i64, tpu.core_type = #tpu.core_type<sc_vector_subcore>, window_params = [{transform_indices = #map}, {transform_indices = #map}]} {
    %mul3A = arith.constant 2 : i32
    %mul3A_0 = arith.muli %arg1, %mul3A : i32
    %add3A = arith.addi %mul3A_0, %arg0 : i32
    %sub3A = arith.constant 2499 : i32
    %sub3A_1 = arith.subi %sub3A, %add3A : i32
    %jit3A = arith.constant 32 : i32
    %div3A = arith.divsi %sub3A_1, %jit3A : i32
    %sign3A = arith.constant 0 : i32
    %sign3A_2 = arith.cmpi sgt, %sub3A_1, %sign3A : i32
    %sign3A_3 = arith.extui %sign3A_2 : i1 to i32
    %sign3A_4 = arith.constant 0 : i32
    %sign3A_5 = arith.cmpi slt, %sub3A_1, %sign3A_4 : i32
    %sign3A_6 = arith.extui %sign3A_5 : i1 to i32
    %sign3A_7 = arith.subi %sign3A_3, %sign3A_6 : i32
    %sign3A_8 = arith.constant 0 : i32
    %sign3A_9 = arith.cmpi sgt, %jit3A, %sign3A_8 : i32
    %sign3A_10 = arith.extui %sign3A_9 : i1 to i32
    %sign3A_11 = arith.constant 0 : i32
    %sign3A_12 = arith.cmpi slt, %jit3A, %sign3A_11 : i32
    %sign3A_13 = arith.extui %sign3A_12 : i1 to i32
    %sign3A_14 = arith.subi %sign3A_10, %sign3A_13 : i32
    %ne3A = arith.cmpi ne, %sign3A_7, %sign3A_14 : i32
    %rem3A = arith.remsi %sub3A_1, %jit3A : i32
    %ne3A_15 = arith.constant 0 : i32
    %ne3A_16 = arith.cmpi ne, %rem3A, %ne3A_15 : i32
    %and3A = arith.andi %ne3A, %ne3A_16 : i1
    %sub3A_17 = arith.constant 1 : i32
    %sub3A_18 = arith.subi %div3A, %sub3A_17 : i32
    %select_n3A = arith.select %and3A, %sub3A_18, %div3A : i32
    %add3A_19 = arith.constant 1 : i32
    %add3A_20 = arith.addi %select_n3A, %add3A_19 : i32
    %broadcast_in_dim3A = arith.constant 1.000000e+00 : f32
    %broadcast_in_dim3A_21 = vector.broadcast %broadcast_in_dim3A : f32 to vector<16xf32>
    %mul3A_22 = arith.constant 128 : i32
    %mul3A_23 = arith.muli %add3A, %mul3A_22 : i32
    %dma_start3A = arith.constant 1 : i32
    %dma_start3A_24 = tpu.memref_slice %arg2[%dma_start3A, %mul3A_23] : memref<2x320000xi32, #tpu.memory_space<hbm>> -> memref<1x128xi32, #tpu.memory_space<hbm>>
    %dma_start3A_25 = tpu.memref_squeeze %dma_start3A_24 : memref<1x128xi32, #tpu.memory_space<hbm>> -> memref<128xi32, #tpu.memory_space<hbm>>
    %dma_start3A_26 = tpu.memref_slice %arg2[%dma_start3A, %mul3A_23] : memref<2x320000xi32, #tpu.memory_space<hbm>> -> memref<1x128xi32, #tpu.memory_space<hbm>>
    %dma_start3A_27 = tpu.memref_squeeze %dma_start3A_26 : memref<1x128xi32, #tpu.memory_space<hbm>> -> memref<128xi32, #tpu.memory_space<hbm>>
    tpu.enqueue_dma source(%dma_start3A_27 : memref<128xi32, #tpu.memory_space<hbm>>) target(%arg4 : memref<128xi32, #tpu.memory_space<vmem>>) target_semaphore(%arg9 : memref<!tpu.dma_semaphore, #tpu.memory_space<semaphore_mem>>)
    %scan3A = arith.constant 0 : i32
    %scan3A_28 = arith.constant 640 : i32
    %scan3A_29 = arith.addi %scan3A, %scan3A_28 : i32
    %scan3A_30 = arith.constant 1 : i32
    scf.for %scan3A_161 = %scan3A to %scan3A_29 step %scan3A_30  : i32 {
      %mul3A_162 = arith.constant 16 : i32
      %mul3A_163 = arith.muli %scan3A_161, %mul3A_162 : i32
      %add3A_164 = arith.constant 0 : i32
      %add3A_165 = arith.addi %add3A_164, %mul3A_163 : i32
      %broadcast_in_dim3A_166 = arith.constant 0.000000e+00 : f32
      %broadcast_in_dim3A_167 = vector.broadcast %broadcast_in_dim3A_166 : f32 to vector<16xf32>
      %swap3A = arith.index_cast %add3A_165 : i32 to index
      %swap3A_168 = tpu.vector_load %arg6[%swap3A] {strides = array<i32>} : memref<10240xf32, #tpu.memory_space<vmem>>, vector<16xf32>,
      tpu.vector_store %arg6[%swap3A], %broadcast_in_dim3A_167 {strides = array<i32>} : memref<10240xf32, #tpu.memory_space<vmem>>, vector<16xf32>,
    }
    %scan3A_31 = arith.constant 640 : i32
    %gt3A = arith.constant 0 : i32
    %gt3A_32 = arith.cmpi sgt, %add3A_20, %gt3A : i32
    %convert_element_type3A = arith.extui %gt3A_32 : i1 to i32
    %cond3A = arith.constant 0 : i32
    %cond3A_33 = arith.cmpi ne, %convert_element_type3A, %cond3A : i32
    scf.if %cond3A_33 {
      %add3A_161 = arith.constant 32 : i32
      %add3A_162 = arith.addi %add3A, %add3A_161 : i32
      %min3A = arith.constant 2499 : i32
      %min3A_163 = arith.minsi %add3A_162, %min3A : i32
      %mul3A_164 = arith.constant 128 : i32
      %mul3A_165 = arith.muli %min3A_163, %mul3A_164 : i32
      %dma_start3A_166 = arith.constant 1 : i32
      %dma_start3A_167 = tpu.memref_slice %arg2[%dma_start3A_166, %mul3A_165] : memref<2x320000xi32, #tpu.memory_space<hbm>> -> memref<1x128xi32, #tpu.memory_space<hbm>>
      %dma_start3A_168 = tpu.memref_squeeze %dma_start3A_167 : memref<1x128xi32, #tpu.memory_space<hbm>> -> memref<128xi32, #tpu.memory_space<hbm>>
      %dma_start3A_169 = tpu.memref_slice %arg2[%dma_start3A_166, %mul3A_165] : memref<2x320000xi32, #tpu.memory_space<hbm>> -> memref<1x128xi32, #tpu.memory_space<hbm>>
      %dma_start3A_170 = tpu.memref_squeeze %dma_start3A_169 : memref<1x128xi32, #tpu.memory_space<hbm>> -> memref<128xi32, #tpu.memory_space<hbm>>
      tpu.enqueue_dma source(%dma_start3A_170 : memref<128xi32, #tpu.memory_space<hbm>>) target(%arg5 : memref<128xi32, #tpu.memory_space<vmem>>) target_semaphore(%arg10 : memref<!tpu.dma_semaphore, #tpu.memory_space<semaphore_mem>>)
      %dma_wait3A = arith.constant 1 : i32
      %dma_wait3A_171 = arith.constant 0 : i32
      %dma_wait3A_172 = tpu.memref_slice %arg2[%dma_wait3A, %dma_wait3A_171] : memref<2x320000xi32, #tpu.memory_space<hbm>> -> memref<1x128xi32, #tpu.memory_space<hbm>>
      %dma_wait3A_173 = tpu.memref_squeeze %dma_wait3A_172 : memref<1x128xi32, #tpu.memory_space<hbm>> -> memref<128xi32, #tpu.memory_space<hbm>>
      %dma_wait3A_174 = arith.constant 0 : i32
      %dma_wait3A_175 = tpu.memref_slice %arg2[%dma_wait3A, %dma_wait3A_174] : memref<2x320000xi32, #tpu.memory_space<hbm>> -> memref<1x128xi32, #tpu.memory_space<hbm>>
      %dma_wait3A_176 = tpu.memref_squeeze %dma_wait3A_175 : memref<1x128xi32, #tpu.memory_space<hbm>> -> memref<128xi32, #tpu.memory_space<hbm>>
      tpu.wait_dma2 semaphore(%arg9 : memref<!tpu.dma_semaphore, #tpu.memory_space<semaphore_mem>>) src(%dma_wait3A_176 : memref<128xi32, #tpu.memory_space<hbm>>) dst(%arg4 : memref<128xi32, #tpu.memory_space<vmem>>)
      %get3A = arith.constant 0 : index
      %get3A_177 = tpu.vector_load %arg4[%get3A] {strides = array<i32>} : memref<128xi32, #tpu.memory_space<vmem>>, vector<16xi32>,
      tpu.vector_store_idx %arg6[%get3A_177], %broadcast_in_dim3A_21 {add = true} : memref<10240xf32, #tpu.memory_space<vmem>>[vector<16xi32>], vector<16xf32>,
      %get3A_178 = arith.constant 16 : index
      %get3A_179 = tpu.vector_load %arg4[%get3A_178] {strides = array<i32>} : memref<128xi32, #tpu.memory_space<vmem>>, vector<16xi32>,
      tpu.vector_store_idx %arg6[%get3A_179], %broadcast_in_dim3A_21 {add = true} : memref<10240xf32, #tpu.memory_space<vmem>>[vector<16xi32>], vector<16xf32>,
      %get3A_180 = arith.constant 32 : index
      %get3A_181 = tpu.vector_load %arg4[%get3A_180] {strides = array<i32>} : memref<128xi32, #tpu.memory_space<vmem>>, vector<16xi32>,
      tpu.vector_store_idx %arg6[%get3A_181], %broadcast_in_dim3A_21 {add = true} : memref<10240xf32, #tpu.memory_space<vmem>>[vector<16xi32>], vector<16xf32>,
      %get3A_182 = arith.constant 48 : index
      %get3A_183 = tpu.vector_load %arg4[%get3A_182] {strides = array<i32>} : memref<128xi32, #tpu.memory_space<vmem>>, vector<16xi32>,
      tpu.vector_store_idx %arg6[%get3A_183], %broadcast_in_dim3A_21 {add = true} : memref<10240xf32, #tpu.memory_space<vmem>>[vector<16xi32>], vector<16xf32>,
      %get3A_184 = arith.constant 64 : index
      %get3A_185 = tpu.vector_load %arg4[%get3A_184] {strides = array<i32>} : memref<128xi32, #tpu.memory_space<vmem>>, vector<16xi32>,
      tpu.vector_store_idx %arg6[%get3A_185], %broadcast_in_dim3A_21 {add = true} : memref<10240xf32, #tpu.memory_space<vmem>>[vector<16xi32>], vector<16xf32>,
      %get3A_186 = arith.constant 80 : index
      %get3A_187 = tpu.vector_load %arg4[%get3A_186] {strides = array<i32>} : memref<128xi32, #tpu.memory_space<vmem>>, vector<16xi32>,
      tpu.vector_store_idx %arg6[%get3A_187], %broadcast_in_dim3A_21 {add = true} : memref<10240xf32, #tpu.memory_space<vmem>>[vector<16xi32>], vector<16xf32>,
      %get3A_188 = arith.constant 96 : index
      %get3A_189 = tpu.vector_load %arg4[%get3A_188] {strides = array<i32>} : memref<128xi32, #tpu.memory_space<vmem>>, vector<16xi32>,
      tpu.vector_store_idx %arg6[%get3A_189], %broadcast_in_dim3A_21 {add = true} : memref<10240xf32, #tpu.memory_space<vmem>>[vector<16xi32>], vector<16xf32>,
      %get3A_190 = arith.constant 112 : index
      %get3A_191 = tpu.vector_load %arg4[%get3A_190] {strides = array<i32>} : memref<128xi32, #tpu.memory_space<vmem>>, vector<16xi32>,
      tpu.vector_store_idx %arg6[%get3A_191], %broadcast_in_dim3A_21 {add = true} : memref<10240xf32, #tpu.memory_space<vmem>>[vector<16xi32>], vector<16xf32>,
    } else {
    }
    %gt3A_34 = arith.constant 1 : i32
    %gt3A_35 = arith.cmpi sgt, %add3A_20, %gt3A_34 : i32
    %convert_element_type3A_36 = arith.extui %gt3A_35 : i1 to i32
    %cond3A_37 = arith.constant 0 : i32
    %cond3A_38 = arith.cmpi ne, %convert_element_type3A_36, %cond3A_37 : i32
    scf.if %cond3A_38 {
      %add3A_161 = arith.constant 64 : i32
      %add3A_162 = arith.addi %add3A, %add3A_161 : i32
      %min3A = arith.constant 2499 : i32
      %min3A_163 = arith.minsi %add3A_162, %min3A : i32
      %mul3A_164 = arith.constant 128 : i32
      %mul3A_165 = arith.muli %min3A_163, %mul3A_164 : i32
      %dma_start3A_166 = arith.constant 1 : i32
      %dma_start3A_167 = tpu.memref_slice %arg2[%dma_start3A_166, %mul3A_165] : memref<2x320000xi32, #tpu.memory_space<hbm>> -> memref<1x128xi32, #tpu.memory_space<hbm>>
      %dma_start3A_168 = tpu.memref_squeeze %dma_start3A_167 : memref<1x128xi32, #tpu.memory_space<hbm>> -> memref<128xi32, #tpu.memory_space<hbm>>
      %dma_start3A_169 = tpu.memref_slice %arg2[%dma_start3A_166, %mul3A_165] : memref<2x320000xi32, #tpu.memory_space<hbm>> -> memref<1x128xi32, #tpu.memory_space<hbm>>
      %dma_start3A_170 = tpu.memref_squeeze %dma_start3A_169 : memref<1x128xi32, #tpu.memory_space<hbm>> -> memref<128xi32, #tpu.memory_space<hbm>>
      tpu.enqueue_dma source(%dma_start3A_170 : memref<128xi32, #tpu.memory_space<hbm>>) target(%arg4 : memref<128xi32, #tpu.memory_space<vmem>>) target_semaphore(%arg9 : memref<!tpu.dma_semaphore, #tpu.memory_space<semaphore_mem>>)
      %dma_wait3A = arith.constant 1 : i32
      %dma_wait3A_171 = arith.constant 0 : i32
      %dma_wait3A_172 = tpu.memref_slice %arg2[%dma_wait3A, %dma_wait3A_171] : memref<2x320000xi32, #tpu.memory_space<hbm>> -> memref<1x128xi32, #tpu.memory_space<hbm>>
      %dma_wait3A_173 = tpu.memref_squeeze %dma_wait3A_172 : memref<1x128xi32, #tpu.memory_space<hbm>> -> memref<128xi32, #tpu.memory_space<hbm>>
      %dma_wait3A_174 = arith.constant 0 : i32
      %dma_wait3A_175 = tpu.memref_slice %arg2[%dma_wait3A, %dma_wait3A_174] : memref<2x320000xi32, #tpu.memory_space<hbm>> -> memref<1x128xi32, #tpu.memory_space<hbm>>
      %dma_wait3A_176 = tpu.memref_squeeze %dma_wait3A_175 : memref<1x128xi32, #tpu.memory_space<hbm>> -> memref<128xi32, #tpu.memory_space<hbm>>
      tpu.wait_dma2 semaphore(%arg10 : memref<!tpu.dma_semaphore, #tpu.memory_space<semaphore_mem>>) src(%dma_wait3A_176 : memref<128xi32, #tpu.memory_space<hbm>>) dst(%arg5 : memref<128xi32, #tpu.memory_space<vmem>>)
      %get3A = arith.constant 0 : index
      %get3A_177 = tpu.vector_load %arg5[%get3A] {strides = array<i32>} : memref<128xi32, #tpu.memory_space<vmem>>, vector<16xi32>,
      tpu.vector_store_idx %arg6[%get3A_177], %broadcast_in_dim3A_21 {add = true} : memref<10240xf32, #tpu.memory_space<vmem>>[vector<16xi32>], vector<16xf32>,
      %get3A_178 = arith.constant 16 : index
      %get3A_179 = tpu.vector_load %arg5[%get3A_178] {strides = array<i32>} : memref<128xi32, #tpu.memory_space<vmem>>, vector<16xi32>,
      tpu.vector_store_idx %arg6[%get3A_179], %broadcast_in_dim3A_21 {add = true} : memref<10240xf32, #tpu.memory_space<vmem>>[vector<16xi32>], vector<16xf32>,
      %get3A_180 = arith.constant 32 : index
      %get3A_181 = tpu.vector_load %arg5[%get3A_180] {strides = array<i32>} : memref<128xi32, #tpu.memory_space<vmem>>, vector<16xi32>,
      tpu.vector_store_idx %arg6[%get3A_181], %broadcast_in_dim3A_21 {add = true} : memref<10240xf32, #tpu.memory_space<vmem>>[vector<16xi32>], vector<16xf32>,
      %get3A_182 = arith.constant 48 : index
      %get3A_183 = tpu.vector_load %arg5[%get3A_182] {strides = array<i32>} : memref<128xi32, #tpu.memory_space<vmem>>, vector<16xi32>,
      tpu.vector_store_idx %arg6[%get3A_183], %broadcast_in_dim3A_21 {add = true} : memref<10240xf32, #tpu.memory_space<vmem>>[vector<16xi32>], vector<16xf32>,
      %get3A_184 = arith.constant 64 : index
      %get3A_185 = tpu.vector_load %arg5[%get3A_184] {strides = array<i32>} : memref<128xi32, #tpu.memory_space<vmem>>, vector<16xi32>,
      tpu.vector_store_idx %arg6[%get3A_185], %broadcast_in_dim3A_21 {add = true} : memref<10240xf32, #tpu.memory_space<vmem>>[vector<16xi32>], vector<16xf32>,
      %get3A_186 = arith.constant 80 : index
      %get3A_187 = tpu.vector_load %arg5[%get3A_186] {strides = array<i32>} : memref<128xi32, #tpu.memory_space<vmem>>, vector<16xi32>,
      tpu.vector_store_idx %arg6[%get3A_187], %broadcast_in_dim3A_21 {add = true} : memref<10240xf32, #tpu.memory_space<vmem>>[vector<16xi32>], vector<16xf32>,
      %get3A_188 = arith.constant 96 : index
      %get3A_189 = tpu.vector_load %arg5[%get3A_188] {strides = array<i32>} : memref<128xi32, #tpu.memory_space<vmem>>, vector<16xi32>,
      tpu.vector_store_idx %arg6[%get3A_189], %broadcast_in_dim3A_21 {add = true} : memref<10240xf32, #tpu.memory_space<vmem>>[vector<16xi32>], vector<16xf32>,
      %get3A_190 = arith.constant 112 : index
      %get3A_191 = tpu.vector_load %arg5[%get3A_190] {strides = array<i32>} : memref<128xi32, #tpu.memory_space<vmem>>, vector<16xi32>,
      tpu.vector_store_idx %arg6[%get3A_191], %broadcast_in_dim3A_21 {add = true} : memref<10240xf32, #tpu.memory_space<vmem>>[vector<16xi32>], vector<16xf32>,
    } else {
    }
    %scan3A_39 = arith.constant 0 : i32
    %scan3A_40 = arith.constant 40 : i32
    %scan3A_41 = arith.addi %scan3A_39, %scan3A_40 : i32
    %scan3A_42 = arith.constant 1 : i32
    scf.for %scan3A_161 = %scan3A_39 to %scan3A_41 step %scan3A_42  : i32 {
      %mul3A_162 = arith.constant 1 : i32
      %mul3A_163 = arith.muli %scan3A_161, %mul3A_162 : i32
      %add3A_164 = arith.constant 1 : i32
      %add3A_165 = arith.addi %add3A_164, %mul3A_163 : i32
      %mul3A_166 = arith.constant 2 : i32
      %mul3A_167 = arith.muli %mul3A_166, %add3A_165 : i32
      %lt3A_168 = arith.cmpi slt, %mul3A_167, %add3A_20 : i32
      %convert_element_type3A_169 = arith.extui %lt3A_168 : i1 to i32
      %cond3A_170 = arith.constant 0 : i32
      %cond3A_171 = arith.cmpi ne, %convert_element_type3A_169, %cond3A_170 : i32
      scf.if %cond3A_171 {
        %add3A_180 = arith.constant 1 : i32
        %add3A_181 = arith.addi %mul3A_167, %add3A_180 : i32
        %mul3A_182 = arith.constant 32 : i32
        %mul3A_183 = arith.muli %add3A_181, %mul3A_182 : i32
        %add3A_184 = arith.addi %add3A, %mul3A_183 : i32
        %min3A = arith.constant 2499 : i32
        %min3A_185 = arith.minsi %add3A_184, %min3A : i32
        %mul3A_186 = arith.constant 128 : i32
        %mul3A_187 = arith.muli %min3A_185, %mul3A_186 : i32
        %dma_start3A_188 = arith.constant 1 : i32
        %dma_start3A_189 = tpu.memref_slice %arg2[%dma_start3A_188, %mul3A_187] : memref<2x320000xi32, #tpu.memory_space<hbm>> -> memref<1x128xi32, #tpu.memory_space<hbm>>
        %dma_start3A_190 = tpu.memref_squeeze %dma_start3A_189 : memref<1x128xi32, #tpu.memory_space<hbm>> -> memref<128xi32, #tpu.memory_space<hbm>>
        %dma_start3A_191 = tpu.memref_slice %arg2[%dma_start3A_188, %mul3A_187] : memref<2x320000xi32, #tpu.memory_space<hbm>> -> memref<1x128xi32, #tpu.memory_space<hbm>>
        %dma_start3A_192 = tpu.memref_squeeze %dma_start3A_191 : memref<1x128xi32, #tpu.memory_space<hbm>> -> memref<128xi32, #tpu.memory_space<hbm>>
        tpu.enqueue_dma source(%dma_start3A_192 : memref<128xi32, #tpu.memory_space<hbm>>) target(%arg5 : memref<128xi32, #tpu.memory_space<vmem>>) target_semaphore(%arg10 : memref<!tpu.dma_semaphore, #tpu.memory_space<semaphore_mem>>)
        %dma_wait3A = arith.constant 1 : i32
        %dma_wait3A_193 = arith.constant 0 : i32
        %dma_wait3A_194 = tpu.memref_slice %arg2[%dma_wait3A, %dma_wait3A_193] : memref<2x320000xi32, #tpu.memory_space<hbm>> -> memref<1x128xi32, #tpu.memory_space<hbm>>
        %dma_wait3A_195 = tpu.memref_squeeze %dma_wait3A_194 : memref<1x128xi32, #tpu.memory_space<hbm>> -> memref<128xi32, #tpu.memory_space<hbm>>
        %dma_wait3A_196 = arith.constant 0 : i32
        %dma_wait3A_197 = tpu.memref_slice %arg2[%dma_wait3A, %dma_wait3A_196] : memref<2x320000xi32, #tpu.memory_space<hbm>> -> memref<1x128xi32, #tpu.memory_space<hbm>>
        %dma_wait3A_198 = tpu.memref_squeeze %dma_wait3A_197 : memref<1x128xi32, #tpu.memory_space<hbm>> -> memref<128xi32, #tpu.memory_space<hbm>>
        tpu.wait_dma2 semaphore(%arg9 : memref<!tpu.dma_semaphore, #tpu.memory_space<semaphore_mem>>) src(%dma_wait3A_198 : memref<128xi32, #tpu.memory_space<hbm>>) dst(%arg4 : memref<128xi32, #tpu.memory_space<vmem>>)
        %get3A = arith.constant 0 : index
        %get3A_199 = tpu.vector_load %arg4[%get3A] {strides = array<i32>} : memref<128xi32, #tpu.memory_space<vmem>>, vector<16xi32>,
        tpu.vector_store_idx %arg6[%get3A_199], %broadcast_in_dim3A_21 {add = true} : memref<10240xf32, #tpu.memory_space<vmem>>[vector<16xi32>], vector<16xf32>,
        %get3A_200 = arith.constant 16 : index
        %get3A_201 = tpu.vector_load %arg4[%get3A_200] {strides = array<i32>} : memref<128xi32, #tpu.memory_space<vmem>>, vector<16xi32>,
        tpu.vector_store_idx %arg6[%get3A_201], %broadcast_in_dim3A_21 {add = true} : memref<10240xf32, #tpu.memory_space<vmem>>[vector<16xi32>], vector<16xf32>,
        %get3A_202 = arith.constant 32 : index
        %get3A_203 = tpu.vector_load %arg4[%get3A_202] {strides = array<i32>} : memref<128xi32, #tpu.memory_space<vmem>>, vector<16xi32>,
        tpu.vector_store_idx %arg6[%get3A_203], %broadcast_in_dim3A_21 {add = true} : memref<10240xf32, #tpu.memory_space<vmem>>[vector<16xi32>], vector<16xf32>,
        %get3A_204 = arith.constant 48 : index
        %get3A_205 = tpu.vector_load %arg4[%get3A_204] {strides = array<i32>} : memref<128xi32, #tpu.memory_space<vmem>>, vector<16xi32>,
        tpu.vector_store_idx %arg6[%get3A_205], %broadcast_in_dim3A_21 {add = true} : memref<10240xf32, #tpu.memory_space<vmem>>[vector<16xi32>], vector<16xf32>,
        %get3A_206 = arith.constant 64 : index
        %get3A_207 = tpu.vector_load %arg4[%get3A_206] {strides = array<i32>} : memref<128xi32, #tpu.memory_space<vmem>>, vector<16xi32>,
        tpu.vector_store_idx %arg6[%get3A_207], %broadcast_in_dim3A_21 {add = true} : memref<10240xf32, #tpu.memory_space<vmem>>[vector<16xi32>], vector<16xf32>,
        %get3A_208 = arith.constant 80 : index
        %get3A_209 = tpu.vector_load %arg4[%get3A_208] {strides = array<i32>} : memref<128xi32, #tpu.memory_space<vmem>>, vector<16xi32>,
        tpu.vector_store_idx %arg6[%get3A_209], %broadcast_in_dim3A_21 {add = true} : memref<10240xf32, #tpu.memory_space<vmem>>[vector<16xi32>], vector<16xf32>,
        %get3A_210 = arith.constant 96 : index
        %get3A_211 = tpu.vector_load %arg4[%get3A_210] {strides = array<i32>} : memref<128xi32, #tpu.memory_space<vmem>>, vector<16xi32>,
        tpu.vector_store_idx %arg6[%get3A_211], %broadcast_in_dim3A_21 {add = true} : memref<10240xf32, #tpu.memory_space<vmem>>[vector<16xi32>], vector<16xf32>,
        %get3A_212 = arith.constant 112 : index
        %get3A_213 = tpu.vector_load %arg4[%get3A_212] {strides = array<i32>} : memref<128xi32, #tpu.memory_space<vmem>>, vector<16xi32>,
        tpu.vector_store_idx %arg6[%get3A_213], %broadcast_in_dim3A_21 {add = true} : memref<10240xf32, #tpu.memory_space<vmem>>[vector<16xi32>], vector<16xf32>,
      } else {
      }
      %mul3A_172 = arith.constant 2 : i32
      %mul3A_173 = arith.muli %mul3A_172, %add3A_165 : i32
      %add3A_174 = arith.constant 1 : i32
      %add3A_175 = arith.addi %mul3A_173, %add3A_174 : i32
      %lt3A_176 = arith.cmpi slt, %add3A_175, %add3A_20 : i32
      %convert_element_type3A_177 = arith.extui %lt3A_176 : i1 to i32
      %cond3A_178 = arith.constant 0 : i32
      %cond3A_179 = arith.cmpi ne, %convert_element_type3A_177, %cond3A_178 : i32
      scf.if %cond3A_179 {
        %add3A_180 = arith.constant 1 : i32
        %add3A_181 = arith.addi %add3A_175, %add3A_180 : i32
        %mul3A_182 = arith.constant 32 : i32
        %mul3A_183 = arith.muli %add3A_181, %mul3A_182 : i32
        %add3A_184 = arith.addi %add3A, %mul3A_183 : i32
        %min3A = arith.constant 2499 : i32
        %min3A_185 = arith.minsi %add3A_184, %min3A : i32
        %mul3A_186 = arith.constant 128 : i32
        %mul3A_187 = arith.muli %min3A_185, %mul3A_186 : i32
        %dma_start3A_188 = arith.constant 1 : i32
        %dma_start3A_189 = tpu.memref_slice %arg2[%dma_start3A_188, %mul3A_187] : memref<2x320000xi32, #tpu.memory_space<hbm>> -> memref<1x128xi32, #tpu.memory_space<hbm>>
        %dma_start3A_190 = tpu.memref_squeeze %dma_start3A_189 : memref<1x128xi32, #tpu.memory_space<hbm>> -> memref<128xi32, #tpu.memory_space<hbm>>
        %dma_start3A_191 = tpu.memref_slice %arg2[%dma_start3A_188, %mul3A_187] : memref<2x320000xi32, #tpu.memory_space<hbm>> -> memref<1x128xi32, #tpu.memory_space<hbm>>
        %dma_start3A_192 = tpu.memref_squeeze %dma_start3A_191 : memref<1x128xi32, #tpu.memory_space<hbm>> -> memref<128xi32, #tpu.memory_space<hbm>>
        tpu.enqueue_dma source(%dma_start3A_192 : memref<128xi32, #tpu.memory_space<hbm>>) target(%arg4 : memref<128xi32, #tpu.memory_space<vmem>>) target_semaphore(%arg9 : memref<!tpu.dma_semaphore, #tpu.memory_space<semaphore_mem>>)
        %dma_wait3A = arith.constant 1 : i32
        %dma_wait3A_193 = arith.constant 0 : i32
        %dma_wait3A_194 = tpu.memref_slice %arg2[%dma_wait3A, %dma_wait3A_193] : memref<2x320000xi32, #tpu.memory_space<hbm>> -> memref<1x128xi32, #tpu.memory_space<hbm>>
        %dma_wait3A_195 = tpu.memref_squeeze %dma_wait3A_194 : memref<1x128xi32, #tpu.memory_space<hbm>> -> memref<128xi32, #tpu.memory_space<hbm>>
        %dma_wait3A_196 = arith.constant 0 : i32
        %dma_wait3A_197 = tpu.memref_slice %arg2[%dma_wait3A, %dma_wait3A_196] : memref<2x320000xi32, #tpu.memory_space<hbm>> -> memref<1x128xi32, #tpu.memory_space<hbm>>
        %dma_wait3A_198 = tpu.memref_squeeze %dma_wait3A_197 : memref<1x128xi32, #tpu.memory_space<hbm>> -> memref<128xi32, #tpu.memory_space<hbm>>
        tpu.wait_dma2 semaphore(%arg10 : memref<!tpu.dma_semaphore, #tpu.memory_space<semaphore_mem>>) src(%dma_wait3A_198 : memref<128xi32, #tpu.memory_space<hbm>>) dst(%arg5 : memref<128xi32, #tpu.memory_space<vmem>>)
        %get3A = arith.constant 0 : index
        %get3A_199 = tpu.vector_load %arg5[%get3A] {strides = array<i32>} : memref<128xi32, #tpu.memory_space<vmem>>, vector<16xi32>,
        tpu.vector_store_idx %arg6[%get3A_199], %broadcast_in_dim3A_21 {add = true} : memref<10240xf32, #tpu.memory_space<vmem>>[vector<16xi32>], vector<16xf32>,
        %get3A_200 = arith.constant 16 : index
        %get3A_201 = tpu.vector_load %arg5[%get3A_200] {strides = array<i32>} : memref<128xi32, #tpu.memory_space<vmem>>, vector<16xi32>,
        tpu.vector_store_idx %arg6[%get3A_201], %broadcast_in_dim3A_21 {add = true} : memref<10240xf32, #tpu.memory_space<vmem>>[vector<16xi32>], vector<16xf32>,
        %get3A_202 = arith.constant 32 : index
        %get3A_203 = tpu.vector_load %arg5[%get3A_202] {strides = array<i32>} : memref<128xi32, #tpu.memory_space<vmem>>, vector<16xi32>,
        tpu.vector_store_idx %arg6[%get3A_203], %broadcast_in_dim3A_21 {add = true} : memref<10240xf32, #tpu.memory_space<vmem>>[vector<16xi32>], vector<16xf32>,
        %get3A_204 = arith.constant 48 : index
        %get3A_205 = tpu.vector_load %arg5[%get3A_204] {strides = array<i32>} : memref<128xi32, #tpu.memory_space<vmem>>, vector<16xi32>,
        tpu.vector_store_idx %arg6[%get3A_205], %broadcast_in_dim3A_21 {add = true} : memref<10240xf32, #tpu.memory_space<vmem>>[vector<16xi32>], vector<16xf32>,
        %get3A_206 = arith.constant 64 : index
        %get3A_207 = tpu.vector_load %arg5[%get3A_206] {strides = array<i32>} : memref<128xi32, #tpu.memory_space<vmem>>, vector<16xi32>,
        tpu.vector_store_idx %arg6[%get3A_207], %broadcast_in_dim3A_21 {add = true} : memref<10240xf32, #tpu.memory_space<vmem>>[vector<16xi32>], vector<16xf32>,
        %get3A_208 = arith.constant 80 : index
        %get3A_209 = tpu.vector_load %arg5[%get3A_208] {strides = array<i32>} : memref<128xi32, #tpu.memory_space<vmem>>, vector<16xi32>,
        tpu.vector_store_idx %arg6[%get3A_209], %broadcast_in_dim3A_21 {add = true} : memref<10240xf32, #tpu.memory_space<vmem>>[vector<16xi32>], vector<16xf32>,
        %get3A_210 = arith.constant 96 : index
        %get3A_211 = tpu.vector_load %arg5[%get3A_210] {strides = array<i32>} : memref<128xi32, #tpu.memory_space<vmem>>, vector<16xi32>,
        tpu.vector_store_idx %arg6[%get3A_211], %broadcast_in_dim3A_21 {add = true} : memref<10240xf32, #tpu.memory_space<vmem>>[vector<16xi32>], vector<16xf32>,
        %get3A_212 = arith.constant 112 : index
        %get3A_213 = tpu.vector_load %arg5[%get3A_212] {strides = array<i32>} : memref<128xi32, #tpu.memory_space<vmem>>, vector<16xi32>,
        tpu.vector_store_idx %arg6[%get3A_213], %broadcast_in_dim3A_21 {add = true} : memref<10240xf32, #tpu.memory_space<vmem>>[vector<16xi32>], vector<16xf32>,
      } else {
      }
    }
    %scan3A_43 = arith.constant 40 : i32
    %jit3A_44 = arith.constant 2 : i32
    %eq3A = arith.constant 0 : i32
    %eq3A_45 = arith.cmpi eq, %jit3A_44, %eq3A : i32
    %jit3A_46 = arith.constant 1 : i32
    %select_n3A_47 = arith.select %eq3A_45, %jit3A_46, %jit3A_44 : i32
    %rem3A_48 = arith.remsi %add3A_20, %select_n3A_47 : i32
    %ne3A_49 = arith.constant 0 : i32
    %ne3A_50 = arith.cmpi ne, %rem3A_48, %ne3A_49 : i32
    %lt3A = arith.constant 0 : i32
    %lt3A_51 = arith.cmpi slt, %rem3A_48, %lt3A : i32
    %lt3A_52 = arith.constant 0 : i32
    %lt3A_53 = arith.cmpi slt, %select_n3A_47, %lt3A_52 : i32
    %ne3A_54 = arith.xori %lt3A_51, %lt3A_53 : i1
    %and3A_55 = arith.andi %ne3A_54, %ne3A_50 : i1
    %add3A_56 = arith.addi %rem3A_48, %select_n3A_47 : i32
    %select_n3A_57 = arith.select %and3A_55, %add3A_56, %rem3A_48 : i32
    %eq3A_58 = arith.constant 0 : i32
    %eq3A_59 = arith.cmpi eq, %select_n3A_57, %eq3A_58 : i32
    %convert_element_type3A_60 = arith.extui %eq3A_59 : i1 to i32
    %cond3A_61 = arith.constant 0 : i32
    %cond3A_62 = arith.cmpi ne, %convert_element_type3A_60, %cond3A_61 : i32
    scf.if %cond3A_62 {
      %dma_wait3A = arith.constant 1 : i32
      %dma_wait3A_161 = arith.constant 0 : i32
      %dma_wait3A_162 = tpu.memref_slice %arg2[%dma_wait3A, %dma_wait3A_161] : memref<2x320000xi32, #tpu.memory_space<hbm>> -> memref<1x128xi32, #tpu.memory_space<hbm>>
      %dma_wait3A_163 = tpu.memref_squeeze %dma_wait3A_162 : memref<1x128xi32, #tpu.memory_space<hbm>> -> memref<128xi32, #tpu.memory_space<hbm>>
      %dma_wait3A_164 = arith.constant 0 : i32
      %dma_wait3A_165 = tpu.memref_slice %arg2[%dma_wait3A, %dma_wait3A_164] : memref<2x320000xi32, #tpu.memory_space<hbm>> -> memref<1x128xi32, #tpu.memory_space<hbm>>
      %dma_wait3A_166 = tpu.memref_squeeze %dma_wait3A_165 : memref<1x128xi32, #tpu.memory_space<hbm>> -> memref<128xi32, #tpu.memory_space<hbm>>
      tpu.wait_dma2 semaphore(%arg9 : memref<!tpu.dma_semaphore, #tpu.memory_space<semaphore_mem>>) src(%dma_wait3A_166 : memref<128xi32, #tpu.memory_space<hbm>>) dst(%arg4 : memref<128xi32, #tpu.memory_space<vmem>>)
    } else {
    }
    %jit3A_63 = arith.constant 2 : i32
    %eq3A_64 = arith.constant 0 : i32
    %eq3A_65 = arith.cmpi eq, %jit3A_63, %eq3A_64 : i32
    %jit3A_66 = arith.constant 1 : i32
    %select_n3A_67 = arith.select %eq3A_65, %jit3A_66, %jit3A_63 : i32
    %rem3A_68 = arith.remsi %add3A_20, %select_n3A_67 : i32
    %ne3A_69 = arith.constant 0 : i32
    %ne3A_70 = arith.cmpi ne, %rem3A_68, %ne3A_69 : i32
    %lt3A_71 = arith.constant 0 : i32
    %lt3A_72 = arith.cmpi slt, %rem3A_68, %lt3A_71 : i32
    %lt3A_73 = arith.constant 0 : i32
    %lt3A_74 = arith.cmpi slt, %select_n3A_67, %lt3A_73 : i32
    %ne3A_75 = arith.xori %lt3A_72, %lt3A_74 : i1
    %and3A_76 = arith.andi %ne3A_75, %ne3A_70 : i1
    %add3A_77 = arith.addi %rem3A_68, %select_n3A_67 : i32
    %select_n3A_78 = arith.select %and3A_76, %add3A_77, %rem3A_68 : i32
    %eq3A_79 = arith.constant 1 : i32
    %eq3A_80 = arith.cmpi eq, %select_n3A_78, %eq3A_79 : i32
    %convert_element_type3A_81 = arith.extui %eq3A_80 : i1 to i32
    %cond3A_82 = arith.constant 0 : i32
    %cond3A_83 = arith.cmpi ne, %convert_element_type3A_81, %cond3A_82 : i32
    scf.if %cond3A_83 {
      %dma_wait3A = arith.constant 1 : i32
      %dma_wait3A_161 = arith.constant 0 : i32
      %dma_wait3A_162 = tpu.memref_slice %arg2[%dma_wait3A, %dma_wait3A_161] : memref<2x320000xi32, #tpu.memory_space<hbm>> -> memref<1x128xi32, #tpu.memory_space<hbm>>
      %dma_wait3A_163 = tpu.memref_squeeze %dma_wait3A_162 : memref<1x128xi32, #tpu.memory_space<hbm>> -> memref<128xi32, #tpu.memory_space<hbm>>
      %dma_wait3A_164 = arith.constant 0 : i32
      %dma_wait3A_165 = tpu.memref_slice %arg2[%dma_wait3A, %dma_wait3A_164] : memref<2x320000xi32, #tpu.memory_space<hbm>> -> memref<1x128xi32, #tpu.memory_space<hbm>>
      %dma_wait3A_166 = tpu.memref_squeeze %dma_wait3A_165 : memref<1x128xi32, #tpu.memory_space<hbm>> -> memref<128xi32, #tpu.memory_space<hbm>>
      tpu.wait_dma2 semaphore(%arg10 : memref<!tpu.dma_semaphore, #tpu.memory_space<semaphore_mem>>) src(%dma_wait3A_166 : memref<128xi32, #tpu.memory_space<hbm>>) dst(%arg5 : memref<128xi32, #tpu.memory_space<vmem>>)
    } else {
    }
    "tpu.region"() ({
      %run_scoped3A_161 = tpu.sem_alloc : memref<!tpu.dma_semaphore, #tpu.memory_space<semaphore_mem>>
      %dma_start3A_162 = arith.constant 0 : i32
      %dma_start3A_163 = tpu.memref_slice %arg8[%arg1, %dma_start3A_162] : memref<16x10240xf32, #tpu.memory_space<vmem_shared>> -> memref<1x10240xf32, #tpu.memory_space<vmem_shared>>
      %dma_start3A_164 = tpu.memref_squeeze %dma_start3A_163 : memref<1x10240xf32, #tpu.memory_space<vmem_shared>> -> memref<10240xf32, #tpu.memory_space<vmem_shared>>
      %dma_start3A_165 = arith.constant 0 : i32
      %dma_start3A_166 = tpu.memref_slice %arg8[%arg1, %dma_start3A_165] : memref<16x10240xf32, #tpu.memory_space<vmem_shared>> -> memref<1x10240xf32, #tpu.memory_space<vmem_shared>>
      %dma_start3A_167 = tpu.memref_squeeze %dma_start3A_166 : memref<1x10240xf32, #tpu.memory_space<vmem_shared>> -> memref<10240xf32, #tpu.memory_space<vmem_shared>>
      tpu.enqueue_dma source(%arg6 : memref<10240xf32, #tpu.memory_space<vmem>>) target(%dma_start3A_167 : memref<10240xf32, #tpu.memory_space<vmem_shared>>) target_semaphore(%run_scoped3A_161 : memref<!tpu.dma_semaphore, #tpu.memory_space<semaphore_mem>>)
      %dma_wait3A = arith.constant 0 : i32
      %dma_wait3A_168 = tpu.memref_slice %arg8[%arg1, %dma_wait3A] : memref<16x10240xf32, #tpu.memory_space<vmem_shared>> -> memref<1x10240xf32, #tpu.memory_space<vmem_shared>>
      %dma_wait3A_169 = tpu.memref_squeeze %dma_wait3A_168 : memref<1x10240xf32, #tpu.memory_space<vmem_shared>> -> memref<10240xf32, #tpu.memory_space<vmem_shared>>
      %dma_wait3A_170 = arith.constant 0 : i32
      %dma_wait3A_171 = tpu.memref_slice %arg8[%arg1, %dma_wait3A_170] : memref<16x10240xf32, #tpu.memory_space<vmem_shared>> -> memref<1x10240xf32, #tpu.memory_space<vmem_shared>>
      %dma_wait3A_172 = tpu.memref_squeeze %dma_wait3A_171 : memref<1x10240xf32, #tpu.memory_space<vmem_shared>> -> memref<10240xf32, #tpu.memory_space<vmem_shared>>
      tpu.wait_dma2 semaphore(%run_scoped3A_161 : memref<!tpu.dma_semaphore, #tpu.memory_space<semaphore_mem>>) src(%arg6 : memref<10240xf32, #tpu.memory_space<vmem>>) dst(%dma_wait3A_172 : memref<10240xf32, #tpu.memory_space<vmem_shared>>)
      tpu.yield
    }) : () -> ()
    %barrier3A = arith.constant 0 : index
    tpu.barrier barrier_id(%barrier3A)
    %mul3A_84 = arith.constant 640 : i32
    %mul3A_85 = arith.muli %arg1, %mul3A_84 : i32
    "tpu.region"() ({
      %run_scoped3A_161 = tpu.sem_alloc : memref<!tpu.dma_semaphore, #tpu.memory_space<semaphore_mem>>
      %dma_start3A_162 = arith.constant 0 : i32
      %dma_start3A_163 = tpu.memref_slice %arg8[%dma_start3A_162, %mul3A_85] : memref<16x10240xf32, #tpu.memory_space<vmem_shared>> -> memref<16x640xf32, #tpu.memory_space<vmem_shared>>
      %dma_start3A_164 = arith.constant 0 : i32
      %dma_start3A_165 = tpu.memref_slice %arg8[%dma_start3A_164, %mul3A_85] : memref<16x10240xf32, #tpu.memory_space<vmem_shared>> -> memref<16x640xf32, #tpu.memory_space<vmem_shared>>
      tpu.enqueue_dma source(%dma_start3A_165 : memref<16x640xf32, #tpu.memory_space<vmem_shared>>) target(%arg7 : memref<16x640xf32, #tpu.memory_space<vmem>>) target_semaphore(%run_scoped3A_161 : memref<!tpu.dma_semaphore, #tpu.memory_space<semaphore_mem>>)
      %dma_wait3A = arith.constant 0 : i32
      %dma_wait3A_166 = tpu.memref_slice %arg8[%dma_wait3A, %mul3A_85] : memref<16x10240xf32, #tpu.memory_space<vmem_shared>> -> memref<16x640xf32, #tpu.memory_space<vmem_shared>>
      %dma_wait3A_167 = arith.constant 0 : i32
      %dma_wait3A_168 = tpu.memref_slice %arg8[%dma_wait3A_167, %mul3A_85] : memref<16x10240xf32, #tpu.memory_space<vmem_shared>> -> memref<16x640xf32, #tpu.memory_space<vmem_shared>>
      tpu.wait_dma2 semaphore(%run_scoped3A_161 : memref<!tpu.dma_semaphore, #tpu.memory_space<semaphore_mem>>) src(%dma_wait3A_168 : memref<16x640xf32, #tpu.memory_space<vmem_shared>>) dst(%arg7 : memref<16x640xf32, #tpu.memory_space<vmem>>)
      tpu.yield
    }) : () -> ()
    %scan3A_86 = arith.constant 0 : i32
    %scan3A_87 = arith.constant 40 : i32
    %scan3A_88 = arith.addi %scan3A_86, %scan3A_87 : i32
    %scan3A_89 = arith.constant 1 : i32
    scf.for %scan3A_161 = %scan3A_86 to %scan3A_88 step %scan3A_89  : i32 {
      %mul3A_162 = arith.constant 16 : i32
      %mul3A_163 = arith.muli %scan3A_161, %mul3A_162 : i32
      %add3A_164 = arith.constant 0 : i32
      %add3A_165 = arith.addi %add3A_164, %mul3A_163 : i32
      %get3A = arith.constant 0 : i32
      %get3A_166 = arith.index_cast %get3A : i32 to index
      %get3A_167 = arith.index_cast %add3A_165 : i32 to index
      %get3A_168 = tpu.vector_load %arg7[%get3A_166, %get3A_167] {strides = array<i32>} : memref<16x640xf32, #tpu.memory_space<vmem>>, vector<16xf32>,
      %get3A_169 = arith.constant 1 : i32
      %get3A_170 = arith.index_cast %get3A_169 : i32 to index
      %get3A_171 = arith.index_cast %add3A_165 : i32 to index
      %get3A_172 = tpu.vector_load %arg7[%get3A_170, %get3A_171] {strides = array<i32>} : memref<16x640xf32, #tpu.memory_space<vmem>>, vector<16xf32>,
      %add3A_173 = arith.addf %get3A_168, %get3A_172 : vector<16xf32>
      %swap3A = arith.constant 0 : i32
      %swap3A_174 = arith.index_cast %swap3A : i32 to index
      %swap3A_175 = arith.index_cast %add3A_165 : i32 to index
      %swap3A_176 = tpu.vector_load %arg7[%swap3A_174, %swap3A_175] {strides = array<i32>} : memref<16x640xf32, #tpu.memory_space<vmem>>, vector<16xf32>,
      tpu.vector_store %arg7[%swap3A_174, %swap3A_175], %add3A_173 {strides = array<i32>} : memref<16x640xf32, #tpu.memory_space<vmem>>, vector<16xf32>,
    }
    %scan3A_90 = arith.constant 40 : i32
    %scan3A_91 = arith.constant 0 : i32
    %scan3A_92 = arith.constant 40 : i32
    %scan3A_93 = arith.addi %scan3A_91, %scan3A_92 : i32
    %scan3A_94 = arith.constant 1 : i32
    scf.for %scan3A_161 = %scan3A_91 to %scan3A_93 step %scan3A_94  : i32 {
      %mul3A_162 = arith.constant 16 : i32
      %mul3A_163 = arith.muli %scan3A_161, %mul3A_162 : i32
      %add3A_164 = arith.constant 0 : i32
      %add3A_165 = arith.addi %add3A_164, %mul3A_163 : i32
      %get3A = arith.constant 0 : i32
      %get3A_166 = arith.index_cast %get3A : i32 to index
      %get3A_167 = arith.index_cast %add3A_165 : i32 to index
      %get3A_168 = tpu.vector_load %arg7[%get3A_166, %get3A_167] {strides = array<i32>} : memref<16x640xf32, #tpu.memory_space<vmem>>, vector<16xf32>,
      %get3A_169 = arith.constant 2 : i32
      %get3A_170 = arith.index_cast %get3A_169 : i32 to index
      %get3A_171 = arith.index_cast %add3A_165 : i32 to index
      %get3A_172 = tpu.vector_load %arg7[%get3A_170, %get3A_171] {strides = array<i32>} : memref<16x640xf32, #tpu.memory_space<vmem>>, vector<16xf32>,
      %add3A_173 = arith.addf %get3A_168, %get3A_172 : vector<16xf32>
      %swap3A = arith.constant 0 : i32
      %swap3A_174 = arith.index_cast %swap3A : i32 to index
      %swap3A_175 = arith.index_cast %add3A_165 : i32 to index
      %swap3A_176 = tpu.vector_load %arg7[%swap3A_174, %swap3A_175] {strides = array<i32>} : memref<16x640xf32, #tpu.memory_space<vmem>>, vector<16xf32>,
      tpu.vector_store %arg7[%swap3A_174, %swap3A_175], %add3A_173 {strides = array<i32>} : memref<16x640xf32, #tpu.memory_space<vmem>>, vector<16xf32>,
    }
    %scan3A_95 = arith.constant 40 : i32
    %scan3A_96 = arith.constant 0 : i32
    %scan3A_97 = arith.constant 40 : i32
    %scan3A_98 = arith.addi %scan3A_96, %scan3A_97 : i32
    %scan3A_99 = arith.constant 1 : i32
    scf.for %scan3A_161 = %scan3A_96 to %scan3A_98 step %scan3A_99  : i32 {
      %mul3A_162 = arith.constant 16 : i32
      %mul3A_163 = arith.muli %scan3A_161, %mul3A_162 : i32
      %add3A_164 = arith.constant 0 : i32
      %add3A_165 = arith.addi %add3A_164, %mul3A_163 : i32
      %get3A = arith.constant 0 : i32
      %get3A_166 = arith.index_cast %get3A : i32 to index
      %get3A_167 = arith.index_cast %add3A_165 : i32 to index
      %get3A_168 = tpu.vector_load %arg7[%get3A_166, %get3A_167] {strides = array<i32>} : memref<16x640xf32, #tpu.memory_space<vmem>>, vector<16xf32>,
      %get3A_169 = arith.constant 3 : i32
      %get3A_170 = arith.index_cast %get3A_169 : i32 to index
      %get3A_171 = arith.index_cast %add3A_165 : i32 to index
      %get3A_172 = tpu.vector_load %arg7[%get3A_170, %get3A_171] {strides = array<i32>} : memref<16x640xf32, #tpu.memory_space<vmem>>, vector<16xf32>,
      %add3A_173 = arith.addf %get3A_168, %get3A_172 : vector<16xf32>
      %swap3A = arith.constant 0 : i32
      %swap3A_174 = arith.index_cast %swap3A : i32 to index
      %swap3A_175 = arith.index_cast %add3A_165 : i32 to index
      %swap3A_176 = tpu.vector_load %arg7[%swap3A_174, %swap3A_175] {strides = array<i32>} : memref<16x640xf32, #tpu.memory_space<vmem>>, vector<16xf32>,
      tpu.vector_store %arg7[%swap3A_174, %swap3A_175], %add3A_173 {strides = array<i32>} : memref<16x640xf32, #tpu.memory_space<vmem>>, vector<16xf32>,
    }
    %scan3A_100 = arith.constant 40 : i32
    %scan3A_101 = arith.constant 0 : i32
    %scan3A_102 = arith.constant 40 : i32
    %scan3A_103 = arith.addi %scan3A_101, %scan3A_102 : i32
    %scan3A_104 = arith.constant 1 : i32
    scf.for %scan3A_161 = %scan3A_101 to %scan3A_103 step %scan3A_104  : i32 {
      %mul3A_162 = arith.constant 16 : i32
      %mul3A_163 = arith.muli %scan3A_161, %mul3A_162 : i32
      %add3A_164 = arith.constant 0 : i32
      %add3A_165 = arith.addi %add3A_164, %mul3A_163 : i32
      %get3A = arith.constant 0 : i32
      %get3A_166 = arith.index_cast %get3A : i32 to index
      %get3A_167 = arith.index_cast %add3A_165 : i32 to index
      %get3A_168 = tpu.vector_load %arg7[%get3A_166, %get3A_167] {strides = array<i32>} : memref<16x640xf32, #tpu.memory_space<vmem>>, vector<16xf32>,
      %get3A_169 = arith.constant 4 : i32
      %get3A_170 = arith.index_cast %get3A_169 : i32 to index
      %get3A_171 = arith.index_cast %add3A_165 : i32 to index
      %get3A_172 = tpu.vector_load %arg7[%get3A_170, %get3A_171] {strides = array<i32>} : memref<16x640xf32, #tpu.memory_space<vmem>>, vector<16xf32>,
      %add3A_173 = arith.addf %get3A_168, %get3A_172 : vector<16xf32>
      %swap3A = arith.constant 0 : i32
      %swap3A_174 = arith.index_cast %swap3A : i32 to index
      %swap3A_175 = arith.index_cast %add3A_165 : i32 to index
      %swap3A_176 = tpu.vector_load %arg7[%swap3A_174, %swap3A_175] {strides = array<i32>} : memref<16x640xf32, #tpu.memory_space<vmem>>, vector<16xf32>,
      tpu.vector_store %arg7[%swap3A_174, %swap3A_175], %add3A_173 {strides = array<i32>} : memref<16x640xf32, #tpu.memory_space<vmem>>, vector<16xf32>,
    }
    %scan3A_105 = arith.constant 40 : i32
    %scan3A_106 = arith.constant 0 : i32
    %scan3A_107 = arith.constant 40 : i32
    %scan3A_108 = arith.addi %scan3A_106, %scan3A_107 : i32
    %scan3A_109 = arith.constant 1 : i32
    scf.for %scan3A_161 = %scan3A_106 to %scan3A_108 step %scan3A_109  : i32 {
      %mul3A_162 = arith.constant 16 : i32
      %mul3A_163 = arith.muli %scan3A_161, %mul3A_162 : i32
      %add3A_164 = arith.constant 0 : i32
      %add3A_165 = arith.addi %add3A_164, %mul3A_163 : i32
      %get3A = arith.constant 0 : i32
      %get3A_166 = arith.index_cast %get3A : i32 to index
      %get3A_167 = arith.index_cast %add3A_165 : i32 to index
      %get3A_168 = tpu.vector_load %arg7[%get3A_166, %get3A_167] {strides = array<i32>} : memref<16x640xf32, #tpu.memory_space<vmem>>, vector<16xf32>,
      %get3A_169 = arith.constant 5 : i32
      %get3A_170 = arith.index_cast %get3A_169 : i32 to index
      %get3A_171 = arith.index_cast %add3A_165 : i32 to index
      %get3A_172 = tpu.vector_load %arg7[%get3A_170, %get3A_171] {strides = array<i32>} : memref<16x640xf32, #tpu.memory_space<vmem>>, vector<16xf32>,
      %add3A_173 = arith.addf %get3A_168, %get3A_172 : vector<16xf32>
      %swap3A = arith.constant 0 : i32
      %swap3A_174 = arith.index_cast %swap3A : i32 to index
      %swap3A_175 = arith.index_cast %add3A_165 : i32 to index
      %swap3A_176 = tpu.vector_load %arg7[%swap3A_174, %swap3A_175] {strides = array<i32>} : memref<16x640xf32, #tpu.memory_space<vmem>>, vector<16xf32>,
      tpu.vector_store %arg7[%swap3A_174, %swap3A_175], %add3A_173 {strides = array<i32>} : memref<16x640xf32, #tpu.memory_space<vmem>>, vector<16xf32>,
    }
    %scan3A_110 = arith.constant 40 : i32
    %scan3A_111 = arith.constant 0 : i32
    %scan3A_112 = arith.constant 40 : i32
    %scan3A_113 = arith.addi %scan3A_111, %scan3A_112 : i32
    %scan3A_114 = arith.constant 1 : i32
    scf.for %scan3A_161 = %scan3A_111 to %scan3A_113 step %scan3A_114  : i32 {
      %mul3A_162 = arith.constant 16 : i32
      %mul3A_163 = arith.muli %scan3A_161, %mul3A_162 : i32
      %add3A_164 = arith.constant 0 : i32
      %add3A_165 = arith.addi %add3A_164, %mul3A_163 : i32
      %get3A = arith.constant 0 : i32
      %get3A_166 = arith.index_cast %get3A : i32 to index
      %get3A_167 = arith.index_cast %add3A_165 : i32 to index
      %get3A_168 = tpu.vector_load %arg7[%get3A_166, %get3A_167] {strides = array<i32>} : memref<16x640xf32, #tpu.memory_space<vmem>>, vector<16xf32>,
      %get3A_169 = arith.constant 6 : i32
      %get3A_170 = arith.index_cast %get3A_169 : i32 to index
      %get3A_171 = arith.index_cast %add3A_165 : i32 to index
      %get3A_172 = tpu.vector_load %arg7[%get3A_170, %get3A_171] {strides = array<i32>} : memref<16x640xf32, #tpu.memory_space<vmem>>, vector<16xf32>,
      %add3A_173 = arith.addf %get3A_168, %get3A_172 : vector<16xf32>
      %swap3A = arith.constant 0 : i32
      %swap3A_174 = arith.index_cast %swap3A : i32 to index
      %swap3A_175 = arith.index_cast %add3A_165 : i32 to index
      %swap3A_176 = tpu.vector_load %arg7[%swap3A_174, %swap3A_175] {strides = array<i32>} : memref<16x640xf32, #tpu.memory_space<vmem>>, vector<16xf32>,
      tpu.vector_store %arg7[%swap3A_174, %swap3A_175], %add3A_173 {strides = array<i32>} : memref<16x640xf32, #tpu.memory_space<vmem>>, vector<16xf32>,
    }
    %scan3A_115 = arith.constant 40 : i32
    %scan3A_116 = arith.constant 0 : i32
    %scan3A_117 = arith.constant 40 : i32
    %scan3A_118 = arith.addi %scan3A_116, %scan3A_117 : i32
    %scan3A_119 = arith.constant 1 : i32
    scf.for %scan3A_161 = %scan3A_116 to %scan3A_118 step %scan3A_119  : i32 {
      %mul3A_162 = arith.constant 16 : i32
      %mul3A_163 = arith.muli %scan3A_161, %mul3A_162 : i32
      %add3A_164 = arith.constant 0 : i32
      %add3A_165 = arith.addi %add3A_164, %mul3A_163 : i32
      %get3A = arith.constant 0 : i32
      %get3A_166 = arith.index_cast %get3A : i32 to index
      %get3A_167 = arith.index_cast %add3A_165 : i32 to index
      %get3A_168 = tpu.vector_load %arg7[%get3A_166, %get3A_167] {strides = array<i32>} : memref<16x640xf32, #tpu.memory_space<vmem>>, vector<16xf32>,
      %get3A_169 = arith.constant 7 : i32
      %get3A_170 = arith.index_cast %get3A_169 : i32 to index
      %get3A_171 = arith.index_cast %add3A_165 : i32 to index
      %get3A_172 = tpu.vector_load %arg7[%get3A_170, %get3A_171] {strides = array<i32>} : memref<16x640xf32, #tpu.memory_space<vmem>>, vector<16xf32>,
      %add3A_173 = arith.addf %get3A_168, %get3A_172 : vector<16xf32>
      %swap3A = arith.constant 0 : i32
      %swap3A_174 = arith.index_cast %swap3A : i32 to index
      %swap3A_175 = arith.index_cast %add3A_165 : i32 to index
      %swap3A_176 = tpu.vector_load %arg7[%swap3A_174, %swap3A_175] {strides = array<i32>} : memref<16x640xf32, #tpu.memory_space<vmem>>, vector<16xf32>,
      tpu.vector_store %arg7[%swap3A_174, %swap3A_175], %add3A_173 {strides = array<i32>} : memref<16x640xf32, #tpu.memory_space<vmem>>, vector<16xf32>,
    }
    %scan3A_120 = arith.constant 40 : i32
    %scan3A_121 = arith.constant 0 : i32
    %scan3A_122 = arith.constant 40 : i32
    %scan3A_123 = arith.addi %scan3A_121, %scan3A_122 : i32
    %scan3A_124 = arith.constant 1 : i32
    scf.for %scan3A_161 = %scan3A_121 to %scan3A_123 step %scan3A_124  : i32 {
      %mul3A_162 = arith.constant 16 : i32
      %mul3A_163 = arith.muli %scan3A_161, %mul3A_162 : i32
      %add3A_164 = arith.constant 0 : i32
      %add3A_165 = arith.addi %add3A_164, %mul3A_163 : i32
      %get3A = arith.constant 0 : i32
      %get3A_166 = arith.index_cast %get3A : i32 to index
      %get3A_167 = arith.index_cast %add3A_165 : i32 to index
      %get3A_168 = tpu.vector_load %arg7[%get3A_166, %get3A_167] {strides = array<i32>} : memref<16x640xf32, #tpu.memory_space<vmem>>, vector<16xf32>,
      %get3A_169 = arith.constant 8 : i32
      %get3A_170 = arith.index_cast %get3A_169 : i32 to index
      %get3A_171 = arith.index_cast %add3A_165 : i32 to index
      %get3A_172 = tpu.vector_load %arg7[%get3A_170, %get3A_171] {strides = array<i32>} : memref<16x640xf32, #tpu.memory_space<vmem>>, vector<16xf32>,
      %add3A_173 = arith.addf %get3A_168, %get3A_172 : vector<16xf32>
      %swap3A = arith.constant 0 : i32
      %swap3A_174 = arith.index_cast %swap3A : i32 to index
      %swap3A_175 = arith.index_cast %add3A_165 : i32 to index
      %swap3A_176 = tpu.vector_load %arg7[%swap3A_174, %swap3A_175] {strides = array<i32>} : memref<16x640xf32, #tpu.memory_space<vmem>>, vector<16xf32>,
      tpu.vector_store %arg7[%swap3A_174, %swap3A_175], %add3A_173 {strides = array<i32>} : memref<16x640xf32, #tpu.memory_space<vmem>>, vector<16xf32>,
    }
    %scan3A_125 = arith.constant 40 : i32
    %scan3A_126 = arith.constant 0 : i32
    %scan3A_127 = arith.constant 40 : i32
    %scan3A_128 = arith.addi %scan3A_126, %scan3A_127 : i32
    %scan3A_129 = arith.constant 1 : i32
    scf.for %scan3A_161 = %scan3A_126 to %scan3A_128 step %scan3A_129  : i32 {
      %mul3A_162 = arith.constant 16 : i32
      %mul3A_163 = arith.muli %scan3A_161, %mul3A_162 : i32
      %add3A_164 = arith.constant 0 : i32
      %add3A_165 = arith.addi %add3A_164, %mul3A_163 : i32
      %get3A = arith.constant 0 : i32
      %get3A_166 = arith.index_cast %get3A : i32 to index
      %get3A_167 = arith.index_cast %add3A_165 : i32 to index
      %get3A_168 = tpu.vector_load %arg7[%get3A_166, %get3A_167] {strides = array<i32>} : memref<16x640xf32, #tpu.memory_space<vmem>>, vector<16xf32>,
      %get3A_169 = arith.constant 9 : i32
      %get3A_170 = arith.index_cast %get3A_169 : i32 to index
      %get3A_171 = arith.index_cast %add3A_165 : i32 to index
      %get3A_172 = tpu.vector_load %arg7[%get3A_170, %get3A_171] {strides = array<i32>} : memref<16x640xf32, #tpu.memory_space<vmem>>, vector<16xf32>,
      %add3A_173 = arith.addf %get3A_168, %get3A_172 : vector<16xf32>
      %swap3A = arith.constant 0 : i32
      %swap3A_174 = arith.index_cast %swap3A : i32 to index
      %swap3A_175 = arith.index_cast %add3A_165 : i32 to index
      %swap3A_176 = tpu.vector_load %arg7[%swap3A_174, %swap3A_175] {strides = array<i32>} : memref<16x640xf32, #tpu.memory_space<vmem>>, vector<16xf32>,
      tpu.vector_store %arg7[%swap3A_174, %swap3A_175], %add3A_173 {strides = array<i32>} : memref<16x640xf32, #tpu.memory_space<vmem>>, vector<16xf32>,
    }
    %scan3A_130 = arith.constant 40 : i32
    %scan3A_131 = arith.constant 0 : i32
    %scan3A_132 = arith.constant 40 : i32
    %scan3A_133 = arith.addi %scan3A_131, %scan3A_132 : i32
    %scan3A_134 = arith.constant 1 : i32
    scf.for %scan3A_161 = %scan3A_131 to %scan3A_133 step %scan3A_134  : i32 {
      %mul3A_162 = arith.constant 16 : i32
      %mul3A_163 = arith.muli %scan3A_161, %mul3A_162 : i32
      %add3A_164 = arith.constant 0 : i32
      %add3A_165 = arith.addi %add3A_164, %mul3A_163 : i32
      %get3A = arith.constant 0 : i32
      %get3A_166 = arith.index_cast %get3A : i32 to index
      %get3A_167 = arith.index_cast %add3A_165 : i32 to index
      %get3A_168 = tpu.vector_load %arg7[%get3A_166, %get3A_167] {strides = array<i32>} : memref<16x640xf32, #tpu.memory_space<vmem>>, vector<16xf32>,
      %get3A_169 = arith.constant 10 : i32
      %get3A_170 = arith.index_cast %get3A_169 : i32 to index
      %get3A_171 = arith.index_cast %add3A_165 : i32 to index
      %get3A_172 = tpu.vector_load %arg7[%get3A_170, %get3A_171] {strides = array<i32>} : memref<16x640xf32, #tpu.memory_space<vmem>>, vector<16xf32>,
      %add3A_173 = arith.addf %get3A_168, %get3A_172 : vector<16xf32>
      %swap3A = arith.constant 0 : i32
      %swap3A_174 = arith.index_cast %swap3A : i32 to index
      %swap3A_175 = arith.index_cast %add3A_165 : i32 to index
      %swap3A_176 = tpu.vector_load %arg7[%swap3A_174, %swap3A_175] {strides = array<i32>} : memref<16x640xf32, #tpu.memory_space<vmem>>, vector<16xf32>,
      tpu.vector_store %arg7[%swap3A_174, %swap3A_175], %add3A_173 {strides = array<i32>} : memref<16x640xf32, #tpu.memory_space<vmem>>, vector<16xf32>,
    }
    %scan3A_135 = arith.constant 40 : i32
    %scan3A_136 = arith.constant 0 : i32
    %scan3A_137 = arith.constant 40 : i32
    %scan3A_138 = arith.addi %scan3A_136, %scan3A_137 : i32
    %scan3A_139 = arith.constant 1 : i32
    scf.for %scan3A_161 = %scan3A_136 to %scan3A_138 step %scan3A_139  : i32 {
      %mul3A_162 = arith.constant 16 : i32
      %mul3A_163 = arith.muli %scan3A_161, %mul3A_162 : i32
      %add3A_164 = arith.constant 0 : i32
      %add3A_165 = arith.addi %add3A_164, %mul3A_163 : i32
      %get3A = arith.constant 0 : i32
      %get3A_166 = arith.index_cast %get3A : i32 to index
      %get3A_167 = arith.index_cast %add3A_165 : i32 to index
      %get3A_168 = tpu.vector_load %arg7[%get3A_166, %get3A_167] {strides = array<i32>} : memref<16x640xf32, #tpu.memory_space<vmem>>, vector<16xf32>,
      %get3A_169 = arith.constant 11 : i32
      %get3A_170 = arith.index_cast %get3A_169 : i32 to index
      %get3A_171 = arith.index_cast %add3A_165 : i32 to index
      %get3A_172 = tpu.vector_load %arg7[%get3A_170, %get3A_171] {strides = array<i32>} : memref<16x640xf32, #tpu.memory_space<vmem>>, vector<16xf32>,
      %add3A_173 = arith.addf %get3A_168, %get3A_172 : vector<16xf32>
      %swap3A = arith.constant 0 : i32
      %swap3A_174 = arith.index_cast %swap3A : i32 to index
      %swap3A_175 = arith.index_cast %add3A_165 : i32 to index
      %swap3A_176 = tpu.vector_load %arg7[%swap3A_174, %swap3A_175] {strides = array<i32>} : memref<16x640xf32, #tpu.memory_space<vmem>>, vector<16xf32>,
      tpu.vector_store %arg7[%swap3A_174, %swap3A_175], %add3A_173 {strides = array<i32>} : memref<16x640xf32, #tpu.memory_space<vmem>>, vector<16xf32>,
    }
    %scan3A_140 = arith.constant 40 : i32
    %scan3A_141 = arith.constant 0 : i32
    %scan3A_142 = arith.constant 40 : i32
    %scan3A_143 = arith.addi %scan3A_141, %scan3A_142 : i32
    %scan3A_144 = arith.constant 1 : i32
    scf.for %scan3A_161 = %scan3A_141 to %scan3A_143 step %scan3A_144  : i32 {
      %mul3A_162 = arith.constant 16 : i32
      %mul3A_163 = arith.muli %scan3A_161, %mul3A_162 : i32
      %add3A_164 = arith.constant 0 : i32
      %add3A_165 = arith.addi %add3A_164, %mul3A_163 : i32
      %get3A = arith.constant 0 : i32
      %get3A_166 = arith.index_cast %get3A : i32 to index
      %get3A_167 = arith.index_cast %add3A_165 : i32 to index
      %get3A_168 = tpu.vector_load %arg7[%get3A_166, %get3A_167] {strides = array<i32>} : memref<16x640xf32, #tpu.memory_space<vmem>>, vector<16xf32>,
      %get3A_169 = arith.constant 12 : i32
      %get3A_170 = arith.index_cast %get3A_169 : i32 to index
      %get3A_171 = arith.index_cast %add3A_165 : i32 to index
      %get3A_172 = tpu.vector_load %arg7[%get3A_170, %get3A_171] {strides = array<i32>} : memref<16x640xf32, #tpu.memory_space<vmem>>, vector<16xf32>,
      %add3A_173 = arith.addf %get3A_168, %get3A_172 : vector<16xf32>
      %swap3A = arith.constant 0 : i32
      %swap3A_174 = arith.index_cast %swap3A : i32 to index
      %swap3A_175 = arith.index_cast %add3A_165 : i32 to index
      %swap3A_176 = tpu.vector_load %arg7[%swap3A_174, %swap3A_175] {strides = array<i32>} : memref<16x640xf32, #tpu.memory_space<vmem>>, vector<16xf32>,
      tpu.vector_store %arg7[%swap3A_174, %swap3A_175], %add3A_173 {strides = array<i32>} : memref<16x640xf32, #tpu.memory_space<vmem>>, vector<16xf32>,
    }
    %scan3A_145 = arith.constant 40 : i32
    %scan3A_146 = arith.constant 0 : i32
    %scan3A_147 = arith.constant 40 : i32
    %scan3A_148 = arith.addi %scan3A_146, %scan3A_147 : i32
    %scan3A_149 = arith.constant 1 : i32
    scf.for %scan3A_161 = %scan3A_146 to %scan3A_148 step %scan3A_149  : i32 {
      %mul3A_162 = arith.constant 16 : i32
      %mul3A_163 = arith.muli %scan3A_161, %mul3A_162 : i32
      %add3A_164 = arith.constant 0 : i32
      %add3A_165 = arith.addi %add3A_164, %mul3A_163 : i32
      %get3A = arith.constant 0 : i32
      %get3A_166 = arith.index_cast %get3A : i32 to index
      %get3A_167 = arith.index_cast %add3A_165 : i32 to index
      %get3A_168 = tpu.vector_load %arg7[%get3A_166, %get3A_167] {strides = array<i32>} : memref<16x640xf32, #tpu.memory_space<vmem>>, vector<16xf32>,
      %get3A_169 = arith.constant 13 : i32
      %get3A_170 = arith.index_cast %get3A_169 : i32 to index
      %get3A_171 = arith.index_cast %add3A_165 : i32 to index
      %get3A_172 = tpu.vector_load %arg7[%get3A_170, %get3A_171] {strides = array<i32>} : memref<16x640xf32, #tpu.memory_space<vmem>>, vector<16xf32>,
      %add3A_173 = arith.addf %get3A_168, %get3A_172 : vector<16xf32>
      %swap3A = arith.constant 0 : i32
      %swap3A_174 = arith.index_cast %swap3A : i32 to index
      %swap3A_175 = arith.index_cast %add3A_165 : i32 to index
      %swap3A_176 = tpu.vector_load %arg7[%swap3A_174, %swap3A_175] {strides = array<i32>} : memref<16x640xf32, #tpu.memory_space<vmem>>, vector<16xf32>,
      tpu.vector_store %arg7[%swap3A_174, %swap3A_175], %add3A_173 {strides = array<i32>} : memref<16x640xf32, #tpu.memory_space<vmem>>, vector<16xf32>,
    }
    %scan3A_150 = arith.constant 40 : i32
    %scan3A_151 = arith.constant 0 : i32
    %scan3A_152 = arith.constant 40 : i32
    %scan3A_153 = arith.addi %scan3A_151, %scan3A_152 : i32
    %scan3A_154 = arith.constant 1 : i32
    scf.for %scan3A_161 = %scan3A_151 to %scan3A_153 step %scan3A_154  : i32 {
      %mul3A_162 = arith.constant 16 : i32
      %mul3A_163 = arith.muli %scan3A_161, %mul3A_162 : i32
      %add3A_164 = arith.constant 0 : i32
      %add3A_165 = arith.addi %add3A_164, %mul3A_163 : i32
      %get3A = arith.constant 0 : i32
      %get3A_166 = arith.index_cast %get3A : i32 to index
      %get3A_167 = arith.index_cast %add3A_165 : i32 to index
      %get3A_168 = tpu.vector_load %arg7[%get3A_166, %get3A_167] {strides = array<i32>} : memref<16x640xf32, #tpu.memory_space<vmem>>, vector<16xf32>,
      %get3A_169 = arith.constant 14 : i32
      %get3A_170 = arith.index_cast %get3A_169 : i32 to index
      %get3A_171 = arith.index_cast %add3A_165 : i32 to index
      %get3A_172 = tpu.vector_load %arg7[%get3A_170, %get3A_171] {strides = array<i32>} : memref<16x640xf32, #tpu.memory_space<vmem>>, vector<16xf32>,
      %add3A_173 = arith.addf %get3A_168, %get3A_172 : vector<16xf32>
      %swap3A = arith.constant 0 : i32
      %swap3A_174 = arith.index_cast %swap3A : i32 to index
      %swap3A_175 = arith.index_cast %add3A_165 : i32 to index
      %swap3A_176 = tpu.vector_load %arg7[%swap3A_174, %swap3A_175] {strides = array<i32>} : memref<16x640xf32, #tpu.memory_space<vmem>>, vector<16xf32>,
      tpu.vector_store %arg7[%swap3A_174, %swap3A_175], %add3A_173 {strides = array<i32>} : memref<16x640xf32, #tpu.memory_space<vmem>>, vector<16xf32>,
    }
    %scan3A_155 = arith.constant 40 : i32
    %scan3A_156 = arith.constant 0 : i32
    %scan3A_157 = arith.constant 40 : i32
    %scan3A_158 = arith.addi %scan3A_156, %scan3A_157 : i32
    %scan3A_159 = arith.constant 1 : i32
    scf.for %scan3A_161 = %scan3A_156 to %scan3A_158 step %scan3A_159  : i32 {
      %mul3A_162 = arith.constant 16 : i32
      %mul3A_163 = arith.muli %scan3A_161, %mul3A_162 : i32
      %add3A_164 = arith.constant 0 : i32
      %add3A_165 = arith.addi %add3A_164, %mul3A_163 : i32
      %get3A = arith.constant 0 : i32
      %get3A_166 = arith.index_cast %get3A : i32 to index
      %get3A_167 = arith.index_cast %add3A_165 : i32 to index
      %get3A_168 = tpu.vector_load %arg7[%get3A_166, %get3A_167] {strides = array<i32>} : memref<16x640xf32, #tpu.memory_space<vmem>>, vector<16xf32>,
      %get3A_169 = arith.constant 15 : i32
      %get3A_170 = arith.index_cast %get3A_169 : i32 to index
      %get3A_171 = arith.index_cast %add3A_165 : i32 to index
      %get3A_172 = tpu.vector_load %arg7[%get3A_170, %get3A_171] {strides = array<i32>} : memref<16x640xf32, #tpu.memory_space<vmem>>, vector<16xf32>,
      %add3A_173 = arith.addf %get3A_168, %get3A_172 : vector<16xf32>
      %swap3A = arith.constant 0 : i32
      %swap3A_174 = arith.index_cast %swap3A : i32 to index
      %swap3A_175 = arith.index_cast %add3A_165 : i32 to index
      %swap3A_176 = tpu.vector_load %arg7[%swap3A_174, %swap3A_175] {strides = array<i32>} : memref<16x640xf32, #tpu.memory_space<vmem>>, vector<16xf32>,
      tpu.vector_store %arg7[%swap3A_174, %swap3A_175], %add3A_173 {strides = array<i32>} : memref<16x640xf32, #tpu.memory_space<vmem>>, vector<16xf32>,
    }
    %scan3A_160 = arith.constant 40 : i32
    %run_scoped3A = arith.constant 0 : i32
    "tpu.region"() ({
      %run_scoped3A_161 = tpu.sem_alloc : memref<!tpu.dma_semaphore, #tpu.memory_space<semaphore_mem>>
      %dma_start3A_162 = arith.constant 0 : i32
      %dma_start3A_163 = tpu.memref_slice %arg7[%run_scoped3A, %dma_start3A_162] : memref<16x640xf32, #tpu.memory_space<vmem>> -> memref<1x640xf32, #tpu.memory_space<vmem>>
      %dma_start3A_164 = tpu.memref_squeeze %dma_start3A_163 : memref<1x640xf32, #tpu.memory_space<vmem>> -> memref<640xf32, #tpu.memory_space<vmem>>
      %dma_start3A_165 = tpu.memref_slice %arg3[%arg0, %mul3A_85] : memref<2x10240xf32, #tpu.memory_space<hbm>> -> memref<1x640xf32, #tpu.memory_space<hbm>>
      %dma_start3A_166 = tpu.memref_squeeze %dma_start3A_165 : memref<1x640xf32, #tpu.memory_space<hbm>> -> memref<640xf32, #tpu.memory_space<hbm>>
      %dma_start3A_167 = tpu.memref_slice %arg3[%arg0, %mul3A_85] : memref<2x10240xf32, #tpu.memory_space<hbm>> -> memref<1x640xf32, #tpu.memory_space<hbm>>
      %dma_start3A_168 = tpu.memref_squeeze %dma_start3A_167 : memref<1x640xf32, #tpu.memory_space<hbm>> -> memref<640xf32, #tpu.memory_space<hbm>>
      %dma_start3A_169 = arith.constant 0 : i32
      %dma_start3A_170 = tpu.memref_slice %arg7[%run_scoped3A, %dma_start3A_169] : memref<16x640xf32, #tpu.memory_space<vmem>> -> memref<1x640xf32, #tpu.memory_space<vmem>>
      %dma_start3A_171 = tpu.memref_squeeze %dma_start3A_170 : memref<1x640xf32, #tpu.memory_space<vmem>> -> memref<640xf32, #tpu.memory_space<vmem>>
      tpu.enqueue_dma source(%dma_start3A_171 : memref<640xf32, #tpu.memory_space<vmem>>) target(%dma_start3A_168 : memref<640xf32, #tpu.memory_space<hbm>>) target_semaphore(%run_scoped3A_161 : memref<!tpu.dma_semaphore, #tpu.memory_space<semaphore_mem>>)
      %dma_wait3A = arith.constant 0 : i32
      %dma_wait3A_172 = tpu.memref_slice %arg7[%run_scoped3A, %dma_wait3A] : memref<16x640xf32, #tpu.memory_space<vmem>> -> memref<1x640xf32, #tpu.memory_space<vmem>>
      %dma_wait3A_173 = tpu.memref_squeeze %dma_wait3A_172 : memref<1x640xf32, #tpu.memory_space<vmem>> -> memref<640xf32, #tpu.memory_space<vmem>>
      %dma_wait3A_174 = tpu.memref_slice %arg3[%arg0, %mul3A_85] : memref<2x10240xf32, #tpu.memory_space<hbm>> -> memref<1x640xf32, #tpu.memory_space<hbm>>
      %dma_wait3A_175 = tpu.memref_squeeze %dma_wait3A_174 : memref<1x640xf32, #tpu.memory_space<hbm>> -> memref<640xf32, #tpu.memory_space<hbm>>
      %dma_wait3A_176 = tpu.memref_slice %arg3[%arg0, %mul3A_85] : memref<2x10240xf32, #tpu.memory_space<hbm>> -> memref<1x640xf32, #tpu.memory_space<hbm>>
      %dma_wait3A_177 = tpu.memref_squeeze %dma_wait3A_176 : memref<1x640xf32, #tpu.memory_space<hbm>> -> memref<640xf32, #tpu.memory_space<hbm>>
      %dma_wait3A_178 = arith.constant 0 : i32
      %dma_wait3A_179 = tpu.memref_slice %arg7[%run_scoped3A, %dma_wait3A_178] : memref<16x640xf32, #tpu.memory_space<vmem>> -> memref<1x640xf32, #tpu.memory_space<vmem>>
      %dma_wait3A_180 = tpu.memref_squeeze %dma_wait3A_179 : memref<1x640xf32, #tpu.memory_space<vmem>> -> memref<640xf32, #tpu.memory_space<vmem>>
      tpu.wait_dma2 semaphore(%run_scoped3A_161 : memref<!tpu.dma_semaphore, #tpu.memory_space<semaphore_mem>>) src(%dma_wait3A_180 : memref<640xf32, #tpu.memory_space<vmem>>) dst(%dma_wait3A_177 : memref<640xf32, #tpu.memory_space<hbm>>)
      tpu.yield
    }) : () -> ()
    return
  }
}

module attributes {stable_mosaic.version = 14 : i64} {
  func.func @_mm_body(%arg0: i32, %arg1: memref<2000x128xf32, #tpu.memory_space<vmem>>, %arg2: memref<128x128xf32, #tpu.memory_space<vmem>>, %arg3: memref<2x2000x1xf32, #tpu.memory_space<vmem>>, %arg4: memref<2000x128xf32, #tpu.memory_space<vmem>>) attributes {dimension_semantics = [#tpu.dimension_semantics<arbitrary>], iteration_bounds = array<i64: 5>, scalar_prefetch = 0 : i64, scratch_operands = 0 : i64, tpu.core_type = #tpu.core_type<tc>, window_params = [{transform_indices = @transform_0, window_bounds = array<i64: 2000, 128>}, {pipeline_mode = #tpu.pipeline_mode<synchronous>, transform_indices = @transform_1, window_bounds = array<i64: 128, 128>}, {transform_indices = @transform_2, window_bounds = array<i64: 2, 2000, 1>}, {transform_indices = @transform_3, window_bounds = array<i64: 2000, 128>}]} {
    %get3A = arith.constant 0 : index
    %get3A_0 = arith.constant 0 : index
    %get3A_1 = arith.constant 0 : index
    %get3A_2 = vector.load %arg3[%get3A, %get3A_0, %get3A_1] : memref<2x2000x1xf32, #tpu.memory_space<vmem>>, vector<1x2000x1xf32>
    %get3A_3 = vector.shape_cast %get3A_2 : vector<1x2000x1xf32> to vector<2000x1xf32>
    %get3A_4 = arith.constant 1 : index
    %get3A_5 = arith.constant 0 : index
    %get3A_6 = arith.constant 0 : index
    %get3A_7 = vector.load %arg3[%get3A_4, %get3A_5, %get3A_6] : memref<2x2000x1xf32, #tpu.memory_space<vmem>>, vector<1x2000x1xf32>
    %get3A_8 = vector.shape_cast %get3A_7 : vector<1x2000x1xf32> to vector<2000x1xf32>
    %add3A = arith.addf %get3A_3, %get3A_8 : vector<2000x1xf32>
    %add3A_9 = arith.constant 1.000000e+00 : f32
    %add3A_10 = vector.broadcast %add3A_9 : f32 to vector<2000x1xf32>
    %add3A_11 = arith.addf %add3A, %add3A_10 : vector<2000x1xf32>
    %rsqrt3A = math.rsqrt %add3A_11 : vector<2000x1xf32>
    %get3A_12 = arith.constant 0 : index
    %get3A_13 = arith.constant 0 : index
    %get3A_14 = vector.load %arg1[%get3A_12, %get3A_13] : memref<2000x128xf32, #tpu.memory_space<vmem>>, vector<2000x128xf32>
    %get3A_15 = arith.constant 0 : index
    %get3A_16 = arith.constant 0 : index
    %get3A_17 = vector.load %arg2[%get3A_15, %get3A_16] : memref<128x128xf32, #tpu.memory_space<vmem>>, vector<128x128xf32>
    %dot_general3A = arith.constant dense<0.000000e+00> : vector<2000x128xf32>
    %dot_general3A_18 = tpu.matmul %get3A_14, %get3A_17, %dot_general3A {dimension_numbers = #tpu.dot_dimension_numbers<[1], [0], [0], [1], [0, 0, 1, 1], [], []>, transpose_lhs_hint = false} : vector<2000x128xf32>, vector<128x128xf32>, vector<2000x128xf32> -> vector<2000x128xf32>
    %mul3A = vector.broadcast %rsqrt3A : vector<2000x1xf32> to vector<2000x128xf32>
    %mul3A_19 = arith.mulf %dot_general3A_18, %mul3A : vector<2000x128xf32>
    %swap3A = arith.constant 0 : index
    %swap3A_20 = arith.constant 0 : index
    %swap3A_21 = vector.load %arg4[%swap3A, %swap3A_20] : memref<2000x128xf32, #tpu.memory_space<vmem>>, vector<2000x128xf32>
    tpu.vector_store %arg4[%swap3A, %swap3A_20], %mul3A_19 {strides = array<i32>} : memref<2000x128xf32, #tpu.memory_space<vmem>>, vector<2000x128xf32>,
    return
  }
  func.func @transform_0(%arg0: i32) -> (i32, i32) {
    %c0_i32 = arith.constant 0 : i32
    %c0_i32_0 = arith.constant 0 : i32
    return %arg0, %c0_i32 : i32, i32
  }
  func.func @transform_1(%arg0: i32) -> (i32, i32) {
    %c0_i32 = arith.constant 0 : i32
    %c0_i32_0 = arith.constant 0 : i32
    %c0_i32_1 = arith.constant 0 : i32
    return %c0_i32, %c0_i32_0 : i32, i32
  }
  func.func @transform_2(%arg0: i32) -> (i32, i32, i32) {
    %c0_i32 = arith.constant 0 : i32
    %c0_i32_0 = arith.constant 0 : i32
    %c0_i32_1 = arith.constant 0 : i32
    return %c0_i32, %arg0, %c0_i32_0 : i32, i32, i32
  }
  func.func @transform_3(%arg0: i32) -> (i32, i32) {
    %c0_i32 = arith.constant 0 : i32
    %c0_i32_0 = arith.constant 0 : i32
    return %arg0, %c0_i32 : i32, i32
  }
}

module attributes {stable_mosaic.version = 14 : i64} {
  func.func @_mid_body(%arg0: i32, %arg1: memref<2x2000x128xf32, #tpu.memory_space<vmem>>, %arg2: memref<2000x128xf32, #tpu.memory_space<vmem>>, %arg3: memref<2x2000x1xf32, #tpu.memory_space<vmem>>, %arg4: memref<2x128xf32, #tpu.memory_space<vmem>>, %arg5: memref<128x128xf32, #tpu.memory_space<vmem>>, %arg6: memref<2000x128xf32, #tpu.memory_space<vmem>>) attributes {dimension_semantics = [#tpu.dimension_semantics<arbitrary>], iteration_bounds = array<i64: 5>, scalar_prefetch = 0 : i64, scratch_operands = 0 : i64, tpu.core_type = #tpu.core_type<tc>, window_params = [{transform_indices = @transform_0, window_bounds = array<i64: 2, 2000, 128>}, {transform_indices = @transform_1, window_bounds = array<i64: 2000, 128>}, {transform_indices = @transform_2, window_bounds = array<i64: 2, 2000, 1>}, {pipeline_mode = #tpu.pipeline_mode<synchronous>, transform_indices = @transform_3, window_bounds = array<i64: 2, 128>}, {pipeline_mode = #tpu.pipeline_mode<synchronous>, transform_indices = @transform_4, window_bounds = array<i64: 128, 128>}, {transform_indices = @transform_5, window_bounds = array<i64: 2000, 128>}]} {
    %get3A = arith.constant 0 : index
    %get3A_0 = arith.constant 0 : index
    %get3A_1 = arith.constant 0 : index
    %get3A_2 = vector.load %arg3[%get3A, %get3A_0, %get3A_1] : memref<2x2000x1xf32, #tpu.memory_space<vmem>>, vector<1x2000x1xf32>
    %get3A_3 = vector.shape_cast %get3A_2 : vector<1x2000x1xf32> to vector<2000x1xf32>
    %get3A_4 = arith.constant 1 : index
    %get3A_5 = arith.constant 0 : index
    %get3A_6 = arith.constant 0 : index
    %get3A_7 = vector.load %arg3[%get3A_4, %get3A_5, %get3A_6] : memref<2x2000x1xf32, #tpu.memory_space<vmem>>, vector<1x2000x1xf32>
    %get3A_8 = vector.shape_cast %get3A_7 : vector<1x2000x1xf32> to vector<2000x1xf32>
    %add3A = arith.addf %get3A_3, %get3A_8 : vector<2000x1xf32>
    %add3A_9 = arith.constant 1.000000e+00 : f32
    %add3A_10 = vector.broadcast %add3A_9 : f32 to vector<2000x1xf32>
    %add3A_11 = arith.addf %add3A, %add3A_10 : vector<2000x1xf32>
    %rsqrt3A = math.rsqrt %add3A_11 : vector<2000x1xf32>
    %get3A_12 = arith.constant 0 : index
    %get3A_13 = arith.constant 0 : index
    %get3A_14 = arith.constant 0 : index
    %get3A_15 = vector.load %arg1[%get3A_12, %get3A_13, %get3A_14] : memref<2x2000x128xf32, #tpu.memory_space<vmem>>, vector<1x2000x128xf32>
    %get3A_16 = vector.shape_cast %get3A_15 : vector<1x2000x128xf32> to vector<2000x128xf32>
    %get3A_17 = arith.constant 1 : index
    %get3A_18 = arith.constant 0 : index
    %get3A_19 = arith.constant 0 : index
    %get3A_20 = vector.load %arg1[%get3A_17, %get3A_18, %get3A_19] : memref<2x2000x128xf32, #tpu.memory_space<vmem>>, vector<1x2000x128xf32>
    %get3A_21 = vector.shape_cast %get3A_20 : vector<1x2000x128xf32> to vector<2000x128xf32>
    %add3A_22 = arith.addf %get3A_16, %get3A_21 : vector<2000x128xf32>
    %get3A_23 = arith.constant 0 : index
    %get3A_24 = arith.constant 0 : index
    %get3A_25 = vector.load %arg2[%get3A_23, %get3A_24] : memref<2000x128xf32, #tpu.memory_space<vmem>>, vector<2000x128xf32>
    %add3A_26 = arith.addf %add3A_22, %get3A_25 : vector<2000x128xf32>
    %mul3A = vector.broadcast %rsqrt3A : vector<2000x1xf32> to vector<2000x128xf32>
    %mul3A_27 = arith.mulf %add3A_26, %mul3A : vector<2000x128xf32>
    %get3A_28 = arith.constant 0 : index
    %get3A_29 = arith.constant 0 : index
    %get3A_30 = vector.load %arg4[%get3A_28, %get3A_29] : memref<2x128xf32, #tpu.memory_space<vmem>>, vector<1x128xf32>
    %mul3A_31 = vector.broadcast %get3A_30 : vector<1x128xf32> to vector<2000x128xf32>
    %mul3A_32 = arith.mulf %mul3A_27, %mul3A_31 : vector<2000x128xf32>
    %get3A_33 = arith.constant 1 : index
    %get3A_34 = arith.constant 0 : index
    %get3A_35 = vector.load %arg4[%get3A_33, %get3A_34] : memref<2x128xf32, #tpu.memory_space<vmem>>, vector<1x128xf32>
    %add3A_36 = vector.broadcast %get3A_35 : vector<1x128xf32> to vector<2000x128xf32>
    %add3A_37 = arith.addf %mul3A_32, %add3A_36 : vector<2000x128xf32>
    %max3A = arith.constant 0.000000e+00 : f32
    %max3A_38 = vector.broadcast %max3A : f32 to vector<2000x128xf32>
    %max3A_39 = arith.maximumf %add3A_37, %max3A_38 : vector<2000x128xf32>
    %get3A_40 = arith.constant 0 : index
    %get3A_41 = arith.constant 0 : index
    %get3A_42 = vector.load %arg5[%get3A_40, %get3A_41] : memref<128x128xf32, #tpu.memory_space<vmem>>, vector<128x128xf32>
    %dot_general3A = arith.constant dense<0.000000e+00> : vector<2000x128xf32>
    %dot_general3A_43 = tpu.matmul %max3A_39, %get3A_42, %dot_general3A {dimension_numbers = #tpu.dot_dimension_numbers<[1], [0], [0], [1], [0, 0, 1, 1], [], []>, transpose_lhs_hint = false} : vector<2000x128xf32>, vector<128x128xf32>, vector<2000x128xf32> -> vector<2000x128xf32>
    %mul3A_44 = vector.broadcast %rsqrt3A : vector<2000x1xf32> to vector<2000x128xf32>
    %mul3A_45 = arith.mulf %dot_general3A_43, %mul3A_44 : vector<2000x128xf32>
    %swap3A = arith.constant 0 : index
    %swap3A_46 = arith.constant 0 : index
    %swap3A_47 = vector.load %arg6[%swap3A, %swap3A_46] : memref<2000x128xf32, #tpu.memory_space<vmem>>, vector<2000x128xf32>
    tpu.vector_store %arg6[%swap3A, %swap3A_46], %mul3A_45 {strides = array<i32>} : memref<2000x128xf32, #tpu.memory_space<vmem>>, vector<2000x128xf32>,
    return
  }
  func.func @transform_0(%arg0: i32) -> (i32, i32, i32) {
    %c0_i32 = arith.constant 0 : i32
    %c0_i32_0 = arith.constant 0 : i32
    %c0_i32_1 = arith.constant 0 : i32
    return %c0_i32, %arg0, %c0_i32_0 : i32, i32, i32
  }
  func.func @transform_1(%arg0: i32) -> (i32, i32) {
    %c0_i32 = arith.constant 0 : i32
    %c0_i32_0 = arith.constant 0 : i32
    return %arg0, %c0_i32 : i32, i32
  }
  func.func @transform_2(%arg0: i32) -> (i32, i32, i32) {
    %c0_i32 = arith.constant 0 : i32
    %c0_i32_0 = arith.constant 0 : i32
    %c0_i32_1 = arith.constant 0 : i32
    return %c0_i32, %arg0, %c0_i32_0 : i32, i32, i32
  }
  func.func @transform_3(%arg0: i32) -> (i32, i32) {
    %c0_i32 = arith.constant 0 : i32
    %c0_i32_0 = arith.constant 0 : i32
    %c0_i32_1 = arith.constant 0 : i32
    return %c0_i32, %c0_i32_0 : i32, i32
  }
  func.func @transform_4(%arg0: i32) -> (i32, i32) {
    %c0_i32 = arith.constant 0 : i32
    %c0_i32_0 = arith.constant 0 : i32
    %c0_i32_1 = arith.constant 0 : i32
    return %c0_i32, %c0_i32_0 : i32, i32
  }
  func.func @transform_5(%arg0: i32) -> (i32, i32) {
    %c0_i32 = arith.constant 0 : i32
    %c0_i32_0 = arith.constant 0 : i32
    return %arg0, %c0_i32 : i32, i32
  }
}

module attributes {stable_mosaic.version = 14 : i64} {
  func.func @_out_body(%arg0: i32, %arg1: memref<2x2000x128xf32, #tpu.memory_space<vmem>>, %arg2: memref<2000x128xf32, #tpu.memory_space<vmem>>, %arg3: memref<2x2000x1xf32, #tpu.memory_space<vmem>>, %arg4: memref<2x128xf32, #tpu.memory_space<vmem>>, %arg5: memref<2000x128xf32, #tpu.memory_space<vmem>>) attributes {dimension_semantics = [#tpu.dimension_semantics<arbitrary>], iteration_bounds = array<i64: 5>, scalar_prefetch = 0 : i64, scratch_operands = 0 : i64, tpu.core_type = #tpu.core_type<tc>, window_params = [{transform_indices = @transform_0, window_bounds = array<i64: 2, 2000, 128>}, {transform_indices = @transform_1, window_bounds = array<i64: 2000, 128>}, {transform_indices = @transform_2, window_bounds = array<i64: 2, 2000, 1>}, {pipeline_mode = #tpu.pipeline_mode<synchronous>, transform_indices = @transform_3, window_bounds = array<i64: 2, 128>}, {transform_indices = @transform_4, window_bounds = array<i64: 2000, 128>}]} {
    %get3A = arith.constant 0 : index
    %get3A_0 = arith.constant 0 : index
    %get3A_1 = arith.constant 0 : index
    %get3A_2 = vector.load %arg3[%get3A, %get3A_0, %get3A_1] : memref<2x2000x1xf32, #tpu.memory_space<vmem>>, vector<1x2000x1xf32>
    %get3A_3 = vector.shape_cast %get3A_2 : vector<1x2000x1xf32> to vector<2000x1xf32>
    %get3A_4 = arith.constant 1 : index
    %get3A_5 = arith.constant 0 : index
    %get3A_6 = arith.constant 0 : index
    %get3A_7 = vector.load %arg3[%get3A_4, %get3A_5, %get3A_6] : memref<2x2000x1xf32, #tpu.memory_space<vmem>>, vector<1x2000x1xf32>
    %get3A_8 = vector.shape_cast %get3A_7 : vector<1x2000x1xf32> to vector<2000x1xf32>
    %add3A = arith.addf %get3A_3, %get3A_8 : vector<2000x1xf32>
    %add3A_9 = arith.constant 1.000000e+00 : f32
    %add3A_10 = vector.broadcast %add3A_9 : f32 to vector<2000x1xf32>
    %add3A_11 = arith.addf %add3A, %add3A_10 : vector<2000x1xf32>
    %rsqrt3A = math.rsqrt %add3A_11 : vector<2000x1xf32>
    %get3A_12 = arith.constant 0 : index
    %get3A_13 = arith.constant 0 : index
    %get3A_14 = arith.constant 0 : index
    %get3A_15 = vector.load %arg1[%get3A_12, %get3A_13, %get3A_14] : memref<2x2000x128xf32, #tpu.memory_space<vmem>>, vector<1x2000x128xf32>
    %get3A_16 = vector.shape_cast %get3A_15 : vector<1x2000x128xf32> to vector<2000x128xf32>
    %get3A_17 = arith.constant 1 : index
    %get3A_18 = arith.constant 0 : index
    %get3A_19 = arith.constant 0 : index
    %get3A_20 = vector.load %arg1[%get3A_17, %get3A_18, %get3A_19] : memref<2x2000x128xf32, #tpu.memory_space<vmem>>, vector<1x2000x128xf32>
    %get3A_21 = vector.shape_cast %get3A_20 : vector<1x2000x128xf32> to vector<2000x128xf32>
    %add3A_22 = arith.addf %get3A_16, %get3A_21 : vector<2000x128xf32>
    %get3A_23 = arith.constant 0 : index
    %get3A_24 = arith.constant 0 : index
    %get3A_25 = vector.load %arg2[%get3A_23, %get3A_24] : memref<2000x128xf32, #tpu.memory_space<vmem>>, vector<2000x128xf32>
    %add3A_26 = arith.addf %add3A_22, %get3A_25 : vector<2000x128xf32>
    %mul3A = vector.broadcast %rsqrt3A : vector<2000x1xf32> to vector<2000x128xf32>
    %mul3A_27 = arith.mulf %add3A_26, %mul3A : vector<2000x128xf32>
    %get3A_28 = arith.constant 0 : index
    %get3A_29 = arith.constant 0 : index
    %get3A_30 = vector.load %arg4[%get3A_28, %get3A_29] : memref<2x128xf32, #tpu.memory_space<vmem>>, vector<1x128xf32>
    %mul3A_31 = vector.broadcast %get3A_30 : vector<1x128xf32> to vector<2000x128xf32>
    %mul3A_32 = arith.mulf %mul3A_27, %mul3A_31 : vector<2000x128xf32>
    %get3A_33 = arith.constant 1 : index
    %get3A_34 = arith.constant 0 : index
    %get3A_35 = vector.load %arg4[%get3A_33, %get3A_34] : memref<2x128xf32, #tpu.memory_space<vmem>>, vector<1x128xf32>
    %add3A_36 = vector.broadcast %get3A_35 : vector<1x128xf32> to vector<2000x128xf32>
    %add3A_37 = arith.addf %mul3A_32, %add3A_36 : vector<2000x128xf32>
    %max3A = arith.constant 0.000000e+00 : f32
    %max3A_38 = vector.broadcast %max3A : f32 to vector<2000x128xf32>
    %max3A_39 = arith.maximumf %add3A_37, %max3A_38 : vector<2000x128xf32>
    %swap3A = arith.constant 0 : index
    %swap3A_40 = arith.constant 0 : index
    %swap3A_41 = vector.load %arg5[%swap3A, %swap3A_40] : memref<2000x128xf32, #tpu.memory_space<vmem>>, vector<2000x128xf32>
    tpu.vector_store %arg5[%swap3A, %swap3A_40], %max3A_39 {strides = array<i32>} : memref<2000x128xf32, #tpu.memory_space<vmem>>, vector<2000x128xf32>,
    return
  }
  func.func @transform_0(%arg0: i32) -> (i32, i32, i32) {
    %c0_i32 = arith.constant 0 : i32
    %c0_i32_0 = arith.constant 0 : i32
    %c0_i32_1 = arith.constant 0 : i32
    return %c0_i32, %arg0, %c0_i32_0 : i32, i32, i32
  }
  func.func @transform_1(%arg0: i32) -> (i32, i32) {
    %c0_i32 = arith.constant 0 : i32
    %c0_i32_0 = arith.constant 0 : i32
    return %arg0, %c0_i32 : i32, i32
  }
  func.func @transform_2(%arg0: i32) -> (i32, i32, i32) {
    %c0_i32 = arith.constant 0 : i32
    %c0_i32_0 = arith.constant 0 : i32
    %c0_i32_1 = arith.constant 0 : i32
    return %c0_i32, %arg0, %c0_i32_0 : i32, i32, i32
  }
  func.func @transform_3(%arg0: i32) -> (i32, i32) {
    %c0_i32 = arith.constant 0 : i32
    %c0_i32_0 = arith.constant 0 : i32
    %c0_i32_1 = arith.constant 0 : i32
    return %c0_i32, %c0_i32_0 : i32, i32
  }
  func.func @transform_4(%arg0: i32) -> (i32, i32) {
    %c0_i32 = arith.constant 0 : i32
    %c0_i32_0 = arith.constant 0 : i32
    return %arg0, %c0_i32 : i32, i32
  }
}

</mosaic_0001>

<sc_bundles>
// kernel: kernel.11.cloned.1.call-start
scs
__scs_entry_jumppad:
0x0: {  	(pc) =	sbr.rel $0x88, $3  }
0x1: {  	(tag) =	ssettag $0x0;
	lr =	simm.s32 $0x1  }
0x2: {  	[smem:$0x3F93] =	sst lr;
	_ =	strace $0xD0000000  }
0x3: {  	_ = 	snop  }
0x4: {  	_ = 	snop  }
0x5: {  	_ = 	snop  }
0x6: {  	_ = 	snop  }
0x7: {  	_ = 	snop  }
__scs_overlays_trampoline_lowered:
0x8: {  	[smem:$0x3FA2] =	sst s0  }
0x9: {  	[smem:$0x3FA3] =	sst s1  }
0xa: {  	[smem:$0x3FA4] =	sst s2  }
0xb: {  	[smem:$0x3FA5] =	sst s3  }
0xc: {  	[smem:$0x3FA6] =	sst s4  }
0xd: {  	[smem:$0x3FA7] =	sst s5  }
0xe: {  	[smem:$0x3FA8] =	sst s6  }
0xf: {  	[smem:$0x3FA9] =	sst s7  }
0x10: {  	[smem:$0x3FAA] =	sst s8  }
0x11: {  	[smem:$0x3FAB] =	sst s9;
	s0 =	simm.s32 @!p0 $0x0  }
0x12: {  	s1 =	sld [smem:$0x3F91];
	s0 =	simm.s32 @p0 $0x1  }
0x13: {  	[smem:$0x3FAC] =	sst s0;
	s0 =	simm.s32 @!p1 $0x0  }
0x14: {  	s2 =	sld [smem:$0x3F90];
	s0 =	simm.s32 @p1 $0x1  }
0x15: {  	[smem:$0x3FAD] =	sst s0;
	s0 =	simm.s32 @!p2 $0x0  }
0x16: {  	s3 =	sld [smem:$0x3FDB];
	s0 =	simm.s32 @p2 $0x1  }
0x17: {  	s4 =	simm.s32 $0x1BF5;
	[smem:$0x3FAF] =	sst s0  }
0x18: {  	s0 =	sld [smem:$0x3F92];
	_ =	swait.ge [sflag:s4], $0x0  }
0x19: {  	s7 =	sld [smem:$0x3F93]  }
0x1a: {  	s8 =	sadd.s32 $0xFFFFE003, lr  }
0x1b: {  	s9 =	sadd.s32 $0xFFFFFEF7, lr;
	s5 =	simm.s32 $0xFFFFFFFF;
	p2 =	slt.u32 s8, $0xFFFFF086  }
0x1c: {  	p1 =	slt.u32 s9, $0xF7A;
	s5 =	simm.s32 @!p2 $0x0  }
0x1d: {  	s5 =	simm.s32 @p1 $0x1;
	p0 =	seq.s32 s7, s2  }
0x1e: {  	s7 =	smul.u32 @!p0 $0xF7A, s2;
	p2 =	seq.s32 @!p0 s5, $0x0  }
0x1f: {  	s9 =	smul.u32 $0xF7A, s1;
	s8 =	simm.s32 @!p0 $0x1BF5;
	p2 =	por !p2, p0  }
0x20: {  	[sflag:s8] =	ssyncset.s32 @!p0 $0xFFFFF086;
	s6 =	sadd.s32 @!p0 s3, s7;
	s7 =	simm.s32 @!p0 $0x108  }
0x21: {  	s3 =	sadd.s32 s3, s9;
	s6 =	sadd.s32 @!p0 $0x88, s6;
	s7 =	simm.s32 @p2 $0x1082  }
0x22: {  	[simem:s7], [sflag:s8] =	dma.local @!p0 [hbm:s6], $0xF7A  }
0x23: {  	s9 =	sor.u32 $0xD0000000, s2;
	s6 =	simm.s32 $0x108;
	_ =	swait.ge @!p0 [sflag:s8], $0x0  }
0x24: {  	s3 =	sadd.s32 $0x88, s3;
	s6 =	simm.s32 @!p1 $0x1082;
	[sflag:s4] =	ssyncset.s32 $0xFFFFF086  }
0x25: {  	[simem:s6], [sflag:s4] =	dma.local [hbm:s3], $0xF7A  }
0x26: {  	[smem:$0x3F93] =	sst s1;
	(tag) =	ssettag s2;
	_ =	strace s9  }
0x27: {  	s1 =	sld [smem:$0x3FA3]  }
0x28: {  	s2 =	sld [smem:$0x3FA4]  }
0x29: {  	s4 =	sld [smem:$0x3FA6]  }
0x2a: {  	p0 =	seq.s32 s5, $0x0;
	s5 =	sld [smem:$0x3FA7]  }
0x2b: {  	s6 =	sld [smem:$0x3FA8]  }
0x2c: {  	s7 =	sld [smem:$0x3FA9]  }
0x2d: {  	s3 =	simm.s32 $0x108;
	s8 =	sld [smem:$0x3FAA]  }
0x2e: {  	s3 =	simm.s32 @!p0 $0x1082;
	s9 =	sld [smem:$0x3FAB]  }
0x2f: {  	lr =	sadd.s32 s0, s3;
	s0 =	sld [smem:$0x3FA2]  }
0x30: {  	s3 =	sld [smem:$0x3FA5]  }
0x31: {  	[smem:$0x3FAE] =	sst s10  }
0x32: {  	s10 =	sld [smem:$0x3FAC];
	_ =	sdelay $0x3  }
0x33: {  	p0 =	seq.s32 s10, $0x1;
	s10 =	sld [smem:$0x3FAE];
	_ =	sdelay $0x3  }
0x34: {  	[smem:$0x3FAE] =	sst s10  }
0x35: {  	s10 =	sld [smem:$0x3FAD];
	_ =	sdelay $0x3  }
0x36: {  	p1 =	seq.s32 s10, $0x1;
	s10 =	sld [smem:$0x3FAE];
	_ =	sdelay $0x3  }
0x37: {  	[smem:$0x3FAE] =	sst s10  }
0x38: {  	s10 =	sld [smem:$0x3FAF]  }
0x39: {  	_ = 	snop;
	(pc) =	sbr.ind lr, $3  }
0x3a: {  	_ = 	snop  }
0x3b: {  	_ = 	snop  }
0x3c: {  	p2 =	seq.s32 s10, $0x1;
	s10 =	sld [smem:$0x3FAE]  }
0x3d: {  	_ =	shalt  }
0x3e: {  	_ =	shalt  }
0x3f: {  	_ =	shalt  }
0x40: {  	_ =	shalt  }
0x41: {  	_ =	shalt  }
0x42: {  	_ =	shalt  }
0x43: {  	_ =	shalt  }
0x44: {  	_ =	shalt  }
0x45: {  	_ =	shalt  }
0x46: {  	_ =	shalt  }
0x47: {  	_ =	shalt  }
0x48: {  	_ =	shalt  }
0x49: {  	_ =	shalt  }
0x4a: {  	_ =	shalt  }
0x4b: {  	_ =	shalt  }
0x4c: {  	_ =	shalt  }
0x4d: {  	_ =	shalt  }
0x4e: {  	_ =	shalt  }
0x4f: {  	_ =	shalt  }
0x50: {  	_ =	shalt  }
0x51: {  	_ =	shalt  }
0x52: {  	_ =	shalt  }
0x53: {  	_ =	shalt  }
0x54: {  	_ =	shalt  }
0x55: {  	_ =	shalt  }
0x56: {  	_ =	shalt  }
0x57: {  	_ =	shalt  }
0x58: {  	_ =	shalt  }
0x59: {  	_ =	shalt  }
0x5a: {  	_ =	shalt  }
0x5b: {  	_ =	shalt  }
0x5c: {  	_ =	shalt  }
0x5d: {  	_ =	shalt  }
0x5e: {  	_ =	shalt  }
0x5f: {  	_ =	shalt  }
0x60: {  	_ =	shalt  }
0x61: {  	_ =	shalt  }
0x62: {  	_ =	shalt  }
0x63: {  	_ =	shalt  }
0x64: {  	_ =	shalt  }
0x65: {  	_ =	shalt  }
0x66: {  	_ =	shalt  }
0x67: {  	_ =	shalt  }
0x68: {  	_ =	shalt  }
0x69: {  	_ =	shalt  }
0x6a: {  	_ =	shalt  }
0x6b: {  	_ =	shalt  }
0x6c: {  	_ =	shalt  }
0x6d: {  	_ =	shalt  }
0x6e: {  	_ =	shalt  }
0x6f: {  	_ =	shalt  }
0x70: {  	_ =	shalt  }
0x71: {  	_ =	shalt  }
0x72: {  	_ =	shalt  }
0x73: {  	_ =	shalt  }
0x74: {  	_ =	shalt  }
0x75: {  	_ =	shalt  }
0x76: {  	_ =	shalt  }
0x77: {  	_ =	shalt  }
0x78: {  	_ =	shalt  }
0x79: {  	_ =	shalt  }
0x7a: {  	_ =	shalt  }
0x7b: {  	_ =	shalt  }
0x7c: {  	_ =	shalt  }
0x7d: {  	_ =	shalt  }
0x7e: {  	_ =	shalt  }
0x7f: {  	_ =	shalt  }
0x80: {  	_ =	shalt  }
0x81: {  	_ =	shalt  }
0x82: {  	_ =	shalt  }
0x83: {  	_ =	shalt  }
0x84: {  	_ =	shalt  }
0x85: {  	_ =	shalt  }
0x86: {  	_ =	shalt  }
0x87: {  	_ =	shalt  }
.Lfunc_end0:
.L_simem_size_0:
called_computation.1_lowered:
.L_overlay_start_0:
0x88: {  	s2 =	sld [smem:$0x3FD9]  }
0x89: {  	s3 =	sld [smem:$0x3FFE];
	_ =	sdelay $0x1  }
0x8a: {  	s1 =	srdreg.scid  }
0x8b: {  	s0 =	sand.u32 $0x1, s1  }
0x8c: {  	s17 =	sshll.u32 s0, $0xA;
	s2 =	sadd.s32 s3, s2  }
0x8d: {  	s2 =	sadd.s32 s2, s17  }
0x8e: {  	[smem:$0x3FBA] =	sst s2  }
0x8f: {  	_ = 	snop  }
0x90: {  	s2 =	sld [smem:$0x3FC8]  }
0x91: {  	s18 =	sld [smem:$0x3FD0];
	(tm) =	ssettm $0x1  }
0x92: {  	s4 =	sld [smem:$0x3FFB];
	_ =	sdelay $0x3  }
0x93: {  	_ =	strace s4  }
0x94: {  	s4 =	sld [smem:$0x3FFC];
	_ =	sdelay $0x3  }
0x95: {  	_ =	strace s4  }
0x96: {  	s4 =	sld [smem:$0x3FFD];
	_ =	sdelay $0x3  }
0x97: {  	_ =	strace s4  }
0x98: {  	_ =	strace $0x8FFFFFFF  }
0x99: {  	s19 =	sld [smem:$0x3FDB];
	_ =	sdelay $0x1  }
0x9a: {  	s5 =	simm.s32 $_scs_section_size  }
0x9b: {  	s6 =	simm.s32 $_size__tile_overlayer_lowered;
	s7 =	simm.s32 $_tile_overlayer_lowered  }
0x9c: {  	s22 =	simm.s32 $0x1BFF;
	s21 =	sshll.u32 s7, $0x1;
	s4 =	sadd.s32 s5, s19  }
0x9d: {  	s8 =	simm.s32 $0x0;
	s20 =	sshll.u32 s6, $0x1;
	s6 =	sadd.s32 s21, s4  }
0x9e: {  	[timem:s8], [sflag:s22] =	dma.local [hbm:s6], s20  }
0x9f: {  	_ =	swait.ge [sflag:s22], s20  }
0xa0: {  	s5 =	ssub.s32 $0x0, s20;
	[sflag:s22] =	ssyncset.done $0x0  }
0xa1: {  	[sflag:s22] =	ssyncadd.s32 s5;
	_ =	sdelay $0x1  }
0xa2: {  	s23 =	simm.s32 $0x1B8B  }
0xa3: {  	_ =	swait.ge [sflag:s23], $0x1  }
0xa4: {  	[sflag:s23] =	ssyncset.done $0x0  }
0xa5: {  	s25 =	simm.s32 $0x1B8E;
	s24 =	sld [smem:$0x3FFE];
	[sflag:s23] =	ssyncadd.s32 $0xFFFFFFFF  }
0xa6: {  	s26 =	simm.s32 $execute0_lowered;
	[smem:$0x3FD2] =	sst s25  }
0xa7: {  	s6 =	sshll.u32 s26, $0x1;
	_ =	strace $0x80000049;
	[dreg:$0x1] =	wrdreg $0xFFFFFFFF  }
0xa8: {  	s28 =	simm.s32 $_size_execute0_lowered;
	s4 =	sadd.s32 s4, s6;
	[dreg:$0x0] =	wrdreg $0x0  }
0xa9: {  	s6 =	sshll.u32 s28, $0x1;
	[dreg:$0x2] =	wrdreg s4  }
0xaa: {  	[dreg:$0x3] =	wrdreg s6  }
0xab: {  	[dreg:$0x4] =	wrdreg $0xC0  }
0xac: {  	_ =	task [dreg:s8], $0x5FFFF  }
0xad: {  	[dreg:$0x1] =	wrdreg $0xFFFFFFFF  }
0xae: {  	[dreg:$0x0] =	wrdreg $0x60  }
0xaf: {  	[dreg:$0x2] =	wrdreg s18  }
0xb0: {  	[dreg:$0x3] =	wrdreg s2  }
0xb1: {  	[dreg:$0x4] =	wrdreg s24  }
0xb2: {  	[dreg:$0x5] =	wrdreg $0x84000  }
0xb3: {  	[dreg:$0x6] =	wrdreg $0x9  }
0xb4: {  	_ =	task.clear_ibuf [dreg:s8], $0x7FFFF;
	_ =	strace $0x90000049  }
0xb5: {  	s29 =	simm.s32 $0x9;
	_ =	strace $0x8000004B  }
0xb6: {  	_ =	swait.ge [sflag:s29], $0x1  }
0xb7: {  	[sflag:s29] =	ssyncadd.s32 $0xFFFFFFFF  }
0xb8: {  	_ =	strace $0x9000004B  }
0xb9: {  	_ =	sfence  }
0xba: {  	s30 =	sld [smem:$0x0];
	_ =	sdelay $0x2  }
0xbb: {  	s31 =	sshll.u32 s1, $0xD;
	s1 =	sshrl.u32 s1, $0x2  }
0xbc: {  	s3 =	sand.u32 $0x4000, s31;
	s1 =	sadd.s32 s1, s30  }
0xbd: {  	s0 =	sor.u32 s3, s0;
	s1 =	sshll.u32 s1, $0x11  }
0xbe: {  	s0 =	sor.u32 s1, s0  }
0xbf: {  	s0 =	sadd.s32 $0x8F2B, s0  }
0xc0: {  	[sflag:s0] =	ssyncadd.remote.s32 $0x1  }
0xc1: {  	_ =	sfence.sel $0xFFFF  }
0xc2: {  	[dreg:$0x0] =	wrdreg $0xFFFFFFFF;
	(pc) =	sbr.abs _section_cstart, $3  }
0xc3: {  	[dreg:$0x1] =	wrdreg $0xFFFFFFFF  }
0xc4: {  	_ =	task.clear_ibuf [dreg:s8], $0x2FFFF;
	_ =	strace $0x9FFFFFFF  }
0xc5: {  	(tm) =	ssettm $0x7FFFFFFF  }
tec
execute0_lowered:
.L_overlay_start_1:
0x0: {  	(tag) =	ssettag $0x1  }
0x1: {  	s0 =	rddreg [dreg:$0x0]  }
0x2: {  	s2 =	rddreg [dreg:$0x1]  }
0x3: {  	s1 =	srdreg.scid;
	s3 =	rddreg [dreg:$0x2]  }
0x4: {  	s22 =	stileid.u32;
	s4 =	rddreg [dreg:$0x3]  }
0x5: {  	s5 =	simm.s32 $0x0;
	s18 =	simm.s32 $0x400;
	s19 =	simm.s32 $0x7  }
0x6: {  	s21 =	simm.s32 $0x1;
	s28 =	simm.s32 $0x300;
	s29 =	simm.s32 $0x5  }
0x7: {  	s30 =	simm.s32 $0x6;
	s31 =	simm.s32 $0x0;
	s8 =	smul.u32 $0x14000, s22  }
0x8: {  	s6 =	sand.u32 $0x1, s1;
	[smem:$0x7FF] =	sst s5;
	s11 =	smul.u32 $0x50000, s22  }
0x9: {  	s10 =	sshll.u32 s22, $0x1;
	s22 =	simm.s32 $0x80;
	s7 =	smul.u32 $0x140000, s6  }
0xa: {  	_ =	strace $0x8000004A;
	s23 =	ssub.s32 $0x2, s6;
	s17 =	sor.u32 s6, s10  }
0xb: {  	s9 =	sshrl.u32 s23, $0x1;
	s6 =	ssub.s32 $0x9C3, s17;
	s24 =	sshll.u32 s17, $0x5  }
0xc: {  	s25 =	sshrl.u32 s11, $0x2;
	s20 =	sor.u32 $0x80, s17;
	s7 =	sadd.s32 s8, s7  }
0xd: {  	s12 =	ssub.s32 s23, s9;
	s6 =	sshrl.u32 s6, $0x5;
	s8 =	sadd.s32 s25, s4  }
0xe: {  	s25 =	simm.s32 $0x4400;
	s7 =	sshrl.u32 s7, $0x3;
	s26 =	sand.u32 $0x1, s6  }
0xf: {  	s12 =	smax.u32 s12, $0x1;
	s13 =	sadd.s32 $0x4000, s8;
	s14 =	sadd.s32 $0x8000, s8  }
0x10: {  	s15 =	sadd.s32 $0xC000, s8;
	s16 =	sadd.s32 $0x10000, s8;
	s3 =	sadd.s32 s7, s3  }
0x11: {  	s7 =	sadd.s32 s2, s24;
	p0 =	seq.s32 s26, $0x1;
	s26 =	simm.s32 $0x3  }
0x12: {  	v0 =	vimm.f32 $0.0e+00;
	s9 =	sadd.s32 $0x400, s7;
	s10 =	sadd.s32 $0x800, s7;
	s11 =	sadd.s32 $0x53E00, s3  }
.LBB2_1:
0x13: {  	[tilespmem:s5], [sflag:$0x1] =	stream.linear.gather [hbm4b:s7+s5], $0x100, $0x38;
	[tilespmem:$0x1C400] =	vst v63  }
0x14: {  	s3 =	simm.s32 $0x0;
	s17 =	simm.s32 $0x200  }
.LBB2_2:
0x15: {  	p1 =	sne.s32 s17, $0xFE00;
	[tilespmem:s3+$0x470] =	vst v0  }
0x16: {  	[tilespmem:s3+$0x400] =	vst v0  }
0x17: {  	[tilespmem:s3+$0x410] =	vst v0  }
.Ltmp0:
0x18: {  	[tilespmem:s3+$0x420] =	vst v0;
	(pc) =	sbr.rel @p1 .LBB2_2-.Ltmp0, $4  }
0x19: {  	[tilespmem:s3+$0x430] =	vst v0  }
0x1a: {  	[tilespmem:s3+$0x440] =	vst v0  }
0x1b: {  	[tilespmem:s3+$0x450] =	vst v0  }
0x1c: {  	[tilespmem:s3+$0x460] =	vst v0;
	s3 =	sshra.s32 s17, $0x2;
	s17 =	sadd.s32 $0x200, s17  }
0x1d: {  	[tilespmem:s3+$0x470] =	vst v0  }
0x1e: {  	[tilespmem:s3+$0x400] =	vst v0  }
0x1f: {  	[tilespmem:s3+$0x410] =	vst v0  }
0x20: {  	[tilespmem:s3+$0x420] =	vst v0  }
0x21: {  	[tilespmem:s3+$0x430] =	vst v0  }
0x22: {  	[tilespmem:s3+$0x440] =	vst v0  }
0x23: {  	[tilespmem:s3+$0x450] =	vst v0  }
0x24: {  	[tilespmem:s3+$0x460] =	vst v0  }
0x25: {  	[spmem:s8] =	stream.linear.scatter [tilespmem:s18], [sflag:$0x7], $0x4000, $0x38;
	[tilespmem:$0x1C400] =	vst v63  }
0x26: {  	_ =	swait.ge [sflag:s19], $0x4000  }
0x27: {  	[sflag:s19] =	ssyncset.done $0x0  }
0x28: {  	[sflag:s19] =	ssyncadd.s32 $0xFFFFC000  }
0x29: {  	[spmem:s13] =	stream.linear.scatter [tilespmem:s18], [sflag:$0x7], $0x4000, $0x38;
	[tilespmem:$0x1C400] =	vst v63  }
0x2a: {  	_ =	swait.ge [sflag:s19], $0x4000  }
0x2b: {  	[sflag:s19] =	ssyncset.done $0x0  }
0x2c: {  	[sflag:s19] =	ssyncadd.s32 $0xFFFFC000  }
0x2d: {  	[spmem:s14] =	stream.linear.scatter [tilespmem:s18], [sflag:$0x7], $0x4000, $0x38;
	[tilespmem:$0x1C400] =	vst v63  }
0x2e: {  	_ =	swait.ge [sflag:s19], $0x4000  }
0x2f: {  	[sflag:s19] =	ssyncset.done $0x0  }
0x30: {  	[sflag:s19] =	ssyncadd.s32 $0xFFFFC000  }
0x31: {  	[spmem:s15] =	stream.linear.scatter [tilespmem:s18], [sflag:$0x7], $0x4000, $0x38;
	[tilespmem:$0x1C400] =	vst v63  }
0x32: {  	_ =	swait.ge [sflag:s19], $0x4000  }
0x33: {  	[sflag:s19] =	ssyncset.done $0x0  }
0x34: {  	[sflag:s19] =	ssyncadd.s32 $0xFFFFC000  }
0x35: {  	[spmem:s16] =	stream.linear.scatter [tilespmem:s18], [sflag:$0x7], $0x4000, $0x38;
	[tilespmem:$0x1C400] =	vst v63  }
0x36: {  	_ =	swait.ge [sflag:s19], $0x4000  }
0x37: {  	[sflag:s19] =	ssyncset.done $0x0  }
0x38: {  	[sflag:s19] =	ssyncadd.s32 $0xFFFFC000  }
0x39: {  	s1 =	simm.s32 $0x100;
	[bflag:$0x0] =	sbarrier.arrive $0xFFFF  }
0x3a: {  	[tilespmem:s1], [sflag:$0x2] =	stream.linear.gather [hbm4b:s9+s5], $0x100, $0x38;
	[tilespmem:$0x1C400] =	vst v63  }
0x3b: {  	_ =	swait.ge [sflag:s21], $0x100  }
0x3c: {  	[sflag:s21] =	ssyncset.done $0x0  }
0x3d: {  	[sflag:s21] =	ssyncadd.s32 $0xFFFFFF00  }
0x3e: {  	v1 =	vld [tilespmem:$0x0]  }
0x3f: {  	v2 =	vld [tilespmem:$0x80]  }
0x40: {  	v3 =	vld [tilespmem:$0x10]  }
0x41: {  	v4 =	vld [tilespmem:$0x90]  }
0x42: {  	v5 =	vld [tilespmem:$0x20]  }
0x43: {  	[tilespmem:$0x200] =	vst v1;
	v1 =	vld [tilespmem:$0xA0]  }
0x44: {  	v54 =	vld [tilespmem:$0x40];
	[tilespmem:$0x300] =	vst v2  }
0x45: {  	v55 =	vld [tilespmem:$0xC0];
	[tilespmem:$0x210] =	vst v3  }
0x46: {  	v2 =	vld [tilespmem:$0x30];
	[tilespmem:$0x310] =	vst v4  }
0x47: {  	v3 =	vld [tilespmem:$0xB0];
	[tilespmem:$0x220] =	vst v5  }
0x48: {  	[tilespmem:$0x320] =	vst v1;
	v1 =	vld [tilespmem:$0x50]  }
0x49: {  	v56 =	vld [tilespmem:$0xE0];
	[tilespmem:$0x240] =	vst v54  }
0x4a: {  	v57 =	vld [tilespmem:$0x70];
	[tilespmem:$0x340] =	vst v55  }
0x4b: {  	[tilespmem:$0x230] =	vst v2;
	v2 =	vld [tilespmem:$0xD0]  }
0x4c: {  	[tilespmem:$0x330] =	vst v3;
	v3 =	vld [tilespmem:$0x60]  }
0x4d: {  	[tilespmem:$0x250] =	vst v1;
	v1 =	vld [tilespmem:$0xF0]  }
0x4e: {  	[tilespmem:$0x360] =	vst v56  }
0x4f: {  	[tilespmem:$0x270] =	vst v57  }
0x50: {  	[tilespmem:$0x350] =	vst v2  }
0x51: {  	[tilespmem:$0x260] =	vst v3  }
0x52: {  	s23 =	simm.s32 $0x200;
	[tilespmem:$0x370] =	vst v1  }
0x53: {  	[tilespmem:s18], [sflag:$0x3] =	stream.indirect.gather [hbm4b:s0+s22], $0x80, s23, s22, $0xb8;
	[tilespmem:$0x1C400] =	vst v63  }
0x54: {  	s3 =	simm.s32 $0x2  }
0x55: {  	[tilespmem:s5], [sflag:$0x1] =	stream.linear.gather [hbm4b:s10+s5], $0x100, $0x38;
	[tilespmem:$0x1C400] =	vst v63  }
0x56: {  	_ =	swait.ge [sflag:s3], $0x100  }
0x57: {  	[sflag:s3] =	ssyncset.done $0x0  }
0x58: {  	[sflag:s3] =	ssyncadd.s32 $0xFFFFFF00  }
0x59: {  	v1 =	vld [tilespmem:$0x100]  }
0x5a: {  	v2 =	vld [tilespmem:$0x180]  }
0x5b: {  	v3 =	vld [tilespmem:$0x110]  }
0x5c: {  	v58 =	vld [tilespmem:$0x190]  }
0x5d: {  	v59 =	vld [tilespmem:$0x120]  }
0x5e: {  	[tilespmem:$0x280] =	vst v1;
	v1 =	vld [tilespmem:$0x1A0]  }
0x5f: {  	v60 =	vld [tilespmem:$0x140];
	[tilespmem:$0x380] =	vst v2  }
0x60: {  	v61 =	vld [tilespmem:$0x1C0];
	[tilespmem:$0x290] =	vst v3  }
0x61: {  	v2 =	vld [tilespmem:$0x130];
	[tilespmem:$0x390] =	vst v58  }
0x62: {  	v3 =	vld [tilespmem:$0x1B0];
	[tilespmem:$0x2A0] =	vst v59  }
0x63: {  	[tilespmem:$0x3A0] =	vst v1;
	v1 =	vld [tilespmem:$0x150]  }
0x64: {  	v62 =	vld [tilespmem:$0x1E0];
	[tilespmem:$0x2C0] =	vst v60  }
0x65: {  	v63 =	vld [tilespmem:$0x170];
	[tilespmem:$0x3C0] =	vst v61  }
0x66: {  	[tilespmem:$0x2B0] =	vst v2;
	v2 =	vld [tilespmem:$0x1D0]  }
0x67: {  	[tilespmem:$0x3B0] =	vst v3;
	v3 =	vld [tilespmem:$0x160]  }
0x68: {  	[tilespmem:$0x2D0] =	vst v1;
	v1 =	vld [tilespmem:$0x1F0]  }
0x69: {  	[tilespmem:$0x3E0] =	vst v62  }
0x6a: {  	[tilespmem:$0x2F0] =	vst v63  }
0x6b: {  	[tilespmem:$0x3D0] =	vst v2  }
0x6c: {  	[tilespmem:$0x2E0] =	vst v3  }
0x6d: {  	s24 =	simm.s32 $0x280;
	[tilespmem:$0x3F0] =	vst v1  }
0x6e: {  	[tilespmem:s25], [sflag:$0x4] =	stream.indirect.gather [hbm4b:s0+s22], $0x80, s24, s22, $0xb8;
	[tilespmem:$0x1C400] =	vst v63  }
0x6f: {  	_ =	swait.ge [sflag:s26], $0x4000  }
0x70: {  	[sflag:s26] =	ssyncset.done $0x0  }
0x71: {  	s17 =	smov.u32 s20;
	[sflag:s26] =	ssyncadd.s32 $0xFFFFC000  }
0x72: {  	[spmem:s4] =	stream.indirect.scatter.add.f32 [tilespmem:s18], [sflag:$0x5], $0x80, s28, s22, $0xb8;
	[tilespmem:$0x1C400] =	vst v63  }
.LBB2_4:
0x73: {  	p1 =	sgt.u32 s3, s6  }
0x74: {  	s1 =	sadd.s32 @!p1 $0xFFFFFFE0, s17  }
0x75: {  	p2 =	slt.s32 @!p1 s1, $0x9C3  }
0x76: {  	p2 =	por !p2, p1  }
0x77: {  	s1 =	simm.s32 @p2 $0x9C3  }
0x78: {  	s1 =	sshll.u32 @!p1 s1, $0x5  }
0x79: {  	s23 =	simm.s32 @!p1 $0x0;
	s24 =	simm.s32 @!p1 $0x100;
	s1 =	sadd.s32 @!p1 s2, s1  }
0x7a: {  	[tilespmem:s24], [sflag:$0x2] =	stream.linear.gather @!p1 [hbm4b:s1+s23], $0x100, $0x38;
	[tilespmem:$0x1C400] =	vst v63  }
0x7b: {  	s1 =	simm.s32 @!p1 $0x1  }
0x7c: {  	_ =	swait.ge @!p1 [sflag:s1], $0x100  }
0x7d: {  	[sflag:s1] =	ssyncset.done @!p1 $0x0  }
0x7e: {  	[sflag:s1] =	ssyncadd.s32 @!p1 $0xFFFFFF00;
	s1 =	simm.s32 @!p1 $0x5  }
0x7f: {  	_ =	swait.ge @!p1 [sflag:s1], $0x4000  }
0x80: {  	[sflag:s1] =	ssyncset.done @!p1 $0x0  }
0x81: {  	[sflag:s1] =	ssyncadd.s32 @!p1 $0xFFFFC000  }
0x82: {  	v1 =	vld @!p1 [tilespmem:$0x0]  }
0x83: {  	v2 =	vld @!p1 [tilespmem:$0x80]  }
0x84: {  	v3 =	vld @!p1 [tilespmem:$0x10]  }
0x85: {  	v4 =	vld @!p1 [tilespmem:$0x90]  }
0x86: {  	v5 =	vld @!p1 [tilespmem:$0x20]  }
0x87: {  	[tilespmem:$0x200] =	vst @!p1 v1;
	v1 =	vld @!p1 [tilespmem:$0xA0]  }
0x88: {  	[tilespmem:$0x300] =	vst @!p1 v2;
	v2 =	vld @!p1 [tilespmem:$0x30]  }
0x89: {  	[tilespmem:$0x210] =	vst @!p1 v3;
	v3 =	vld @!p1 [tilespmem:$0xB0]  }
0x8a: {  	[tilespmem:$0x310] =	vst @!p1 v4;
	v4 =	vld @!p1 [tilespmem:$0x40]  }
0x8b: {  	[tilespmem:$0x220] =	vst @!p1 v5;
	v5 =	vld @!p1 [tilespmem:$0xC0]  }
0x8c: {  	[tilespmem:$0x320] =	vst @!p1 v1;
	v1 =	vld @!p1 [tilespmem:$0x50]  }
0x8d: {  	[tilespmem:$0x230] =	vst @!p1 v2;
	v2 =	vld @!p1 [tilespmem:$0xD0]  }
0x8e: {  	[tilespmem:$0x330] =	vst @!p1 v3;
	v3 =	vld @!p1 [tilespmem:$0x60]  }
0x8f: {  	[tilespmem:$0x240] =	vst @!p1 v4;
	v4 =	vld @!p1 [tilespmem:$0xE0]  }
0x90: {  	[tilespmem:$0x340] =	vst @!p1 v5;
	v5 =	vld @!p1 [tilespmem:$0x70]  }
0x91: {  	[tilespmem:$0x250] =	vst @!p1 v1;
	v1 =	vld @!p1 [tilespmem:$0xF0]  }
0x92: {  	[tilespmem:$0x350] =	vst @!p1 v2  }
0x93: {  	[tilespmem:$0x260] =	vst @!p1 v3  }
0x94: {  	[tilespmem:$0x360] =	vst @!p1 v4  }
0x95: {  	[tilespmem:$0x270] =	vst @!p1 v5  }
0x96: {  	s23 =	simm.s32 @!p1 $0x200;
	s24 =	simm.s32 @!p1 $0x400;
	s1 =	simm.s32 @!p1 $0x80;
	[tilespmem:$0x370] =	vst @!p1 v1  }
0x97: {  	[tilespmem:s24], [sflag:$0x3] =	stream.indirect.gather @!p1 [hbm4b:s0+s1], $0x80, s23, s1, $0xb8;
	[tilespmem:$0x1C400] =	vst v63  }
0x98: {  	s23 =	simm.s32 @!p1 $0x4  }
0x99: {  	_ =	swait.ge @!p1 [sflag:s23], $0x4000  }
0x9a: {  	[sflag:s23] =	ssyncset.done @!p1 $0x0  }
0x9b: {  	s24 =	simm.s32 @!p1 $0x4400;
	[sflag:s23] =	ssyncadd.s32 @!p1 $0xFFFFC000;
	s23 =	simm.s32 @!p1 $0x380  }
0x9c: {  	[spmem:s4] =	stream.indirect.scatter.add.f32 @!p1 [tilespmem:s24], [sflag:$0x6], $0x80, s23, s1, $0xb8;
	[tilespmem:$0x1C400] =	vst v63  }
0x9d: {  	p1 =	sge.u32 s3, s6  }
0x9e: {  	p2 =	slt.s32 @!p1 s17, $0x9C3  }
0x9f: {  	s1 =	smov.u32 s17;
	p2 =	por !p2, p1  }
0xa0: {  	s1 =	simm.s32 @p2 $0x9C3  }
0xa1: {  	s1 =	sshll.u32 @!p1 s1, $0x5  }
0xa2: {  	s23 =	simm.s32 @!p1 $0x0;
	s1 =	sadd.s32 @!p1 s2, s1  }
0xa3: {  	[tilespmem:s23], [sflag:$0x1] =	stream.linear.gather @!p1 [hbm4b:s1+s23], $0x100, $0x38;
	[tilespmem:$0x1C400] =	vst v63  }
0xa4: {  	s1 =	simm.s32 @!p1 $0x2  }
0xa5: {  	_ =	swait.ge @!p1 [sflag:s1], $0x100  }
0xa6: {  	[sflag:s1] =	ssyncset.done @!p1 $0x0  }
0xa7: {  	[sflag:s1] =	ssyncadd.s32 @!p1 $0xFFFFFF00;
	s1 =	simm.s32 @!p1 $0x6  }
0xa8: {  	_ =	swait.ge @!p1 [sflag:s1], $0x4000  }
0xa9: {  	[sflag:s1] =	ssyncset.done @!p1 $0x0  }
0xaa: {  	[sflag:s1] =	ssyncadd.s32 @!p1 $0xFFFFC000  }
0xab: {  	v1 =	vld @!p1 [tilespmem:$0x100]  }
0xac: {  	v2 =	vld @!p1 [tilespmem:$0x180]  }
0xad: {  	v3 =	vld @!p1 [tilespmem:$0x110]  }
0xae: {  	v4 =	vld @!p1 [tilespmem:$0x190]  }
0xaf: {  	v5 =	vld @!p1 [tilespmem:$0x120]  }
0xb0: {  	[tilespmem:$0x280] =	vst @!p1 v1;
	v1 =	vld @!p1 [tilespmem:$0x1A0]  }
0xb1: {  	[tilespmem:$0x380] =	vst @!p1 v2;
	v2 =	vld @!p1 [tilespmem:$0x130]  }
0xb2: {  	[tilespmem:$0x290] =	vst @!p1 v3;
	v3 =	vld @!p1 [tilespmem:$0x1B0]  }
0xb3: {  	[tilespmem:$0x390] =	vst @!p1 v4;
	v4 =	vld @!p1 [tilespmem:$0x140]  }
0xb4: {  	[tilespmem:$0x2A0] =	vst @!p1 v5;
	v5 =	vld @!p1 [tilespmem:$0x1C0]  }
0xb5: {  	[tilespmem:$0x3A0] =	vst @!p1 v1;
	v1 =	vld @!p1 [tilespmem:$0x150]  }
0xb6: {  	[tilespmem:$0x2B0] =	vst @!p1 v2;
	v2 =	vld @!p1 [tilespmem:$0x1D0]  }
0xb7: {  	[tilespmem:$0x3B0] =	vst @!p1 v3;
	v3 =	vld @!p1 [tilespmem:$0x160]  }
0xb8: {  	[tilespmem:$0x2C0] =	vst @!p1 v4;
	v4 =	vld @!p1 [tilespmem:$0x1E0]  }
0xb9: {  	[tilespmem:$0x3C0] =	vst @!p1 v5;
	v5 =	vld @!p1 [tilespmem:$0x170]  }
0xba: {  	[tilespmem:$0x2D0] =	vst @!p1 v1;
	v1 =	vld @!p1 [tilespmem:$0x1F0]  }
0xbb: {  	[tilespmem:$0x3D0] =	vst @!p1 v2  }
0xbc: {  	[tilespmem:$0x2E0] =	vst @!p1 v3  }
0xbd: {  	[tilespmem:$0x3E0] =	vst @!p1 v4  }
0xbe: {  	[tilespmem:$0x2F0] =	vst @!p1 v5  }
0xbf: {  	s24 =	simm.s32 @!p1 $0x4400;
	s23 =	simm.s32 @!p1 $0x280;
	s1 =	simm.s32 @!p1 $0x80;
	[tilespmem:$0x3F0] =	vst @!p1 v1  }
0xc0: {  	[tilespmem:s24], [sflag:$0x4] =	stream.indirect.gather @!p1 [hbm4b:s0+s1], $0x80, s23, s1, $0xb8;
	[tilespmem:$0x1C400] =	vst v63  }
0xc1: {  	s23 =	simm.s32 @!p1 $0x3  }
0xc2: {  	_ =	swait.ge @!p1 [sflag:s23], $0x4000  }
0xc3: {  	s3 =	sadd.s32 $0x2, s3;
	[sflag:s23] =	ssyncset.done @!p1 $0x0  }
0xc4: {  	s24 =	simm.s32 @!p1 $0x400;
	[sflag:s23] =	ssyncadd.s32 @!p1 $0xFFFFC000;
	s23 =	simm.s32 @!p1 $0x300  }
0xc5: {  	[spmem:s4] =	stream.indirect.scatter.add.f32 @!p1 [tilespmem:s24], [sflag:$0x5], $0x80, s23, s1, $0xb8;
	[tilespmem:$0x1C400] =	vst v63  }
0xc6: {  	p1 =	sne.s32 s3, $0x52  }
.Ltmp1:
0xc7: {  	_ = 	snop;
	(pc) =	sbr.rel @p1 .LBB2_4-.Ltmp1, $2  }
0xc8: {  	_ =	sdelay $0x2  }
0xc9: {  	s17 =	sadd.s32 $0x40, s17  }
0xca: {  	s1 =	simm.s32 @p0 $0x4  }
0xcb: {  	_ =	swait.ge @p0 [sflag:s1], $0x4000  }
0xcc: {  	s3 =	simm.s32 @p0 $0x380;
	[sflag:s1] =	ssyncset.done @p0 $0x0  }
0xcd: {  	s17 =	simm.s32 @p0 $0x4400;
	[sflag:s1] =	ssyncadd.s32 @p0 $0xFFFFC000;
	s1 =	simm.s32 @p0 $0x80  }
0xce: {  	[spmem:s4] =	stream.indirect.scatter.add.f32 @p0 [tilespmem:s17], [sflag:$0x6], $0x80, s3, s1, $0xb8;
	[tilespmem:$0x1C400] =	vst v63  }
0xcf: {  	s1 =	simm.s32 @!p0 $0x3  }
0xd0: {  	_ =	swait.ge @!p0 [sflag:s1], $0x4000  }
0xd1: {  	s3 =	simm.s32 @!p0 $0x300;
	[sflag:s1] =	ssyncset.done @!p0 $0x0  }
0xd2: {  	s17 =	simm.s32 @!p0 $0x400;
	[sflag:s1] =	ssyncadd.s32 @!p0 $0xFFFFC000;
	s1 =	simm.s32 @!p0 $0x80  }
0xd3: {  	[spmem:s4] =	stream.indirect.scatter.add.f32 @!p0 [tilespmem:s17], [sflag:$0x5], $0x80, s3, s1, $0xb8;
	[tilespmem:$0x1C400] =	vst v63  }
0xd4: {  	s1 =	simm.s32 @!p0 $0x2  }
0xd5: {  	s1 =	simm.s32 @p0 $0x1  }
0xd6: {  	_ =	swait.ge [sflag:s1], $0x100  }
0xd7: {  	[sflag:s1] =	ssyncset.done $0x0  }
0xd8: {  	[sflag:s1] =	ssyncadd.s32 $0xFFFFFF00  }
0xd9: {  	_ =	swait.ge [sflag:s29], $0x4000  }
0xda: {  	[sflag:s29] =	ssyncset.done $0x0  }
0xdb: {  	[sflag:s29] =	ssyncadd.s32 $0xFFFFC000  }
0xdc: {  	s23 =	stileid.u32;
	_ =	swait.ge [sflag:s30], $0x4000  }
0xdd: {  	s24 =	sshrl.u32 s8, $0x3;
	s31 =	sadd.s32 $0x1, s31;
	[sflag:s30] =	ssyncset.done $0x0  }
0xde: {  	p1 =	sne.s32 s31, s12;
	s1 =	sshll.u32 s23, $0x6;
	[sflag:s30] =	ssyncadd.s32 $0xFFFFC000  }
.Ltmp2:
0xdf: {  	s1 =	sor.u32 $0x1C07, s1;
	[bflag:$0x0] =	sbarrier.arrive $0xFFFF;
	(pc) =	sbr.rel @p1 .LBB2_1-.Ltmp2, $4  }
0xe0: {  	[hbm:s11], [sflag:s1] =	dma.local [spmem:s24], $0x2800  }
0xe1: {  	_ =	swait.ge [sflag:s19], $0x2800  }
0xe2: {  	[sflag:s19] =	ssyncset.done $0x0  }
0xe3: {  	[sflag:s19] =	ssyncadd.s32 $0xFFFFD800  }
0xe4: {  	_ =	sfence.sel $0x180000  }
0xe5: {  	[bflag:$0x0] =	sbarrier.arrive $0xFFFF  }
0xe6: {  	_ =	strace $0x9000004A  }
0xe7: {  	s0 =	stileid.u32;
	[bflag:$0x2] =	sbarrier.arrive $0xFFFF  }
0xe8: {  	p0 =	sne.s32 s0, $0x0;
	s0 =	rddreg [dreg:$0x4]  }
0xe9: {  	s0 =	sadd.s32 @!p0 $0x100000, s0  }
0xea: {  	[sflag:s0] =	ssyncadd.tile.s32 @!p0 $0x1;
	_ =	shalt  }
.Lfunc_end2:
_tile_overlayer_lowered:
.L_overlay_start_2:
0xeb: {  	(tag) =	ssettag $0x2  }
0xec: {  	s0 =	rddreg [dreg:$0x0];
	s2 =	stileid.u32  }
0xed: {  	s1 =	rddreg [dreg:$0x1];
	p0 =	sne.s32 s2, $0x0  }
0xee: {  	s3 =	rddreg [dreg:$0x2];
	[bflag:$0x3] =	sbarrier.arrive $0xFFFF;
	s2 =	simm.s32 @!p0 $0x1C07  }
0xef: {  	[timem:s3], [sflag:s2] =	dma.local @!p0 [hbm:s0], s1  }
0xf0: {  	s0 =	simm.s32 @!p0 $0x7  }
0xf1: {  	_ =	swait.ge @!p0 [sflag:s0], s1  }
0xf2: {  	s1 =	ssub.s32 @!p0 $0x0, s1;
	[sflag:s0] =	ssyncset.done @!p0 $0x0  }
0xf3: {  	[sflag:s0] =	ssyncadd.s32 @!p0 s1  }
0xf4: {  	[bflag:$0x3] =	sbarrier.arrive $0xFFFF  }
0xf5: {  	_ =	shalt  }

// kernel: kernel.14.cloned.1.call-start
scs
__scs_entry_jumppad:
0x0: {  	(pc) =	sbr.rel $0x88, $3  }
0x1: {  	(tag) =	ssettag $0x0;
	lr =	simm.s32 $0x1  }
0x2: {  	[smem:$0x3F93] =	sst lr;
	_ =	strace $0xD0000000  }
0x3: {  	_ = 	snop  }
0x4: {  	_ = 	snop  }
0x5: {  	_ = 	snop  }
0x6: {  	_ = 	snop  }
0x7: {  	_ = 	snop  }
__scs_overlays_trampoline_lowered:
0x8: {  	[smem:$0x3FA2] =	sst s0  }
0x9: {  	[smem:$0x3FA3] =	sst s1  }
0xa: {  	[smem:$0x3FA4] =	sst s2  }
0xb: {  	[smem:$0x3FA5] =	sst s3  }
0xc: {  	[smem:$0x3FA6] =	sst s4  }
0xd: {  	[smem:$0x3FA7] =	sst s5  }
0xe: {  	[smem:$0x3FA8] =	sst s6  }
0xf: {  	[smem:$0x3FA9] =	sst s7  }
0x10: {  	[smem:$0x3FAA] =	sst s8  }
0x11: {  	[smem:$0x3FAB] =	sst s9;
	s0 =	simm.s32 @!p0 $0x0  }
0x12: {  	s1 =	sld [smem:$0x3F91];
	s0 =	simm.s32 @p0 $0x1  }
0x13: {  	[smem:$0x3FAC] =	sst s0;
	s0 =	simm.s32 @!p1 $0x0  }
0x14: {  	s2 =	sld [smem:$0x3F90];
	s0 =	simm.s32 @p1 $0x1  }
0x15: {  	[smem:$0x3FAD] =	sst s0;
	s0 =	simm.s32 @!p2 $0x0  }
0x16: {  	s3 =	sld [smem:$0x3FDB];
	s0 =	simm.s32 @p2 $0x1  }
0x17: {  	s4 =	simm.s32 $0x1BF5;
	[smem:$0x3FAF] =	sst s0  }
0x18: {  	s0 =	sld [smem:$0x3F92];
	_ =	swait.ge [sflag:s4], $0x0  }
0x19: {  	s7 =	sld [smem:$0x3F93]  }
0x1a: {  	s8 =	sadd.s32 $0xFFFFE003, lr  }
0x1b: {  	s9 =	sadd.s32 $0xFFFFFEF7, lr;
	s5 =	simm.s32 $0xFFFFFFFF;
	p2 =	slt.u32 s8, $0xFFFFF086  }
0x1c: {  	p1 =	slt.u32 s9, $0xF7A;
	s5 =	simm.s32 @!p2 $0x0  }
0x1d: {  	s5 =	simm.s32 @p1 $0x1;
	p0 =	seq.s32 s7, s2  }
0x1e: {  	s7 =	smul.u32 @!p0 $0xF7A, s2;
	p2 =	seq.s32 @!p0 s5, $0x0  }
0x1f: {  	s9 =	smul.u32 $0xF7A, s1;
	s8 =	simm.s32 @!p0 $0x1BF5;
	p2 =	por !p2, p0  }
0x20: {  	[sflag:s8] =	ssyncset.s32 @!p0 $0xFFFFF086;
	s6 =	sadd.s32 @!p0 s3, s7;
	s7 =	simm.s32 @!p0 $0x108  }
0x21: {  	s3 =	sadd.s32 s3, s9;
	s6 =	sadd.s32 @!p0 $0x88, s6;
	s7 =	simm.s32 @p2 $0x1082  }
0x22: {  	[simem:s7], [sflag:s8] =	dma.local @!p0 [hbm:s6], $0xF7A  }
0x23: {  	s9 =	sor.u32 $0xD0000000, s2;
	s6 =	simm.s32 $0x108;
	_ =	swait.ge @!p0 [sflag:s8], $0x0  }
0x24: {  	s3 =	sadd.s32 $0x88, s3;
	s6 =	simm.s32 @!p1 $0x1082;
	[sflag:s4] =	ssyncset.s32 $0xFFFFF086  }
0x25: {  	[simem:s6], [sflag:s4] =	dma.local [hbm:s3], $0xF7A  }
0x26: {  	[smem:$0x3F93] =	sst s1;
	(tag) =	ssettag s2;
	_ =	strace s9  }
0x27: {  	s1 =	sld [smem:$0x3FA3]  }
0x28: {  	s2 =	sld [smem:$0x3FA4]  }
0x29: {  	s4 =	sld [smem:$0x3FA6]  }
0x2a: {  	p0 =	seq.s32 s5, $0x0;
	s5 =	sld [smem:$0x3FA7]  }
0x2b: {  	s6 =	sld [smem:$0x3FA8]  }
0x2c: {  	s7 =	sld [smem:$0x3FA9]  }
0x2d: {  	s3 =	simm.s32 $0x108;
	s8 =	sld [smem:$0x3FAA]  }
0x2e: {  	s3 =	simm.s32 @!p0 $0x1082;
	s9 =	sld [smem:$0x3FAB]  }
0x2f: {  	lr =	sadd.s32 s0, s3;
	s0 =	sld [smem:$0x3FA2]  }
0x30: {  	s3 =	sld [smem:$0x3FA5]  }
0x31: {  	[smem:$0x3FAE] =	sst s10  }
0x32: {  	s10 =	sld [smem:$0x3FAC];
	_ =	sdelay $0x3  }
0x33: {  	p0 =	seq.s32 s10, $0x1;
	s10 =	sld [smem:$0x3FAE];
	_ =	sdelay $0x3  }
0x34: {  	[smem:$0x3FAE] =	sst s10  }
0x35: {  	s10 =	sld [smem:$0x3FAD];
	_ =	sdelay $0x3  }
0x36: {  	p1 =	seq.s32 s10, $0x1;
	s10 =	sld [smem:$0x3FAE];
	_ =	sdelay $0x3  }
0x37: {  	[smem:$0x3FAE] =	sst s10  }
0x38: {  	s10 =	sld [smem:$0x3FAF]  }
0x39: {  	_ = 	snop;
	(pc) =	sbr.ind lr, $3  }
0x3a: {  	_ = 	snop  }
0x3b: {  	_ = 	snop  }
0x3c: {  	p2 =	seq.s32 s10, $0x1;
	s10 =	sld [smem:$0x3FAE]  }
0x3d: {  	_ =	shalt  }
0x3e: {  	_ =	shalt  }
0x3f: {  	_ =	shalt  }
0x40: {  	_ =	shalt  }
0x41: {  	_ =	shalt  }
0x42: {  	_ =	shalt  }
0x43: {  	_ =	shalt  }
0x44: {  	_ =	shalt  }
0x45: {  	_ =	shalt  }
0x46: {  	_ =	shalt  }
0x47: {  	_ =	shalt  }
0x48: {  	_ =	shalt  }
0x49: {  	_ =	shalt  }
0x4a: {  	_ =	shalt  }
0x4b: {  	_ =	shalt  }
0x4c: {  	_ =	shalt  }
0x4d: {  	_ =	shalt  }
0x4e: {  	_ =	shalt  }
0x4f: {  	_ =	shalt  }
0x50: {  	_ =	shalt  }
0x51: {  	_ =	shalt  }
0x52: {  	_ =	shalt  }
0x53: {  	_ =	shalt  }
0x54: {  	_ =	shalt  }
0x55: {  	_ =	shalt  }
0x56: {  	_ =	shalt  }
0x57: {  	_ =	shalt  }
0x58: {  	_ =	shalt  }
0x59: {  	_ =	shalt  }
0x5a: {  	_ =	shalt  }
0x5b: {  	_ =	shalt  }
0x5c: {  	_ =	shalt  }
0x5d: {  	_ =	shalt  }
0x5e: {  	_ =	shalt  }
0x5f: {  	_ =	shalt  }
0x60: {  	_ =	shalt  }
0x61: {  	_ =	shalt  }
0x62: {  	_ =	shalt  }
0x63: {  	_ =	shalt  }
0x64: {  	_ =	shalt  }
0x65: {  	_ =	shalt  }
0x66: {  	_ =	shalt  }
0x67: {  	_ =	shalt  }
0x68: {  	_ =	shalt  }
0x69: {  	_ =	shalt  }
0x6a: {  	_ =	shalt  }
0x6b: {  	_ =	shalt  }
0x6c: {  	_ =	shalt  }
0x6d: {  	_ =	shalt  }
0x6e: {  	_ =	shalt  }
0x6f: {  	_ =	shalt  }
0x70: {  	_ =	shalt  }
0x71: {  	_ =	shalt  }
0x72: {  	_ =	shalt  }
0x73: {  	_ =	shalt  }
0x74: {  	_ =	shalt  }
0x75: {  	_ =	shalt  }
0x76: {  	_ =	shalt  }
0x77: {  	_ =	shalt  }
0x78: {  	_ =	shalt  }
0x79: {  	_ =	shalt  }
0x7a: {  	_ =	shalt  }
0x7b: {  	_ =	shalt  }
0x7c: {  	_ =	shalt  }
0x7d: {  	_ =	shalt  }
0x7e: {  	_ =	shalt  }
0x7f: {  	_ =	shalt  }
0x80: {  	_ =	shalt  }
0x81: {  	_ =	shalt  }
0x82: {  	_ =	shalt  }
0x83: {  	_ =	shalt  }
0x84: {  	_ =	shalt  }
0x85: {  	_ =	shalt  }
0x86: {  	_ =	shalt  }
0x87: {  	_ =	shalt  }
.Lfunc_end0:
.L_simem_size_0:
called_computation.2_lowered:
.L_overlay_start_0:
0x88: {  	s2 =	sld [smem:$0x3FD9]  }
0x89: {  	s3 =	sld [smem:$0x3FFE];
	_ =	sdelay $0x1  }
0x8a: {  	s1 =	srdreg.scid  }
0x8b: {  	s0 =	sand.u32 $0x1, s1  }
0x8c: {  	s17 =	sshll.u32 s0, $0xA;
	s2 =	sadd.s32 s3, s2  }
0x8d: {  	s2 =	sadd.s32 s2, s17  }
0x8e: {  	[smem:$0x3FBA] =	sst s2  }
0x8f: {  	_ = 	snop  }
0x90: {  	s2 =	sld [smem:$0x3FC8]  }
0x91: {  	s18 =	sld [smem:$0x3FD0];
	(tm) =	ssettm $0x1  }
0x92: {  	s4 =	sld [smem:$0x3FFB];
	_ =	sdelay $0x3  }
0x93: {  	_ =	strace s4  }
0x94: {  	s4 =	sld [smem:$0x3FFC];
	_ =	sdelay $0x3  }
0x95: {  	_ =	strace s4  }
0x96: {  	s4 =	sld [smem:$0x3FFD];
	_ =	sdelay $0x3  }
0x97: {  	_ =	strace s4  }
0x98: {  	_ =	strace $0x8FFFFFFF  }
0x99: {  	s19 =	sld [smem:$0x3FDB];
	_ =	sdelay $0x1  }
0x9a: {  	s5 =	simm.s32 $_scs_section_size  }
0x9b: {  	s6 =	simm.s32 $_size__tile_overlayer_lowered;
	s7 =	simm.s32 $_tile_overlayer_lowered  }
0x9c: {  	s22 =	simm.s32 $0x1BFF;
	s21 =	sshll.u32 s7, $0x1;
	s4 =	sadd.s32 s5, s19  }
0x9d: {  	s8 =	simm.s32 $0x0;
	s20 =	sshll.u32 s6, $0x1;
	s6 =	sadd.s32 s21, s4  }
0x9e: {  	[timem:s8], [sflag:s22] =	dma.local [hbm:s6], s20  }
0x9f: {  	_ =	swait.ge [sflag:s22], s20  }
0xa0: {  	s5 =	ssub.s32 $0x0, s20;
	[sflag:s22] =	ssyncset.done $0x0  }
0xa1: {  	[sflag:s22] =	ssyncadd.s32 s5;
	_ =	sdelay $0x1  }
0xa2: {  	s23 =	simm.s32 $0x1B8B  }
0xa3: {  	_ =	swait.ge [sflag:s23], $0x1  }
0xa4: {  	[sflag:s23] =	ssyncset.done $0x0  }
0xa5: {  	s25 =	simm.s32 $0x1B8E;
	s24 =	sld [smem:$0x3FFE];
	[sflag:s23] =	ssyncadd.s32 $0xFFFFFFFF  }
0xa6: {  	s26 =	simm.s32 $execute0_lowered;
	[smem:$0x3FD2] =	sst s25  }
0xa7: {  	s6 =	sshll.u32 s26, $0x1;
	_ =	strace $0x8000004C;
	[dreg:$0x1] =	wrdreg $0xFFFFFFFF  }
0xa8: {  	s28 =	simm.s32 $_size_execute0_lowered;
	s4 =	sadd.s32 s4, s6;
	[dreg:$0x0] =	wrdreg $0x0  }
0xa9: {  	s6 =	sshll.u32 s28, $0x1;
	[dreg:$0x2] =	wrdreg s4  }
0xaa: {  	[dreg:$0x3] =	wrdreg s6  }
0xab: {  	[dreg:$0x4] =	wrdreg $0xC0  }
0xac: {  	_ =	task [dreg:s8], $0x5FFFF  }
0xad: {  	[dreg:$0x1] =	wrdreg $0xFFFFFFFF  }
0xae: {  	[dreg:$0x0] =	wrdreg $0x60  }
0xaf: {  	[dreg:$0x2] =	wrdreg s18  }
0xb0: {  	[dreg:$0x3] =	wrdreg s2  }
0xb1: {  	[dreg:$0x4] =	wrdreg s24  }
0xb2: {  	[dreg:$0x5] =	wrdreg $0x84000  }
0xb3: {  	[dreg:$0x6] =	wrdreg $0x9  }
0xb4: {  	_ =	task.clear_ibuf [dreg:s8], $0x7FFFF;
	_ =	strace $0x9000004C  }
0xb5: {  	s29 =	simm.s32 $0x9;
	_ =	strace $0x8000004E  }
0xb6: {  	_ =	swait.ge [sflag:s29], $0x1  }
0xb7: {  	[sflag:s29] =	ssyncadd.s32 $0xFFFFFFFF  }
0xb8: {  	_ =	strace $0x9000004E  }
0xb9: {  	_ =	sfence  }
0xba: {  	s30 =	sld [smem:$0x0];
	_ =	sdelay $0x2  }
0xbb: {  	s31 =	sshll.u32 s1, $0xD;
	s1 =	sshrl.u32 s1, $0x2  }
0xbc: {  	s3 =	sand.u32 $0x4000, s31;
	s1 =	sadd.s32 s1, s30  }
0xbd: {  	s0 =	sor.u32 s3, s0;
	s1 =	sshll.u32 s1, $0x11  }
0xbe: {  	s0 =	sor.u32 s1, s0  }
0xbf: {  	s0 =	sadd.s32 $0x8F2B, s0  }
0xc0: {  	[sflag:s0] =	ssyncadd.remote.s32 $0x1  }
0xc1: {  	_ =	sfence.sel $0xFFFF  }
0xc2: {  	[dreg:$0x0] =	wrdreg $0xFFFFFFFF;
	(pc) =	sbr.abs _section_cstart, $3  }
0xc3: {  	[dreg:$0x1] =	wrdreg $0xFFFFFFFF  }
0xc4: {  	_ =	task.clear_ibuf [dreg:s8], $0x2FFFF;
	_ =	strace $0x9FFFFFFF  }
0xc5: {  	(tm) =	ssettm $0x7FFFFFFF  }
tec
execute0_lowered:
.L_overlay_start_1:
0x0: {  	(tag) =	ssettag $0x1  }
0x1: {  	s0 =	rddreg [dreg:$0x0]  }
0x2: {  	s2 =	rddreg [dreg:$0x1]  }
0x3: {  	s1 =	srdreg.scid;
	s3 =	rddreg [dreg:$0x2]  }
0x4: {  	s22 =	stileid.u32;
	s4 =	rddreg [dreg:$0x3]  }
0x5: {  	s5 =	simm.s32 $0x0;
	s18 =	simm.s32 $0x400;
	s19 =	simm.s32 $0x7  }
0x6: {  	s21 =	simm.s32 $0x1;
	s28 =	simm.s32 $0x300;
	s29 =	simm.s32 $0x5  }
0x7: {  	s30 =	simm.s32 $0x6;
	s31 =	simm.s32 $0x0;
	s8 =	smul.u32 $0x14000, s22  }
0x8: {  	s6 =	sand.u32 $0x1, s1;
	[smem:$0x7FF] =	sst s5;
	s11 =	smul.u32 $0x50000, s22  }
0x9: {  	s10 =	sshll.u32 s22, $0x1;
	s22 =	simm.s32 $0x80;
	s7 =	smul.u32 $0x140000, s6  }
0xa: {  	_ =	strace $0x8000004D;
	s23 =	ssub.s32 $0x2, s6;
	s17 =	sor.u32 s6, s10  }
0xb: {  	s9 =	sshrl.u32 s23, $0x1;
	s6 =	ssub.s32 $0x9C3, s17;
	s24 =	sshll.u32 s17, $0x5  }
0xc: {  	s25 =	sshrl.u32 s11, $0x2;
	s20 =	sor.u32 $0x80, s17;
	s7 =	sadd.s32 s8, s7  }
0xd: {  	s12 =	ssub.s32 s23, s9;
	s6 =	sshrl.u32 s6, $0x5;
	s8 =	sadd.s32 s25, s4  }
0xe: {  	s25 =	simm.s32 $0x4400;
	s7 =	sshrl.u32 s7, $0x3;
	s26 =	sand.u32 $0x1, s6  }
0xf: {  	s12 =	smax.u32 s12, $0x1;
	s13 =	sadd.s32 $0x4000, s8;
	s14 =	sadd.s32 $0x8000, s8  }
0x10: {  	s15 =	sadd.s32 $0xC000, s8;
	s16 =	sadd.s32 $0x10000, s8;
	s3 =	sadd.s32 s7, s3  }
0x11: {  	s7 =	sadd.s32 s2, s24;
	p0 =	seq.s32 s26, $0x1;
	s26 =	simm.s32 $0x3  }
0x12: {  	v0 =	vimm.f32 $0.0e+00;
	s9 =	sadd.s32 $0x400, s7;
	s10 =	sadd.s32 $0x800, s7;
	s11 =	sadd.s32 $0x53E00, s3  }
.LBB2_1:
0x13: {  	[tilespmem:s5], [sflag:$0x1] =	stream.linear.gather [hbm4b:s7+s5], $0x100, $0x38;
	[tilespmem:$0x1C400] =	vst v63  }
0x14: {  	s3 =	simm.s32 $0x0;
	s17 =	simm.s32 $0x200  }
.LBB2_2:
0x15: {  	p1 =	sne.s32 s17, $0xFE00;
	[tilespmem:s3+$0x470] =	vst v0  }
0x16: {  	[tilespmem:s3+$0x400] =	vst v0  }
0x17: {  	[tilespmem:s3+$0x410] =	vst v0  }
.Ltmp0:
0x18: {  	[tilespmem:s3+$0x420] =	vst v0;
	(pc) =	sbr.rel @p1 .LBB2_2-.Ltmp0, $4  }
0x19: {  	[tilespmem:s3+$0x430] =	vst v0  }
0x1a: {  	[tilespmem:s3+$0x440] =	vst v0  }
0x1b: {  	[tilespmem:s3+$0x450] =	vst v0  }
0x1c: {  	[tilespmem:s3+$0x460] =	vst v0;
	s3 =	sshra.s32 s17, $0x2;
	s17 =	sadd.s32 $0x200, s17  }
0x1d: {  	[tilespmem:s3+$0x470] =	vst v0  }
0x1e: {  	[tilespmem:s3+$0x400] =	vst v0  }
0x1f: {  	[tilespmem:s3+$0x410] =	vst v0  }
0x20: {  	[tilespmem:s3+$0x420] =	vst v0  }
0x21: {  	[tilespmem:s3+$0x430] =	vst v0  }
0x22: {  	[tilespmem:s3+$0x440] =	vst v0  }
0x23: {  	[tilespmem:s3+$0x450] =	vst v0  }
0x24: {  	[tilespmem:s3+$0x460] =	vst v0  }
0x25: {  	[spmem:s8] =	stream.linear.scatter [tilespmem:s18], [sflag:$0x7], $0x4000, $0x38;
	[tilespmem:$0x1C400] =	vst v63  }
0x26: {  	_ =	swait.ge [sflag:s19], $0x4000  }
0x27: {  	[sflag:s19] =	ssyncset.done $0x0  }
0x28: {  	[sflag:s19] =	ssyncadd.s32 $0xFFFFC000  }
0x29: {  	[spmem:s13] =	stream.linear.scatter [tilespmem:s18], [sflag:$0x7], $0x4000, $0x38;
	[tilespmem:$0x1C400] =	vst v63  }
0x2a: {  	_ =	swait.ge [sflag:s19], $0x4000  }
0x2b: {  	[sflag:s19] =	ssyncset.done $0x0  }
0x2c: {  	[sflag:s19] =	ssyncadd.s32 $0xFFFFC000  }
0x2d: {  	[spmem:s14] =	stream.linear.scatter [tilespmem:s18], [sflag:$0x7], $0x4000, $0x38;
	[tilespmem:$0x1C400] =	vst v63  }
0x2e: {  	_ =	swait.ge [sflag:s19], $0x4000  }
0x2f: {  	[sflag:s19] =	ssyncset.done $0x0  }
0x30: {  	[sflag:s19] =	ssyncadd.s32 $0xFFFFC000  }
0x31: {  	[spmem:s15] =	stream.linear.scatter [tilespmem:s18], [sflag:$0x7], $0x4000, $0x38;
	[tilespmem:$0x1C400] =	vst v63  }
0x32: {  	_ =	swait.ge [sflag:s19], $0x4000  }
0x33: {  	[sflag:s19] =	ssyncset.done $0x0  }
0x34: {  	[sflag:s19] =	ssyncadd.s32 $0xFFFFC000  }
0x35: {  	[spmem:s16] =	stream.linear.scatter [tilespmem:s18], [sflag:$0x7], $0x4000, $0x38;
	[tilespmem:$0x1C400] =	vst v63  }
0x36: {  	_ =	swait.ge [sflag:s19], $0x4000  }
0x37: {  	[sflag:s19] =	ssyncset.done $0x0  }
0x38: {  	[sflag:s19] =	ssyncadd.s32 $0xFFFFC000  }
0x39: {  	s1 =	simm.s32 $0x100;
	[bflag:$0x0] =	sbarrier.arrive $0xFFFF  }
0x3a: {  	[tilespmem:s1], [sflag:$0x2] =	stream.linear.gather [hbm4b:s9+s5], $0x100, $0x38;
	[tilespmem:$0x1C400] =	vst v63  }
0x3b: {  	_ =	swait.ge [sflag:s21], $0x100  }
0x3c: {  	[sflag:s21] =	ssyncset.done $0x0  }
0x3d: {  	[sflag:s21] =	ssyncadd.s32 $0xFFFFFF00  }
0x3e: {  	v1 =	vld [tilespmem:$0x0]  }
0x3f: {  	v2 =	vld [tilespmem:$0x80]  }
0x40: {  	v3 =	vld [tilespmem:$0x10]  }
0x41: {  	v4 =	vld [tilespmem:$0x90]  }
0x42: {  	v5 =	vld [tilespmem:$0x20]  }
0x43: {  	[tilespmem:$0x200] =	vst v1;
	v1 =	vld [tilespmem:$0xA0]  }
0x44: {  	v54 =	vld [tilespmem:$0x40];
	[tilespmem:$0x300] =	vst v2  }
0x45: {  	v55 =	vld [tilespmem:$0xC0];
	[tilespmem:$0x210] =	vst v3  }
0x46: {  	v2 =	vld [tilespmem:$0x30];
	[tilespmem:$0x310] =	vst v4  }
0x47: {  	v3 =	vld [tilespmem:$0xB0];
	[tilespmem:$0x220] =	vst v5  }
0x48: {  	[tilespmem:$0x320] =	vst v1;
	v1 =	vld [tilespmem:$0x50]  }
0x49: {  	v56 =	vld [tilespmem:$0xE0];
	[tilespmem:$0x240] =	vst v54  }
0x4a: {  	v57 =	vld [tilespmem:$0x70];
	[tilespmem:$0x340] =	vst v55  }
0x4b: {  	[tilespmem:$0x230] =	vst v2;
	v2 =	vld [tilespmem:$0xD0]  }
0x4c: {  	[tilespmem:$0x330] =	vst v3;
	v3 =	vld [tilespmem:$0x60]  }
0x4d: {  	[tilespmem:$0x250] =	vst v1;
	v1 =	vld [tilespmem:$0xF0]  }
0x4e: {  	[tilespmem:$0x360] =	vst v56  }
0x4f: {  	[tilespmem:$0x270] =	vst v57  }
0x50: {  	[tilespmem:$0x350] =	vst v2  }
0x51: {  	[tilespmem:$0x260] =	vst v3  }
0x52: {  	s23 =	simm.s32 $0x200;
	[tilespmem:$0x370] =	vst v1  }
0x53: {  	[tilespmem:s18], [sflag:$0x3] =	stream.indirect.gather [hbm4b:s0+s22], $0x80, s23, s22, $0xb8;
	[tilespmem:$0x1C400] =	vst v63  }
0x54: {  	s3 =	simm.s32 $0x2  }
0x55: {  	[tilespmem:s5], [sflag:$0x1] =	stream.linear.gather [hbm4b:s10+s5], $0x100, $0x38;
	[tilespmem:$0x1C400] =	vst v63  }
0x56: {  	_ =	swait.ge [sflag:s3], $0x100  }
0x57: {  	[sflag:s3] =	ssyncset.done $0x0  }
0x58: {  	[sflag:s3] =	ssyncadd.s32 $0xFFFFFF00  }
0x59: {  	v1 =	vld [tilespmem:$0x100]  }
0x5a: {  	v2 =	vld [tilespmem:$0x180]  }
0x5b: {  	v3 =	vld [tilespmem:$0x110]  }
0x5c: {  	v58 =	vld [tilespmem:$0x190]  }
0x5d: {  	v59 =	vld [tilespmem:$0x120]  }
0x5e: {  	[tilespmem:$0x280] =	vst v1;
	v1 =	vld [tilespmem:$0x1A0]  }
0x5f: {  	v60 =	vld [tilespmem:$0x140];
	[tilespmem:$0x380] =	vst v2  }
0x60: {  	v61 =	vld [tilespmem:$0x1C0];
	[tilespmem:$0x290] =	vst v3  }
0x61: {  	v2 =	vld [tilespmem:$0x130];
	[tilespmem:$0x390] =	vst v58  }
0x62: {  	v3 =	vld [tilespmem:$0x1B0];
	[tilespmem:$0x2A0] =	vst v59  }
0x63: {  	[tilespmem:$0x3A0] =	vst v1;
	v1 =	vld [tilespmem:$0x150]  }
0x64: {  	v62 =	vld [tilespmem:$0x1E0];
	[tilespmem:$0x2C0] =	vst v60  }
0x65: {  	v63 =	vld [tilespmem:$0x170];
	[tilespmem:$0x3C0] =	vst v61  }
0x66: {  	[tilespmem:$0x2B0] =	vst v2;
	v2 =	vld [tilespmem:$0x1D0]  }
0x67: {  	[tilespmem:$0x3B0] =	vst v3;
	v3 =	vld [tilespmem:$0x160]  }
0x68: {  	[tilespmem:$0x2D0] =	vst v1;
	v1 =	vld [tilespmem:$0x1F0]  }
0x69: {  	[tilespmem:$0x3E0] =	vst v62  }
0x6a: {  	[tilespmem:$0x2F0] =	vst v63  }
0x6b: {  	[tilespmem:$0x3D0] =	vst v2  }
0x6c: {  	[tilespmem:$0x2E0] =	vst v3  }
0x6d: {  	s24 =	simm.s32 $0x280;
	[tilespmem:$0x3F0] =	vst v1  }
0x6e: {  	[tilespmem:s25], [sflag:$0x4] =	stream.indirect.gather [hbm4b:s0+s22], $0x80, s24, s22, $0xb8;
	[tilespmem:$0x1C400] =	vst v63  }
0x6f: {  	_ =	swait.ge [sflag:s26], $0x4000  }
0x70: {  	[sflag:s26] =	ssyncset.done $0x0  }
0x71: {  	s17 =	smov.u32 s20;
	[sflag:s26] =	ssyncadd.s32 $0xFFFFC000  }
0x72: {  	[spmem:s4] =	stream.indirect.scatter.add.f32 [tilespmem:s18], [sflag:$0x5], $0x80, s28, s22, $0xb8;
	[tilespmem:$0x1C400] =	vst v63  }
.LBB2_4:
0x73: {  	p1 =	sgt.u32 s3, s6  }
0x74: {  	s1 =	sadd.s32 @!p1 $0xFFFFFFE0, s17  }
0x75: {  	p2 =	slt.s32 @!p1 s1, $0x9C3  }
0x76: {  	p2 =	por !p2, p1  }
0x77: {  	s1 =	simm.s32 @p2 $0x9C3  }
0x78: {  	s1 =	sshll.u32 @!p1 s1, $0x5  }
0x79: {  	s23 =	simm.s32 @!p1 $0x0;
	s24 =	simm.s32 @!p1 $0x100;
	s1 =	sadd.s32 @!p1 s2, s1  }
0x7a: {  	[tilespmem:s24], [sflag:$0x2] =	stream.linear.gather @!p1 [hbm4b:s1+s23], $0x100, $0x38;
	[tilespmem:$0x1C400] =	vst v63  }
0x7b: {  	s1 =	simm.s32 @!p1 $0x1  }
0x7c: {  	_ =	swait.ge @!p1 [sflag:s1], $0x100  }
0x7d: {  	[sflag:s1] =	ssyncset.done @!p1 $0x0  }
0x7e: {  	[sflag:s1] =	ssyncadd.s32 @!p1 $0xFFFFFF00;
	s1 =	simm.s32 @!p1 $0x5  }
0x7f: {  	_ =	swait.ge @!p1 [sflag:s1], $0x4000  }
0x80: {  	[sflag:s1] =	ssyncset.done @!p1 $0x0  }
0x81: {  	[sflag:s1] =	ssyncadd.s32 @!p1 $0xFFFFC000  }
0x82: {  	v1 =	vld @!p1 [tilespmem:$0x0]  }
0x83: {  	v2 =	vld @!p1 [tilespmem:$0x80]  }
0x84: {  	v3 =	vld @!p1 [tilespmem:$0x10]  }
0x85: {  	v4 =	vld @!p1 [tilespmem:$0x90]  }
0x86: {  	v5 =	vld @!p1 [tilespmem:$0x20]  }
0x87: {  	[tilespmem:$0x200] =	vst @!p1 v1;
	v1 =	vld @!p1 [tilespmem:$0xA0]  }
0x88: {  	[tilespmem:$0x300] =	vst @!p1 v2;
	v2 =	vld @!p1 [tilespmem:$0x30]  }
0x89: {  	[tilespmem:$0x210] =	vst @!p1 v3;
	v3 =	vld @!p1 [tilespmem:$0xB0]  }
0x8a: {  	[tilespmem:$0x310] =	vst @!p1 v4;
	v4 =	vld @!p1 [tilespmem:$0x40]  }
0x8b: {  	[tilespmem:$0x220] =	vst @!p1 v5;
	v5 =	vld @!p1 [tilespmem:$0xC0]  }
0x8c: {  	[tilespmem:$0x320] =	vst @!p1 v1;
	v1 =	vld @!p1 [tilespmem:$0x50]  }
0x8d: {  	[tilespmem:$0x230] =	vst @!p1 v2;
	v2 =	vld @!p1 [tilespmem:$0xD0]  }
0x8e: {  	[tilespmem:$0x330] =	vst @!p1 v3;
	v3 =	vld @!p1 [tilespmem:$0x60]  }
0x8f: {  	[tilespmem:$0x240] =	vst @!p1 v4;
	v4 =	vld @!p1 [tilespmem:$0xE0]  }
0x90: {  	[tilespmem:$0x340] =	vst @!p1 v5;
	v5 =	vld @!p1 [tilespmem:$0x70]  }
0x91: {  	[tilespmem:$0x250] =	vst @!p1 v1;
	v1 =	vld @!p1 [tilespmem:$0xF0]  }
0x92: {  	[tilespmem:$0x350] =	vst @!p1 v2  }
0x93: {  	[tilespmem:$0x260] =	vst @!p1 v3  }
0x94: {  	[tilespmem:$0x360] =	vst @!p1 v4  }
0x95: {  	[tilespmem:$0x270] =	vst @!p1 v5  }
0x96: {  	s23 =	simm.s32 @!p1 $0x200;
	s24 =	simm.s32 @!p1 $0x400;
	s1 =	simm.s32 @!p1 $0x80;
	[tilespmem:$0x370] =	vst @!p1 v1  }
0x97: {  	[tilespmem:s24], [sflag:$0x3] =	stream.indirect.gather @!p1 [hbm4b:s0+s1], $0x80, s23, s1, $0xb8;
	[tilespmem:$0x1C400] =	vst v63  }
0x98: {  	s23 =	simm.s32 @!p1 $0x4  }
0x99: {  	_ =	swait.ge @!p1 [sflag:s23], $0x4000  }
0x9a: {  	[sflag:s23] =	ssyncset.done @!p1 $0x0  }
0x9b: {  	s24 =	simm.s32 @!p1 $0x4400;
	[sflag:s23] =	ssyncadd.s32 @!p1 $0xFFFFC000;
	s23 =	simm.s32 @!p1 $0x380  }
0x9c: {  	[spmem:s4] =	stream.indirect.scatter.add.f32 @!p1 [tilespmem:s24], [sflag:$0x6], $0x80, s23, s1, $0xb8;
	[tilespmem:$0x1C400] =	vst v63  }
0x9d: {  	p1 =	sge.u32 s3, s6  }
0x9e: {  	p2 =	slt.s32 @!p1 s17, $0x9C3  }
0x9f: {  	s1 =	smov.u32 s17;
	p2 =	por !p2, p1  }
0xa0: {  	s1 =	simm.s32 @p2 $0x9C3  }
0xa1: {  	s1 =	sshll.u32 @!p1 s1, $0x5  }
0xa2: {  	s23 =	simm.s32 @!p1 $0x0;
	s1 =	sadd.s32 @!p1 s2, s1  }
0xa3: {  	[tilespmem:s23], [sflag:$0x1] =	stream.linear.gather @!p1 [hbm4b:s1+s23], $0x100, $0x38;
	[tilespmem:$0x1C400] =	vst v63  }
0xa4: {  	s1 =	simm.s32 @!p1 $0x2  }
0xa5: {  	_ =	swait.ge @!p1 [sflag:s1], $0x100  }
0xa6: {  	[sflag:s1] =	ssyncset.done @!p1 $0x0  }
0xa7: {  	[sflag:s1] =	ssyncadd.s32 @!p1 $0xFFFFFF00;
	s1 =	simm.s32 @!p1 $0x6  }
0xa8: {  	_ =	swait.ge @!p1 [sflag:s1], $0x4000  }
0xa9: {  	[sflag:s1] =	ssyncset.done @!p1 $0x0  }
0xaa: {  	[sflag:s1] =	ssyncadd.s32 @!p1 $0xFFFFC000  }
0xab: {  	v1 =	vld @!p1 [tilespmem:$0x100]  }
0xac: {  	v2 =	vld @!p1 [tilespmem:$0x180]  }
0xad: {  	v3 =	vld @!p1 [tilespmem:$0x110]  }
0xae: {  	v4 =	vld @!p1 [tilespmem:$0x190]  }
0xaf: {  	v5 =	vld @!p1 [tilespmem:$0x120]  }
0xb0: {  	[tilespmem:$0x280] =	vst @!p1 v1;
	v1 =	vld @!p1 [tilespmem:$0x1A0]  }
0xb1: {  	[tilespmem:$0x380] =	vst @!p1 v2;
	v2 =	vld @!p1 [tilespmem:$0x130]  }
0xb2: {  	[tilespmem:$0x290] =	vst @!p1 v3;
	v3 =	vld @!p1 [tilespmem:$0x1B0]  }
0xb3: {  	[tilespmem:$0x390] =	vst @!p1 v4;
	v4 =	vld @!p1 [tilespmem:$0x140]  }
0xb4: {  	[tilespmem:$0x2A0] =	vst @!p1 v5;
	v5 =	vld @!p1 [tilespmem:$0x1C0]  }
0xb5: {  	[tilespmem:$0x3A0] =	vst @!p1 v1;
	v1 =	vld @!p1 [tilespmem:$0x150]  }
0xb6: {  	[tilespmem:$0x2B0] =	vst @!p1 v2;
	v2 =	vld @!p1 [tilespmem:$0x1D0]  }
0xb7: {  	[tilespmem:$0x3B0] =	vst @!p1 v3;
	v3 =	vld @!p1 [tilespmem:$0x160]  }
0xb8: {  	[tilespmem:$0x2C0] =	vst @!p1 v4;
	v4 =	vld @!p1 [tilespmem:$0x1E0]  }
0xb9: {  	[tilespmem:$0x3C0] =	vst @!p1 v5;
	v5 =	vld @!p1 [tilespmem:$0x170]  }
0xba: {  	[tilespmem:$0x2D0] =	vst @!p1 v1;
	v1 =	vld @!p1 [tilespmem:$0x1F0]  }
0xbb: {  	[tilespmem:$0x3D0] =	vst @!p1 v2  }
0xbc: {  	[tilespmem:$0x2E0] =	vst @!p1 v3  }
0xbd: {  	[tilespmem:$0x3E0] =	vst @!p1 v4  }
0xbe: {  	[tilespmem:$0x2F0] =	vst @!p1 v5  }
0xbf: {  	s24 =	simm.s32 @!p1 $0x4400;
	s23 =	simm.s32 @!p1 $0x280;
	s1 =	simm.s32 @!p1 $0x80;
	[tilespmem:$0x3F0] =	vst @!p1 v1  }
0xc0: {  	[tilespmem:s24], [sflag:$0x4] =	stream.indirect.gather @!p1 [hbm4b:s0+s1], $0x80, s23, s1, $0xb8;
	[tilespmem:$0x1C400] =	vst v63  }
0xc1: {  	s23 =	simm.s32 @!p1 $0x3  }
0xc2: {  	_ =	swait.ge @!p1 [sflag:s23], $0x4000  }
0xc3: {  	s3 =	sadd.s32 $0x2, s3;
	[sflag:s23] =	ssyncset.done @!p1 $0x0  }
0xc4: {  	s24 =	simm.s32 @!p1 $0x400;
	[sflag:s23] =	ssyncadd.s32 @!p1 $0xFFFFC000;
	s23 =	simm.s32 @!p1 $0x300  }
0xc5: {  	[spmem:s4] =	stream.indirect.scatter.add.f32 @!p1 [tilespmem:s24], [sflag:$0x5], $0x80, s23, s1, $0xb8;
	[tilespmem:$0x1C400] =	vst v63  }
0xc6: {  	p1 =	sne.s32 s3, $0x52  }
.Ltmp1:
0xc7: {  	_ = 	snop;
	(pc) =	sbr.rel @p1 .LBB2_4-.Ltmp1, $2  }
0xc8: {  	_ =	sdelay $0x2  }
0xc9: {  	s17 =	sadd.s32 $0x40, s17  }
0xca: {  	s1 =	simm.s32 @p0 $0x4  }
0xcb: {  	_ =	swait.ge @p0 [sflag:s1], $0x4000  }
0xcc: {  	s3 =	simm.s32 @p0 $0x380;
	[sflag:s1] =	ssyncset.done @p0 $0x0  }
0xcd: {  	s17 =	simm.s32 @p0 $0x4400;
	[sflag:s1] =	ssyncadd.s32 @p0 $0xFFFFC000;
	s1 =	simm.s32 @p0 $0x80  }
0xce: {  	[spmem:s4] =	stream.indirect.scatter.add.f32 @p0 [tilespmem:s17], [sflag:$0x6], $0x80, s3, s1, $0xb8;
	[tilespmem:$0x1C400] =	vst v63  }
0xcf: {  	s1 =	simm.s32 @!p0 $0x3  }
0xd0: {  	_ =	swait.ge @!p0 [sflag:s1], $0x4000  }
0xd1: {  	s3 =	simm.s32 @!p0 $0x300;
	[sflag:s1] =	ssyncset.done @!p0 $0x0  }
0xd2: {  	s17 =	simm.s32 @!p0 $0x400;
	[sflag:s1] =	ssyncadd.s32 @!p0 $0xFFFFC000;
	s1 =	simm.s32 @!p0 $0x80  }
0xd3: {  	[spmem:s4] =	stream.indirect.scatter.add.f32 @!p0 [tilespmem:s17], [sflag:$0x5], $0x80, s3, s1, $0xb8;
	[tilespmem:$0x1C400] =	vst v63  }
0xd4: {  	s1 =	simm.s32 @!p0 $0x2  }
0xd5: {  	s1 =	simm.s32 @p0 $0x1  }
0xd6: {  	_ =	swait.ge [sflag:s1], $0x100  }
0xd7: {  	[sflag:s1] =	ssyncset.done $0x0  }
0xd8: {  	[sflag:s1] =	ssyncadd.s32 $0xFFFFFF00  }
0xd9: {  	_ =	swait.ge [sflag:s29], $0x4000  }
0xda: {  	[sflag:s29] =	ssyncset.done $0x0  }
0xdb: {  	[sflag:s29] =	ssyncadd.s32 $0xFFFFC000  }
0xdc: {  	s23 =	stileid.u32;
	_ =	swait.ge [sflag:s30], $0x4000  }
0xdd: {  	s24 =	sshrl.u32 s8, $0x3;
	s31 =	sadd.s32 $0x1, s31;
	[sflag:s30] =	ssyncset.done $0x0  }
0xde: {  	p1 =	sne.s32 s31, s12;
	s1 =	sshll.u32 s23, $0x6;
	[sflag:s30] =	ssyncadd.s32 $0xFFFFC000  }
.Ltmp2:
0xdf: {  	s1 =	sor.u32 $0x1C07, s1;
	[bflag:$0x0] =	sbarrier.arrive $0xFFFF;
	(pc) =	sbr.rel @p1 .LBB2_1-.Ltmp2, $4  }
0xe0: {  	[hbm:s11], [sflag:s1] =	dma.local [spmem:s24], $0x2800  }
0xe1: {  	_ =	swait.ge [sflag:s19], $0x2800  }
0xe2: {  	[sflag:s19] =	ssyncset.done $0x0  }
0xe3: {  	[sflag:s19] =	ssyncadd.s32 $0xFFFFD800  }
0xe4: {  	_ =	sfence.sel $0x180000  }
0xe5: {  	[bflag:$0x0] =	sbarrier.arrive $0xFFFF  }
0xe6: {  	_ =	strace $0x9000004D  }
0xe7: {  	s0 =	stileid.u32;
	[bflag:$0x2] =	sbarrier.arrive $0xFFFF  }
0xe8: {  	p0 =	sne.s32 s0, $0x0;
	s0 =	rddreg [dreg:$0x4]  }
0xe9: {  	s0 =	sadd.s32 @!p0 $0x100000, s0  }
0xea: {  	[sflag:s0] =	ssyncadd.tile.s32 @!p0 $0x1;
	_ =	shalt  }
.Lfunc_end2:
_tile_overlayer_lowered:
.L_overlay_start_2:
0xeb: {  	(tag) =	ssettag $0x2  }
0xec: {  	s0 =	rddreg [dreg:$0x0];
	s2 =	stileid.u32  }
0xed: {  	s1 =	rddreg [dreg:$0x1];
	p0 =	sne.s32 s2, $0x0  }
0xee: {  	s3 =	rddreg [dreg:$0x2];
	[bflag:$0x3] =	sbarrier.arrive $0xFFFF;
	s2 =	simm.s32 @!p0 $0x1C07  }
0xef: {  	[timem:s3], [sflag:s2] =	dma.local @!p0 [hbm:s0], s1  }
0xf0: {  	s0 =	simm.s32 @!p0 $0x7  }
0xf1: {  	_ =	swait.ge @!p0 [sflag:s0], s1  }
0xf2: {  	s1 =	ssub.s32 @!p0 $0x0, s1;
	[sflag:s0] =	ssyncset.done @!p0 $0x0  }
0xf3: {  	[sflag:s0] =	ssyncadd.s32 @!p0 s1  }
0xf4: {  	[bflag:$0x3] =	sbarrier.arrive $0xFFFF  }
0xf5: {  	_ =	shalt  }

// kernel: kernel.8.cloned.1.call-start
scs
__scs_entry_jumppad:
0x0: {  	(pc) =	sbr.rel $0x88, $3  }
0x1: {  	(tag) =	ssettag $0x0;
	lr =	simm.s32 $0x1  }
0x2: {  	[smem:$0x3F93] =	sst lr;
	_ =	strace $0xD0000000  }
0x3: {  	_ = 	snop  }
0x4: {  	_ = 	snop  }
0x5: {  	_ = 	snop  }
0x6: {  	_ = 	snop  }
0x7: {  	_ = 	snop  }
__scs_overlays_trampoline_lowered:
0x8: {  	[smem:$0x3FA2] =	sst s0  }
0x9: {  	[smem:$0x3FA3] =	sst s1  }
0xa: {  	[smem:$0x3FA4] =	sst s2  }
0xb: {  	[smem:$0x3FA5] =	sst s3  }
0xc: {  	[smem:$0x3FA6] =	sst s4  }
0xd: {  	[smem:$0x3FA7] =	sst s5  }
0xe: {  	[smem:$0x3FA8] =	sst s6  }
0xf: {  	[smem:$0x3FA9] =	sst s7  }
0x10: {  	[smem:$0x3FAA] =	sst s8  }
0x11: {  	[smem:$0x3FAB] =	sst s9;
	s0 =	simm.s32 @!p0 $0x0  }
0x12: {  	s1 =	sld [smem:$0x3F91];
	s0 =	simm.s32 @p0 $0x1  }
0x13: {  	[smem:$0x3FAC] =	sst s0;
	s0 =	simm.s32 @!p1 $0x0  }
0x14: {  	s2 =	sld [smem:$0x3F90];
	s0 =	simm.s32 @p1 $0x1  }
0x15: {  	[smem:$0x3FAD] =	sst s0;
	s0 =	simm.s32 @!p2 $0x0  }
0x16: {  	s3 =	sld [smem:$0x3FDB];
	s0 =	simm.s32 @p2 $0x1  }
0x17: {  	s4 =	simm.s32 $0x1BF5;
	[smem:$0x3FAF] =	sst s0  }
0x18: {  	s0 =	sld [smem:$0x3F92];
	_ =	swait.ge [sflag:s4], $0x0  }
0x19: {  	s7 =	sld [smem:$0x3F93]  }
0x1a: {  	s8 =	sadd.s32 $0xFFFFE003, lr  }
0x1b: {  	s9 =	sadd.s32 $0xFFFFFEF7, lr;
	s5 =	simm.s32 $0xFFFFFFFF;
	p2 =	slt.u32 s8, $0xFFFFF086  }
0x1c: {  	p1 =	slt.u32 s9, $0xF7A;
	s5 =	simm.s32 @!p2 $0x0  }
0x1d: {  	s5 =	simm.s32 @p1 $0x1;
	p0 =	seq.s32 s7, s2  }
0x1e: {  	s7 =	smul.u32 @!p0 $0xF7A, s2;
	p2 =	seq.s32 @!p0 s5, $0x0  }
0x1f: {  	s9 =	smul.u32 $0xF7A, s1;
	s8 =	simm.s32 @!p0 $0x1BF5;
	p2 =	por !p2, p0  }
0x20: {  	[sflag:s8] =	ssyncset.s32 @!p0 $0xFFFFF086;
	s6 =	sadd.s32 @!p0 s3, s7;
	s7 =	simm.s32 @!p0 $0x108  }
0x21: {  	s3 =	sadd.s32 s3, s9;
	s6 =	sadd.s32 @!p0 $0x88, s6;
	s7 =	simm.s32 @p2 $0x1082  }
0x22: {  	[simem:s7], [sflag:s8] =	dma.local @!p0 [hbm:s6], $0xF7A  }
0x23: {  	s9 =	sor.u32 $0xD0000000, s2;
	s6 =	simm.s32 $0x108;
	_ =	swait.ge @!p0 [sflag:s8], $0x0  }
0x24: {  	s3 =	sadd.s32 $0x88, s3;
	s6 =	simm.s32 @!p1 $0x1082;
	[sflag:s4] =	ssyncset.s32 $0xFFFFF086  }
0x25: {  	[simem:s6], [sflag:s4] =	dma.local [hbm:s3], $0xF7A  }
0x26: {  	[smem:$0x3F93] =	sst s1;
	(tag) =	ssettag s2;
	_ =	strace s9  }
0x27: {  	s1 =	sld [smem:$0x3FA3]  }
0x28: {  	s2 =	sld [smem:$0x3FA4]  }
0x29: {  	s4 =	sld [smem:$0x3FA6]  }
0x2a: {  	p0 =	seq.s32 s5, $0x0;
	s5 =	sld [smem:$0x3FA7]  }
0x2b: {  	s6 =	sld [smem:$0x3FA8]  }
0x2c: {  	s7 =	sld [smem:$0x3FA9]  }
0x2d: {  	s3 =	simm.s32 $0x108;
	s8 =	sld [smem:$0x3FAA]  }
0x2e: {  	s3 =	simm.s32 @!p0 $0x1082;
	s9 =	sld [smem:$0x3FAB]  }
0x2f: {  	lr =	sadd.s32 s0, s3;
	s0 =	sld [smem:$0x3FA2]  }
0x30: {  	s3 =	sld [smem:$0x3FA5]  }
0x31: {  	[smem:$0x3FAE] =	sst s10  }
0x32: {  	s10 =	sld [smem:$0x3FAC];
	_ =	sdelay $0x3  }
0x33: {  	p0 =	seq.s32 s10, $0x1;
	s10 =	sld [smem:$0x3FAE];
	_ =	sdelay $0x3  }
0x34: {  	[smem:$0x3FAE] =	sst s10  }
0x35: {  	s10 =	sld [smem:$0x3FAD];
	_ =	sdelay $0x3  }
0x36: {  	p1 =	seq.s32 s10, $0x1;
	s10 =	sld [smem:$0x3FAE];
	_ =	sdelay $0x3  }
0x37: {  	[smem:$0x3FAE] =	sst s10  }
0x38: {  	s10 =	sld [smem:$0x3FAF]  }
0x39: {  	_ = 	snop;
	(pc) =	sbr.ind lr, $3  }
0x3a: {  	_ = 	snop  }
0x3b: {  	_ = 	snop  }
0x3c: {  	p2 =	seq.s32 s10, $0x1;
	s10 =	sld [smem:$0x3FAE]  }
0x3d: {  	_ =	shalt  }
0x3e: {  	_ =	shalt  }
0x3f: {  	_ =	shalt  }
0x40: {  	_ =	shalt  }
0x41: {  	_ =	shalt  }
0x42: {  	_ =	shalt  }
0x43: {  	_ =	shalt  }
0x44: {  	_ =	shalt  }
0x45: {  	_ =	shalt  }
0x46: {  	_ =	shalt  }
0x47: {  	_ =	shalt  }
0x48: {  	_ =	shalt  }
0x49: {  	_ =	shalt  }
0x4a: {  	_ =	shalt  }
0x4b: {  	_ =	shalt  }
0x4c: {  	_ =	shalt  }
0x4d: {  	_ =	shalt  }
0x4e: {  	_ =	shalt  }
0x4f: {  	_ =	shalt  }
0x50: {  	_ =	shalt  }
0x51: {  	_ =	shalt  }
0x52: {  	_ =	shalt  }
0x53: {  	_ =	shalt  }
0x54: {  	_ =	shalt  }
0x55: {  	_ =	shalt  }
0x56: {  	_ =	shalt  }
0x57: {  	_ =	shalt  }
0x58: {  	_ =	shalt  }
0x59: {  	_ =	shalt  }
0x5a: {  	_ =	shalt  }
0x5b: {  	_ =	shalt  }
0x5c: {  	_ =	shalt  }
0x5d: {  	_ =	shalt  }
0x5e: {  	_ =	shalt  }
0x5f: {  	_ =	shalt  }
0x60: {  	_ =	shalt  }
0x61: {  	_ =	shalt  }
0x62: {  	_ =	shalt  }
0x63: {  	_ =	shalt  }
0x64: {  	_ =	shalt  }
0x65: {  	_ =	shalt  }
0x66: {  	_ =	shalt  }
0x67: {  	_ =	shalt  }
0x68: {  	_ =	shalt  }
0x69: {  	_ =	shalt  }
0x6a: {  	_ =	shalt  }
0x6b: {  	_ =	shalt  }
0x6c: {  	_ =	shalt  }
0x6d: {  	_ =	shalt  }
0x6e: {  	_ =	shalt  }
0x6f: {  	_ =	shalt  }
0x70: {  	_ =	shalt  }
0x71: {  	_ =	shalt  }
0x72: {  	_ =	shalt  }
0x73: {  	_ =	shalt  }
0x74: {  	_ =	shalt  }
0x75: {  	_ =	shalt  }
0x76: {  	_ =	shalt  }
0x77: {  	_ =	shalt  }
0x78: {  	_ =	shalt  }
0x79: {  	_ =	shalt  }
0x7a: {  	_ =	shalt  }
0x7b: {  	_ =	shalt  }
0x7c: {  	_ =	shalt  }
0x7d: {  	_ =	shalt  }
0x7e: {  	_ =	shalt  }
0x7f: {  	_ =	shalt  }
0x80: {  	_ =	shalt  }
0x81: {  	_ =	shalt  }
0x82: {  	_ =	shalt  }
0x83: {  	_ =	shalt  }
0x84: {  	_ =	shalt  }
0x85: {  	_ =	shalt  }
0x86: {  	_ =	shalt  }
0x87: {  	_ =	shalt  }
.Lfunc_end0:
.L_simem_size_0:
called_computation_lowered:
.L_overlay_start_0:
0x88: {  	s2 =	sld [smem:$0x3FD9]  }
0x89: {  	s3 =	sld [smem:$0x3FFE];
	_ =	sdelay $0x1  }
0x8a: {  	s1 =	srdreg.scid  }
0x8b: {  	s0 =	sand.u32 $0x1, s1  }
0x8c: {  	s18 =	sshll.u32 s0, $0xA;
	s2 =	sadd.s32 s3, s2  }
0x8d: {  	s2 =	sadd.s32 s2, s18  }
0x8e: {  	[smem:$0x3FBA] =	sst s2  }
0x8f: {  	_ = 	snop  }
0x90: {  	s2 =	sld [smem:$0x3FC8]  }
0x91: {  	s19 =	sld [smem:$0x3FD0];
	(tm) =	ssettm $0x1  }
0x92: {  	s4 =	sld [smem:$0x3FFB];
	_ =	sdelay $0x3  }
0x93: {  	_ =	strace s4  }
0x94: {  	s4 =	sld [smem:$0x3FFC];
	_ =	sdelay $0x3  }
0x95: {  	_ =	strace s4  }
0x96: {  	s4 =	sld [smem:$0x3FFD];
	_ =	sdelay $0x3  }
0x97: {  	_ =	strace s4  }
0x98: {  	_ =	strace $0x8FFFFFFF  }
0x99: {  	s20 =	sld [smem:$0x3FDB];
	_ =	sdelay $0x1  }
0x9a: {  	s5 =	simm.s32 $_scs_section_size  }
0x9b: {  	s6 =	simm.s32 $_size__tile_overlayer_lowered;
	s7 =	simm.s32 $_tile_overlayer_lowered  }
0x9c: {  	s23 =	simm.s32 $0x1BFF;
	s22 =	sshll.u32 s7, $0x1;
	s4 =	sadd.s32 s5, s20  }
0x9d: {  	s8 =	simm.s32 $0x0;
	s21 =	sshll.u32 s6, $0x1;
	s6 =	sadd.s32 s22, s4  }
0x9e: {  	[timem:s8], [sflag:s23] =	dma.local [hbm:s6], s21  }
0x9f: {  	_ =	swait.ge [sflag:s23], s21  }
0xa0: {  	s5 =	ssub.s32 $0x0, s21;
	[sflag:s23] =	ssyncset.done $0x0  }
0xa1: {  	[sflag:s23] =	ssyncadd.s32 s5;
	_ =	sdelay $0x1  }
0xa2: {  	s24 =	simm.s32 $0x1B8B  }
0xa3: {  	_ =	swait.ge [sflag:s24], $0x1  }
0xa4: {  	[sflag:s24] =	ssyncset.done $0x0  }
0xa5: {  	s25 =	simm.s32 $0x1B8E;
	[sflag:s24] =	ssyncadd.s32 $0xFFFFFFFF  }
0xa6: {  	s26 =	simm.s32 $execute0_lowered;
	[smem:$0x3FD2] =	sst s25  }
0xa7: {  	s5 =	sshll.u32 s26, $0x1;
	_ =	strace $0x80000046;
	[dreg:$0x1] =	wrdreg $0xFFFFFFFF  }
0xa8: {  	s28 =	simm.s32 $_size_execute0_lowered;
	s4 =	sadd.s32 s4, s5;
	[dreg:$0x0] =	wrdreg $0x0  }
0xa9: {  	s5 =	sshll.u32 s28, $0x1;
	[dreg:$0x2] =	wrdreg s4  }
0xaa: {  	[dreg:$0x3] =	wrdreg s5  }
0xab: {  	[dreg:$0x4] =	wrdreg $0xC0  }
0xac: {  	_ =	task [dreg:s8], $0x5FFFF  }
0xad: {  	[dreg:$0x1] =	wrdreg $0xFFFFFFFF  }
0xae: {  	[dreg:$0x0] =	wrdreg $0x60  }
0xaf: {  	[dreg:$0x2] =	wrdreg s2  }
0xb0: {  	[dreg:$0x3] =	wrdreg s19  }
0xb1: {  	[dreg:$0x4] =	wrdreg $0x51000  }
0xb2: {  	[dreg:$0x5] =	wrdreg $0x9  }
0xb3: {  	_ =	task.clear_ibuf [dreg:s8], $0x6FFFF;
	_ =	strace $0x90000046  }
0xb4: {  	s29 =	simm.s32 $0x9;
	_ =	strace $0x80000048  }
0xb5: {  	_ =	swait.ge [sflag:s29], $0x1  }
0xb6: {  	[sflag:s29] =	ssyncadd.s32 $0xFFFFFFFF  }
0xb7: {  	_ =	strace $0x90000048  }
0xb8: {  	_ =	sfence  }
0xb9: {  	s30 =	sld [smem:$0x0];
	_ =	sdelay $0x2  }
0xba: {  	s31 =	sshll.u32 s1, $0xD;
	s1 =	sshrl.u32 s1, $0x2  }
0xbb: {  	s3 =	sand.u32 $0x4000, s31;
	s1 =	sadd.s32 s1, s30  }
0xbc: {  	s0 =	sor.u32 s3, s0;
	s1 =	sshll.u32 s1, $0x11  }
0xbd: {  	s0 =	sor.u32 s1, s0  }
0xbe: {  	s0 =	sadd.s32 $0x8F2B, s0  }
0xbf: {  	[sflag:s0] =	ssyncadd.remote.s32 $0x1  }
0xc0: {  	_ =	sfence.sel $0xFFFF  }
0xc1: {  	[dreg:$0x0] =	wrdreg $0xFFFFFFFF;
	(pc) =	sbr.abs _section_cstart, $3  }
0xc2: {  	[dreg:$0x1] =	wrdreg $0xFFFFFFFF  }
0xc3: {  	_ =	task.clear_ibuf [dreg:s8], $0x2FFFF;
	_ =	strace $0x9FFFFFFF  }
0xc4: {  	(tm) =	ssettm $0x7FFFFFFF  }
0xc5: {  	_ =	shalt  }
tec
execute0_lowered:
.L_overlay_start_1:
0x0: {  	(tag) =	ssettag $0x1  }
0x1: {  	s0 =	rddreg [dreg:$0x0]  }
0x2: {  	s1 =	rddreg [dreg:$0x1]  }
0x3: {  	s9 =	rddreg [dreg:$0x2];
	s3 =	srdreg.scid  }
0x4: {  	s13 =	stileid.u32;
	s2 =	simm.s32 $0x0;
	s15 =	simm.s32 $0x80  }
0x5: {  	s16 =	simm.s32 $0x100;
	s18 =	simm.s32 $0x3;
	s19 =	simm.s32 $0x1400  }
0x6: {  	s20 =	simm.s32 $0x14000;
	s21 =	simm.s32 $0x2900;
	s22 =	simm.s32 $0x2D00  }
0x7: {  	s23 =	simm.s32 $0x3100;
	s24 =	simm.s32 $0x3500;
	s8 =	sand.u32 $0x1, s3  }
0x8: {  	s25 =	sshll.u32 s13, $0x1;
	[smem:$0x7FF] =	sst s2;
	s12 =	smul.u32 $0x5000, s13  }
0x9: {  	s7 =	sshrl.u32 s13, $0x3;
	s30 =	sshll.u32 s13, $0x7;
	s13 =	smul.u32 $0x500, s13  }
0xa: {  	s4 =	ssub.s32 $0x2, s8;
	s14 =	sor.u32 s8, s25;
	_ =	strace $0x80000047  }
0xb: {  	s10 =	smul.u32 $0x50000, s7;
	s8 =	sshll.u32 s8, $0x7;
	s25 =	simm.s32 $0x3900  }
0xc: {  	s26 =	sshrl.u32 s4, $0x1;
	s5 =	ssub.s32 $0x9C3, s14;
	s28 =	sshll.u32 s14, $0x5  }
0xd: {  	s12 =	sshrl.u32 s12, $0x2;
	s13 =	sor.u32 s8, s13;
	s14 =	sor.u32 $0x80, s14  }
0xe: {  	s11 =	ssub.s32 s4, s26;
	s3 =	sshrl.u32 s5, $0x5;
	s4 =	sadd.s32 $0x10, s0  }
0xf: {  	s0 =	sadd.s32 s28, s0;
	s10 =	sshrl.u32 s10, $0x2;
	s31 =	sshrl.u32 s13, $0x3  }
0x10: {  	s13 =	simm.s32 $0x1;
	s26 =	simm.s32 $0x0;
	s5 =	sadd.s32 s28, s4  }
0x11: {  	s6 =	sadd.s32 $0x410, s0;
	s7 =	sadd.s32 $0x810, s0;
	s29 =	sand.u32 $0x1, s3  }
0x12: {  	s0 =	sand.u32 $0x380, s30;
	s10 =	sadd.s32 s10, s9;
	s9 =	sadd.s32 s12, s9  }
0x13: {  	s11 =	smax.u32 s11, $0x1;
	s12 =	simm.s32 $0x1;
	p0 =	seq.s32 s29, $0x1  }
0x14: {  	v0 =	vimm.f32 $0.0e+00;
	v1 =	vimm.f32 $1.000000000e+00;
	s8 =	sadd.s32 s0, s10;
	s10 =	sadd.s32 s1, s31;
	s12 =	simm.s32 @!p0 $0x2  }
.LBB2_1:
0x15: {  	[tilespmem:s2], [sflag:$0x1] =	stream.linear.gather [hbm4b:s5+s2], $0x80, $0x38;
	[tilespmem:$0x7900] =	vst v63  }
0x16: {  	s0 =	simm.s32 $0x40;
	s1 =	simm.s32 $0x0  }
.LBB2_2:
0x17: {  	p0 =	sne.s32 s0, $0x9FC0;
	[tilespmem:s1+$0x100] =	vst v0;
	s1 =	smov.u32 s0;
	s0 =	sadd.s32 $0x40, s0  }
.Ltmp0:
0x18: {  	(pc) =	sbr.rel @p0 .LBB2_2-.Ltmp0, $2  }
0x19: {  	_ =	sdelay $0x2  }
0x1a: {  	s1 =	sshra.s32 s1, $0x2  }
0x1b: {  	[tilespmem:s1+$0x100] =	vst v0  }
0x1c: {  	[tilespmem:s15], [sflag:$0x2] =	stream.linear.gather [hbm4b:s6+s2], $0x80, $0x38;
	[tilespmem:$0x7900] =	vst v63  }
0x1d: {  	_ =	swait.ge [sflag:s13], $0x80  }
0x1e: {  	[sflag:s13] =	ssyncset.done $0x0  }
0x1f: {  	[sflag:s13] =	ssyncadd.s32 $0xFFFFFF80  }
0x20: {  	v2 =	vld [tilespmem:$0x0];
	_ =	sdelay $0x7  }
0x21: {  	[tilespmem:v2+s16+$0x0] =	vst.idx.add.f32.msk $0xffff, v1  }
0x22: {  	v2 =	vld [tilespmem:$0x10];
	_ =	sdelay $0x7  }
0x23: {  	[tilespmem:v2+s16+$0x0] =	vst.idx.add.f32.msk $0xffff, v1  }
0x24: {  	v2 =	vld [tilespmem:$0x20];
	_ =	sdelay $0x7  }
0x25: {  	[tilespmem:v2+s16+$0x0] =	vst.idx.add.f32.msk $0xffff, v1  }
0x26: {  	v2 =	vld [tilespmem:$0x30];
	_ =	sdelay $0x7  }
0x27: {  	[tilespmem:v2+s16+$0x0] =	vst.idx.add.f32.msk $0xffff, v1  }
0x28: {  	v2 =	vld [tilespmem:$0x40];
	_ =	sdelay $0x7  }
0x29: {  	[tilespmem:v2+s16+$0x0] =	vst.idx.add.f32.msk $0xffff, v1  }
0x2a: {  	v2 =	vld [tilespmem:$0x50];
	_ =	sdelay $0x7  }
0x2b: {  	[tilespmem:v2+s16+$0x0] =	vst.idx.add.f32.msk $0xffff, v1  }
0x2c: {  	v2 =	vld [tilespmem:$0x60];
	_ =	sdelay $0x7  }
0x2d: {  	[tilespmem:v2+s16+$0x0] =	vst.idx.add.f32.msk $0xffff, v1  }
0x2e: {  	v2 =	vld [tilespmem:$0x70];
	_ =	sdelay $0x7  }
0x2f: {  	s28 =	simm.s32 $0x2;
	[tilespmem:v2+s16+$0x0] =	vst.idx.add.f32.msk $0xffff, v1  }
0x30: {  	[tilespmem:s2], [sflag:$0x1] =	stream.linear.gather [hbm4b:s7+s2], $0x80, $0x38;
	[tilespmem:$0x7900] =	vst v63  }
0x31: {  	_ =	swait.ge [sflag:s28], $0x80  }
0x32: {  	[sflag:s28] =	ssyncset.done $0x0  }
0x33: {  	[sflag:s28] =	ssyncadd.s32 $0xFFFFFF80  }
0x34: {  	v2 =	vld [tilespmem:$0x80];
	_ =	sdelay $0x7  }
0x35: {  	[tilespmem:v2+s16+$0x0] =	vst.idx.add.f32.msk $0xffff, v1  }
0x36: {  	v2 =	vld [tilespmem:$0x90];
	_ =	sdelay $0x7  }
0x37: {  	[tilespmem:v2+s16+$0x0] =	vst.idx.add.f32.msk $0xffff, v1  }
0x38: {  	v2 =	vld [tilespmem:$0xA0];
	_ =	sdelay $0x7  }
0x39: {  	[tilespmem:v2+s16+$0x0] =	vst.idx.add.f32.msk $0xffff, v1  }
0x3a: {  	v2 =	vld [tilespmem:$0xB0];
	_ =	sdelay $0x7  }
0x3b: {  	[tilespmem:v2+s16+$0x0] =	vst.idx.add.f32.msk $0xffff, v1  }
0x3c: {  	v2 =	vld [tilespmem:$0xC0];
	_ =	sdelay $0x7  }
0x3d: {  	[tilespmem:v2+s16+$0x0] =	vst.idx.add.f32.msk $0xffff, v1  }
0x3e: {  	v2 =	vld [tilespmem:$0xD0];
	_ =	sdelay $0x7  }
0x3f: {  	[tilespmem:v2+s16+$0x0] =	vst.idx.add.f32.msk $0xffff, v1  }
0x40: {  	v2 =	vld [tilespmem:$0xE0];
	_ =	sdelay $0x7  }
0x41: {  	[tilespmem:v2+s16+$0x0] =	vst.idx.add.f32.msk $0xffff, v1  }
0x42: {  	v2 =	vld [tilespmem:$0xF0];
	_ =	sdelay $0x7  }
0x43: {  	s29 =	smov.u32 s14;
	[tilespmem:v2+s16+$0x0] =	vst.idx.add.f32.msk $0xffff, v1  }
.LBB2_4:
0x44: {  	p0 =	sgt.u32 s28, s3  }
0x45: {  	s0 =	sadd.s32 @!p0 $0xFFFFFFE0, s29  }
0x46: {  	p1 =	slt.s32 @!p0 s0, $0x9C3  }
0x47: {  	p1 =	por !p1, p0  }
0x48: {  	s0 =	simm.s32 @p1 $0x9C3  }
0x49: {  	s0 =	sshll.u32 @!p0 s0, $0x5  }
0x4a: {  	s1 =	simm.s32 @!p0 $0x0;
	s30 =	simm.s32 @!p0 $0x80;
	s0 =	sadd.s32 @!p0 s0, s4  }
0x4b: {  	[tilespmem:s30], [sflag:$0x2] =	stream.linear.gather @!p0 [hbm4b:s0+s1], $0x80, $0x38;
	[tilespmem:$0x7900] =	vst v63  }
0x4c: {  	s0 =	simm.s32 @!p0 $0x1  }
0x4d: {  	_ =	swait.ge @!p0 [sflag:s0], $0x80  }
0x4e: {  	[sflag:s0] =	ssyncset.done @!p0 $0x0  }
0x4f: {  	[sflag:s0] =	ssyncadd.s32 @!p0 $0xFFFFFF80  }
0x50: {  	v2 =	vld @!p0 [tilespmem:$0x0];
	_ =	sdelay $0x6  }
0x51: {  	v3 =	vimm.f32 @!p0 $1.000000000e+00;
	s0 =	simm.s32 @!p0 $0x100  }
0x52: {  	[tilespmem:v2+s0+$0x0] =	vst.idx.add.f32.msk @!p0 $0xffff, v3  }
0x53: {  	v2 =	vld @!p0 [tilespmem:$0x10];
	_ =	sdelay $0x7  }
0x54: {  	[tilespmem:v2+s0+$0x0] =	vst.idx.add.f32.msk @!p0 $0xffff, v3  }
0x55: {  	v2 =	vld @!p0 [tilespmem:$0x20];
	_ =	sdelay $0x7  }
0x56: {  	[tilespmem:v2+s0+$0x0] =	vst.idx.add.f32.msk @!p0 $0xffff, v3  }
0x57: {  	v2 =	vld @!p0 [tilespmem:$0x30];
	_ =	sdelay $0x7  }
0x58: {  	[tilespmem:v2+s0+$0x0] =	vst.idx.add.f32.msk @!p0 $0xffff, v3  }
0x59: {  	v2 =	vld @!p0 [tilespmem:$0x40];
	_ =	sdelay $0x7  }
0x5a: {  	[tilespmem:v2+s0+$0x0] =	vst.idx.add.f32.msk @!p0 $0xffff, v3  }
0x5b: {  	v2 =	vld @!p0 [tilespmem:$0x50];
	_ =	sdelay $0x7  }
0x5c: {  	[tilespmem:v2+s0+$0x0] =	vst.idx.add.f32.msk @!p0 $0xffff, v3  }
0x5d: {  	v2 =	vld @!p0 [tilespmem:$0x60];
	_ =	sdelay $0x7  }
0x5e: {  	[tilespmem:v2+s0+$0x0] =	vst.idx.add.f32.msk @!p0 $0xffff, v3  }
0x5f: {  	v2 =	vld @!p0 [tilespmem:$0x70];
	_ =	sdelay $0x2  }
0x60: {  	p1 =	sge.u32 s28, s3  }
0x61: {  	p2 =	slt.s32 @!p1 s29, $0x9C3  }
0x62: {  	p2 =	por !p2, p1;
	s1 =	smov.u32 s29  }
0x63: {  	s1 =	simm.s32 @p2 $0x9C3  }
0x64: {  	s1 =	sshll.u32 @!p1 s1, $0x5  }
0x65: {  	[tilespmem:v2+s0+$0x0] =	vst.idx.add.f32.msk @!p0 $0xffff, v3;
	s0 =	sadd.s32 @!p1 s1, s4;
	s1 =	simm.s32 @!p1 $0x0  }
0x66: {  	[tilespmem:s1], [sflag:$0x1] =	stream.linear.gather @!p1 [hbm4b:s0+s1], $0x80, $0x38;
	[tilespmem:$0x7900] =	vst v63  }
0x67: {  	s0 =	simm.s32 @!p1 $0x2  }
0x68: {  	_ =	swait.ge @!p1 [sflag:s0], $0x80  }
0x69: {  	[sflag:s0] =	ssyncset.done @!p1 $0x0  }
0x6a: {  	[sflag:s0] =	ssyncadd.s32 @!p1 $0xFFFFFF80  }
0x6b: {  	v2 =	vld @!p1 [tilespmem:$0x80];
	_ =	sdelay $0x6  }
0x6c: {  	v3 =	vimm.f32 @!p1 $1.000000000e+00;
	s0 =	simm.s32 @!p1 $0x100  }
0x6d: {  	[tilespmem:v2+s0+$0x0] =	vst.idx.add.f32.msk @!p1 $0xffff, v3  }
0x6e: {  	v2 =	vld @!p1 [tilespmem:$0x90];
	_ =	sdelay $0x7  }
0x6f: {  	[tilespmem:v2+s0+$0x0] =	vst.idx.add.f32.msk @!p1 $0xffff, v3  }
0x70: {  	v2 =	vld @!p1 [tilespmem:$0xA0];
	_ =	sdelay $0x7  }
0x71: {  	[tilespmem:v2+s0+$0x0] =	vst.idx.add.f32.msk @!p1 $0xffff, v3  }
0x72: {  	v2 =	vld @!p1 [tilespmem:$0xB0];
	_ =	sdelay $0x7  }
0x73: {  	[tilespmem:v2+s0+$0x0] =	vst.idx.add.f32.msk @!p1 $0xffff, v3  }
0x74: {  	v2 =	vld @!p1 [tilespmem:$0xC0];
	_ =	sdelay $0x7  }
0x75: {  	[tilespmem:v2+s0+$0x0] =	vst.idx.add.f32.msk @!p1 $0xffff, v3  }
0x76: {  	v2 =	vld @!p1 [tilespmem:$0xD0];
	_ =	sdelay $0x7  }
0x77: {  	[tilespmem:v2+s0+$0x0] =	vst.idx.add.f32.msk @!p1 $0xffff, v3  }
0x78: {  	v2 =	vld @!p1 [tilespmem:$0xE0];
	_ =	sdelay $0x7  }
0x79: {  	[tilespmem:v2+s0+$0x0] =	vst.idx.add.f32.msk @!p1 $0xffff, v3  }
0x7a: {  	v2 =	vld @!p1 [tilespmem:$0xF0];
	_ =	sdelay $0x1  }
0x7b: {  	s28 =	sadd.s32 $0x2, s28  }
0x7c: {  	p0 =	sne.s32 s28, $0x52  }
.Ltmp1:
0x7d: {  	_ = 	snop;
	(pc) =	sbr.rel @p0 .LBB2_4-.Ltmp1, $2  }
0x7e: {  	_ =	sdelay $0x2  }
0x7f: {  	s29 =	sadd.s32 $0x40, s29;
	[tilespmem:v2+s0+$0x0] =	vst.idx.add.f32.msk @!p1 $0xffff, v3  }
0x80: {  	_ =	swait.ge [sflag:s12], $0x80  }
0x81: {  	[sflag:s12] =	ssyncset.done $0x0  }
0x82: {  	s0 =	simm.s32 $0x400;
	[sflag:s12] =	ssyncadd.s32 $0xFFFFFF80  }
0x83: {  	[spmem:s8] =	stream.strided.scatter [tilespmem:s16], [sflag:$0x3], $0x2800, s0, s15, $0x38;
	[tilespmem:$0x7900] =	vst v63  }
0x84: {  	_ =	swait.ge [sflag:s18], $0x2800  }
0x85: {  	[sflag:s18] =	ssyncset.done $0x0  }
0x86: {  	[sflag:s18] =	ssyncadd.s32 $0xFFFFD800  }
0x87: {  	[bflag:$0x0] =	sbarrier.arrive $0xFFFF  }
0x88: {  	[tilespmem:s21], [sflag:$0x3] =	stream.strided.gather [spmem:s9], $0x2800, s20, s19, $0x38;
	[tilespmem:$0x7900] =	vst v63  }
0x89: {  	s17 =	simm.s32 $0x0;
	_ =	swait.ge [sflag:s18], $0x2800  }
0x8a: {  	s1 =	sand.u32 $0x70, s17;
	s0 =	sand.u32 $0x1C00, s17;
	[sflag:s18] =	ssyncset.done $0x0  }
0x8b: {  	s28 =	sor.u32 s1, s0;
	[sflag:s18] =	ssyncadd.s32 $0xFFFFD800  }
0x8c: {  	v2 =	vld [tilespmem:s28+$0x2980]  }
0x8d: {  	v3 =	vld [tilespmem:s28+$0x2900];
	_ =	sdelay $0x3  }
0x8e: {  	s30 =	simm.s32 $0x80;
	s1 =	simm.s32 $0x10  }
0x8f: {  	s17 =	sand.u32 $0x1C00, s30;
	s29 =	sand.u32 $0x70, s1;
	v2 =	vadd.f32 v2, v3  }
0x90: {  	s0 =	simm.s32 $0x20;
	s31 =	smov.u32 s28;
	s1 =	sor.u32 s29, s17  }
.LBB2_6:
0x91: {  	p0 =	sne.s32 s0, $0x270;
	v3 =	vld [tilespmem:s1+$0x2980];
	[tilespmem:s31+$0x2900] =	vst v2;
	s31 =	smov.u32 s1  }
0x92: {  	v2 =	vld [tilespmem:s31+$0x2900];
	_ =	sdelay $0x1  }
.Ltmp2:
0x93: {  	(pc) =	sbr.rel @p0 .LBB2_6-.Ltmp2, $4  }
0x94: {  	_ = 	snop  }
0x95: {  	s30 =	sadd.s32 $0x80, s30  }
0x96: {  	s1 =	sand.u32 $0x70, s0;
	s17 =	sand.u32 $0x1C00, s30;
	v2 =	vadd.f32 v3, v2  }
0x97: {  	s0 =	sadd.s32 $0x10, s0;
	s1 =	sor.u32 s1, s17  }
0x98: {  	v3 =	vld [tilespmem:s1+$0x2980];
	[tilespmem:s31+$0x2900] =	vst v2  }
0x99: {  	v2 =	vld [tilespmem:s1+$0x2900];
	_ =	sdelay $0x4  }
0x9a: {  	v2 =	vadd.f32 v3, v2;
	_ =	sdelay $0x1  }
0x9b: {  	[tilespmem:s1+$0x2900] =	vst v2  }
0x9c: {  	v2 =	vld [tilespmem:s28+$0x2A00]  }
0x9d: {  	v3 =	vld [tilespmem:s28+$0x2900];
	_ =	sdelay $0x3  }
0x9e: {  	s30 =	simm.s32 $0x80  }
0x9f: {  	s0 =	sand.u32 $0x1C00, s30;
	v2 =	vadd.f32 v2, v3  }
0xa0: {  	s29 =	sor.u32 s29, s0;
	s0 =	simm.s32 $0x20  }
.LBB2_8:
0xa1: {  	p0 =	sne.s32 s0, $0x270;
	v3 =	vld [tilespmem:s29+$0x2A00];
	[tilespmem:s28+$0x2900] =	vst v2;
	s28 =	smov.u32 s29  }
0xa2: {  	v2 =	vld [tilespmem:s28+$0x2900];
	_ =	sdelay $0x1  }
.Ltmp3:
0xa3: {  	(pc) =	sbr.rel @p0 .LBB2_8-.Ltmp3, $4  }
0xa4: {  	_ = 	snop  }
0xa5: {  	s30 =	sadd.s32 $0x80, s30  }
0xa6: {  	s1 =	sand.u32 $0x70, s0;
	s17 =	sand.u32 $0x1C00, s30;
	v2 =	vadd.f32 v3, v2  }
0xa7: {  	s0 =	sadd.s32 $0x10, s0;
	s29 =	sor.u32 s1, s17  }
0xa8: {  	v3 =	vld [tilespmem:s29+$0x2A00];
	[tilespmem:s28+$0x2900] =	vst v2  }
0xa9: {  	v2 =	vld [tilespmem:s29+$0x2900];
	_ =	sdelay $0x4  }
0xaa: {  	s0 =	simm.s32 $0x0;
	v2 =	vadd.f32 v3, v2  }
0xab: {  	s1 =	sand.u32 $0x70, s0;
	s0 =	sand.u32 $0x1C00, s0  }
0xac: {  	s28 =	sor.u32 s1, s0;
	[tilespmem:s29+$0x2900] =	vst v2  }
0xad: {  	v2 =	vld [tilespmem:s28+$0x2A80]  }
0xae: {  	v3 =	vld [tilespmem:s28+$0x2900];
	_ =	sdelay $0x3  }
0xaf: {  	s30 =	simm.s32 $0x80;
	s1 =	simm.s32 $0x10  }
0xb0: {  	s17 =	sand.u32 $0x1C00, s30;
	s29 =	sand.u32 $0x70, s1;
	v2 =	vadd.f32 v2, v3  }
0xb1: {  	s0 =	simm.s32 $0x20;
	s31 =	smov.u32 s28;
	s1 =	sor.u32 s29, s17  }
.LBB2_10:
0xb2: {  	p0 =	sne.s32 s0, $0x270;
	v3 =	vld [tilespmem:s1+$0x2A80];
	[tilespmem:s31+$0x2900] =	vst v2;
	s31 =	smov.u32 s1  }
0xb3: {  	v2 =	vld [tilespmem:s31+$0x2900];
	_ =	sdelay $0x1  }
.Ltmp4:
0xb4: {  	(pc) =	sbr.rel @p0 .LBB2_10-.Ltmp4, $4  }
0xb5: {  	_ = 	snop  }
0xb6: {  	s30 =	sadd.s32 $0x80, s30  }
0xb7: {  	s1 =	sand.u32 $0x70, s0;
	s17 =	sand.u32 $0x1C00, s30;
	v2 =	vadd.f32 v3, v2  }
0xb8: {  	s0 =	sadd.s32 $0x10, s0;
	s1 =	sor.u32 s1, s17  }
0xb9: {  	v3 =	vld [tilespmem:s1+$0x2A80];
	[tilespmem:s31+$0x2900] =	vst v2  }
0xba: {  	v2 =	vld [tilespmem:s1+$0x2900];
	_ =	sdelay $0x4  }
0xbb: {  	v2 =	vadd.f32 v3, v2;
	_ =	sdelay $0x1  }
0xbc: {  	[tilespmem:s1+$0x2900] =	vst v2  }
0xbd: {  	v2 =	vld [tilespmem:s28+$0x2B00]  }
0xbe: {  	v3 =	vld [tilespmem:s28+$0x2900];
	_ =	sdelay $0x3  }
0xbf: {  	s30 =	simm.s32 $0x80  }
0xc0: {  	s0 =	sand.u32 $0x1C00, s30;
	v2 =	vadd.f32 v2, v3  }
0xc1: {  	s29 =	sor.u32 s29, s0;
	s0 =	simm.s32 $0x20  }
.LBB2_12:
0xc2: {  	p0 =	sne.s32 s0, $0x270;
	v3 =	vld [tilespmem:s29+$0x2B00];
	[tilespmem:s28+$0x2900] =	vst v2;
	s28 =	smov.u32 s29  }
0xc3: {  	v2 =	vld [tilespmem:s28+$0x2900];
	_ =	sdelay $0x1  }
.Ltmp5:
0xc4: {  	(pc) =	sbr.rel @p0 .LBB2_12-.Ltmp5, $4  }
0xc5: {  	_ = 	snop  }
0xc6: {  	s30 =	sadd.s32 $0x80, s30  }
0xc7: {  	s1 =	sand.u32 $0x70, s0;
	s17 =	sand.u32 $0x1C00, s30;
	v2 =	vadd.f32 v3, v2  }
0xc8: {  	s0 =	sadd.s32 $0x10, s0;
	s29 =	sor.u32 s1, s17  }
0xc9: {  	v3 =	vld [tilespmem:s29+$0x2B00];
	[tilespmem:s28+$0x2900] =	vst v2  }
0xca: {  	v2 =	vld [tilespmem:s29+$0x2900];
	_ =	sdelay $0x4  }
0xcb: {  	s0 =	simm.s32 $0x0;
	v2 =	vadd.f32 v3, v2  }
0xcc: {  	s1 =	sand.u32 $0x70, s0;
	s0 =	sand.u32 $0x1C00, s0  }
0xcd: {  	s28 =	sor.u32 s1, s0;
	[tilespmem:s29+$0x2900] =	vst v2  }
0xce: {  	v2 =	vld [tilespmem:s28+$0x2B80]  }
0xcf: {  	v3 =	vld [tilespmem:s28+$0x2900];
	_ =	sdelay $0x3  }
0xd0: {  	s30 =	simm.s32 $0x80;
	s1 =	simm.s32 $0x10  }
0xd1: {  	s17 =	sand.u32 $0x1C00, s30;
	s29 =	sand.u32 $0x70, s1;
	v2 =	vadd.f32 v2, v3  }
0xd2: {  	s0 =	simm.s32 $0x20;
	s31 =	smov.u32 s28;
	s1 =	sor.u32 s29, s17  }
.LBB2_14:
0xd3: {  	p0 =	sne.s32 s0, $0x270;
	v3 =	vld [tilespmem:s1+$0x2B80];
	[tilespmem:s31+$0x2900] =	vst v2;
	s31 =	smov.u32 s1  }
0xd4: {  	v2 =	vld [tilespmem:s31+$0x2900];
	_ =	sdelay $0x1  }
.Ltmp6:
0xd5: {  	(pc) =	sbr.rel @p0 .LBB2_14-.Ltmp6, $4  }
0xd6: {  	_ = 	snop  }
0xd7: {  	s30 =	sadd.s32 $0x80, s30  }
0xd8: {  	s1 =	sand.u32 $0x70, s0;
	s17 =	sand.u32 $0x1C00, s30;
	v2 =	vadd.f32 v3, v2  }
0xd9: {  	s0 =	sadd.s32 $0x10, s0;
	s1 =	sor.u32 s1, s17  }
0xda: {  	v3 =	vld [tilespmem:s1+$0x2B80];
	[tilespmem:s31+$0x2900] =	vst v2  }
0xdb: {  	v2 =	vld [tilespmem:s1+$0x2900];
	_ =	sdelay $0x4  }
0xdc: {  	v2 =	vadd.f32 v3, v2;
	_ =	sdelay $0x1  }
0xdd: {  	[tilespmem:s1+$0x2900] =	vst v2  }
0xde: {  	v2 =	vld [tilespmem:s28+$0x2C00]  }
0xdf: {  	v3 =	vld [tilespmem:s28+$0x2900];
	_ =	sdelay $0x3  }
0xe0: {  	s30 =	simm.s32 $0x80  }
0xe1: {  	s0 =	sand.u32 $0x1C00, s30;
	v2 =	vadd.f32 v2, v3  }
0xe2: {  	s29 =	sor.u32 s29, s0;
	s0 =	simm.s32 $0x20  }
.LBB2_16:
0xe3: {  	p0 =	sne.s32 s0, $0x270;
	v3 =	vld [tilespmem:s29+$0x2C00];
	[tilespmem:s28+$0x2900] =	vst v2;
	s28 =	smov.u32 s29  }
0xe4: {  	v2 =	vld [tilespmem:s28+$0x2900];
	_ =	sdelay $0x1  }
.Ltmp7:
0xe5: {  	(pc) =	sbr.rel @p0 .LBB2_16-.Ltmp7, $4  }
0xe6: {  	_ = 	snop  }
0xe7: {  	s30 =	sadd.s32 $0x80, s30  }
0xe8: {  	s1 =	sand.u32 $0x70, s0;
	s17 =	sand.u32 $0x1C00, s30;
	v2 =	vadd.f32 v3, v2  }
0xe9: {  	s0 =	sadd.s32 $0x10, s0;
	s29 =	sor.u32 s1, s17  }
0xea: {  	v3 =	vld [tilespmem:s29+$0x2C00];
	[tilespmem:s28+$0x2900] =	vst v2  }
0xeb: {  	v2 =	vld [tilespmem:s29+$0x2900];
	_ =	sdelay $0x4  }
0xec: {  	s28 =	simm.s32 $0x0;
	v2 =	vadd.f32 v3, v2  }
0xed: {  	s30 =	simm.s32 $0x0;
	s0 =	sand.u32 $0x70, s28;
	s17 =	sor.u32 s28, s28  }
0xee: {  	s1 =	sand.u32 $0x1C00, s28;
	s31 =	sor.u32 $0x380, s17;
	[tilespmem:s29+$0x2900] =	vst v2;
	s29 =	simm.s32 $0x10  }
.LBB2_18:
0xef: {  	p0 =	sne.s32 s29, $0x270;
	s17 =	sor.u32 s0, s1;
	v2 =	vld [tilespmem:s31+$0x2900]  }
0xf0: {  	v3 =	vld [tilespmem:s17+$0x2900];
	_ =	sdelay $0x2  }
.Ltmp8:
0xf1: {  	(pc) =	sbr.rel @p0 .LBB2_18-.Ltmp8, $4  }
0xf2: {  	_ = 	snop  }
0xf3: {  	s30 =	sadd.s32 $0x80, s30;
	v2 =	vadd.f32 v2, v3  }
0xf4: {  	s0 =	sand.u32 $0x70, s29;
	s31 =	sor.u32 s30, s29  }
0xf5: {  	s1 =	sand.u32 $0x1C00, s30;
	s29 =	sadd.s32 $0x10, s29;
	s31 =	sor.u32 $0x380, s31;
	[tilespmem:s17+$0x2900] =	vst v2  }
0xf6: {  	s0 =	sor.u32 s0, s1;
	v2 =	vld [tilespmem:s31+$0x2900]  }
0xf7: {  	v3 =	vld [tilespmem:s0+$0x2900];
	_ =	sdelay $0x4  }
0xf8: {  	v2 =	vadd.f32 v2, v3  }
0xf9: {  	s31 =	sand.u32 $0x70, s28;
	s17 =	sand.u32 $0x1C00, s28  }
0xfa: {  	s28 =	sor.u32 s31, s17;
	[tilespmem:s0+$0x2900] =	vst v2  }
0xfb: {  	v2 =	vld [tilespmem:s28+$0x3D00]  }
0xfc: {  	v3 =	vld [tilespmem:s28+$0x2900];
	_ =	sdelay $0x3  }
0xfd: {  	s29 =	simm.s32 $0x80;
	s17 =	simm.s32 $0x10  }
0xfe: {  	s31 =	sand.u32 $0x1C00, s29;
	s0 =	sand.u32 $0x70, s17;
	v2 =	vadd.f32 v2, v3  }
0xff: {  	s30 =	sor.u32 s0, s31;
	s0 =	simm.s32 $0x20  }
.LBB2_20:
0x100: {  	p0 =	sne.s32 s0, $0x270;
	v3 =	vld [tilespmem:s30+$0x3D00];
	[tilespmem:s28+$0x2900] =	vst v2;
	s28 =	smov.u32 s30  }
0x101: {  	v2 =	vld [tilespmem:s28+$0x2900];
	_ =	sdelay $0x1  }
.Ltmp9:
0x102: {  	(pc) =	sbr.rel @p0 .LBB2_20-.Ltmp9, $4  }
0x103: {  	_ = 	snop  }
0x104: {  	s29 =	sadd.s32 $0x80, s29  }
0x105: {  	s1 =	sand.u32 $0x70, s0;
	s17 =	sand.u32 $0x1C00, s29;
	v2 =	vadd.f32 v3, v2  }
0x106: {  	s0 =	sadd.s32 $0x10, s0;
	s30 =	sor.u32 s1, s17  }
0x107: {  	v3 =	vld [tilespmem:s30+$0x3D00];
	[tilespmem:s28+$0x2900] =	vst v2  }
0x108: {  	v2 =	vld [tilespmem:s30+$0x2900];
	_ =	sdelay $0x4  }
0x109: {  	s0 =	simm.s32 $0x0;
	v2 =	vadd.f32 v3, v2  }
0x10a: {  	s1 =	sand.u32 $0x70, s0;
	s0 =	sand.u32 $0x1C00, s0  }
0x10b: {  	s28 =	sor.u32 s1, s0;
	[tilespmem:s30+$0x2900] =	vst v2  }
0x10c: {  	v2 =	vld [tilespmem:s28+$0x3D80]  }
0x10d: {  	v3 =	vld [tilespmem:s28+$0x2900];
	_ =	sdelay $0x3  }
0x10e: {  	s1 =	simm.s32 $0x10;
	s30 =	simm.s32 $0x80  }
0x10f: {  	s29 =	sand.u32 $0x70, s1;
	s17 =	sand.u32 $0x1C00, s30;
	v2 =	vadd.f32 v2, v3  }
0x110: {  	s0 =	simm.s32 $0x20;
	s31 =	smov.u32 s28;
	s1 =	sor.u32 s29, s17  }
.LBB2_22:
0x111: {  	p0 =	sne.s32 s0, $0x270;
	v3 =	vld [tilespmem:s1+$0x3D80];
	[tilespmem:s31+$0x2900] =	vst v2;
	s31 =	smov.u32 s1  }
0x112: {  	v2 =	vld [tilespmem:s31+$0x2900];
	_ =	sdelay $0x1  }
.Ltmp10:
0x113: {  	(pc) =	sbr.rel @p0 .LBB2_22-.Ltmp10, $4  }
0x114: {  	_ = 	snop  }
0x115: {  	s30 =	sadd.s32 $0x80, s30  }
0x116: {  	s1 =	sand.u32 $0x70, s0;
	s17 =	sand.u32 $0x1C00, s30;
	v2 =	vadd.f32 v3, v2  }
0x117: {  	s0 =	sadd.s32 $0x10, s0;
	s1 =	sor.u32 s1, s17  }
0x118: {  	v3 =	vld [tilespmem:s1+$0x3D80];
	[tilespmem:s31+$0x2900] =	vst v2  }
0x119: {  	v2 =	vld [tilespmem:s1+$0x2900];
	_ =	sdelay $0x4  }
0x11a: {  	v2 =	vadd.f32 v3, v2;
	_ =	sdelay $0x1  }
0x11b: {  	[tilespmem:s1+$0x2900] =	vst v2  }
0x11c: {  	v2 =	vld [tilespmem:s28+$0x3E00]  }
0x11d: {  	v3 =	vld [tilespmem:s28+$0x2900];
	_ =	sdelay $0x3  }
0x11e: {  	s30 =	simm.s32 $0x80  }
0x11f: {  	s0 =	sand.u32 $0x1C00, s30;
	v2 =	vadd.f32 v2, v3  }
0x120: {  	s29 =	sor.u32 s29, s0;
	s0 =	simm.s32 $0x20  }
.LBB2_24:
0x121: {  	p0 =	sne.s32 s0, $0x270;
	v3 =	vld [tilespmem:s29+$0x3E00];
	[tilespmem:s28+$0x2900] =	vst v2;
	s28 =	smov.u32 s29  }
0x122: {  	v2 =	vld [tilespmem:s28+$0x2900];
	_ =	sdelay $0x1  }
.Ltmp11:
0x123: {  	(pc) =	sbr.rel @p0 .LBB2_24-.Ltmp11, $4  }
0x124: {  	_ = 	snop  }
0x125: {  	s30 =	sadd.s32 $0x80, s30  }
0x126: {  	s1 =	sand.u32 $0x70, s0;
	s17 =	sand.u32 $0x1C00, s30;
	v2 =	vadd.f32 v3, v2  }
0x127: {  	s0 =	sadd.s32 $0x10, s0;
	s29 =	sor.u32 s1, s17  }
0x128: {  	v3 =	vld [tilespmem:s29+$0x3E00];
	[tilespmem:s28+$0x2900] =	vst v2  }
0x129: {  	v2 =	vld [tilespmem:s29+$0x2900];
	_ =	sdelay $0x4  }
0x12a: {  	s0 =	simm.s32 $0x0;
	v2 =	vadd.f32 v3, v2  }
0x12b: {  	s1 =	sand.u32 $0x70, s0;
	s0 =	sand.u32 $0x1C00, s0  }
0x12c: {  	s28 =	sor.u32 s1, s0;
	[tilespmem:s29+$0x2900] =	vst v2  }
0x12d: {  	v2 =	vld [tilespmem:s28+$0x3E80]  }
0x12e: {  	v3 =	vld [tilespmem:s28+$0x2900];
	_ =	sdelay $0x3  }
0x12f: {  	s30 =	simm.s32 $0x80;
	s1 =	simm.s32 $0x10  }
0x130: {  	s17 =	sand.u32 $0x1C00, s30;
	s29 =	sand.u32 $0x70, s1;
	v2 =	vadd.f32 v2, v3  }
0x131: {  	s0 =	simm.s32 $0x20;
	s31 =	smov.u32 s28;
	s1 =	sor.u32 s29, s17  }
.LBB2_26:
0x132: {  	p0 =	sne.s32 s0, $0x270;
	v3 =	vld [tilespmem:s1+$0x3E80];
	[tilespmem:s31+$0x2900] =	vst v2;
	s31 =	smov.u32 s1  }
0x133: {  	v2 =	vld [tilespmem:s31+$0x2900];
	_ =	sdelay $0x1  }
.Ltmp12:
0x134: {  	(pc) =	sbr.rel @p0 .LBB2_26-.Ltmp12, $4  }
0x135: {  	_ = 	snop  }
0x136: {  	s30 =	sadd.s32 $0x80, s30  }
0x137: {  	s1 =	sand.u32 $0x70, s0;
	s17 =	sand.u32 $0x1C00, s30;
	v2 =	vadd.f32 v3, v2  }
0x138: {  	s0 =	sadd.s32 $0x10, s0;
	s1 =	sor.u32 s1, s17  }
0x139: {  	v3 =	vld [tilespmem:s1+$0x3E80];
	[tilespmem:s31+$0x2900] =	vst v2  }
0x13a: {  	v2 =	vld [tilespmem:s1+$0x2900];
	_ =	sdelay $0x4  }
0x13b: {  	v2 =	vadd.f32 v3, v2;
	_ =	sdelay $0x1  }
0x13c: {  	[tilespmem:s1+$0x2900] =	vst v2  }
0x13d: {  	v2 =	vld [tilespmem:s28+$0x3F00]  }
0x13e: {  	v3 =	vld [tilespmem:s28+$0x2900];
	_ =	sdelay $0x3  }
0x13f: {  	s30 =	simm.s32 $0x80  }
0x140: {  	s0 =	sand.u32 $0x1C00, s30;
	v2 =	vadd.f32 v2, v3  }
0x141: {  	s29 =	sor.u32 s29, s0;
	s0 =	simm.s32 $0x20  }
.LBB2_28:
0x142: {  	p0 =	sne.s32 s0, $0x270;
	v3 =	vld [tilespmem:s29+$0x3F00];
	[tilespmem:s28+$0x2900] =	vst v2;
	s28 =	smov.u32 s29  }
0x143: {  	v2 =	vld [tilespmem:s28+$0x2900];
	_ =	sdelay $0x1  }
.Ltmp13:
0x144: {  	(pc) =	sbr.rel @p0 .LBB2_28-.Ltmp13, $4  }
0x145: {  	_ = 	snop  }
0x146: {  	s30 =	sadd.s32 $0x80, s30  }
0x147: {  	s1 =	sand.u32 $0x70, s0;
	s17 =	sand.u32 $0x1C00, s30;
	v2 =	vadd.f32 v3, v2  }
0x148: {  	s0 =	sadd.s32 $0x10, s0;
	s29 =	sor.u32 s1, s17  }
0x149: {  	v3 =	vld [tilespmem:s29+$0x3F00];
	[tilespmem:s28+$0x2900] =	vst v2  }
0x14a: {  	v2 =	vld [tilespmem:s29+$0x2900];
	_ =	sdelay $0x4  }
0x14b: {  	s0 =	simm.s32 $0x0;
	v2 =	vadd.f32 v3, v2  }
0x14c: {  	s1 =	sand.u32 $0x70, s0;
	s0 =	sand.u32 $0x1C00, s0  }
0x14d: {  	s28 =	sor.u32 s1, s0;
	[tilespmem:s29+$0x2900] =	vst v2  }
0x14e: {  	v2 =	vld [tilespmem:s28+$0x3F80]  }
0x14f: {  	v3 =	vld [tilespmem:s28+$0x2900];
	_ =	sdelay $0x3  }
0x150: {  	s30 =	simm.s32 $0x80;
	s1 =	simm.s32 $0x10  }
0x151: {  	s17 =	sand.u32 $0x1C00, s30;
	s29 =	sand.u32 $0x70, s1;
	v2 =	vadd.f32 v2, v3  }
0x152: {  	s0 =	simm.s32 $0x20;
	s31 =	smov.u32 s28;
	s1 =	sor.u32 s29, s17  }
.LBB2_30:
0x153: {  	p0 =	sne.s32 s0, $0x270;
	v3 =	vld [tilespmem:s1+$0x3F80];
	[tilespmem:s31+$0x2900] =	vst v2;
	s31 =	smov.u32 s1  }
0x154: {  	v2 =	vld [tilespmem:s31+$0x2900];
	_ =	sdelay $0x1  }
.Ltmp14:
0x155: {  	(pc) =	sbr.rel @p0 .LBB2_30-.Ltmp14, $4  }
0x156: {  	_ = 	snop  }
0x157: {  	s30 =	sadd.s32 $0x80, s30  }
0x158: {  	s1 =	sand.u32 $0x70, s0;
	s17 =	sand.u32 $0x1C00, s30;
	v2 =	vadd.f32 v3, v2  }
0x159: {  	s0 =	sadd.s32 $0x10, s0;
	s1 =	sor.u32 s1, s17  }
0x15a: {  	v3 =	vld [tilespmem:s1+$0x3F80];
	[tilespmem:s31+$0x2900] =	vst v2  }
0x15b: {  	v2 =	vld [tilespmem:s1+$0x2900];
	_ =	sdelay $0x4  }
0x15c: {  	v2 =	vadd.f32 v3, v2;
	_ =	sdelay $0x1  }
0x15d: {  	[tilespmem:s1+$0x2900] =	vst v2  }
0x15e: {  	v2 =	vld [tilespmem:s28+$0x4000]  }
0x15f: {  	v3 =	vld [tilespmem:s28+$0x2900];
	_ =	sdelay $0x3  }
0x160: {  	s30 =	simm.s32 $0x80  }
0x161: {  	s0 =	sand.u32 $0x1C00, s30;
	v2 =	vadd.f32 v2, v3  }
0x162: {  	s29 =	sor.u32 s29, s0;
	s0 =	simm.s32 $0x20  }
.LBB2_32:
0x163: {  	p0 =	sne.s32 s0, $0x270;
	v3 =	vld [tilespmem:s29+$0x4000];
	[tilespmem:s28+$0x2900] =	vst v2;
	s28 =	smov.u32 s29  }
0x164: {  	v2 =	vld [tilespmem:s28+$0x2900];
	_ =	sdelay $0x1  }
.Ltmp15:
0x165: {  	(pc) =	sbr.rel @p0 .LBB2_32-.Ltmp15, $4  }
0x166: {  	_ = 	snop  }
0x167: {  	s30 =	sadd.s32 $0x80, s30  }
0x168: {  	s1 =	sand.u32 $0x70, s0;
	s17 =	sand.u32 $0x1C00, s30;
	v2 =	vadd.f32 v3, v2  }
0x169: {  	s0 =	sadd.s32 $0x10, s0;
	s29 =	sor.u32 s1, s17  }
0x16a: {  	v3 =	vld [tilespmem:s29+$0x4000];
	[tilespmem:s28+$0x2900] =	vst v2  }
0x16b: {  	v2 =	vld [tilespmem:s29+$0x2900];
	_ =	sdelay $0x4  }
0x16c: {  	s0 =	simm.s32 $0x0;
	v2 =	vadd.f32 v3, v2  }
0x16d: {  	s1 =	sand.u32 $0x70, s0;
	s0 =	sand.u32 $0x1C00, s0  }
0x16e: {  	s28 =	sor.u32 s1, s0;
	[tilespmem:s29+$0x2900] =	vst v2  }
0x16f: {  	v2 =	vld [tilespmem:s28+$0x4080]  }
0x170: {  	v3 =	vld [tilespmem:s28+$0x2900];
	_ =	sdelay $0x3  }
0x171: {  	s30 =	simm.s32 $0x10;
	s29 =	simm.s32 $0x80  }
0x172: {  	s0 =	sand.u32 $0x70, s30;
	s31 =	sand.u32 $0x1C00, s29;
	v2 =	vadd.f32 v2, v3  }
0x173: {  	s1 =	sor.u32 s0, s31;
	s0 =	simm.s32 $0x20  }
.LBB2_34:
0x174: {  	p0 =	sne.s32 s0, $0x270;
	v3 =	vld [tilespmem:s1+$0x4080];
	[tilespmem:s28+$0x2900] =	vst v2;
	s28 =	smov.u32 s1  }
0x175: {  	v2 =	vld [tilespmem:s28+$0x2900];
	_ =	sdelay $0x1  }
.Ltmp16:
0x176: {  	(pc) =	sbr.rel @p0 .LBB2_34-.Ltmp16, $4  }
0x177: {  	_ = 	snop  }
0x178: {  	s29 =	sadd.s32 $0x80, s29  }
0x179: {  	s1 =	sand.u32 $0x70, s0;
	s17 =	sand.u32 $0x1C00, s29;
	v2 =	vadd.f32 v3, v2  }
0x17a: {  	s0 =	sadd.s32 $0x10, s0;
	s1 =	sor.u32 s1, s17  }
0x17b: {  	v3 =	vld [tilespmem:s1+$0x4080];
	[tilespmem:s28+$0x2900] =	vst v2  }
0x17c: {  	v2 =	vld [tilespmem:s1+$0x2900];
	_ =	sdelay $0x4  }
0x17d: {  	v2 =	vadd.f32 v3, v2;
	_ =	sdelay $0x1  }
0x17e: {  	[tilespmem:s1+$0x2900] =	vst v2  }
0x17f: {  	[hbm4b:s10+s2] =	stream.linear.scatter [tilespmem:s21], [sflag:$0x3], $0x80, $0x38;
	[tilespmem:$0x7900] =	vst v63  }
0x180: {  	s0 =	sadd.s32 $0x20, s10  }
0x181: {  	[hbm4b:s0+s2] =	stream.linear.scatter [tilespmem:s22], [sflag:$0x3], $0x80, $0x38;
	[tilespmem:$0x7900] =	vst v63  }
0x182: {  	s29 =	sadd.s32 $0x40, s10;
	s26 =	sadd.s32 $0x1, s26  }
0x183: {  	[hbm4b:s29+s2] =	stream.linear.scatter [tilespmem:s23], [sflag:$0x3], $0x80, $0x38;
	[tilespmem:$0x7900] =	vst v63  }
0x184: {  	s30 =	sadd.s32 $0x60, s10;
	p0 =	sne.s32 s26, s11  }
0x185: {  	[hbm4b:s30+s2] =	stream.linear.scatter [tilespmem:s24], [sflag:$0x3], $0x80, $0x38;
	[tilespmem:$0x7900] =	vst v63  }
.Ltmp17:
0x186: {  	s31 =	sadd.s32 $0x80, s10;
	(pc) =	sbr.rel @p0 .LBB2_1-.Ltmp17, $4  }
0x187: {  	[hbm4b:s31+s2] =	stream.linear.scatter [tilespmem:s25], [sflag:$0x3], $0x80, $0x38;
	[tilespmem:$0x7900] =	vst v63  }
0x188: {  	_ =	swait.ge [sflag:s18], $0x280  }
0x189: {  	[sflag:s18] =	ssyncset.done $0x0  }
0x18a: {  	[sflag:s18] =	ssyncadd.s32 $0xFFFFFD80  }
0x18b: {  	_ =	sfence.sel $0x180000  }
0x18c: {  	[bflag:$0x0] =	sbarrier.arrive $0xFFFF  }
0x18d: {  	_ =	strace $0x90000047  }
0x18e: {  	s0 =	stileid.u32;
	[bflag:$0x2] =	sbarrier.arrive $0xFFFF  }
0x18f: {  	p0 =	sne.s32 s0, $0x0;
	s0 =	rddreg [dreg:$0x3]  }
0x190: {  	s0 =	sadd.s32 @!p0 $0x100000, s0  }
0x191: {  	[sflag:s0] =	ssyncadd.tile.s32 @!p0 $0x1;
	_ =	shalt  }
.Lfunc_end2:
_tile_overlayer_lowered:
.L_overlay_start_2:
0x192: {  	(tag) =	ssettag $0x2  }
0x193: {  	s0 =	rddreg [dreg:$0x0];
	s2 =	stileid.u32  }
0x194: {  	s1 =	rddreg [dreg:$0x1];
	p0 =	sne.s32 s2, $0x0  }
0x195: {  	s3 =	rddreg [dreg:$0x2];
	[bflag:$0x3] =	sbarrier.arrive $0xFFFF;
	s2 =	simm.s32 @!p0 $0x1C03  }
0x196: {  	[timem:s3], [sflag:s2] =	dma.local @!p0 [hbm:s0], s1  }
0x197: {  	s0 =	simm.s32 @!p0 $0x3  }
0x198: {  	_ =	swait.ge @!p0 [sflag:s0], s1  }
0x199: {  	s1 =	ssub.s32 @!p0 $0x0, s1;
	[sflag:s0] =	ssyncset.done @!p0 $0x0  }
0x19a: {  	[sflag:s0] =	ssyncadd.s32 @!p0 s1  }
0x19b: {  	[bflag:$0x3] =	sbarrier.arrive $0xFFFF  }
0x19c: {  	_ =	shalt  }

</sc_bundles>
